<compile_context>
chip_gen: v7x
topology: tpu7x:2x2x1
jax: 0.10.2.dev20260603
libtpu: 0.0.44.dev20260713+nightly
codegen_flags: <defaults>
</compile_context>

<pallas_src>
import functools

import numpy as np

import jax
import jax.numpy as jnp
from jax import lax
from jax.experimental import pallas as pl
from jax.experimental.pallas import tpu as pltpu
from jax.experimental.pallas import tpu_sc as plsc

N = 10000
NP = 10240
E = 320000
EP = 327680
EB = EP // 128
D = 128
OUT = 64
NC = 2
NS = 16
RPT = NP // NS
BPT = EB // (NC * NS)
HB = BPT // 2

_SC_MESH = dict(core_axis_name="c", subcore_axis_name="s",
                num_cores=NC, num_subcores=NS)


@functools.partial(
    pl.kernel,
    out_type=jax.ShapeDtypeStruct((NC, NP), jnp.float32),
    mesh=plsc.VectorSubcoreMesh(**_SC_MESH),
    scratch_types=[
        pltpu.VMEM((BPT, 128), jnp.int32),
        pltpu.VMEM((128,), jnp.float32),
        pltpu.VMEM((RPT,), jnp.float32),
        pltpu.VMEM_SHARED((NP,), jnp.float32),
        pltpu.SemaphoreType.DMA,
    ],
)
def _sc_degree(ei_hbm, deg_out, dst_buf, ones_buf, row_buf, deg_shared, sem):
    c = lax.axis_index("c")
    s = lax.axis_index("s")
    ones16 = jnp.ones((16,), jnp.float32)
    zeros16 = jnp.zeros((16,), jnp.float32)
    for i in range(8):
        ones_buf[pl.ds(i * 16, 16)] = ones16

    def zbody(i, _):
        row_buf[pl.ds(i * 16, 16)] = zeros16
        return 0
    lax.fori_loop(0, RPT // 16, zbody, 0)
    pltpu.sync_copy(row_buf, deg_shared.at[pl.ds(s * RPT, RPT)])

    b0 = c * (EB // NC) + s * BPT
    pltpu.sync_copy(ei_hbm.at[1, pl.ds(b0, BPT), :], dst_buf)
    plsc.subcore_barrier()

    def body(k, _):
        for j in range(8):
            pltpu.async_copy(ones_buf, deg_shared.at[dst_buf.at[8 * k + j]],
                             sem, add=True)
        for j in range(8):
            pltpu.make_async_copy(deg_out.at[0, pl.ds(0, 128)], ones_buf,
                                  sem).wait()
        return 0
    lax.fori_loop(0, BPT // 8, body, 0)

    plsc.subcore_barrier()
    pltpu.sync_copy(deg_shared.at[pl.ds(s * RPT, RPT)], row_buf)
    pltpu.sync_copy(row_buf, deg_out.at[c, pl.ds(s * RPT, RPT)])


@functools.partial(
    pl.kernel,
    out_type=jax.ShapeDtypeStruct((NC, NP, D), jnp.float32),
    mesh=plsc.VectorSubcoreMesh(**_SC_MESH),
    scratch_types=[
        pltpu.VMEM((2, 2 * HB, 64), jnp.int32),
        pltpu.VMEM((4, 64, D), jnp.float32),
        pltpu.VMEM_SHARED((NP, D), jnp.float32),
        [pltpu.SemaphoreType.DMA] * 4,
        [pltpu.SemaphoreType.DMA] * 4,
    ],
    compiler_params=pltpu.CompilerParams(use_tc_tiling_on_sc=False),
)
def _sc_prop(g_hbm, ei_hbm, acc_out, idx_buf, rows, acc_shared,
             gsems, ssems):
    c = lax.axis_index("c")
    s = lax.axis_index("s")

    zeros16 = jnp.zeros((16,), jnp.float32)

    def zbody(i, _):
        for j in range(D // 16):
            rows[0, i, pl.ds(j * 16, 16)] = zeros16
            rows[1, i, pl.ds(j * 16, 16)] = zeros16
        return 0
    lax.fori_loop(0, 64, zbody, 0)
    for k in range(RPT // 128):
        pltpu.sync_copy(rows.at[0],
                        acc_shared.at[pl.ds(s * RPT + k * 128, 64), :])
        pltpu.sync_copy(rows.at[1],
                        acc_shared.at[pl.ds(s * RPT + k * 128 + 64, 64), :])
    plsc.subcore_barrier()

    b0 = 2 * (c * (EB // NC) + s * BPT)
    NBH = 2 * HB

    def _wait32k(sem):
        pltpu.make_async_copy(g_hbm.at[pl.ds(0, 64), :], rows.at[0],
                              sem).wait()

    def _gather(k, buf):
        pltpu.async_copy(g_hbm.at[idx_buf.at[0, k]], rows.at[buf],
                         gsems[buf])

    def _scatter(k, buf):
        pltpu.async_copy(rows.at[buf], acc_shared.at[idx_buf.at[1, k]],
                         ssems[buf], add=True)

    for half in range(2):
        pltpu.sync_copy(ei_hbm.at[:, pl.ds(b0 + half * NBH, NBH), :],
                        idx_buf)
        _gather(0, 0)
        _gather(1, 1)

        def quad(t, _):
            for q in range(4):
                k = 4 * t + q
                buf = q
                nxt = (q + 2) % 4

                @pl.when(k >= 2)
                def _():
                    _wait32k(ssems[nxt])

                @pl.when(k + 2 < NBH)
                def _():
                    pltpu.async_copy(g_hbm.at[idx_buf.at[0, k + 2]],
                                     rows.at[nxt], gsems[nxt])

                _wait32k(gsems[buf])
                _scatter(k, buf)
            return 0

        lax.fori_loop(0, NBH // 4, quad, 0)
        _wait32k(ssems[(NBH - 2) % 4])
        _wait32k(ssems[(NBH - 1) % 4])

    plsc.subcore_barrier()
    for k in range(RPT // 128):
        sl = pl.ds(s * RPT + k * 128, 128)
        pltpu.sync_copy(acc_shared.at[sl, :], acc_out.at[c, sl, :])


BM = 1024
_GRID = NP // BM


def _dinv_col(degb):
    ones = jnp.ones((NC, 1), jnp.float32)
    deg = lax.dot_general(degb, ones, (((0,), (0,)), ((), ())),
                          preferred_element_type=jnp.float32)
    return lax.rsqrt(deg + 1.0)


def _tc1_body(x_ref, w1_ref, deg_ref, g_ref):
    dinv = _dinv_col(deg_ref[...])
    hw = jnp.dot(x_ref[...], w1_ref[...], preferred_element_type=jnp.float32)
    g_ref[...] = hw * dinv


def _tc2_body(acc_ref, g_ref, deg_ref, b1_ref, w2_ref, g2_ref):
    dinv = _dinv_col(deg_ref[...])
    h = jnp.maximum(dinv * (acc_ref[0] + acc_ref[1] + g_ref[...])
                    + b1_ref[...], 0.0)
    g2_ref[...] = jnp.dot(h, w2_ref[...],
                          preferred_element_type=jnp.float32) * dinv


def _tc3_body(acc_ref, g_ref, deg_ref, b2_ref, wp_ref, bp_ref, z_ref):
    dinv = _dinv_col(deg_ref[...])
    h = jnp.maximum(dinv * (acc_ref[0] + acc_ref[1] + g_ref[...])
                    + b2_ref[...], 0.0)
    z_ref[...] = jnp.dot(h, wp_ref[...],
                         preferred_element_type=jnp.float32) + bp_ref[...]


def _spec_rows(cols):
    return pl.BlockSpec((BM, cols), lambda i: (i, 0))


def _spec_acc():
    return pl.BlockSpec((NC, BM, D), lambda i: (0, i, 0))


def _spec_deg():
    return pl.BlockSpec((NC, BM), lambda i: (0, i))


def _spec_full(r, c):
    return pl.BlockSpec((r, c), lambda i: (0, 0))


_tc1 = pl.pallas_call(
    _tc1_body,
    grid=(_GRID,),
    in_specs=[_spec_rows(D), _spec_full(D, D), _spec_deg()],
    out_specs=_spec_rows(D),
    out_shape=jax.ShapeDtypeStruct((NP, D), jnp.float32),
)

_tc2 = pl.pallas_call(
    _tc2_body,
    grid=(_GRID,),
    in_specs=[_spec_acc(), _spec_rows(D), _spec_deg(),
              _spec_full(1, D), _spec_full(D, D)],
    out_specs=_spec_rows(D),
    out_shape=jax.ShapeDtypeStruct((NP, D), jnp.float32),
)

_tc3 = pl.pallas_call(
    _tc3_body,
    grid=(_GRID,),
    in_specs=[_spec_acc(), _spec_rows(D), _spec_deg(),
              _spec_full(1, D), _spec_full(D, OUT), _spec_full(1, OUT)],
    out_specs=pl.BlockSpec((BM, OUT), lambda i: (i, 0)),
    out_shape=jax.ShapeDtypeStruct((N, OUT), jnp.float32),
)

_PAD_EDGES = np.ascontiguousarray(
    np.broadcast_to(10000 + (np.arange(EP - E, dtype=np.int32) % (NP - N)),
                    (2, EP - E)))


def kernel(x, edge_index, W1, b1, W2, b2, Wp, bp):
    ei = edge_index.astype(jnp.int32)
    ei_pad = jnp.concatenate([ei, _PAD_EDGES], axis=1)
    ei_p = ei_pad.reshape(2, EB, 128)
    ei_p64 = ei_pad.reshape(2, 2 * EB, 64)

    deg_parts = _sc_degree(ei_p)
    g1 = _tc1(x, W1, deg_parts)
    acc1 = _sc_prop(g1, ei_p64)
    g2 = _tc2(acc1, g1, deg_parts, b1.reshape(1, D), W2)
    acc2 = _sc_prop(g2, ei_p64)
    return _tc3(acc2, g2, deg_parts, b2.reshape(1, D), Wp, bp.reshape(1, OUT))

# --- scband reference (transcript-rebuilt; emitter-appended) ---
"""Pipeline reference for scband-gnnsimple-lp-16123307229265 (READ-ONLY COPY).

The authoritative reference and input builder live on the scoring server;
editing this copy changes nothing except your own understanding.
"""

import jax, jax.numpy as jnp
import numpy as np

N_NODES = 10000
N_EDGES = 320000
IN_DIM = 128
HIDDEN = 128
OUT = 64


def setup_inputs(seed: int = 0) -> dict:
    key = jax.random.key(seed)
    ks = jax.random.split(key, 8)
    x = jax.random.normal(ks[0], (N_NODES, IN_DIM), dtype=jnp.float32)
    edge_index = jax.random.randint(ks[1], (2, N_EDGES), 0, N_NODES, dtype=jnp.int64 if jax.config.jax_enable_x64 else jnp.int32)
    s1 = 1.0 / np.sqrt(IN_DIM)
    s2 = 1.0 / np.sqrt(HIDDEN)
    W1 = jax.random.uniform(ks[2], (IN_DIM, HIDDEN), dtype=jnp.float32, minval=-s1, maxval=s1)
    b1 = jnp.zeros((HIDDEN,), dtype=jnp.float32)
    W2 = jax.random.uniform(ks[3], (HIDDEN, HIDDEN), dtype=jnp.float32, minval=-s2, maxval=s2)
    b2 = jnp.zeros((HIDDEN,), dtype=jnp.float32)
    Wp = jax.random.uniform(ks[4], (HIDDEN, OUT), dtype=jnp.float32, minval=-s2, maxval=s2)
    bp = jax.random.uniform(ks[5], (OUT,), dtype=jnp.float32, minval=-s2, maxval=s2)
    return {"x": x, "edge_index": edge_index, "W1": W1, "b1": b1, "W2": W2, "b2": b2, "Wp": Wp, "bp": bp}


def _gcn_conv(h, src, dst, W, b, n_nodes):
    # PyG GCNConv: out = D^{-1/2} (A + I) D^{-1/2} (h @ W) + b
    loop = jnp.arange(n_nodes, dtype=src.dtype)
    s = jnp.concatenate([src, loop])
    d = jnp.concatenate([dst, loop])
    deg = jnp.zeros((n_nodes,), dtype=jnp.float32).at[d].add(1.0)
    dinv = jax.lax.rsqrt(deg)  # deg >= 1 due to self loops
    norm = dinv[s] * dinv[d]
    hw = h @ W
    msg = hw[s] * norm[:, None]
    out = jnp.zeros((n_nodes, W.shape[1]), dtype=jnp.float32).at[d].add(msg)
    return out + b


def reference(x, edge_index, W1, b1, W2, b2, Wp, bp):
    # forward() == encode(): 2 GCN layers with ReLU (dropout=0.0), then linear proj
    src = edge_index[0]
    dst = edge_index[1]
    n = x.shape[0]
    h = _gcn_conv(x, src, dst, W1, b1, n)
    h = jax.nn.relu(h)
    h = _gcn_conv(h, src, dst, W2, b2, n)
    h = jax.nn.relu(h)
    z = h @ Wp + bp
    return z

if __name__ == "__main__":
    import jax
    _d = setup_inputs()
    print(jax.jit(kernel)(*tuple(_d.values())))

</pallas_src>

<mosaic_0001>
#map = affine_map<(d0, d1) -> (0, 0)>
#map1 = affine_map<(d0, d1) -> (0, 0, 0)>
module attributes {stable_mosaic.version = 14 : i64} {
  func.func @_sc_prop(%arg0: i32, %arg1: i32, %arg2: memref<10240x128xf32, #tpu.memory_space<hbm>>, %arg3: memref<2x5120x64xi32, #tpu.memory_space<hbm>>, %arg4: memref<2x10240x128xf32, #tpu.memory_space<hbm>>, %arg5: memref<2x80x64xi32, #tpu.memory_space<vmem>>, %arg6: memref<4x64x128xf32, #tpu.memory_space<vmem>>, %arg7: memref<10240x128xf32, #tpu.memory_space<vmem_shared>>, %arg8: memref<!tpu.dma_semaphore, #tpu.memory_space<semaphore_mem>>, %arg9: memref<!tpu.dma_semaphore, #tpu.memory_space<semaphore_mem>>, %arg10: memref<!tpu.dma_semaphore, #tpu.memory_space<semaphore_mem>>, %arg11: memref<!tpu.dma_semaphore, #tpu.memory_space<semaphore_mem>>, %arg12: memref<!tpu.dma_semaphore, #tpu.memory_space<semaphore_mem>>, %arg13: memref<!tpu.dma_semaphore, #tpu.memory_space<semaphore_mem>>, %arg14: memref<!tpu.dma_semaphore, #tpu.memory_space<semaphore_mem>>, %arg15: memref<!tpu.dma_semaphore, #tpu.memory_space<semaphore_mem>>) attributes {dimension_semantics = [#tpu.dimension_semantics<core_parallel>, #tpu.dimension_semantics<subcore_parallel>], iteration_bounds = array<i64: 2, 16>, scalar_prefetch = 0 : i64, scratch_operands = 11 : i64, tpu.core_type = #tpu.core_type<sc_vector_subcore>, window_params = [{transform_indices = #map}, {transform_indices = #map1}, {transform_indices = #map1}]} {
    %broadcast_in_dim3A = arith.constant 0.000000e+00 : f32
    %broadcast_in_dim3A_0 = vector.broadcast %broadcast_in_dim3A : f32 to vector<16xf32>
    %scan3A = arith.constant 0 : i32
    %scan3A_1 = arith.constant 0 : i32
    %scan3A_2 = arith.constant 64 : i32
    %scan3A_3 = arith.addi %scan3A_1, %scan3A_2 : i32
    %scan3A_4 = arith.constant 1 : i32
    %scan3A_5 = scf.for %scan3A_220 = %scan3A_1 to %scan3A_3 step %scan3A_4 iter_args(%scan3A_221 = %scan3A) -> (i32)  : i32 {
      %swap3A = arith.constant 0 : i32
      %swap3A_222 = arith.index_cast %swap3A : i32 to index
      %swap3A_223 = arith.index_cast %scan3A_220 : i32 to index
      %swap3A_224 = arith.constant 0 : index
      %swap3A_225 = tpu.vector_load %arg6[%swap3A_222, %swap3A_223, %swap3A_224] {strides = array<i32>} : memref<4x64x128xf32, #tpu.memory_space<vmem>>, vector<1x1x16xf32>,
      %swap3A_226 = vector.shape_cast %swap3A_225 : vector<1x1x16xf32> to vector<16xf32>
      %swap3A_227 = vector.shape_cast %broadcast_in_dim3A_0 : vector<16xf32> to vector<1x1x16xf32>
      tpu.vector_store %arg6[%swap3A_222, %swap3A_223, %swap3A_224], %swap3A_227 {strides = array<i32>} : memref<4x64x128xf32, #tpu.memory_space<vmem>>, vector<1x1x16xf32>,
      %swap3A_228 = arith.constant 1 : i32
      %swap3A_229 = arith.index_cast %swap3A_228 : i32 to index
      %swap3A_230 = arith.index_cast %scan3A_220 : i32 to index
      %swap3A_231 = arith.constant 0 : index
      %swap3A_232 = tpu.vector_load %arg6[%swap3A_229, %swap3A_230, %swap3A_231] {strides = array<i32>} : memref<4x64x128xf32, #tpu.memory_space<vmem>>, vector<1x1x16xf32>,
      %swap3A_233 = vector.shape_cast %swap3A_232 : vector<1x1x16xf32> to vector<16xf32>
      %swap3A_234 = vector.shape_cast %broadcast_in_dim3A_0 : vector<16xf32> to vector<1x1x16xf32>
      tpu.vector_store %arg6[%swap3A_229, %swap3A_230, %swap3A_231], %swap3A_234 {strides = array<i32>} : memref<4x64x128xf32, #tpu.memory_space<vmem>>, vector<1x1x16xf32>,
      %swap3A_235 = arith.constant 0 : i32
      %swap3A_236 = arith.index_cast %swap3A_235 : i32 to index
      %swap3A_237 = arith.index_cast %scan3A_220 : i32 to index
      %swap3A_238 = arith.constant 16 : index
      %swap3A_239 = tpu.vector_load %arg6[%swap3A_236, %swap3A_237, %swap3A_238] {strides = array<i32>} : memref<4x64x128xf32, #tpu.memory_space<vmem>>, vector<1x1x16xf32>,
      %swap3A_240 = vector.shape_cast %swap3A_239 : vector<1x1x16xf32> to vector<16xf32>
      %swap3A_241 = vector.shape_cast %broadcast_in_dim3A_0 : vector<16xf32> to vector<1x1x16xf32>
      tpu.vector_store %arg6[%swap3A_236, %swap3A_237, %swap3A_238], %swap3A_241 {strides = array<i32>} : memref<4x64x128xf32, #tpu.memory_space<vmem>>, vector<1x1x16xf32>,
      %swap3A_242 = arith.constant 1 : i32
      %swap3A_243 = arith.index_cast %swap3A_242 : i32 to index
      %swap3A_244 = arith.index_cast %scan3A_220 : i32 to index
      %swap3A_245 = arith.constant 16 : index
      %swap3A_246 = tpu.vector_load %arg6[%swap3A_243, %swap3A_244, %swap3A_245] {strides = array<i32>} : memref<4x64x128xf32, #tpu.memory_space<vmem>>, vector<1x1x16xf32>,
      %swap3A_247 = vector.shape_cast %swap3A_246 : vector<1x1x16xf32> to vector<16xf32>
      %swap3A_248 = vector.shape_cast %broadcast_in_dim3A_0 : vector<16xf32> to vector<1x1x16xf32>
      tpu.vector_store %arg6[%swap3A_243, %swap3A_244, %swap3A_245], %swap3A_248 {strides = array<i32>} : memref<4x64x128xf32, #tpu.memory_space<vmem>>, vector<1x1x16xf32>,
      %swap3A_249 = arith.constant 0 : i32
      %swap3A_250 = arith.index_cast %swap3A_249 : i32 to index
      %swap3A_251 = arith.index_cast %scan3A_220 : i32 to index
      %swap3A_252 = arith.constant 32 : index
      %swap3A_253 = tpu.vector_load %arg6[%swap3A_250, %swap3A_251, %swap3A_252] {strides = array<i32>} : memref<4x64x128xf32, #tpu.memory_space<vmem>>, vector<1x1x16xf32>,
      %swap3A_254 = vector.shape_cast %swap3A_253 : vector<1x1x16xf32> to vector<16xf32>
      %swap3A_255 = vector.shape_cast %broadcast_in_dim3A_0 : vector<16xf32> to vector<1x1x16xf32>
      tpu.vector_store %arg6[%swap3A_250, %swap3A_251, %swap3A_252], %swap3A_255 {strides = array<i32>} : memref<4x64x128xf32, #tpu.memory_space<vmem>>, vector<1x1x16xf32>,
      %swap3A_256 = arith.constant 1 : i32
      %swap3A_257 = arith.index_cast %swap3A_256 : i32 to index
      %swap3A_258 = arith.index_cast %scan3A_220 : i32 to index
      %swap3A_259 = arith.constant 32 : index
      %swap3A_260 = tpu.vector_load %arg6[%swap3A_257, %swap3A_258, %swap3A_259] {strides = array<i32>} : memref<4x64x128xf32, #tpu.memory_space<vmem>>, vector<1x1x16xf32>,
      %swap3A_261 = vector.shape_cast %swap3A_260 : vector<1x1x16xf32> to vector<16xf32>
      %swap3A_262 = vector.shape_cast %broadcast_in_dim3A_0 : vector<16xf32> to vector<1x1x16xf32>
      tpu.vector_store %arg6[%swap3A_257, %swap3A_258, %swap3A_259], %swap3A_262 {strides = array<i32>} : memref<4x64x128xf32, #tpu.memory_space<vmem>>, vector<1x1x16xf32>,
      %swap3A_263 = arith.constant 0 : i32
      %swap3A_264 = arith.index_cast %swap3A_263 : i32 to index
      %swap3A_265 = arith.index_cast %scan3A_220 : i32 to index
      %swap3A_266 = arith.constant 48 : index
      %swap3A_267 = tpu.vector_load %arg6[%swap3A_264, %swap3A_265, %swap3A_266] {strides = array<i32>} : memref<4x64x128xf32, #tpu.memory_space<vmem>>, vector<1x1x16xf32>,
      %swap3A_268 = vector.shape_cast %swap3A_267 : vector<1x1x16xf32> to vector<16xf32>
      %swap3A_269 = vector.shape_cast %broadcast_in_dim3A_0 : vector<16xf32> to vector<1x1x16xf32>
      tpu.vector_store %arg6[%swap3A_264, %swap3A_265, %swap3A_266], %swap3A_269 {strides = array<i32>} : memref<4x64x128xf32, #tpu.memory_space<vmem>>, vector<1x1x16xf32>,
      %swap3A_270 = arith.constant 1 : i32
      %swap3A_271 = arith.index_cast %swap3A_270 : i32 to index
      %swap3A_272 = arith.index_cast %scan3A_220 : i32 to index
      %swap3A_273 = arith.constant 48 : index
      %swap3A_274 = tpu.vector_load %arg6[%swap3A_271, %swap3A_272, %swap3A_273] {strides = array<i32>} : memref<4x64x128xf32, #tpu.memory_space<vmem>>, vector<1x1x16xf32>,
      %swap3A_275 = vector.shape_cast %swap3A_274 : vector<1x1x16xf32> to vector<16xf32>
      %swap3A_276 = vector.shape_cast %broadcast_in_dim3A_0 : vector<16xf32> to vector<1x1x16xf32>
      tpu.vector_store %arg6[%swap3A_271, %swap3A_272, %swap3A_273], %swap3A_276 {strides = array<i32>} : memref<4x64x128xf32, #tpu.memory_space<vmem>>, vector<1x1x16xf32>,
      %swap3A_277 = arith.constant 0 : i32
      %swap3A_278 = arith.index_cast %swap3A_277 : i32 to index
      %swap3A_279 = arith.index_cast %scan3A_220 : i32 to index
      %swap3A_280 = arith.constant 64 : index
      %swap3A_281 = tpu.vector_load %arg6[%swap3A_278, %swap3A_279, %swap3A_280] {strides = array<i32>} : memref<4x64x128xf32, #tpu.memory_space<vmem>>, vector<1x1x16xf32>,
      %swap3A_282 = vector.shape_cast %swap3A_281 : vector<1x1x16xf32> to vector<16xf32>
      %swap3A_283 = vector.shape_cast %broadcast_in_dim3A_0 : vector<16xf32> to vector<1x1x16xf32>
      tpu.vector_store %arg6[%swap3A_278, %swap3A_279, %swap3A_280], %swap3A_283 {strides = array<i32>} : memref<4x64x128xf32, #tpu.memory_space<vmem>>, vector<1x1x16xf32>,
      %swap3A_284 = arith.constant 1 : i32
      %swap3A_285 = arith.index_cast %swap3A_284 : i32 to index
      %swap3A_286 = arith.index_cast %scan3A_220 : i32 to index
      %swap3A_287 = arith.constant 64 : index
      %swap3A_288 = tpu.vector_load %arg6[%swap3A_285, %swap3A_286, %swap3A_287] {strides = array<i32>} : memref<4x64x128xf32, #tpu.memory_space<vmem>>, vector<1x1x16xf32>,
      %swap3A_289 = vector.shape_cast %swap3A_288 : vector<1x1x16xf32> to vector<16xf32>
      %swap3A_290 = vector.shape_cast %broadcast_in_dim3A_0 : vector<16xf32> to vector<1x1x16xf32>
      tpu.vector_store %arg6[%swap3A_285, %swap3A_286, %swap3A_287], %swap3A_290 {strides = array<i32>} : memref<4x64x128xf32, #tpu.memory_space<vmem>>, vector<1x1x16xf32>,
      %swap3A_291 = arith.constant 0 : i32
      %swap3A_292 = arith.index_cast %swap3A_291 : i32 to index
      %swap3A_293 = arith.index_cast %scan3A_220 : i32 to index
      %swap3A_294 = arith.constant 80 : index
      %swap3A_295 = tpu.vector_load %arg6[%swap3A_292, %swap3A_293, %swap3A_294] {strides = array<i32>} : memref<4x64x128xf32, #tpu.memory_space<vmem>>, vector<1x1x16xf32>,
      %swap3A_296 = vector.shape_cast %swap3A_295 : vector<1x1x16xf32> to vector<16xf32>
      %swap3A_297 = vector.shape_cast %broadcast_in_dim3A_0 : vector<16xf32> to vector<1x1x16xf32>
      tpu.vector_store %arg6[%swap3A_292, %swap3A_293, %swap3A_294], %swap3A_297 {strides = array<i32>} : memref<4x64x128xf32, #tpu.memory_space<vmem>>, vector<1x1x16xf32>,
      %swap3A_298 = arith.constant 1 : i32
      %swap3A_299 = arith.index_cast %swap3A_298 : i32 to index
      %swap3A_300 = arith.index_cast %scan3A_220 : i32 to index
      %swap3A_301 = arith.constant 80 : index
      %swap3A_302 = tpu.vector_load %arg6[%swap3A_299, %swap3A_300, %swap3A_301] {strides = array<i32>} : memref<4x64x128xf32, #tpu.memory_space<vmem>>, vector<1x1x16xf32>,
      %swap3A_303 = vector.shape_cast %swap3A_302 : vector<1x1x16xf32> to vector<16xf32>
      %swap3A_304 = vector.shape_cast %broadcast_in_dim3A_0 : vector<16xf32> to vector<1x1x16xf32>
      tpu.vector_store %arg6[%swap3A_299, %swap3A_300, %swap3A_301], %swap3A_304 {strides = array<i32>} : memref<4x64x128xf32, #tpu.memory_space<vmem>>, vector<1x1x16xf32>,
      %swap3A_305 = arith.constant 0 : i32
      %swap3A_306 = arith.index_cast %swap3A_305 : i32 to index
      %swap3A_307 = arith.index_cast %scan3A_220 : i32 to index
      %swap3A_308 = arith.constant 96 : index
      %swap3A_309 = tpu.vector_load %arg6[%swap3A_306, %swap3A_307, %swap3A_308] {strides = array<i32>} : memref<4x64x128xf32, #tpu.memory_space<vmem>>, vector<1x1x16xf32>,
      %swap3A_310 = vector.shape_cast %swap3A_309 : vector<1x1x16xf32> to vector<16xf32>
      %swap3A_311 = vector.shape_cast %broadcast_in_dim3A_0 : vector<16xf32> to vector<1x1x16xf32>
      tpu.vector_store %arg6[%swap3A_306, %swap3A_307, %swap3A_308], %swap3A_311 {strides = array<i32>} : memref<4x64x128xf32, #tpu.memory_space<vmem>>, vector<1x1x16xf32>,
      %swap3A_312 = arith.constant 1 : i32
      %swap3A_313 = arith.index_cast %swap3A_312 : i32 to index
      %swap3A_314 = arith.index_cast %scan3A_220 : i32 to index
      %swap3A_315 = arith.constant 96 : index
      %swap3A_316 = tpu.vector_load %arg6[%swap3A_313, %swap3A_314, %swap3A_315] {strides = array<i32>} : memref<4x64x128xf32, #tpu.memory_space<vmem>>, vector<1x1x16xf32>,
      %swap3A_317 = vector.shape_cast %swap3A_316 : vector<1x1x16xf32> to vector<16xf32>
      %swap3A_318 = vector.shape_cast %broadcast_in_dim3A_0 : vector<16xf32> to vector<1x1x16xf32>
      tpu.vector_store %arg6[%swap3A_313, %swap3A_314, %swap3A_315], %swap3A_318 {strides = array<i32>} : memref<4x64x128xf32, #tpu.memory_space<vmem>>, vector<1x1x16xf32>,
      %swap3A_319 = arith.constant 0 : i32
      %swap3A_320 = arith.index_cast %swap3A_319 : i32 to index
      %swap3A_321 = arith.index_cast %scan3A_220 : i32 to index
      %swap3A_322 = arith.constant 112 : index
      %swap3A_323 = tpu.vector_load %arg6[%swap3A_320, %swap3A_321, %swap3A_322] {strides = array<i32>} : memref<4x64x128xf32, #tpu.memory_space<vmem>>, vector<1x1x16xf32>,
      %swap3A_324 = vector.shape_cast %swap3A_323 : vector<1x1x16xf32> to vector<16xf32>
      %swap3A_325 = vector.shape_cast %broadcast_in_dim3A_0 : vector<16xf32> to vector<1x1x16xf32>
      tpu.vector_store %arg6[%swap3A_320, %swap3A_321, %swap3A_322], %swap3A_325 {strides = array<i32>} : memref<4x64x128xf32, #tpu.memory_space<vmem>>, vector<1x1x16xf32>,
      %swap3A_326 = arith.constant 1 : i32
      %swap3A_327 = arith.index_cast %swap3A_326 : i32 to index
      %swap3A_328 = arith.index_cast %scan3A_220 : i32 to index
      %swap3A_329 = arith.constant 112 : index
      %swap3A_330 = tpu.vector_load %arg6[%swap3A_327, %swap3A_328, %swap3A_329] {strides = array<i32>} : memref<4x64x128xf32, #tpu.memory_space<vmem>>, vector<1x1x16xf32>,
      %swap3A_331 = vector.shape_cast %swap3A_330 : vector<1x1x16xf32> to vector<16xf32>
      %swap3A_332 = vector.shape_cast %broadcast_in_dim3A_0 : vector<16xf32> to vector<1x1x16xf32>
      tpu.vector_store %arg6[%swap3A_327, %swap3A_328, %swap3A_329], %swap3A_332 {strides = array<i32>} : memref<4x64x128xf32, #tpu.memory_space<vmem>>, vector<1x1x16xf32>,
      %scan3A_333 = arith.constant 0 : i32
      scf.yield %scan3A_333 : i32
    }
    %scan3A_6 = arith.constant 64 : i32
    %mul3A = arith.constant 640 : i32
    %mul3A_7 = arith.muli %arg1, %mul3A : i32
    %add3A = arith.constant 0 : i32
    %add3A_8 = arith.addi %mul3A_7, %add3A : i32
    %run_scoped3A = arith.constant 0 : i32
    "tpu.region"() ({
      %run_scoped3A_220 = tpu.sem_alloc : memref<!tpu.dma_semaphore, #tpu.memory_space<semaphore_mem>>
      %dma_start3A_221 = arith.constant 0 : i32
      %dma_start3A_222 = arith.constant 0 : i32
      %dma_start3A_223 = tpu.memref_slice %arg6[%run_scoped3A, %dma_start3A_221, %dma_start3A_222] : memref<4x64x128xf32, #tpu.memory_space<vmem>> -> memref<1x64x128xf32, #tpu.memory_space<vmem>>
      %dma_start3A_224 = tpu.memref_squeeze %dma_start3A_223 : memref<1x64x128xf32, #tpu.memory_space<vmem>> -> memref<64x128xf32, #tpu.memory_space<vmem>>
      %dma_start3A_225 = arith.constant 0 : i32
      %dma_start3A_226 = tpu.memref_slice %arg7[%add3A_8, %dma_start3A_225] : memref<10240x128xf32, #tpu.memory_space<vmem_shared>> -> memref<64x128xf32, #tpu.memory_space<vmem_shared>>
      %dma_start3A_227 = arith.constant 0 : i32
      %dma_start3A_228 = tpu.memref_slice %arg7[%add3A_8, %dma_start3A_227] : memref<10240x128xf32, #tpu.memory_space<vmem_shared>> -> memref<64x128xf32, #tpu.memory_space<vmem_shared>>
      %dma_start3A_229 = arith.constant 0 : i32
      %dma_start3A_230 = arith.constant 0 : i32
      %dma_start3A_231 = tpu.memref_slice %arg6[%run_scoped3A, %dma_start3A_229, %dma_start3A_230] : memref<4x64x128xf32, #tpu.memory_space<vmem>> -> memref<1x64x128xf32, #tpu.memory_space<vmem>>
      %dma_start3A_232 = tpu.memref_squeeze %dma_start3A_231 : memref<1x64x128xf32, #tpu.memory_space<vmem>> -> memref<64x128xf32, #tpu.memory_space<vmem>>
      tpu.enqueue_dma source(%dma_start3A_232 : memref<64x128xf32, #tpu.memory_space<vmem>>) target(%dma_start3A_228 : memref<64x128xf32, #tpu.memory_space<vmem_shared>>) target_semaphore(%run_scoped3A_220 : memref<!tpu.dma_semaphore, #tpu.memory_space<semaphore_mem>>)
      %dma_wait3A_233 = arith.constant 0 : i32
      %dma_wait3A_234 = arith.constant 0 : i32
      %dma_wait3A_235 = tpu.memref_slice %arg6[%run_scoped3A, %dma_wait3A_233, %dma_wait3A_234] : memref<4x64x128xf32, #tpu.memory_space<vmem>> -> memref<1x64x128xf32, #tpu.memory_space<vmem>>
      %dma_wait3A_236 = tpu.memref_squeeze %dma_wait3A_235 : memref<1x64x128xf32, #tpu.memory_space<vmem>> -> memref<64x128xf32, #tpu.memory_space<vmem>>
      %dma_wait3A_237 = arith.constant 0 : i32
      %dma_wait3A_238 = tpu.memref_slice %arg7[%add3A_8, %dma_wait3A_237] : memref<10240x128xf32, #tpu.memory_space<vmem_shared>> -> memref<64x128xf32, #tpu.memory_space<vmem_shared>>
      %dma_wait3A_239 = arith.constant 0 : i32
      %dma_wait3A_240 = tpu.memref_slice %arg7[%add3A_8, %dma_wait3A_239] : memref<10240x128xf32, #tpu.memory_space<vmem_shared>> -> memref<64x128xf32, #tpu.memory_space<vmem_shared>>
      %dma_wait3A_241 = arith.constant 0 : i32
      %dma_wait3A_242 = arith.constant 0 : i32
      %dma_wait3A_243 = tpu.memref_slice %arg6[%run_scoped3A, %dma_wait3A_241, %dma_wait3A_242] : memref<4x64x128xf32, #tpu.memory_space<vmem>> -> memref<1x64x128xf32, #tpu.memory_space<vmem>>
      %dma_wait3A_244 = tpu.memref_squeeze %dma_wait3A_243 : memref<1x64x128xf32, #tpu.memory_space<vmem>> -> memref<64x128xf32, #tpu.memory_space<vmem>>
      tpu.wait_dma2 semaphore(%run_scoped3A_220 : memref<!tpu.dma_semaphore, #tpu.memory_space<semaphore_mem>>) src(%dma_wait3A_244 : memref<64x128xf32, #tpu.memory_space<vmem>>) dst(%dma_wait3A_240 : memref<64x128xf32, #tpu.memory_space<vmem_shared>>)
      tpu.yield
    }) : () -> ()
    %mul3A_9 = arith.constant 640 : i32
    %mul3A_10 = arith.muli %arg1, %mul3A_9 : i32
    %add3A_11 = arith.constant 0 : i32
    %add3A_12 = arith.addi %mul3A_10, %add3A_11 : i32
    %add3A_13 = arith.constant 64 : i32
    %add3A_14 = arith.addi %add3A_12, %add3A_13 : i32
    %run_scoped3A_15 = arith.constant 1 : i32
    "tpu.region"() ({
      %run_scoped3A_220 = tpu.sem_alloc : memref<!tpu.dma_semaphore, #tpu.memory_space<semaphore_mem>>
      %dma_start3A_221 = arith.constant 0 : i32
      %dma_start3A_222 = arith.constant 0 : i32
      %dma_start3A_223 = tpu.memref_slice %arg6[%run_scoped3A_15, %dma_start3A_221, %dma_start3A_222] : memref<4x64x128xf32, #tpu.memory_space<vmem>> -> memref<1x64x128xf32, #tpu.memory_space<vmem>>
      %dma_start3A_224 = tpu.memref_squeeze %dma_start3A_223 : memref<1x64x128xf32, #tpu.memory_space<vmem>> -> memref<64x128xf32, #tpu.memory_space<vmem>>
      %dma_start3A_225 = arith.constant 0 : i32
      %dma_start3A_226 = tpu.memref_slice %arg7[%add3A_14, %dma_start3A_225] : memref<10240x128xf32, #tpu.memory_space<vmem_shared>> -> memref<64x128xf32, #tpu.memory_space<vmem_shared>>
      %dma_start3A_227 = arith.constant 0 : i32
      %dma_start3A_228 = tpu.memref_slice %arg7[%add3A_14, %dma_start3A_227] : memref<10240x128xf32, #tpu.memory_space<vmem_shared>> -> memref<64x128xf32, #tpu.memory_space<vmem_shared>>
      %dma_start3A_229 = arith.constant 0 : i32
      %dma_start3A_230 = arith.constant 0 : i32
      %dma_start3A_231 = tpu.memref_slice %arg6[%run_scoped3A_15, %dma_start3A_229, %dma_start3A_230] : memref<4x64x128xf32, #tpu.memory_space<vmem>> -> memref<1x64x128xf32, #tpu.memory_space<vmem>>
      %dma_start3A_232 = tpu.memref_squeeze %dma_start3A_231 : memref<1x64x128xf32, #tpu.memory_space<vmem>> -> memref<64x128xf32, #tpu.memory_space<vmem>>
      tpu.enqueue_dma source(%dma_start3A_232 : memref<64x128xf32, #tpu.memory_space<vmem>>) target(%dma_start3A_228 : memref<64x128xf32, #tpu.memory_space<vmem_shared>>) target_semaphore(%run_scoped3A_220 : memref<!tpu.dma_semaphore, #tpu.memory_space<semaphore_mem>>)
      %dma_wait3A_233 = arith.constant 0 : i32
      %dma_wait3A_234 = arith.constant 0 : i32
      %dma_wait3A_235 = tpu.memref_slice %arg6[%run_scoped3A_15, %dma_wait3A_233, %dma_wait3A_234] : memref<4x64x128xf32, #tpu.memory_space<vmem>> -> memref<1x64x128xf32, #tpu.memory_space<vmem>>
      %dma_wait3A_236 = tpu.memref_squeeze %dma_wait3A_235 : memref<1x64x128xf32, #tpu.memory_space<vmem>> -> memref<64x128xf32, #tpu.memory_space<vmem>>
      %dma_wait3A_237 = arith.constant 0 : i32
      %dma_wait3A_238 = tpu.memref_slice %arg7[%add3A_14, %dma_wait3A_237] : memref<10240x128xf32, #tpu.memory_space<vmem_shared>> -> memref<64x128xf32, #tpu.memory_space<vmem_shared>>
      %dma_wait3A_239 = arith.constant 0 : i32
      %dma_wait3A_240 = tpu.memref_slice %arg7[%add3A_14, %dma_wait3A_239] : memref<10240x128xf32, #tpu.memory_space<vmem_shared>> -> memref<64x128xf32, #tpu.memory_space<vmem_shared>>
      %dma_wait3A_241 = arith.constant 0 : i32
      %dma_wait3A_242 = arith.constant 0 : i32
      %dma_wait3A_243 = tpu.memref_slice %arg6[%run_scoped3A_15, %dma_wait3A_241, %dma_wait3A_242] : memref<4x64x128xf32, #tpu.memory_space<vmem>> -> memref<1x64x128xf32, #tpu.memory_space<vmem>>
      %dma_wait3A_244 = tpu.memref_squeeze %dma_wait3A_243 : memref<1x64x128xf32, #tpu.memory_space<vmem>> -> memref<64x128xf32, #tpu.memory_space<vmem>>
      tpu.wait_dma2 semaphore(%run_scoped3A_220 : memref<!tpu.dma_semaphore, #tpu.memory_space<semaphore_mem>>) src(%dma_wait3A_244 : memref<64x128xf32, #tpu.memory_space<vmem>>) dst(%dma_wait3A_240 : memref<64x128xf32, #tpu.memory_space<vmem_shared>>)
      tpu.yield
    }) : () -> ()
    %mul3A_16 = arith.constant 640 : i32
    %mul3A_17 = arith.muli %arg1, %mul3A_16 : i32
    %add3A_18 = arith.constant 128 : i32
    %add3A_19 = arith.addi %mul3A_17, %add3A_18 : i32
    %run_scoped3A_20 = arith.constant 0 : i32
    "tpu.region"() ({
      %run_scoped3A_220 = tpu.sem_alloc : memref<!tpu.dma_semaphore, #tpu.memory_space<semaphore_mem>>
      %dma_start3A_221 = arith.constant 0 : i32
      %dma_start3A_222 = arith.constant 0 : i32
      %dma_start3A_223 = tpu.memref_slice %arg6[%run_scoped3A_20, %dma_start3A_221, %dma_start3A_222] : memref<4x64x128xf32, #tpu.memory_space<vmem>> -> memref<1x64x128xf32, #tpu.memory_space<vmem>>
      %dma_start3A_224 = tpu.memref_squeeze %dma_start3A_223 : memref<1x64x128xf32, #tpu.memory_space<vmem>> -> memref<64x128xf32, #tpu.memory_space<vmem>>
      %dma_start3A_225 = arith.constant 0 : i32
      %dma_start3A_226 = tpu.memref_slice %arg7[%add3A_19, %dma_start3A_225] : memref<10240x128xf32, #tpu.memory_space<vmem_shared>> -> memref<64x128xf32, #tpu.memory_space<vmem_shared>>
      %dma_start3A_227 = arith.constant 0 : i32
      %dma_start3A_228 = tpu.memref_slice %arg7[%add3A_19, %dma_start3A_227] : memref<10240x128xf32, #tpu.memory_space<vmem_shared>> -> memref<64x128xf32, #tpu.memory_space<vmem_shared>>
      %dma_start3A_229 = arith.constant 0 : i32
      %dma_start3A_230 = arith.constant 0 : i32
      %dma_start3A_231 = tpu.memref_slice %arg6[%run_scoped3A_20, %dma_start3A_229, %dma_start3A_230] : memref<4x64x128xf32, #tpu.memory_space<vmem>> -> memref<1x64x128xf32, #tpu.memory_space<vmem>>
      %dma_start3A_232 = tpu.memref_squeeze %dma_start3A_231 : memref<1x64x128xf32, #tpu.memory_space<vmem>> -> memref<64x128xf32, #tpu.memory_space<vmem>>
      tpu.enqueue_dma source(%dma_start3A_232 : memref<64x128xf32, #tpu.memory_space<vmem>>) target(%dma_start3A_228 : memref<64x128xf32, #tpu.memory_space<vmem_shared>>) target_semaphore(%run_scoped3A_220 : memref<!tpu.dma_semaphore, #tpu.memory_space<semaphore_mem>>)
      %dma_wait3A_233 = arith.constant 0 : i32
      %dma_wait3A_234 = arith.constant 0 : i32
      %dma_wait3A_235 = tpu.memref_slice %arg6[%run_scoped3A_20, %dma_wait3A_233, %dma_wait3A_234] : memref<4x64x128xf32, #tpu.memory_space<vmem>> -> memref<1x64x128xf32, #tpu.memory_space<vmem>>
      %dma_wait3A_236 = tpu.memref_squeeze %dma_wait3A_235 : memref<1x64x128xf32, #tpu.memory_space<vmem>> -> memref<64x128xf32, #tpu.memory_space<vmem>>
      %dma_wait3A_237 = arith.constant 0 : i32
      %dma_wait3A_238 = tpu.memref_slice %arg7[%add3A_19, %dma_wait3A_237] : memref<10240x128xf32, #tpu.memory_space<vmem_shared>> -> memref<64x128xf32, #tpu.memory_space<vmem_shared>>
      %dma_wait3A_239 = arith.constant 0 : i32
      %dma_wait3A_240 = tpu.memref_slice %arg7[%add3A_19, %dma_wait3A_239] : memref<10240x128xf32, #tpu.memory_space<vmem_shared>> -> memref<64x128xf32, #tpu.memory_space<vmem_shared>>
      %dma_wait3A_241 = arith.constant 0 : i32
      %dma_wait3A_242 = arith.constant 0 : i32
      %dma_wait3A_243 = tpu.memref_slice %arg6[%run_scoped3A_20, %dma_wait3A_241, %dma_wait3A_242] : memref<4x64x128xf32, #tpu.memory_space<vmem>> -> memref<1x64x128xf32, #tpu.memory_space<vmem>>
      %dma_wait3A_244 = tpu.memref_squeeze %dma_wait3A_243 : memref<1x64x128xf32, #tpu.memory_space<vmem>> -> memref<64x128xf32, #tpu.memory_space<vmem>>
      tpu.wait_dma2 semaphore(%run_scoped3A_220 : memref<!tpu.dma_semaphore, #tpu.memory_space<semaphore_mem>>) src(%dma_wait3A_244 : memref<64x128xf32, #tpu.memory_space<vmem>>) dst(%dma_wait3A_240 : memref<64x128xf32, #tpu.memory_space<vmem_shared>>)
      tpu.yield
    }) : () -> ()
    %mul3A_21 = arith.constant 640 : i32
    %mul3A_22 = arith.muli %arg1, %mul3A_21 : i32
    %add3A_23 = arith.constant 128 : i32
    %add3A_24 = arith.addi %mul3A_22, %add3A_23 : i32
    %add3A_25 = arith.constant 64 : i32
    %add3A_26 = arith.addi %add3A_24, %add3A_25 : i32
    %run_scoped3A_27 = arith.constant 1 : i32
    "tpu.region"() ({
      %run_scoped3A_220 = tpu.sem_alloc : memref<!tpu.dma_semaphore, #tpu.memory_space<semaphore_mem>>
      %dma_start3A_221 = arith.constant 0 : i32
      %dma_start3A_222 = arith.constant 0 : i32
      %dma_start3A_223 = tpu.memref_slice %arg6[%run_scoped3A_27, %dma_start3A_221, %dma_start3A_222] : memref<4x64x128xf32, #tpu.memory_space<vmem>> -> memref<1x64x128xf32, #tpu.memory_space<vmem>>
      %dma_start3A_224 = tpu.memref_squeeze %dma_start3A_223 : memref<1x64x128xf32, #tpu.memory_space<vmem>> -> memref<64x128xf32, #tpu.memory_space<vmem>>
      %dma_start3A_225 = arith.constant 0 : i32
      %dma_start3A_226 = tpu.memref_slice %arg7[%add3A_26, %dma_start3A_225] : memref<10240x128xf32, #tpu.memory_space<vmem_shared>> -> memref<64x128xf32, #tpu.memory_space<vmem_shared>>
      %dma_start3A_227 = arith.constant 0 : i32
      %dma_start3A_228 = tpu.memref_slice %arg7[%add3A_26, %dma_start3A_227] : memref<10240x128xf32, #tpu.memory_space<vmem_shared>> -> memref<64x128xf32, #tpu.memory_space<vmem_shared>>
      %dma_start3A_229 = arith.constant 0 : i32
      %dma_start3A_230 = arith.constant 0 : i32
      %dma_start3A_231 = tpu.memref_slice %arg6[%run_scoped3A_27, %dma_start3A_229, %dma_start3A_230] : memref<4x64x128xf32, #tpu.memory_space<vmem>> -> memref<1x64x128xf32, #tpu.memory_space<vmem>>
      %dma_start3A_232 = tpu.memref_squeeze %dma_start3A_231 : memref<1x64x128xf32, #tpu.memory_space<vmem>> -> memref<64x128xf32, #tpu.memory_space<vmem>>
      tpu.enqueue_dma source(%dma_start3A_232 : memref<64x128xf32, #tpu.memory_space<vmem>>) target(%dma_start3A_228 : memref<64x128xf32, #tpu.memory_space<vmem_shared>>) target_semaphore(%run_scoped3A_220 : memref<!tpu.dma_semaphore, #tpu.memory_space<semaphore_mem>>)
      %dma_wait3A_233 = arith.constant 0 : i32
      %dma_wait3A_234 = arith.constant 0 : i32
      %dma_wait3A_235 = tpu.memref_slice %arg6[%run_scoped3A_27, %dma_wait3A_233, %dma_wait3A_234] : memref<4x64x128xf32, #tpu.memory_space<vmem>> -> memref<1x64x128xf32, #tpu.memory_space<vmem>>
      %dma_wait3A_236 = tpu.memref_squeeze %dma_wait3A_235 : memref<1x64x128xf32, #tpu.memory_space<vmem>> -> memref<64x128xf32, #tpu.memory_space<vmem>>
      %dma_wait3A_237 = arith.constant 0 : i32
      %dma_wait3A_238 = tpu.memref_slice %arg7[%add3A_26, %dma_wait3A_237] : memref<10240x128xf32, #tpu.memory_space<vmem_shared>> -> memref<64x128xf32, #tpu.memory_space<vmem_shared>>
      %dma_wait3A_239 = arith.constant 0 : i32
      %dma_wait3A_240 = tpu.memref_slice %arg7[%add3A_26, %dma_wait3A_239] : memref<10240x128xf32, #tpu.memory_space<vmem_shared>> -> memref<64x128xf32, #tpu.memory_space<vmem_shared>>
      %dma_wait3A_241 = arith.constant 0 : i32
      %dma_wait3A_242 = arith.constant 0 : i32
      %dma_wait3A_243 = tpu.memref_slice %arg6[%run_scoped3A_27, %dma_wait3A_241, %dma_wait3A_242] : memref<4x64x128xf32, #tpu.memory_space<vmem>> -> memref<1x64x128xf32, #tpu.memory_space<vmem>>
      %dma_wait3A_244 = tpu.memref_squeeze %dma_wait3A_243 : memref<1x64x128xf32, #tpu.memory_space<vmem>> -> memref<64x128xf32, #tpu.memory_space<vmem>>
      tpu.wait_dma2 semaphore(%run_scoped3A_220 : memref<!tpu.dma_semaphore, #tpu.memory_space<semaphore_mem>>) src(%dma_wait3A_244 : memref<64x128xf32, #tpu.memory_space<vmem>>) dst(%dma_wait3A_240 : memref<64x128xf32, #tpu.memory_space<vmem_shared>>)
      tpu.yield
    }) : () -> ()
    %mul3A_28 = arith.constant 640 : i32
    %mul3A_29 = arith.muli %arg1, %mul3A_28 : i32
    %add3A_30 = arith.constant 256 : i32
    %add3A_31 = arith.addi %mul3A_29, %add3A_30 : i32
    %run_scoped3A_32 = arith.constant 0 : i32
    "tpu.region"() ({
      %run_scoped3A_220 = tpu.sem_alloc : memref<!tpu.dma_semaphore, #tpu.memory_space<semaphore_mem>>
      %dma_start3A_221 = arith.constant 0 : i32
      %dma_start3A_222 = arith.constant 0 : i32
      %dma_start3A_223 = tpu.memref_slice %arg6[%run_scoped3A_32, %dma_start3A_221, %dma_start3A_222] : memref<4x64x128xf32, #tpu.memory_space<vmem>> -> memref<1x64x128xf32, #tpu.memory_space<vmem>>
      %dma_start3A_224 = tpu.memref_squeeze %dma_start3A_223 : memref<1x64x128xf32, #tpu.memory_space<vmem>> -> memref<64x128xf32, #tpu.memory_space<vmem>>
      %dma_start3A_225 = arith.constant 0 : i32
      %dma_start3A_226 = tpu.memref_slice %arg7[%add3A_31, %dma_start3A_225] : memref<10240x128xf32, #tpu.memory_space<vmem_shared>> -> memref<64x128xf32, #tpu.memory_space<vmem_shared>>
      %dma_start3A_227 = arith.constant 0 : i32
      %dma_start3A_228 = tpu.memref_slice %arg7[%add3A_31, %dma_start3A_227] : memref<10240x128xf32, #tpu.memory_space<vmem_shared>> -> memref<64x128xf32, #tpu.memory_space<vmem_shared>>
      %dma_start3A_229 = arith.constant 0 : i32
      %dma_start3A_230 = arith.constant 0 : i32
      %dma_start3A_231 = tpu.memref_slice %arg6[%run_scoped3A_32, %dma_start3A_229, %dma_start3A_230] : memref<4x64x128xf32, #tpu.memory_space<vmem>> -> memref<1x64x128xf32, #tpu.memory_space<vmem>>
      %dma_start3A_232 = tpu.memref_squeeze %dma_start3A_231 : memref<1x64x128xf32, #tpu.memory_space<vmem>> -> memref<64x128xf32, #tpu.memory_space<vmem>>
      tpu.enqueue_dma source(%dma_start3A_232 : memref<64x128xf32, #tpu.memory_space<vmem>>) target(%dma_start3A_228 : memref<64x128xf32, #tpu.memory_space<vmem_shared>>) target_semaphore(%run_scoped3A_220 : memref<!tpu.dma_semaphore, #tpu.memory_space<semaphore_mem>>)
      %dma_wait3A_233 = arith.constant 0 : i32
      %dma_wait3A_234 = arith.constant 0 : i32
      %dma_wait3A_235 = tpu.memref_slice %arg6[%run_scoped3A_32, %dma_wait3A_233, %dma_wait3A_234] : memref<4x64x128xf32, #tpu.memory_space<vmem>> -> memref<1x64x128xf32, #tpu.memory_space<vmem>>
      %dma_wait3A_236 = tpu.memref_squeeze %dma_wait3A_235 : memref<1x64x128xf32, #tpu.memory_space<vmem>> -> memref<64x128xf32, #tpu.memory_space<vmem>>
      %dma_wait3A_237 = arith.constant 0 : i32
      %dma_wait3A_238 = tpu.memref_slice %arg7[%add3A_31, %dma_wait3A_237] : memref<10240x128xf32, #tpu.memory_space<vmem_shared>> -> memref<64x128xf32, #tpu.memory_space<vmem_shared>>
      %dma_wait3A_239 = arith.constant 0 : i32
      %dma_wait3A_240 = tpu.memref_slice %arg7[%add3A_31, %dma_wait3A_239] : memref<10240x128xf32, #tpu.memory_space<vmem_shared>> -> memref<64x128xf32, #tpu.memory_space<vmem_shared>>
      %dma_wait3A_241 = arith.constant 0 : i32
      %dma_wait3A_242 = arith.constant 0 : i32
      %dma_wait3A_243 = tpu.memref_slice %arg6[%run_scoped3A_32, %dma_wait3A_241, %dma_wait3A_242] : memref<4x64x128xf32, #tpu.memory_space<vmem>> -> memref<1x64x128xf32, #tpu.memory_space<vmem>>
      %dma_wait3A_244 = tpu.memref_squeeze %dma_wait3A_243 : memref<1x64x128xf32, #tpu.memory_space<vmem>> -> memref<64x128xf32, #tpu.memory_space<vmem>>
      tpu.wait_dma2 semaphore(%run_scoped3A_220 : memref<!tpu.dma_semaphore, #tpu.memory_space<semaphore_mem>>) src(%dma_wait3A_244 : memref<64x128xf32, #tpu.memory_space<vmem>>) dst(%dma_wait3A_240 : memref<64x128xf32, #tpu.memory_space<vmem_shared>>)
      tpu.yield
    }) : () -> ()
    %mul3A_33 = arith.constant 640 : i32
    %mul3A_34 = arith.muli %arg1, %mul3A_33 : i32
    %add3A_35 = arith.constant 256 : i32
    %add3A_36 = arith.addi %mul3A_34, %add3A_35 : i32
    %add3A_37 = arith.constant 64 : i32
    %add3A_38 = arith.addi %add3A_36, %add3A_37 : i32
    %run_scoped3A_39 = arith.constant 1 : i32
    "tpu.region"() ({
      %run_scoped3A_220 = tpu.sem_alloc : memref<!tpu.dma_semaphore, #tpu.memory_space<semaphore_mem>>
      %dma_start3A_221 = arith.constant 0 : i32
      %dma_start3A_222 = arith.constant 0 : i32
      %dma_start3A_223 = tpu.memref_slice %arg6[%run_scoped3A_39, %dma_start3A_221, %dma_start3A_222] : memref<4x64x128xf32, #tpu.memory_space<vmem>> -> memref<1x64x128xf32, #tpu.memory_space<vmem>>
      %dma_start3A_224 = tpu.memref_squeeze %dma_start3A_223 : memref<1x64x128xf32, #tpu.memory_space<vmem>> -> memref<64x128xf32, #tpu.memory_space<vmem>>
      %dma_start3A_225 = arith.constant 0 : i32
      %dma_start3A_226 = tpu.memref_slice %arg7[%add3A_38, %dma_start3A_225] : memref<10240x128xf32, #tpu.memory_space<vmem_shared>> -> memref<64x128xf32, #tpu.memory_space<vmem_shared>>
      %dma_start3A_227 = arith.constant 0 : i32
      %dma_start3A_228 = tpu.memref_slice %arg7[%add3A_38, %dma_start3A_227] : memref<10240x128xf32, #tpu.memory_space<vmem_shared>> -> memref<64x128xf32, #tpu.memory_space<vmem_shared>>
      %dma_start3A_229 = arith.constant 0 : i32
      %dma_start3A_230 = arith.constant 0 : i32
      %dma_start3A_231 = tpu.memref_slice %arg6[%run_scoped3A_39, %dma_start3A_229, %dma_start3A_230] : memref<4x64x128xf32, #tpu.memory_space<vmem>> -> memref<1x64x128xf32, #tpu.memory_space<vmem>>
      %dma_start3A_232 = tpu.memref_squeeze %dma_start3A_231 : memref<1x64x128xf32, #tpu.memory_space<vmem>> -> memref<64x128xf32, #tpu.memory_space<vmem>>
      tpu.enqueue_dma source(%dma_start3A_232 : memref<64x128xf32, #tpu.memory_space<vmem>>) target(%dma_start3A_228 : memref<64x128xf32, #tpu.memory_space<vmem_shared>>) target_semaphore(%run_scoped3A_220 : memref<!tpu.dma_semaphore, #tpu.memory_space<semaphore_mem>>)
      %dma_wait3A_233 = arith.constant 0 : i32
      %dma_wait3A_234 = arith.constant 0 : i32
      %dma_wait3A_235 = tpu.memref_slice %arg6[%run_scoped3A_39, %dma_wait3A_233, %dma_wait3A_234] : memref<4x64x128xf32, #tpu.memory_space<vmem>> -> memref<1x64x128xf32, #tpu.memory_space<vmem>>
      %dma_wait3A_236 = tpu.memref_squeeze %dma_wait3A_235 : memref<1x64x128xf32, #tpu.memory_space<vmem>> -> memref<64x128xf32, #tpu.memory_space<vmem>>
      %dma_wait3A_237 = arith.constant 0 : i32
      %dma_wait3A_238 = tpu.memref_slice %arg7[%add3A_38, %dma_wait3A_237] : memref<10240x128xf32, #tpu.memory_space<vmem_shared>> -> memref<64x128xf32, #tpu.memory_space<vmem_shared>>
      %dma_wait3A_239 = arith.constant 0 : i32
      %dma_wait3A_240 = tpu.memref_slice %arg7[%add3A_38, %dma_wait3A_239] : memref<10240x128xf32, #tpu.memory_space<vmem_shared>> -> memref<64x128xf32, #tpu.memory_space<vmem_shared>>
      %dma_wait3A_241 = arith.constant 0 : i32
      %dma_wait3A_242 = arith.constant 0 : i32
      %dma_wait3A_243 = tpu.memref_slice %arg6[%run_scoped3A_39, %dma_wait3A_241, %dma_wait3A_242] : memref<4x64x128xf32, #tpu.memory_space<vmem>> -> memref<1x64x128xf32, #tpu.memory_space<vmem>>
      %dma_wait3A_244 = tpu.memref_squeeze %dma_wait3A_243 : memref<1x64x128xf32, #tpu.memory_space<vmem>> -> memref<64x128xf32, #tpu.memory_space<vmem>>
      tpu.wait_dma2 semaphore(%run_scoped3A_220 : memref<!tpu.dma_semaphore, #tpu.memory_space<semaphore_mem>>) src(%dma_wait3A_244 : memref<64x128xf32, #tpu.memory_space<vmem>>) dst(%dma_wait3A_240 : memref<64x128xf32, #tpu.memory_space<vmem_shared>>)
      tpu.yield
    }) : () -> ()
    %mul3A_40 = arith.constant 640 : i32
    %mul3A_41 = arith.muli %arg1, %mul3A_40 : i32
    %add3A_42 = arith.constant 384 : i32
    %add3A_43 = arith.addi %mul3A_41, %add3A_42 : i32
    %run_scoped3A_44 = arith.constant 0 : i32
    "tpu.region"() ({
      %run_scoped3A_220 = tpu.sem_alloc : memref<!tpu.dma_semaphore, #tpu.memory_space<semaphore_mem>>
      %dma_start3A_221 = arith.constant 0 : i32
      %dma_start3A_222 = arith.constant 0 : i32
      %dma_start3A_223 = tpu.memref_slice %arg6[%run_scoped3A_44, %dma_start3A_221, %dma_start3A_222] : memref<4x64x128xf32, #tpu.memory_space<vmem>> -> memref<1x64x128xf32, #tpu.memory_space<vmem>>
      %dma_start3A_224 = tpu.memref_squeeze %dma_start3A_223 : memref<1x64x128xf32, #tpu.memory_space<vmem>> -> memref<64x128xf32, #tpu.memory_space<vmem>>
      %dma_start3A_225 = arith.constant 0 : i32
      %dma_start3A_226 = tpu.memref_slice %arg7[%add3A_43, %dma_start3A_225] : memref<10240x128xf32, #tpu.memory_space<vmem_shared>> -> memref<64x128xf32, #tpu.memory_space<vmem_shared>>
      %dma_start3A_227 = arith.constant 0 : i32
      %dma_start3A_228 = tpu.memref_slice %arg7[%add3A_43, %dma_start3A_227] : memref<10240x128xf32, #tpu.memory_space<vmem_shared>> -> memref<64x128xf32, #tpu.memory_space<vmem_shared>>
      %dma_start3A_229 = arith.constant 0 : i32
      %dma_start3A_230 = arith.constant 0 : i32
      %dma_start3A_231 = tpu.memref_slice %arg6[%run_scoped3A_44, %dma_start3A_229, %dma_start3A_230] : memref<4x64x128xf32, #tpu.memory_space<vmem>> -> memref<1x64x128xf32, #tpu.memory_space<vmem>>
      %dma_start3A_232 = tpu.memref_squeeze %dma_start3A_231 : memref<1x64x128xf32, #tpu.memory_space<vmem>> -> memref<64x128xf32, #tpu.memory_space<vmem>>
      tpu.enqueue_dma source(%dma_start3A_232 : memref<64x128xf32, #tpu.memory_space<vmem>>) target(%dma_start3A_228 : memref<64x128xf32, #tpu.memory_space<vmem_shared>>) target_semaphore(%run_scoped3A_220 : memref<!tpu.dma_semaphore, #tpu.memory_space<semaphore_mem>>)
      %dma_wait3A_233 = arith.constant 0 : i32
      %dma_wait3A_234 = arith.constant 0 : i32
      %dma_wait3A_235 = tpu.memref_slice %arg6[%run_scoped3A_44, %dma_wait3A_233, %dma_wait3A_234] : memref<4x64x128xf32, #tpu.memory_space<vmem>> -> memref<1x64x128xf32, #tpu.memory_space<vmem>>
      %dma_wait3A_236 = tpu.memref_squeeze %dma_wait3A_235 : memref<1x64x128xf32, #tpu.memory_space<vmem>> -> memref<64x128xf32, #tpu.memory_space<vmem>>
      %dma_wait3A_237 = arith.constant 0 : i32
      %dma_wait3A_238 = tpu.memref_slice %arg7[%add3A_43, %dma_wait3A_237] : memref<10240x128xf32, #tpu.memory_space<vmem_shared>> -> memref<64x128xf32, #tpu.memory_space<vmem_shared>>
      %dma_wait3A_239 = arith.constant 0 : i32
      %dma_wait3A_240 = tpu.memref_slice %arg7[%add3A_43, %dma_wait3A_239] : memref<10240x128xf32, #tpu.memory_space<vmem_shared>> -> memref<64x128xf32, #tpu.memory_space<vmem_shared>>
      %dma_wait3A_241 = arith.constant 0 : i32
      %dma_wait3A_242 = arith.constant 0 : i32
      %dma_wait3A_243 = tpu.memref_slice %arg6[%run_scoped3A_44, %dma_wait3A_241, %dma_wait3A_242] : memref<4x64x128xf32, #tpu.memory_space<vmem>> -> memref<1x64x128xf32, #tpu.memory_space<vmem>>
      %dma_wait3A_244 = tpu.memref_squeeze %dma_wait3A_243 : memref<1x64x128xf32, #tpu.memory_space<vmem>> -> memref<64x128xf32, #tpu.memory_space<vmem>>
      tpu.wait_dma2 semaphore(%run_scoped3A_220 : memref<!tpu.dma_semaphore, #tpu.memory_space<semaphore_mem>>) src(%dma_wait3A_244 : memref<64x128xf32, #tpu.memory_space<vmem>>) dst(%dma_wait3A_240 : memref<64x128xf32, #tpu.memory_space<vmem_shared>>)
      tpu.yield
    }) : () -> ()
    %mul3A_45 = arith.constant 640 : i32
    %mul3A_46 = arith.muli %arg1, %mul3A_45 : i32
    %add3A_47 = arith.constant 384 : i32
    %add3A_48 = arith.addi %mul3A_46, %add3A_47 : i32
    %add3A_49 = arith.constant 64 : i32
    %add3A_50 = arith.addi %add3A_48, %add3A_49 : i32
    %run_scoped3A_51 = arith.constant 1 : i32
    "tpu.region"() ({
      %run_scoped3A_220 = tpu.sem_alloc : memref<!tpu.dma_semaphore, #tpu.memory_space<semaphore_mem>>
      %dma_start3A_221 = arith.constant 0 : i32
      %dma_start3A_222 = arith.constant 0 : i32
      %dma_start3A_223 = tpu.memref_slice %arg6[%run_scoped3A_51, %dma_start3A_221, %dma_start3A_222] : memref<4x64x128xf32, #tpu.memory_space<vmem>> -> memref<1x64x128xf32, #tpu.memory_space<vmem>>
      %dma_start3A_224 = tpu.memref_squeeze %dma_start3A_223 : memref<1x64x128xf32, #tpu.memory_space<vmem>> -> memref<64x128xf32, #tpu.memory_space<vmem>>
      %dma_start3A_225 = arith.constant 0 : i32
      %dma_start3A_226 = tpu.memref_slice %arg7[%add3A_50, %dma_start3A_225] : memref<10240x128xf32, #tpu.memory_space<vmem_shared>> -> memref<64x128xf32, #tpu.memory_space<vmem_shared>>
      %dma_start3A_227 = arith.constant 0 : i32
      %dma_start3A_228 = tpu.memref_slice %arg7[%add3A_50, %dma_start3A_227] : memref<10240x128xf32, #tpu.memory_space<vmem_shared>> -> memref<64x128xf32, #tpu.memory_space<vmem_shared>>
      %dma_start3A_229 = arith.constant 0 : i32
      %dma_start3A_230 = arith.constant 0 : i32
      %dma_start3A_231 = tpu.memref_slice %arg6[%run_scoped3A_51, %dma_start3A_229, %dma_start3A_230] : memref<4x64x128xf32, #tpu.memory_space<vmem>> -> memref<1x64x128xf32, #tpu.memory_space<vmem>>
      %dma_start3A_232 = tpu.memref_squeeze %dma_start3A_231 : memref<1x64x128xf32, #tpu.memory_space<vmem>> -> memref<64x128xf32, #tpu.memory_space<vmem>>
      tpu.enqueue_dma source(%dma_start3A_232 : memref<64x128xf32, #tpu.memory_space<vmem>>) target(%dma_start3A_228 : memref<64x128xf32, #tpu.memory_space<vmem_shared>>) target_semaphore(%run_scoped3A_220 : memref<!tpu.dma_semaphore, #tpu.memory_space<semaphore_mem>>)
      %dma_wait3A_233 = arith.constant 0 : i32
      %dma_wait3A_234 = arith.constant 0 : i32
      %dma_wait3A_235 = tpu.memref_slice %arg6[%run_scoped3A_51, %dma_wait3A_233, %dma_wait3A_234] : memref<4x64x128xf32, #tpu.memory_space<vmem>> -> memref<1x64x128xf32, #tpu.memory_space<vmem>>
      %dma_wait3A_236 = tpu.memref_squeeze %dma_wait3A_235 : memref<1x64x128xf32, #tpu.memory_space<vmem>> -> memref<64x128xf32, #tpu.memory_space<vmem>>
      %dma_wait3A_237 = arith.constant 0 : i32
      %dma_wait3A_238 = tpu.memref_slice %arg7[%add3A_50, %dma_wait3A_237] : memref<10240x128xf32, #tpu.memory_space<vmem_shared>> -> memref<64x128xf32, #tpu.memory_space<vmem_shared>>
      %dma_wait3A_239 = arith.constant 0 : i32
      %dma_wait3A_240 = tpu.memref_slice %arg7[%add3A_50, %dma_wait3A_239] : memref<10240x128xf32, #tpu.memory_space<vmem_shared>> -> memref<64x128xf32, #tpu.memory_space<vmem_shared>>
      %dma_wait3A_241 = arith.constant 0 : i32
      %dma_wait3A_242 = arith.constant 0 : i32
      %dma_wait3A_243 = tpu.memref_slice %arg6[%run_scoped3A_51, %dma_wait3A_241, %dma_wait3A_242] : memref<4x64x128xf32, #tpu.memory_space<vmem>> -> memref<1x64x128xf32, #tpu.memory_space<vmem>>
      %dma_wait3A_244 = tpu.memref_squeeze %dma_wait3A_243 : memref<1x64x128xf32, #tpu.memory_space<vmem>> -> memref<64x128xf32, #tpu.memory_space<vmem>>
      tpu.wait_dma2 semaphore(%run_scoped3A_220 : memref<!tpu.dma_semaphore, #tpu.memory_space<semaphore_mem>>) src(%dma_wait3A_244 : memref<64x128xf32, #tpu.memory_space<vmem>>) dst(%dma_wait3A_240 : memref<64x128xf32, #tpu.memory_space<vmem_shared>>)
      tpu.yield
    }) : () -> ()
    %mul3A_52 = arith.constant 640 : i32
    %mul3A_53 = arith.muli %arg1, %mul3A_52 : i32
    %add3A_54 = arith.constant 512 : i32
    %add3A_55 = arith.addi %mul3A_53, %add3A_54 : i32
    %run_scoped3A_56 = arith.constant 0 : i32
    "tpu.region"() ({
      %run_scoped3A_220 = tpu.sem_alloc : memref<!tpu.dma_semaphore, #tpu.memory_space<semaphore_mem>>
      %dma_start3A_221 = arith.constant 0 : i32
      %dma_start3A_222 = arith.constant 0 : i32
      %dma_start3A_223 = tpu.memref_slice %arg6[%run_scoped3A_56, %dma_start3A_221, %dma_start3A_222] : memref<4x64x128xf32, #tpu.memory_space<vmem>> -> memref<1x64x128xf32, #tpu.memory_space<vmem>>
      %dma_start3A_224 = tpu.memref_squeeze %dma_start3A_223 : memref<1x64x128xf32, #tpu.memory_space<vmem>> -> memref<64x128xf32, #tpu.memory_space<vmem>>
      %dma_start3A_225 = arith.constant 0 : i32
      %dma_start3A_226 = tpu.memref_slice %arg7[%add3A_55, %dma_start3A_225] : memref<10240x128xf32, #tpu.memory_space<vmem_shared>> -> memref<64x128xf32, #tpu.memory_space<vmem_shared>>
      %dma_start3A_227 = arith.constant 0 : i32
      %dma_start3A_228 = tpu.memref_slice %arg7[%add3A_55, %dma_start3A_227] : memref<10240x128xf32, #tpu.memory_space<vmem_shared>> -> memref<64x128xf32, #tpu.memory_space<vmem_shared>>
      %dma_start3A_229 = arith.constant 0 : i32
      %dma_start3A_230 = arith.constant 0 : i32
      %dma_start3A_231 = tpu.memref_slice %arg6[%run_scoped3A_56, %dma_start3A_229, %dma_start3A_230] : memref<4x64x128xf32, #tpu.memory_space<vmem>> -> memref<1x64x128xf32, #tpu.memory_space<vmem>>
      %dma_start3A_232 = tpu.memref_squeeze %dma_start3A_231 : memref<1x64x128xf32, #tpu.memory_space<vmem>> -> memref<64x128xf32, #tpu.memory_space<vmem>>
      tpu.enqueue_dma source(%dma_start3A_232 : memref<64x128xf32, #tpu.memory_space<vmem>>) target(%dma_start3A_228 : memref<64x128xf32, #tpu.memory_space<vmem_shared>>) target_semaphore(%run_scoped3A_220 : memref<!tpu.dma_semaphore, #tpu.memory_space<semaphore_mem>>)
      %dma_wait3A_233 = arith.constant 0 : i32
      %dma_wait3A_234 = arith.constant 0 : i32
      %dma_wait3A_235 = tpu.memref_slice %arg6[%run_scoped3A_56, %dma_wait3A_233, %dma_wait3A_234] : memref<4x64x128xf32, #tpu.memory_space<vmem>> -> memref<1x64x128xf32, #tpu.memory_space<vmem>>
      %dma_wait3A_236 = tpu.memref_squeeze %dma_wait3A_235 : memref<1x64x128xf32, #tpu.memory_space<vmem>> -> memref<64x128xf32, #tpu.memory_space<vmem>>
      %dma_wait3A_237 = arith.constant 0 : i32
      %dma_wait3A_238 = tpu.memref_slice %arg7[%add3A_55, %dma_wait3A_237] : memref<10240x128xf32, #tpu.memory_space<vmem_shared>> -> memref<64x128xf32, #tpu.memory_space<vmem_shared>>
      %dma_wait3A_239 = arith.constant 0 : i32
      %dma_wait3A_240 = tpu.memref_slice %arg7[%add3A_55, %dma_wait3A_239] : memref<10240x128xf32, #tpu.memory_space<vmem_shared>> -> memref<64x128xf32, #tpu.memory_space<vmem_shared>>
      %dma_wait3A_241 = arith.constant 0 : i32
      %dma_wait3A_242 = arith.constant 0 : i32
      %dma_wait3A_243 = tpu.memref_slice %arg6[%run_scoped3A_56, %dma_wait3A_241, %dma_wait3A_242] : memref<4x64x128xf32, #tpu.memory_space<vmem>> -> memref<1x64x128xf32, #tpu.memory_space<vmem>>
      %dma_wait3A_244 = tpu.memref_squeeze %dma_wait3A_243 : memref<1x64x128xf32, #tpu.memory_space<vmem>> -> memref<64x128xf32, #tpu.memory_space<vmem>>
      tpu.wait_dma2 semaphore(%run_scoped3A_220 : memref<!tpu.dma_semaphore, #tpu.memory_space<semaphore_mem>>) src(%dma_wait3A_244 : memref<64x128xf32, #tpu.memory_space<vmem>>) dst(%dma_wait3A_240 : memref<64x128xf32, #tpu.memory_space<vmem_shared>>)
      tpu.yield
    }) : () -> ()
    %mul3A_57 = arith.constant 640 : i32
    %mul3A_58 = arith.muli %arg1, %mul3A_57 : i32
    %add3A_59 = arith.constant 512 : i32
    %add3A_60 = arith.addi %mul3A_58, %add3A_59 : i32
    %add3A_61 = arith.constant 64 : i32
    %add3A_62 = arith.addi %add3A_60, %add3A_61 : i32
    %run_scoped3A_63 = arith.constant 1 : i32
    "tpu.region"() ({
      %run_scoped3A_220 = tpu.sem_alloc : memref<!tpu.dma_semaphore, #tpu.memory_space<semaphore_mem>>
      %dma_start3A_221 = arith.constant 0 : i32
      %dma_start3A_222 = arith.constant 0 : i32
      %dma_start3A_223 = tpu.memref_slice %arg6[%run_scoped3A_63, %dma_start3A_221, %dma_start3A_222] : memref<4x64x128xf32, #tpu.memory_space<vmem>> -> memref<1x64x128xf32, #tpu.memory_space<vmem>>
      %dma_start3A_224 = tpu.memref_squeeze %dma_start3A_223 : memref<1x64x128xf32, #tpu.memory_space<vmem>> -> memref<64x128xf32, #tpu.memory_space<vmem>>
      %dma_start3A_225 = arith.constant 0 : i32
      %dma_start3A_226 = tpu.memref_slice %arg7[%add3A_62, %dma_start3A_225] : memref<10240x128xf32, #tpu.memory_space<vmem_shared>> -> memref<64x128xf32, #tpu.memory_space<vmem_shared>>
      %dma_start3A_227 = arith.constant 0 : i32
      %dma_start3A_228 = tpu.memref_slice %arg7[%add3A_62, %dma_start3A_227] : memref<10240x128xf32, #tpu.memory_space<vmem_shared>> -> memref<64x128xf32, #tpu.memory_space<vmem_shared>>
      %dma_start3A_229 = arith.constant 0 : i32
      %dma_start3A_230 = arith.constant 0 : i32
      %dma_start3A_231 = tpu.memref_slice %arg6[%run_scoped3A_63, %dma_start3A_229, %dma_start3A_230] : memref<4x64x128xf32, #tpu.memory_space<vmem>> -> memref<1x64x128xf32, #tpu.memory_space<vmem>>
      %dma_start3A_232 = tpu.memref_squeeze %dma_start3A_231 : memref<1x64x128xf32, #tpu.memory_space<vmem>> -> memref<64x128xf32, #tpu.memory_space<vmem>>
      tpu.enqueue_dma source(%dma_start3A_232 : memref<64x128xf32, #tpu.memory_space<vmem>>) target(%dma_start3A_228 : memref<64x128xf32, #tpu.memory_space<vmem_shared>>) target_semaphore(%run_scoped3A_220 : memref<!tpu.dma_semaphore, #tpu.memory_space<semaphore_mem>>)
      %dma_wait3A_233 = arith.constant 0 : i32
      %dma_wait3A_234 = arith.constant 0 : i32
      %dma_wait3A_235 = tpu.memref_slice %arg6[%run_scoped3A_63, %dma_wait3A_233, %dma_wait3A_234] : memref<4x64x128xf32, #tpu.memory_space<vmem>> -> memref<1x64x128xf32, #tpu.memory_space<vmem>>
      %dma_wait3A_236 = tpu.memref_squeeze %dma_wait3A_235 : memref<1x64x128xf32, #tpu.memory_space<vmem>> -> memref<64x128xf32, #tpu.memory_space<vmem>>
      %dma_wait3A_237 = arith.constant 0 : i32
      %dma_wait3A_238 = tpu.memref_slice %arg7[%add3A_62, %dma_wait3A_237] : memref<10240x128xf32, #tpu.memory_space<vmem_shared>> -> memref<64x128xf32, #tpu.memory_space<vmem_shared>>
      %dma_wait3A_239 = arith.constant 0 : i32
      %dma_wait3A_240 = tpu.memref_slice %arg7[%add3A_62, %dma_wait3A_239] : memref<10240x128xf32, #tpu.memory_space<vmem_shared>> -> memref<64x128xf32, #tpu.memory_space<vmem_shared>>
      %dma_wait3A_241 = arith.constant 0 : i32
      %dma_wait3A_242 = arith.constant 0 : i32
      %dma_wait3A_243 = tpu.memref_slice %arg6[%run_scoped3A_63, %dma_wait3A_241, %dma_wait3A_242] : memref<4x64x128xf32, #tpu.memory_space<vmem>> -> memref<1x64x128xf32, #tpu.memory_space<vmem>>
      %dma_wait3A_244 = tpu.memref_squeeze %dma_wait3A_243 : memref<1x64x128xf32, #tpu.memory_space<vmem>> -> memref<64x128xf32, #tpu.memory_space<vmem>>
      tpu.wait_dma2 semaphore(%run_scoped3A_220 : memref<!tpu.dma_semaphore, #tpu.memory_space<semaphore_mem>>) src(%dma_wait3A_244 : memref<64x128xf32, #tpu.memory_space<vmem>>) dst(%dma_wait3A_240 : memref<64x128xf32, #tpu.memory_space<vmem_shared>>)
      tpu.yield
    }) : () -> ()
    %barrier3A = arith.constant 0 : index
    tpu.barrier barrier_id(%barrier3A)
    %mul3A_64 = arith.constant 1280 : i32
    %mul3A_65 = arith.muli %arg0, %mul3A_64 : i32
    %mul3A_66 = arith.constant 80 : i32
    %mul3A_67 = arith.muli %arg1, %mul3A_66 : i32
    %add3A_68 = arith.addi %mul3A_65, %mul3A_67 : i32
    %mul3A_69 = arith.constant 2 : i32
    %mul3A_70 = arith.muli %mul3A_69, %add3A_68 : i32
    %add3A_71 = arith.constant 0 : i32
    %add3A_72 = arith.addi %mul3A_70, %add3A_71 : i32
    "tpu.region"() ({
      %run_scoped3A_220 = tpu.sem_alloc : memref<!tpu.dma_semaphore, #tpu.memory_space<semaphore_mem>>
      %dma_start3A_221 = arith.constant 0 : i32
      %dma_start3A_222 = arith.constant 0 : i32
      %dma_start3A_223 = tpu.memref_slice %arg3[%dma_start3A_221, %add3A_72, %dma_start3A_222] : memref<2x5120x64xi32, #tpu.memory_space<hbm>> -> memref<2x80x64xi32, #tpu.memory_space<hbm>>
      %dma_start3A_224 = arith.constant 0 : i32
      %dma_start3A_225 = arith.constant 0 : i32
      %dma_start3A_226 = tpu.memref_slice %arg3[%dma_start3A_224, %add3A_72, %dma_start3A_225] : memref<2x5120x64xi32, #tpu.memory_space<hbm>> -> memref<2x80x64xi32, #tpu.memory_space<hbm>>
      tpu.enqueue_dma source(%dma_start3A_226 : memref<2x80x64xi32, #tpu.memory_space<hbm>>) target(%arg5 : memref<2x80x64xi32, #tpu.memory_space<vmem>>) target_semaphore(%run_scoped3A_220 : memref<!tpu.dma_semaphore, #tpu.memory_space<semaphore_mem>>)
      %dma_wait3A_227 = arith.constant 0 : i32
      %dma_wait3A_228 = arith.constant 0 : i32
      %dma_wait3A_229 = tpu.memref_slice %arg3[%dma_wait3A_227, %add3A_72, %dma_wait3A_228] : memref<2x5120x64xi32, #tpu.memory_space<hbm>> -> memref<2x80x64xi32, #tpu.memory_space<hbm>>
      %dma_wait3A_230 = arith.constant 0 : i32
      %dma_wait3A_231 = arith.constant 0 : i32
      %dma_wait3A_232 = tpu.memref_slice %arg3[%dma_wait3A_230, %add3A_72, %dma_wait3A_231] : memref<2x5120x64xi32, #tpu.memory_space<hbm>> -> memref<2x80x64xi32, #tpu.memory_space<hbm>>
      tpu.wait_dma2 semaphore(%run_scoped3A_220 : memref<!tpu.dma_semaphore, #tpu.memory_space<semaphore_mem>>) src(%dma_wait3A_232 : memref<2x80x64xi32, #tpu.memory_space<hbm>>) dst(%arg5 : memref<2x80x64xi32, #tpu.memory_space<vmem>>)
      tpu.yield
    }) : () -> ()
    %dma_start3A = arith.constant 0 : i32
    %dma_start3A_73 = arith.constant 0 : i32
    %dma_start3A_74 = arith.constant 0 : i32
    %dma_start3A_75 = arith.constant 0 : i32
    %dma_start3A_76 = arith.constant 0 : i32
    %dma_start3A_77 = tpu.memref_slice %arg6[%dma_start3A_74, %dma_start3A_75, %dma_start3A_76] : memref<4x64x128xf32, #tpu.memory_space<vmem>> -> memref<1x64x128xf32, #tpu.memory_space<vmem>>
    %dma_start3A_78 = tpu.memref_squeeze %dma_start3A_77 : memref<1x64x128xf32, #tpu.memory_space<vmem>> -> memref<64x128xf32, #tpu.memory_space<vmem>>
    %dma_start3A_79 = arith.constant 0 : i32
    %dma_start3A_80 = tpu.memref_slice %arg5[%dma_start3A, %dma_start3A_73, %dma_start3A_79] : memref<2x80x64xi32, #tpu.memory_space<vmem>> -> memref<1x1x64xi32, #tpu.memory_space<vmem>>
    %dma_start3A_81 = tpu.memref_squeeze %dma_start3A_80 : memref<1x1x64xi32, #tpu.memory_space<vmem>> -> memref<64xi32, #tpu.memory_space<vmem>>
    %dma_start3A_82 = arith.constant 0 : i32
    %dma_start3A_83 = arith.constant 0 : i32
    %dma_start3A_84 = tpu.memref_slice %arg2[%dma_start3A_82, %dma_start3A_83] : memref<10240x128xf32, #tpu.memory_space<hbm>> -> memref<10240x128xf32, #tpu.memory_space<hbm>>
    tpu.enqueue_indirect_dma source(%dma_start3A_84 : memref<10240x128xf32, #tpu.memory_space<hbm>>) target(%dma_start3A_78 : memref<64x128xf32, #tpu.memory_space<vmem>>) offsets(%dma_start3A_81 : memref<64xi32, #tpu.memory_space<vmem>>) semaphore(%arg8 : memref<!tpu.dma_semaphore, #tpu.memory_space<semaphore_mem>>)
    %dma_start3A_85 = arith.constant 0 : i32
    %dma_start3A_86 = arith.constant 1 : i32
    %dma_start3A_87 = arith.constant 1 : i32
    %dma_start3A_88 = arith.constant 0 : i32
    %dma_start3A_89 = arith.constant 0 : i32
    %dma_start3A_90 = tpu.memref_slice %arg6[%dma_start3A_87, %dma_start3A_88, %dma_start3A_89] : memref<4x64x128xf32, #tpu.memory_space<vmem>> -> memref<1x64x128xf32, #tpu.memory_space<vmem>>
    %dma_start3A_91 = tpu.memref_squeeze %dma_start3A_90 : memref<1x64x128xf32, #tpu.memory_space<vmem>> -> memref<64x128xf32, #tpu.memory_space<vmem>>
    %dma_start3A_92 = arith.constant 0 : i32
    %dma_start3A_93 = tpu.memref_slice %arg5[%dma_start3A_85, %dma_start3A_86, %dma_start3A_92] : memref<2x80x64xi32, #tpu.memory_space<vmem>> -> memref<1x1x64xi32, #tpu.memory_space<vmem>>
    %dma_start3A_94 = tpu.memref_squeeze %dma_start3A_93 : memref<1x1x64xi32, #tpu.memory_space<vmem>> -> memref<64xi32, #tpu.memory_space<vmem>>
    %dma_start3A_95 = arith.constant 0 : i32
    %dma_start3A_96 = arith.constant 0 : i32
    %dma_start3A_97 = tpu.memref_slice %arg2[%dma_start3A_95, %dma_start3A_96] : memref<10240x128xf32, #tpu.memory_space<hbm>> -> memref<10240x128xf32, #tpu.memory_space<hbm>>
    tpu.enqueue_indirect_dma source(%dma_start3A_97 : memref<10240x128xf32, #tpu.memory_space<hbm>>) target(%dma_start3A_91 : memref<64x128xf32, #tpu.memory_space<vmem>>) offsets(%dma_start3A_94 : memref<64xi32, #tpu.memory_space<vmem>>) semaphore(%arg9 : memref<!tpu.dma_semaphore, #tpu.memory_space<semaphore_mem>>)
    %scan3A_98 = arith.constant 0 : i32
    %scan3A_99 = arith.constant 0 : i32
    %scan3A_100 = arith.constant 20 : i32
    %scan3A_101 = arith.addi %scan3A_99, %scan3A_100 : i32
    %scan3A_102 = arith.constant 1 : i32
    %scan3A_103 = scf.for %scan3A_220 = %scan3A_99 to %scan3A_101 step %scan3A_102 iter_args(%scan3A_221 = %scan3A_98) -> (i32)  : i32 {
      %mul3A_222 = arith.constant 4 : i32
      %mul3A_223 = arith.muli %mul3A_222, %scan3A_220 : i32
      %add3A_224 = arith.constant 0 : i32
      %add3A_225 = arith.addi %mul3A_223, %add3A_224 : i32
      %ge3A = arith.constant 2 : i32
      %ge3A_226 = arith.cmpi sge, %add3A_225, %ge3A : i32
      %convert_element_type3A = arith.extui %ge3A_226 : i1 to i32
      %cond3A = arith.constant 0 : i32
      %cond3A_227 = arith.cmpi ne, %convert_element_type3A, %cond3A : i32
      scf.if %cond3A_227 {
        %dma_wait3A_391 = arith.constant 0 : i32
        %dma_wait3A_392 = arith.constant 0 : i32
        %dma_wait3A_393 = arith.constant 0 : i32
        %dma_wait3A_394 = tpu.memref_slice %arg6[%dma_wait3A_391, %dma_wait3A_392, %dma_wait3A_393] : memref<4x64x128xf32, #tpu.memory_space<vmem>> -> memref<1x64x128xf32, #tpu.memory_space<vmem>>
        %dma_wait3A_395 = tpu.memref_squeeze %dma_wait3A_394 : memref<1x64x128xf32, #tpu.memory_space<vmem>> -> memref<64x128xf32, #tpu.memory_space<vmem>>
        %dma_wait3A_396 = arith.constant 0 : i32
        %dma_wait3A_397 = arith.constant 0 : i32
        %dma_wait3A_398 = tpu.memref_slice %arg2[%dma_wait3A_396, %dma_wait3A_397] : memref<10240x128xf32, #tpu.memory_space<hbm>> -> memref<64x128xf32, #tpu.memory_space<hbm>>
        %dma_wait3A_399 = arith.constant 0 : i32
        %dma_wait3A_400 = arith.constant 0 : i32
        %dma_wait3A_401 = tpu.memref_slice %arg6[%dma_wait3A_391, %dma_wait3A_399, %dma_wait3A_400] : memref<4x64x128xf32, #tpu.memory_space<vmem>> -> memref<1x64x128xf32, #tpu.memory_space<vmem>>
        %dma_wait3A_402 = tpu.memref_squeeze %dma_wait3A_401 : memref<1x64x128xf32, #tpu.memory_space<vmem>> -> memref<64x128xf32, #tpu.memory_space<vmem>>
        %dma_wait3A_403 = arith.constant 0 : i32
        %dma_wait3A_404 = arith.constant 0 : i32
        %dma_wait3A_405 = tpu.memref_slice %arg2[%dma_wait3A_403, %dma_wait3A_404] : memref<10240x128xf32, #tpu.memory_space<hbm>> -> memref<64x128xf32, #tpu.memory_space<hbm>>
        tpu.wait_dma2 semaphore(%arg14 : memref<!tpu.dma_semaphore, #tpu.memory_space<semaphore_mem>>) src(%dma_wait3A_405 : memref<64x128xf32, #tpu.memory_space<hbm>>) dst(%dma_wait3A_402 : memref<64x128xf32, #tpu.memory_space<vmem>>)
      } else {
      }
      %add3A_228 = arith.constant 2 : i32
      %add3A_229 = arith.addi %add3A_225, %add3A_228 : i32
      %lt3A = arith.constant 80 : i32
      %lt3A_230 = arith.cmpi slt, %add3A_229, %lt3A : i32
      %convert_element_type3A_231 = arith.extui %lt3A_230 : i1 to i32
      %cond3A_232 = arith.constant 0 : i32
      %cond3A_233 = arith.cmpi ne, %convert_element_type3A_231, %cond3A_232 : i32
      scf.if %cond3A_233 {
        %add3A_391 = arith.constant 2 : i32
        %add3A_392 = arith.addi %add3A_225, %add3A_391 : i32
        %dma_start3A_393 = arith.constant 0 : i32
        %dma_start3A_394 = arith.constant 2 : i32
        %dma_start3A_395 = arith.constant 0 : i32
        %dma_start3A_396 = arith.constant 0 : i32
        %dma_start3A_397 = tpu.memref_slice %arg6[%dma_start3A_394, %dma_start3A_395, %dma_start3A_396] : memref<4x64x128xf32, #tpu.memory_space<vmem>> -> memref<1x64x128xf32, #tpu.memory_space<vmem>>
        %dma_start3A_398 = tpu.memref_squeeze %dma_start3A_397 : memref<1x64x128xf32, #tpu.memory_space<vmem>> -> memref<64x128xf32, #tpu.memory_space<vmem>>
        %dma_start3A_399 = arith.constant 0 : i32
        %dma_start3A_400 = tpu.memref_slice %arg5[%dma_start3A_393, %add3A_392, %dma_start3A_399] : memref<2x80x64xi32, #tpu.memory_space<vmem>> -> memref<1x1x64xi32, #tpu.memory_space<vmem>>
        %dma_start3A_401 = tpu.memref_squeeze %dma_start3A_400 : memref<1x1x64xi32, #tpu.memory_space<vmem>> -> memref<64xi32, #tpu.memory_space<vmem>>
        %dma_start3A_402 = arith.constant 0 : i32
        %dma_start3A_403 = arith.constant 0 : i32
        %dma_start3A_404 = tpu.memref_slice %arg2[%dma_start3A_402, %dma_start3A_403] : memref<10240x128xf32, #tpu.memory_space<hbm>> -> memref<10240x128xf32, #tpu.memory_space<hbm>>
        tpu.enqueue_indirect_dma source(%dma_start3A_404 : memref<10240x128xf32, #tpu.memory_space<hbm>>) target(%dma_start3A_398 : memref<64x128xf32, #tpu.memory_space<vmem>>) offsets(%dma_start3A_401 : memref<64xi32, #tpu.memory_space<vmem>>) semaphore(%arg10 : memref<!tpu.dma_semaphore, #tpu.memory_space<semaphore_mem>>)
      } else {
      }
      %dma_wait3A_234 = arith.constant 0 : i32
      %dma_wait3A_235 = arith.constant 0 : i32
      %dma_wait3A_236 = arith.constant 0 : i32
      %dma_wait3A_237 = tpu.memref_slice %arg6[%dma_wait3A_234, %dma_wait3A_235, %dma_wait3A_236] : memref<4x64x128xf32, #tpu.memory_space<vmem>> -> memref<1x64x128xf32, #tpu.memory_space<vmem>>
      %dma_wait3A_238 = tpu.memref_squeeze %dma_wait3A_237 : memref<1x64x128xf32, #tpu.memory_space<vmem>> -> memref<64x128xf32, #tpu.memory_space<vmem>>
      %dma_wait3A_239 = arith.constant 0 : i32
      %dma_wait3A_240 = arith.constant 0 : i32
      %dma_wait3A_241 = tpu.memref_slice %arg2[%dma_wait3A_239, %dma_wait3A_240] : memref<10240x128xf32, #tpu.memory_space<hbm>> -> memref<64x128xf32, #tpu.memory_space<hbm>>
      %dma_wait3A_242 = arith.constant 0 : i32
      %dma_wait3A_243 = arith.constant 0 : i32
      %dma_wait3A_244 = tpu.memref_slice %arg6[%dma_wait3A_234, %dma_wait3A_242, %dma_wait3A_243] : memref<4x64x128xf32, #tpu.memory_space<vmem>> -> memref<1x64x128xf32, #tpu.memory_space<vmem>>
      %dma_wait3A_245 = tpu.memref_squeeze %dma_wait3A_244 : memref<1x64x128xf32, #tpu.memory_space<vmem>> -> memref<64x128xf32, #tpu.memory_space<vmem>>
      %dma_wait3A_246 = arith.constant 0 : i32
      %dma_wait3A_247 = arith.constant 0 : i32
      %dma_wait3A_248 = tpu.memref_slice %arg2[%dma_wait3A_246, %dma_wait3A_247] : memref<10240x128xf32, #tpu.memory_space<hbm>> -> memref<64x128xf32, #tpu.memory_space<hbm>>
      tpu.wait_dma2 semaphore(%arg8 : memref<!tpu.dma_semaphore, #tpu.memory_space<semaphore_mem>>) src(%dma_wait3A_248 : memref<64x128xf32, #tpu.memory_space<hbm>>) dst(%dma_wait3A_245 : memref<64x128xf32, #tpu.memory_space<vmem>>)
      %dma_start3A_249 = arith.constant 0 : i32
      %dma_start3A_250 = arith.constant 1 : i32
      %dma_start3A_251 = arith.constant 0 : i32
      %dma_start3A_252 = arith.constant 0 : i32
      %dma_start3A_253 = tpu.memref_slice %arg6[%dma_start3A_249, %dma_start3A_251, %dma_start3A_252] : memref<4x64x128xf32, #tpu.memory_space<vmem>> -> memref<1x64x128xf32, #tpu.memory_space<vmem>>
      %dma_start3A_254 = tpu.memref_squeeze %dma_start3A_253 : memref<1x64x128xf32, #tpu.memory_space<vmem>> -> memref<64x128xf32, #tpu.memory_space<vmem>>
      %dma_start3A_255 = arith.constant 0 : i32
      %dma_start3A_256 = tpu.memref_slice %arg5[%dma_start3A_250, %add3A_225, %dma_start3A_255] : memref<2x80x64xi32, #tpu.memory_space<vmem>> -> memref<1x1x64xi32, #tpu.memory_space<vmem>>
      %dma_start3A_257 = tpu.memref_squeeze %dma_start3A_256 : memref<1x1x64xi32, #tpu.memory_space<vmem>> -> memref<64xi32, #tpu.memory_space<vmem>>
      %dma_start3A_258 = arith.constant 0 : i32
      %dma_start3A_259 = arith.constant 0 : i32
      %dma_start3A_260 = tpu.memref_slice %arg7[%dma_start3A_258, %dma_start3A_259] : memref<10240x128xf32, #tpu.memory_space<vmem_shared>> -> memref<10240x128xf32, #tpu.memory_space<vmem_shared>>
      tpu.enqueue_indirect_dma source(%dma_start3A_254 : memref<64x128xf32, #tpu.memory_space<vmem>>) target(%dma_start3A_260 : memref<10240x128xf32, #tpu.memory_space<vmem_shared>>) offsets(%dma_start3A_257 : memref<64xi32, #tpu.memory_space<vmem>>) semaphore(%arg12 : memref<!tpu.dma_semaphore, #tpu.memory_space<semaphore_mem>>) {add = true}
      %mul3A_261 = arith.constant 4 : i32
      %mul3A_262 = arith.muli %mul3A_261, %scan3A_220 : i32
      %add3A_263 = arith.constant 1 : i32
      %add3A_264 = arith.addi %mul3A_262, %add3A_263 : i32
      %ge3A_265 = arith.constant 2 : i32
      %ge3A_266 = arith.cmpi sge, %add3A_264, %ge3A_265 : i32
      %convert_element_type3A_267 = arith.extui %ge3A_266 : i1 to i32
      %cond3A_268 = arith.constant 0 : i32
      %cond3A_269 = arith.cmpi ne, %convert_element_type3A_267, %cond3A_268 : i32
      scf.if %cond3A_269 {
        %dma_wait3A_391 = arith.constant 0 : i32
        %dma_wait3A_392 = arith.constant 0 : i32
        %dma_wait3A_393 = arith.constant 0 : i32
        %dma_wait3A_394 = tpu.memref_slice %arg6[%dma_wait3A_391, %dma_wait3A_392, %dma_wait3A_393] : memref<4x64x128xf32, #tpu.memory_space<vmem>> -> memref<1x64x128xf32, #tpu.memory_space<vmem>>
        %dma_wait3A_395 = tpu.memref_squeeze %dma_wait3A_394 : memref<1x64x128xf32, #tpu.memory_space<vmem>> -> memref<64x128xf32, #tpu.memory_space<vmem>>
        %dma_wait3A_396 = arith.constant 0 : i32
        %dma_wait3A_397 = arith.constant 0 : i32
        %dma_wait3A_398 = tpu.memref_slice %arg2[%dma_wait3A_396, %dma_wait3A_397] : memref<10240x128xf32, #tpu.memory_space<hbm>> -> memref<64x128xf32, #tpu.memory_space<hbm>>
        %dma_wait3A_399 = arith.constant 0 : i32
        %dma_wait3A_400 = arith.constant 0 : i32
        %dma_wait3A_401 = tpu.memref_slice %arg6[%dma_wait3A_391, %dma_wait3A_399, %dma_wait3A_400] : memref<4x64x128xf32, #tpu.memory_space<vmem>> -> memref<1x64x128xf32, #tpu.memory_space<vmem>>
        %dma_wait3A_402 = tpu.memref_squeeze %dma_wait3A_401 : memref<1x64x128xf32, #tpu.memory_space<vmem>> -> memref<64x128xf32, #tpu.memory_space<vmem>>
        %dma_wait3A_403 = arith.constant 0 : i32
        %dma_wait3A_404 = arith.constant 0 : i32
        %dma_wait3A_405 = tpu.memref_slice %arg2[%dma_wait3A_403, %dma_wait3A_404] : memref<10240x128xf32, #tpu.memory_space<hbm>> -> memref<64x128xf32, #tpu.memory_space<hbm>>
        tpu.wait_dma2 semaphore(%arg15 : memref<!tpu.dma_semaphore, #tpu.memory_space<semaphore_mem>>) src(%dma_wait3A_405 : memref<64x128xf32, #tpu.memory_space<hbm>>) dst(%dma_wait3A_402 : memref<64x128xf32, #tpu.memory_space<vmem>>)
      } else {
      }
      %add3A_270 = arith.constant 2 : i32
      %add3A_271 = arith.addi %add3A_264, %add3A_270 : i32
      %lt3A_272 = arith.constant 80 : i32
      %lt3A_273 = arith.cmpi slt, %add3A_271, %lt3A_272 : i32
      %convert_element_type3A_274 = arith.extui %lt3A_273 : i1 to i32
      %cond3A_275 = arith.constant 0 : i32
      %cond3A_276 = arith.cmpi ne, %convert_element_type3A_274, %cond3A_275 : i32
      scf.if %cond3A_276 {
        %add3A_391 = arith.constant 2 : i32
        %add3A_392 = arith.addi %add3A_264, %add3A_391 : i32
        %dma_start3A_393 = arith.constant 0 : i32
        %dma_start3A_394 = arith.constant 3 : i32
        %dma_start3A_395 = arith.constant 0 : i32
        %dma_start3A_396 = arith.constant 0 : i32
        %dma_start3A_397 = tpu.memref_slice %arg6[%dma_start3A_394, %dma_start3A_395, %dma_start3A_396] : memref<4x64x128xf32, #tpu.memory_space<vmem>> -> memref<1x64x128xf32, #tpu.memory_space<vmem>>
        %dma_start3A_398 = tpu.memref_squeeze %dma_start3A_397 : memref<1x64x128xf32, #tpu.memory_space<vmem>> -> memref<64x128xf32, #tpu.memory_space<vmem>>
        %dma_start3A_399 = arith.constant 0 : i32
        %dma_start3A_400 = tpu.memref_slice %arg5[%dma_start3A_393, %add3A_392, %dma_start3A_399] : memref<2x80x64xi32, #tpu.memory_space<vmem>> -> memref<1x1x64xi32, #tpu.memory_space<vmem>>
        %dma_start3A_401 = tpu.memref_squeeze %dma_start3A_400 : memref<1x1x64xi32, #tpu.memory_space<vmem>> -> memref<64xi32, #tpu.memory_space<vmem>>
        %dma_start3A_402 = arith.constant 0 : i32
        %dma_start3A_403 = arith.constant 0 : i32
        %dma_start3A_404 = tpu.memref_slice %arg2[%dma_start3A_402, %dma_start3A_403] : memref<10240x128xf32, #tpu.memory_space<hbm>> -> memref<10240x128xf32, #tpu.memory_space<hbm>>
        tpu.enqueue_indirect_dma source(%dma_start3A_404 : memref<10240x128xf32, #tpu.memory_space<hbm>>) target(%dma_start3A_398 : memref<64x128xf32, #tpu.memory_space<vmem>>) offsets(%dma_start3A_401 : memref<64xi32, #tpu.memory_space<vmem>>) semaphore(%arg11 : memref<!tpu.dma_semaphore, #tpu.memory_space<semaphore_mem>>)
      } else {
      }
      %dma_wait3A_277 = arith.constant 0 : i32
      %dma_wait3A_278 = arith.constant 0 : i32
      %dma_wait3A_279 = arith.constant 0 : i32
      %dma_wait3A_280 = tpu.memref_slice %arg6[%dma_wait3A_277, %dma_wait3A_278, %dma_wait3A_279] : memref<4x64x128xf32, #tpu.memory_space<vmem>> -> memref<1x64x128xf32, #tpu.memory_space<vmem>>
      %dma_wait3A_281 = tpu.memref_squeeze %dma_wait3A_280 : memref<1x64x128xf32, #tpu.memory_space<vmem>> -> memref<64x128xf32, #tpu.memory_space<vmem>>
      %dma_wait3A_282 = arith.constant 0 : i32
      %dma_wait3A_283 = arith.constant 0 : i32
      %dma_wait3A_284 = tpu.memref_slice %arg2[%dma_wait3A_282, %dma_wait3A_283] : memref<10240x128xf32, #tpu.memory_space<hbm>> -> memref<64x128xf32, #tpu.memory_space<hbm>>
      %dma_wait3A_285 = arith.constant 0 : i32
      %dma_wait3A_286 = arith.constant 0 : i32
      %dma_wait3A_287 = tpu.memref_slice %arg6[%dma_wait3A_277, %dma_wait3A_285, %dma_wait3A_286] : memref<4x64x128xf32, #tpu.memory_space<vmem>> -> memref<1x64x128xf32, #tpu.memory_space<vmem>>
      %dma_wait3A_288 = tpu.memref_squeeze %dma_wait3A_287 : memref<1x64x128xf32, #tpu.memory_space<vmem>> -> memref<64x128xf32, #tpu.memory_space<vmem>>
      %dma_wait3A_289 = arith.constant 0 : i32
      %dma_wait3A_290 = arith.constant 0 : i32
      %dma_wait3A_291 = tpu.memref_slice %arg2[%dma_wait3A_289, %dma_wait3A_290] : memref<10240x128xf32, #tpu.memory_space<hbm>> -> memref<64x128xf32, #tpu.memory_space<hbm>>
      tpu.wait_dma2 semaphore(%arg9 : memref<!tpu.dma_semaphore, #tpu.memory_space<semaphore_mem>>) src(%dma_wait3A_291 : memref<64x128xf32, #tpu.memory_space<hbm>>) dst(%dma_wait3A_288 : memref<64x128xf32, #tpu.memory_space<vmem>>)
      %dma_start3A_292 = arith.constant 1 : i32
      %dma_start3A_293 = arith.constant 1 : i32
      %dma_start3A_294 = arith.constant 0 : i32
      %dma_start3A_295 = arith.constant 0 : i32
      %dma_start3A_296 = tpu.memref_slice %arg6[%dma_start3A_292, %dma_start3A_294, %dma_start3A_295] : memref<4x64x128xf32, #tpu.memory_space<vmem>> -> memref<1x64x128xf32, #tpu.memory_space<vmem>>
      %dma_start3A_297 = tpu.memref_squeeze %dma_start3A_296 : memref<1x64x128xf32, #tpu.memory_space<vmem>> -> memref<64x128xf32, #tpu.memory_space<vmem>>
      %dma_start3A_298 = arith.constant 0 : i32
      %dma_start3A_299 = tpu.memref_slice %arg5[%dma_start3A_293, %add3A_264, %dma_start3A_298] : memref<2x80x64xi32, #tpu.memory_space<vmem>> -> memref<1x1x64xi32, #tpu.memory_space<vmem>>
      %dma_start3A_300 = tpu.memref_squeeze %dma_start3A_299 : memref<1x1x64xi32, #tpu.memory_space<vmem>> -> memref<64xi32, #tpu.memory_space<vmem>>
      %dma_start3A_301 = arith.constant 0 : i32
      %dma_start3A_302 = arith.constant 0 : i32
      %dma_start3A_303 = tpu.memref_slice %arg7[%dma_start3A_301, %dma_start3A_302] : memref<10240x128xf32, #tpu.memory_space<vmem_shared>> -> memref<10240x128xf32, #tpu.memory_space<vmem_shared>>
      tpu.enqueue_indirect_dma source(%dma_start3A_297 : memref<64x128xf32, #tpu.memory_space<vmem>>) target(%dma_start3A_303 : memref<10240x128xf32, #tpu.memory_space<vmem_shared>>) offsets(%dma_start3A_300 : memref<64xi32, #tpu.memory_space<vmem>>) semaphore(%arg13 : memref<!tpu.dma_semaphore, #tpu.memory_space<semaphore_mem>>) {add = true}
      %mul3A_304 = arith.constant 4 : i32
      %mul3A_305 = arith.muli %mul3A_304, %scan3A_220 : i32
      %add3A_306 = arith.constant 2 : i32
      %add3A_307 = arith.addi %mul3A_305, %add3A_306 : i32
      %ge3A_308 = arith.constant 2 : i32
      %ge3A_309 = arith.cmpi sge, %add3A_307, %ge3A_308 : i32
      %convert_element_type3A_310 = arith.extui %ge3A_309 : i1 to i32
      %cond3A_311 = arith.constant 0 : i32
      %cond3A_312 = arith.cmpi ne, %convert_element_type3A_310, %cond3A_311 : i32
      scf.if %cond3A_312 {
        %dma_wait3A_391 = arith.constant 0 : i32
        %dma_wait3A_392 = arith.constant 0 : i32
        %dma_wait3A_393 = arith.constant 0 : i32
        %dma_wait3A_394 = tpu.memref_slice %arg6[%dma_wait3A_391, %dma_wait3A_392, %dma_wait3A_393] : memref<4x64x128xf32, #tpu.memory_space<vmem>> -> memref<1x64x128xf32, #tpu.memory_space<vmem>>
        %dma_wait3A_395 = tpu.memref_squeeze %dma_wait3A_394 : memref<1x64x128xf32, #tpu.memory_space<vmem>> -> memref<64x128xf32, #tpu.memory_space<vmem>>
        %dma_wait3A_396 = arith.constant 0 : i32
        %dma_wait3A_397 = arith.constant 0 : i32
        %dma_wait3A_398 = tpu.memref_slice %arg2[%dma_wait3A_396, %dma_wait3A_397] : memref<10240x128xf32, #tpu.memory_space<hbm>> -> memref<64x128xf32, #tpu.memory_space<hbm>>
        %dma_wait3A_399 = arith.constant 0 : i32
        %dma_wait3A_400 = arith.constant 0 : i32
        %dma_wait3A_401 = tpu.memref_slice %arg6[%dma_wait3A_391, %dma_wait3A_399, %dma_wait3A_400] : memref<4x64x128xf32, #tpu.memory_space<vmem>> -> memref<1x64x128xf32, #tpu.memory_space<vmem>>
        %dma_wait3A_402 = tpu.memref_squeeze %dma_wait3A_401 : memref<1x64x128xf32, #tpu.memory_space<vmem>> -> memref<64x128xf32, #tpu.memory_space<vmem>>
        %dma_wait3A_403 = arith.constant 0 : i32
        %dma_wait3A_404 = arith.constant 0 : i32
        %dma_wait3A_405 = tpu.memref_slice %arg2[%dma_wait3A_403, %dma_wait3A_404] : memref<10240x128xf32, #tpu.memory_space<hbm>> -> memref<64x128xf32, #tpu.memory_space<hbm>>
        tpu.wait_dma2 semaphore(%arg12 : memref<!tpu.dma_semaphore, #tpu.memory_space<semaphore_mem>>) src(%dma_wait3A_405 : memref<64x128xf32, #tpu.memory_space<hbm>>) dst(%dma_wait3A_402 : memref<64x128xf32, #tpu.memory_space<vmem>>)
      } else {
      }
      %add3A_313 = arith.constant 2 : i32
      %add3A_314 = arith.addi %add3A_307, %add3A_313 : i32
      %lt3A_315 = arith.constant 80 : i32
      %lt3A_316 = arith.cmpi slt, %add3A_314, %lt3A_315 : i32
      %convert_element_type3A_317 = arith.extui %lt3A_316 : i1 to i32
      %cond3A_318 = arith.constant 0 : i32
      %cond3A_319 = arith.cmpi ne, %convert_element_type3A_317, %cond3A_318 : i32
      scf.if %cond3A_319 {
        %add3A_391 = arith.constant 2 : i32
        %add3A_392 = arith.addi %add3A_307, %add3A_391 : i32
        %dma_start3A_393 = arith.constant 0 : i32
        %dma_start3A_394 = arith.constant 0 : i32
        %dma_start3A_395 = arith.constant 0 : i32
        %dma_start3A_396 = arith.constant 0 : i32
        %dma_start3A_397 = tpu.memref_slice %arg6[%dma_start3A_394, %dma_start3A_395, %dma_start3A_396] : memref<4x64x128xf32, #tpu.memory_space<vmem>> -> memref<1x64x128xf32, #tpu.memory_space<vmem>>
        %dma_start3A_398 = tpu.memref_squeeze %dma_start3A_397 : memref<1x64x128xf32, #tpu.memory_space<vmem>> -> memref<64x128xf32, #tpu.memory_space<vmem>>
        %dma_start3A_399 = arith.constant 0 : i32
        %dma_start3A_400 = tpu.memref_slice %arg5[%dma_start3A_393, %add3A_392, %dma_start3A_399] : memref<2x80x64xi32, #tpu.memory_space<vmem>> -> memref<1x1x64xi32, #tpu.memory_space<vmem>>
        %dma_start3A_401 = tpu.memref_squeeze %dma_start3A_400 : memref<1x1x64xi32, #tpu.memory_space<vmem>> -> memref<64xi32, #tpu.memory_space<vmem>>
        %dma_start3A_402 = arith.constant 0 : i32
        %dma_start3A_403 = arith.constant 0 : i32
        %dma_start3A_404 = tpu.memref_slice %arg2[%dma_start3A_402, %dma_start3A_403] : memref<10240x128xf32, #tpu.memory_space<hbm>> -> memref<10240x128xf32, #tpu.memory_space<hbm>>
        tpu.enqueue_indirect_dma source(%dma_start3A_404 : memref<10240x128xf32, #tpu.memory_space<hbm>>) target(%dma_start3A_398 : memref<64x128xf32, #tpu.memory_space<vmem>>) offsets(%dma_start3A_401 : memref<64xi32, #tpu.memory_space<vmem>>) semaphore(%arg8 : memref<!tpu.dma_semaphore, #tpu.memory_space<semaphore_mem>>)
      } else {
      }
      %dma_wait3A_320 = arith.constant 0 : i32
      %dma_wait3A_321 = arith.constant 0 : i32
      %dma_wait3A_322 = arith.constant 0 : i32
      %dma_wait3A_323 = tpu.memref_slice %arg6[%dma_wait3A_320, %dma_wait3A_321, %dma_wait3A_322] : memref<4x64x128xf32, #tpu.memory_space<vmem>> -> memref<1x64x128xf32, #tpu.memory_space<vmem>>
      %dma_wait3A_324 = tpu.memref_squeeze %dma_wait3A_323 : memref<1x64x128xf32, #tpu.memory_space<vmem>> -> memref<64x128xf32, #tpu.memory_space<vmem>>
      %dma_wait3A_325 = arith.constant 0 : i32
      %dma_wait3A_326 = arith.constant 0 : i32
      %dma_wait3A_327 = tpu.memref_slice %arg2[%dma_wait3A_325, %dma_wait3A_326] : memref<10240x128xf32, #tpu.memory_space<hbm>> -> memref<64x128xf32, #tpu.memory_space<hbm>>
      %dma_wait3A_328 = arith.constant 0 : i32
      %dma_wait3A_329 = arith.constant 0 : i32
      %dma_wait3A_330 = tpu.memref_slice %arg6[%dma_wait3A_320, %dma_wait3A_328, %dma_wait3A_329] : memref<4x64x128xf32, #tpu.memory_space<vmem>> -> memref<1x64x128xf32, #tpu.memory_space<vmem>>
      %dma_wait3A_331 = tpu.memref_squeeze %dma_wait3A_330 : memref<1x64x128xf32, #tpu.memory_space<vmem>> -> memref<64x128xf32, #tpu.memory_space<vmem>>
      %dma_wait3A_332 = arith.constant 0 : i32
      %dma_wait3A_333 = arith.constant 0 : i32
      %dma_wait3A_334 = tpu.memref_slice %arg2[%dma_wait3A_332, %dma_wait3A_333] : memref<10240x128xf32, #tpu.memory_space<hbm>> -> memref<64x128xf32, #tpu.memory_space<hbm>>
      tpu.wait_dma2 semaphore(%arg10 : memref<!tpu.dma_semaphore, #tpu.memory_space<semaphore_mem>>) src(%dma_wait3A_334 : memref<64x128xf32, #tpu.memory_space<hbm>>) dst(%dma_wait3A_331 : memref<64x128xf32, #tpu.memory_space<vmem>>)
      %dma_start3A_335 = arith.constant 2 : i32
      %dma_start3A_336 = arith.constant 1 : i32
      %dma_start3A_337 = arith.constant 0 : i32
      %dma_start3A_338 = arith.constant 0 : i32
      %dma_start3A_339 = tpu.memref_slice %arg6[%dma_start3A_335, %dma_start3A_337, %dma_start3A_338] : memref<4x64x128xf32, #tpu.memory_space<vmem>> -> memref<1x64x128xf32, #tpu.memory_space<vmem>>
      %dma_start3A_340 = tpu.memref_squeeze %dma_start3A_339 : memref<1x64x128xf32, #tpu.memory_space<vmem>> -> memref<64x128xf32, #tpu.memory_space<vmem>>
      %dma_start3A_341 = arith.constant 0 : i32
      %dma_start3A_342 = tpu.memref_slice %arg5[%dma_start3A_336, %add3A_307, %dma_start3A_341] : memref<2x80x64xi32, #tpu.memory_space<vmem>> -> memref<1x1x64xi32, #tpu.memory_space<vmem>>
      %dma_start3A_343 = tpu.memref_squeeze %dma_start3A_342 : memref<1x1x64xi32, #tpu.memory_space<vmem>> -> memref<64xi32, #tpu.memory_space<vmem>>
      %dma_start3A_344 = arith.constant 0 : i32
      %dma_start3A_345 = arith.constant 0 : i32
      %dma_start3A_346 = tpu.memref_slice %arg7[%dma_start3A_344, %dma_start3A_345] : memref<10240x128xf32, #tpu.memory_space<vmem_shared>> -> memref<10240x128xf32, #tpu.memory_space<vmem_shared>>
      tpu.enqueue_indirect_dma source(%dma_start3A_340 : memref<64x128xf32, #tpu.memory_space<vmem>>) target(%dma_start3A_346 : memref<10240x128xf32, #tpu.memory_space<vmem_shared>>) offsets(%dma_start3A_343 : memref<64xi32, #tpu.memory_space<vmem>>) semaphore(%arg14 : memref<!tpu.dma_semaphore, #tpu.memory_space<semaphore_mem>>) {add = true}
      %mul3A_347 = arith.constant 4 : i32
      %mul3A_348 = arith.muli %mul3A_347, %scan3A_220 : i32
      %add3A_349 = arith.constant 3 : i32
      %add3A_350 = arith.addi %mul3A_348, %add3A_349 : i32
      %ge3A_351 = arith.constant 2 : i32
      %ge3A_352 = arith.cmpi sge, %add3A_350, %ge3A_351 : i32
      %convert_element_type3A_353 = arith.extui %ge3A_352 : i1 to i32
      %cond3A_354 = arith.constant 0 : i32
      %cond3A_355 = arith.cmpi ne, %convert_element_type3A_353, %cond3A_354 : i32
      scf.if %cond3A_355 {
        %dma_wait3A_391 = arith.constant 0 : i32
        %dma_wait3A_392 = arith.constant 0 : i32
        %dma_wait3A_393 = arith.constant 0 : i32
        %dma_wait3A_394 = tpu.memref_slice %arg6[%dma_wait3A_391, %dma_wait3A_392, %dma_wait3A_393] : memref<4x64x128xf32, #tpu.memory_space<vmem>> -> memref<1x64x128xf32, #tpu.memory_space<vmem>>
        %dma_wait3A_395 = tpu.memref_squeeze %dma_wait3A_394 : memref<1x64x128xf32, #tpu.memory_space<vmem>> -> memref<64x128xf32, #tpu.memory_space<vmem>>
        %dma_wait3A_396 = arith.constant 0 : i32
        %dma_wait3A_397 = arith.constant 0 : i32
        %dma_wait3A_398 = tpu.memref_slice %arg2[%dma_wait3A_396, %dma_wait3A_397] : memref<10240x128xf32, #tpu.memory_space<hbm>> -> memref<64x128xf32, #tpu.memory_space<hbm>>
        %dma_wait3A_399 = arith.constant 0 : i32
        %dma_wait3A_400 = arith.constant 0 : i32
        %dma_wait3A_401 = tpu.memref_slice %arg6[%dma_wait3A_391, %dma_wait3A_399, %dma_wait3A_400] : memref<4x64x128xf32, #tpu.memory_space<vmem>> -> memref<1x64x128xf32, #tpu.memory_space<vmem>>
        %dma_wait3A_402 = tpu.memref_squeeze %dma_wait3A_401 : memref<1x64x128xf32, #tpu.memory_space<vmem>> -> memref<64x128xf32, #tpu.memory_space<vmem>>
        %dma_wait3A_403 = arith.constant 0 : i32
        %dma_wait3A_404 = arith.constant 0 : i32
        %dma_wait3A_405 = tpu.memref_slice %arg2[%dma_wait3A_403, %dma_wait3A_404] : memref<10240x128xf32, #tpu.memory_space<hbm>> -> memref<64x128xf32, #tpu.memory_space<hbm>>
        tpu.wait_dma2 semaphore(%arg13 : memref<!tpu.dma_semaphore, #tpu.memory_space<semaphore_mem>>) src(%dma_wait3A_405 : memref<64x128xf32, #tpu.memory_space<hbm>>) dst(%dma_wait3A_402 : memref<64x128xf32, #tpu.memory_space<vmem>>)
      } else {
      }
      %add3A_356 = arith.constant 2 : i32
      %add3A_357 = arith.addi %add3A_350, %add3A_356 : i32
      %lt3A_358 = arith.constant 80 : i32
      %lt3A_359 = arith.cmpi slt, %add3A_357, %lt3A_358 : i32
      %convert_element_type3A_360 = arith.extui %lt3A_359 : i1 to i32
      %cond3A_361 = arith.constant 0 : i32
      %cond3A_362 = arith.cmpi ne, %convert_element_type3A_360, %cond3A_361 : i32
      scf.if %cond3A_362 {
        %add3A_391 = arith.constant 2 : i32
        %add3A_392 = arith.addi %add3A_350, %add3A_391 : i32
        %dma_start3A_393 = arith.constant 0 : i32
        %dma_start3A_394 = arith.constant 1 : i32
        %dma_start3A_395 = arith.constant 0 : i32
        %dma_start3A_396 = arith.constant 0 : i32
        %dma_start3A_397 = tpu.memref_slice %arg6[%dma_start3A_394, %dma_start3A_395, %dma_start3A_396] : memref<4x64x128xf32, #tpu.memory_space<vmem>> -> memref<1x64x128xf32, #tpu.memory_space<vmem>>
        %dma_start3A_398 = tpu.memref_squeeze %dma_start3A_397 : memref<1x64x128xf32, #tpu.memory_space<vmem>> -> memref<64x128xf32, #tpu.memory_space<vmem>>
        %dma_start3A_399 = arith.constant 0 : i32
        %dma_start3A_400 = tpu.memref_slice %arg5[%dma_start3A_393, %add3A_392, %dma_start3A_399] : memref<2x80x64xi32, #tpu.memory_space<vmem>> -> memref<1x1x64xi32, #tpu.memory_space<vmem>>
        %dma_start3A_401 = tpu.memref_squeeze %dma_start3A_400 : memref<1x1x64xi32, #tpu.memory_space<vmem>> -> memref<64xi32, #tpu.memory_space<vmem>>
        %dma_start3A_402 = arith.constant 0 : i32
        %dma_start3A_403 = arith.constant 0 : i32
        %dma_start3A_404 = tpu.memref_slice %arg2[%dma_start3A_402, %dma_start3A_403] : memref<10240x128xf32, #tpu.memory_space<hbm>> -> memref<10240x128xf32, #tpu.memory_space<hbm>>
        tpu.enqueue_indirect_dma source(%dma_start3A_404 : memref<10240x128xf32, #tpu.memory_space<hbm>>) target(%dma_start3A_398 : memref<64x128xf32, #tpu.memory_space<vmem>>) offsets(%dma_start3A_401 : memref<64xi32, #tpu.memory_space<vmem>>) semaphore(%arg9 : memref<!tpu.dma_semaphore, #tpu.memory_space<semaphore_mem>>)
      } else {
      }
      %dma_wait3A_363 = arith.constant 0 : i32
      %dma_wait3A_364 = arith.constant 0 : i32
      %dma_wait3A_365 = arith.constant 0 : i32
      %dma_wait3A_366 = tpu.memref_slice %arg6[%dma_wait3A_363, %dma_wait3A_364, %dma_wait3A_365] : memref<4x64x128xf32, #tpu.memory_space<vmem>> -> memref<1x64x128xf32, #tpu.memory_space<vmem>>
      %dma_wait3A_367 = tpu.memref_squeeze %dma_wait3A_366 : memref<1x64x128xf32, #tpu.memory_space<vmem>> -> memref<64x128xf32, #tpu.memory_space<vmem>>
      %dma_wait3A_368 = arith.constant 0 : i32
      %dma_wait3A_369 = arith.constant 0 : i32
      %dma_wait3A_370 = tpu.memref_slice %arg2[%dma_wait3A_368, %dma_wait3A_369] : memref<10240x128xf32, #tpu.memory_space<hbm>> -> memref<64x128xf32, #tpu.memory_space<hbm>>
      %dma_wait3A_371 = arith.constant 0 : i32
      %dma_wait3A_372 = arith.constant 0 : i32
      %dma_wait3A_373 = tpu.memref_slice %arg6[%dma_wait3A_363, %dma_wait3A_371, %dma_wait3A_372] : memref<4x64x128xf32, #tpu.memory_space<vmem>> -> memref<1x64x128xf32, #tpu.memory_space<vmem>>
      %dma_wait3A_374 = tpu.memref_squeeze %dma_wait3A_373 : memref<1x64x128xf32, #tpu.memory_space<vmem>> -> memref<64x128xf32, #tpu.memory_space<vmem>>
      %dma_wait3A_375 = arith.constant 0 : i32
      %dma_wait3A_376 = arith.constant 0 : i32
      %dma_wait3A_377 = tpu.memref_slice %arg2[%dma_wait3A_375, %dma_wait3A_376] : memref<10240x128xf32, #tpu.memory_space<hbm>> -> memref<64x128xf32, #tpu.memory_space<hbm>>
      tpu.wait_dma2 semaphore(%arg11 : memref<!tpu.dma_semaphore, #tpu.memory_space<semaphore_mem>>) src(%dma_wait3A_377 : memref<64x128xf32, #tpu.memory_space<hbm>>) dst(%dma_wait3A_374 : memref<64x128xf32, #tpu.memory_space<vmem>>)
      %dma_start3A_378 = arith.constant 3 : i32
      %dma_start3A_379 = arith.constant 1 : i32
      %dma_start3A_380 = arith.constant 0 : i32
      %dma_start3A_381 = arith.constant 0 : i32
      %dma_start3A_382 = tpu.memref_slice %arg6[%dma_start3A_378, %dma_start3A_380, %dma_start3A_381] : memref<4x64x128xf32, #tpu.memory_space<vmem>> -> memref<1x64x128xf32, #tpu.memory_space<vmem>>
      %dma_start3A_383 = tpu.memref_squeeze %dma_start3A_382 : memref<1x64x128xf32, #tpu.memory_space<vmem>> -> memref<64x128xf32, #tpu.memory_space<vmem>>
      %dma_start3A_384 = arith.constant 0 : i32
      %dma_start3A_385 = tpu.memref_slice %arg5[%dma_start3A_379, %add3A_350, %dma_start3A_384] : memref<2x80x64xi32, #tpu.memory_space<vmem>> -> memref<1x1x64xi32, #tpu.memory_space<vmem>>
      %dma_start3A_386 = tpu.memref_squeeze %dma_start3A_385 : memref<1x1x64xi32, #tpu.memory_space<vmem>> -> memref<64xi32, #tpu.memory_space<vmem>>
      %dma_start3A_387 = arith.constant 0 : i32
      %dma_start3A_388 = arith.constant 0 : i32
      %dma_start3A_389 = tpu.memref_slice %arg7[%dma_start3A_387, %dma_start3A_388] : memref<10240x128xf32, #tpu.memory_space<vmem_shared>> -> memref<10240x128xf32, #tpu.memory_space<vmem_shared>>
      tpu.enqueue_indirect_dma source(%dma_start3A_383 : memref<64x128xf32, #tpu.memory_space<vmem>>) target(%dma_start3A_389 : memref<10240x128xf32, #tpu.memory_space<vmem_shared>>) offsets(%dma_start3A_386 : memref<64xi32, #tpu.memory_space<vmem>>) semaphore(%arg15 : memref<!tpu.dma_semaphore, #tpu.memory_space<semaphore_mem>>) {add = true}
      %scan3A_390 = arith.constant 0 : i32
      scf.yield %scan3A_390 : i32
    }
    %scan3A_104 = arith.constant 20 : i32
    %dma_wait3A = arith.constant 0 : i32
    %dma_wait3A_105 = arith.constant 0 : i32
    %dma_wait3A_106 = arith.constant 0 : i32
    %dma_wait3A_107 = tpu.memref_slice %arg6[%dma_wait3A, %dma_wait3A_105, %dma_wait3A_106] : memref<4x64x128xf32, #tpu.memory_space<vmem>> -> memref<1x64x128xf32, #tpu.memory_space<vmem>>
    %dma_wait3A_108 = tpu.memref_squeeze %dma_wait3A_107 : memref<1x64x128xf32, #tpu.memory_space<vmem>> -> memref<64x128xf32, #tpu.memory_space<vmem>>
    %dma_wait3A_109 = arith.constant 0 : i32
    %dma_wait3A_110 = arith.constant 0 : i32
    %dma_wait3A_111 = tpu.memref_slice %arg2[%dma_wait3A_109, %dma_wait3A_110] : memref<10240x128xf32, #tpu.memory_space<hbm>> -> memref<64x128xf32, #tpu.memory_space<hbm>>
    %dma_wait3A_112 = arith.constant 0 : i32
    %dma_wait3A_113 = arith.constant 0 : i32
    %dma_wait3A_114 = tpu.memref_slice %arg6[%dma_wait3A, %dma_wait3A_112, %dma_wait3A_113] : memref<4x64x128xf32, #tpu.memory_space<vmem>> -> memref<1x64x128xf32, #tpu.memory_space<vmem>>
    %dma_wait3A_115 = tpu.memref_squeeze %dma_wait3A_114 : memref<1x64x128xf32, #tpu.memory_space<vmem>> -> memref<64x128xf32, #tpu.memory_space<vmem>>
    %dma_wait3A_116 = arith.constant 0 : i32
    %dma_wait3A_117 = arith.constant 0 : i32
    %dma_wait3A_118 = tpu.memref_slice %arg2[%dma_wait3A_116, %dma_wait3A_117] : memref<10240x128xf32, #tpu.memory_space<hbm>> -> memref<64x128xf32, #tpu.memory_space<hbm>>
    tpu.wait_dma2 semaphore(%arg14 : memref<!tpu.dma_semaphore, #tpu.memory_space<semaphore_mem>>) src(%dma_wait3A_118 : memref<64x128xf32, #tpu.memory_space<hbm>>) dst(%dma_wait3A_115 : memref<64x128xf32, #tpu.memory_space<vmem>>)
    %dma_wait3A_119 = arith.constant 0 : i32
    %dma_wait3A_120 = arith.constant 0 : i32
    %dma_wait3A_121 = arith.constant 0 : i32
    %dma_wait3A_122 = tpu.memref_slice %arg6[%dma_wait3A_119, %dma_wait3A_120, %dma_wait3A_121] : memref<4x64x128xf32, #tpu.memory_space<vmem>> -> memref<1x64x128xf32, #tpu.memory_space<vmem>>
    %dma_wait3A_123 = tpu.memref_squeeze %dma_wait3A_122 : memref<1x64x128xf32, #tpu.memory_space<vmem>> -> memref<64x128xf32, #tpu.memory_space<vmem>>
    %dma_wait3A_124 = arith.constant 0 : i32
    %dma_wait3A_125 = arith.constant 0 : i32
    %dma_wait3A_126 = tpu.memref_slice %arg2[%dma_wait3A_124, %dma_wait3A_125] : memref<10240x128xf32, #tpu.memory_space<hbm>> -> memref<64x128xf32, #tpu.memory_space<hbm>>
    %dma_wait3A_127 = arith.constant 0 : i32
    %dma_wait3A_128 = arith.constant 0 : i32
    %dma_wait3A_129 = tpu.memref_slice %arg6[%dma_wait3A_119, %dma_wait3A_127, %dma_wait3A_128] : memref<4x64x128xf32, #tpu.memory_space<vmem>> -> memref<1x64x128xf32, #tpu.memory_space<vmem>>
    %dma_wait3A_130 = tpu.memref_squeeze %dma_wait3A_129 : memref<1x64x128xf32, #tpu.memory_space<vmem>> -> memref<64x128xf32, #tpu.memory_space<vmem>>
    %dma_wait3A_131 = arith.constant 0 : i32
    %dma_wait3A_132 = arith.constant 0 : i32
    %dma_wait3A_133 = tpu.memref_slice %arg2[%dma_wait3A_131, %dma_wait3A_132] : memref<10240x128xf32, #tpu.memory_space<hbm>> -> memref<64x128xf32, #tpu.memory_space<hbm>>
    tpu.wait_dma2 semaphore(%arg15 : memref<!tpu.dma_semaphore, #tpu.memory_space<semaphore_mem>>) src(%dma_wait3A_133 : memref<64x128xf32, #tpu.memory_space<hbm>>) dst(%dma_wait3A_130 : memref<64x128xf32, #tpu.memory_space<vmem>>)
    %add3A_134 = arith.constant 80 : i32
    %add3A_135 = arith.addi %mul3A_70, %add3A_134 : i32
    "tpu.region"() ({
      %run_scoped3A_220 = tpu.sem_alloc : memref<!tpu.dma_semaphore, #tpu.memory_space<semaphore_mem>>
      %dma_start3A_221 = arith.constant 0 : i32
      %dma_start3A_222 = arith.constant 0 : i32
      %dma_start3A_223 = tpu.memref_slice %arg3[%dma_start3A_221, %add3A_135, %dma_start3A_222] : memref<2x5120x64xi32, #tpu.memory_space<hbm>> -> memref<2x80x64xi32, #tpu.memory_space<hbm>>
      %dma_start3A_224 = arith.constant 0 : i32
      %dma_start3A_225 = arith.constant 0 : i32
      %dma_start3A_226 = tpu.memref_slice %arg3[%dma_start3A_224, %add3A_135, %dma_start3A_225] : memref<2x5120x64xi32, #tpu.memory_space<hbm>> -> memref<2x80x64xi32, #tpu.memory_space<hbm>>
      tpu.enqueue_dma source(%dma_start3A_226 : memref<2x80x64xi32, #tpu.memory_space<hbm>>) target(%arg5 : memref<2x80x64xi32, #tpu.memory_space<vmem>>) target_semaphore(%run_scoped3A_220 : memref<!tpu.dma_semaphore, #tpu.memory_space<semaphore_mem>>)
      %dma_wait3A_227 = arith.constant 0 : i32
      %dma_wait3A_228 = arith.constant 0 : i32
      %dma_wait3A_229 = tpu.memref_slice %arg3[%dma_wait3A_227, %add3A_135, %dma_wait3A_228] : memref<2x5120x64xi32, #tpu.memory_space<hbm>> -> memref<2x80x64xi32, #tpu.memory_space<hbm>>
      %dma_wait3A_230 = arith.constant 0 : i32
      %dma_wait3A_231 = arith.constant 0 : i32
      %dma_wait3A_232 = tpu.memref_slice %arg3[%dma_wait3A_230, %add3A_135, %dma_wait3A_231] : memref<2x5120x64xi32, #tpu.memory_space<hbm>> -> memref<2x80x64xi32, #tpu.memory_space<hbm>>
      tpu.wait_dma2 semaphore(%run_scoped3A_220 : memref<!tpu.dma_semaphore, #tpu.memory_space<semaphore_mem>>) src(%dma_wait3A_232 : memref<2x80x64xi32, #tpu.memory_space<hbm>>) dst(%arg5 : memref<2x80x64xi32, #tpu.memory_space<vmem>>)
      tpu.yield
    }) : () -> ()
    %dma_start3A_136 = arith.constant 0 : i32
    %dma_start3A_137 = arith.constant 0 : i32
    %dma_start3A_138 = arith.constant 0 : i32
    %dma_start3A_139 = arith.constant 0 : i32
    %dma_start3A_140 = arith.constant 0 : i32
    %dma_start3A_141 = tpu.memref_slice %arg6[%dma_start3A_138, %dma_start3A_139, %dma_start3A_140] : memref<4x64x128xf32, #tpu.memory_space<vmem>> -> memref<1x64x128xf32, #tpu.memory_space<vmem>>
    %dma_start3A_142 = tpu.memref_squeeze %dma_start3A_141 : memref<1x64x128xf32, #tpu.memory_space<vmem>> -> memref<64x128xf32, #tpu.memory_space<vmem>>
    %dma_start3A_143 = arith.constant 0 : i32
    %dma_start3A_144 = tpu.memref_slice %arg5[%dma_start3A_136, %dma_start3A_137, %dma_start3A_143] : memref<2x80x64xi32, #tpu.memory_space<vmem>> -> memref<1x1x64xi32, #tpu.memory_space<vmem>>
    %dma_start3A_145 = tpu.memref_squeeze %dma_start3A_144 : memref<1x1x64xi32, #tpu.memory_space<vmem>> -> memref<64xi32, #tpu.memory_space<vmem>>
    %dma_start3A_146 = arith.constant 0 : i32
    %dma_start3A_147 = arith.constant 0 : i32
    %dma_start3A_148 = tpu.memref_slice %arg2[%dma_start3A_146, %dma_start3A_147] : memref<10240x128xf32, #tpu.memory_space<hbm>> -> memref<10240x128xf32, #tpu.memory_space<hbm>>
    tpu.enqueue_indirect_dma source(%dma_start3A_148 : memref<10240x128xf32, #tpu.memory_space<hbm>>) target(%dma_start3A_142 : memref<64x128xf32, #tpu.memory_space<vmem>>) offsets(%dma_start3A_145 : memref<64xi32, #tpu.memory_space<vmem>>) semaphore(%arg8 : memref<!tpu.dma_semaphore, #tpu.memory_space<semaphore_mem>>)
    %dma_start3A_149 = arith.constant 0 : i32
    %dma_start3A_150 = arith.constant 1 : i32
    %dma_start3A_151 = arith.constant 1 : i32
    %dma_start3A_152 = arith.constant 0 : i32
    %dma_start3A_153 = arith.constant 0 : i32
    %dma_start3A_154 = tpu.memref_slice %arg6[%dma_start3A_151, %dma_start3A_152, %dma_start3A_153] : memref<4x64x128xf32, #tpu.memory_space<vmem>> -> memref<1x64x128xf32, #tpu.memory_space<vmem>>
    %dma_start3A_155 = tpu.memref_squeeze %dma_start3A_154 : memref<1x64x128xf32, #tpu.memory_space<vmem>> -> memref<64x128xf32, #tpu.memory_space<vmem>>
    %dma_start3A_156 = arith.constant 0 : i32
    %dma_start3A_157 = tpu.memref_slice %arg5[%dma_start3A_149, %dma_start3A_150, %dma_start3A_156] : memref<2x80x64xi32, #tpu.memory_space<vmem>> -> memref<1x1x64xi32, #tpu.memory_space<vmem>>
    %dma_start3A_158 = tpu.memref_squeeze %dma_start3A_157 : memref<1x1x64xi32, #tpu.memory_space<vmem>> -> memref<64xi32, #tpu.memory_space<vmem>>
    %dma_start3A_159 = arith.constant 0 : i32
    %dma_start3A_160 = arith.constant 0 : i32
    %dma_start3A_161 = tpu.memref_slice %arg2[%dma_start3A_159, %dma_start3A_160] : memref<10240x128xf32, #tpu.memory_space<hbm>> -> memref<10240x128xf32, #tpu.memory_space<hbm>>
    tpu.enqueue_indirect_dma source(%dma_start3A_161 : memref<10240x128xf32, #tpu.memory_space<hbm>>) target(%dma_start3A_155 : memref<64x128xf32, #tpu.memory_space<vmem>>) offsets(%dma_start3A_158 : memref<64xi32, #tpu.memory_space<vmem>>) semaphore(%arg9 : memref<!tpu.dma_semaphore, #tpu.memory_space<semaphore_mem>>)
    %scan3A_162 = arith.constant 0 : i32
    %scan3A_163 = arith.constant 0 : i32
    %scan3A_164 = arith.constant 20 : i32
    %scan3A_165 = arith.addi %scan3A_163, %scan3A_164 : i32
    %scan3A_166 = arith.constant 1 : i32
    %scan3A_167 = scf.for %scan3A_220 = %scan3A_163 to %scan3A_165 step %scan3A_166 iter_args(%scan3A_221 = %scan3A_162) -> (i32)  : i32 {
      %mul3A_222 = arith.constant 4 : i32
      %mul3A_223 = arith.muli %mul3A_222, %scan3A_220 : i32
      %add3A_224 = arith.constant 0 : i32
      %add3A_225 = arith.addi %mul3A_223, %add3A_224 : i32
      %ge3A = arith.constant 2 : i32
      %ge3A_226 = arith.cmpi sge, %add3A_225, %ge3A : i32
      %convert_element_type3A = arith.extui %ge3A_226 : i1 to i32
      %cond3A = arith.constant 0 : i32
      %cond3A_227 = arith.cmpi ne, %convert_element_type3A, %cond3A : i32
      scf.if %cond3A_227 {
        %dma_wait3A_391 = arith.constant 0 : i32
        %dma_wait3A_392 = arith.constant 0 : i32
        %dma_wait3A_393 = arith.constant 0 : i32
        %dma_wait3A_394 = tpu.memref_slice %arg6[%dma_wait3A_391, %dma_wait3A_392, %dma_wait3A_393] : memref<4x64x128xf32, #tpu.memory_space<vmem>> -> memref<1x64x128xf32, #tpu.memory_space<vmem>>
        %dma_wait3A_395 = tpu.memref_squeeze %dma_wait3A_394 : memref<1x64x128xf32, #tpu.memory_space<vmem>> -> memref<64x128xf32, #tpu.memory_space<vmem>>
        %dma_wait3A_396 = arith.constant 0 : i32
        %dma_wait3A_397 = arith.constant 0 : i32
        %dma_wait3A_398 = tpu.memref_slice %arg2[%dma_wait3A_396, %dma_wait3A_397] : memref<10240x128xf32, #tpu.memory_space<hbm>> -> memref<64x128xf32, #tpu.memory_space<hbm>>
        %dma_wait3A_399 = arith.constant 0 : i32
        %dma_wait3A_400 = arith.constant 0 : i32
        %dma_wait3A_401 = tpu.memref_slice %arg6[%dma_wait3A_391, %dma_wait3A_399, %dma_wait3A_400] : memref<4x64x128xf32, #tpu.memory_space<vmem>> -> memref<1x64x128xf32, #tpu.memory_space<vmem>>
        %dma_wait3A_402 = tpu.memref_squeeze %dma_wait3A_401 : memref<1x64x128xf32, #tpu.memory_space<vmem>> -> memref<64x128xf32, #tpu.memory_space<vmem>>
        %dma_wait3A_403 = arith.constant 0 : i32
        %dma_wait3A_404 = arith.constant 0 : i32
        %dma_wait3A_405 = tpu.memref_slice %arg2[%dma_wait3A_403, %dma_wait3A_404] : memref<10240x128xf32, #tpu.memory_space<hbm>> -> memref<64x128xf32, #tpu.memory_space<hbm>>
        tpu.wait_dma2 semaphore(%arg14 : memref<!tpu.dma_semaphore, #tpu.memory_space<semaphore_mem>>) src(%dma_wait3A_405 : memref<64x128xf32, #tpu.memory_space<hbm>>) dst(%dma_wait3A_402 : memref<64x128xf32, #tpu.memory_space<vmem>>)
      } else {
      }
      %add3A_228 = arith.constant 2 : i32
      %add3A_229 = arith.addi %add3A_225, %add3A_228 : i32
      %lt3A = arith.constant 80 : i32
      %lt3A_230 = arith.cmpi slt, %add3A_229, %lt3A : i32
      %convert_element_type3A_231 = arith.extui %lt3A_230 : i1 to i32
      %cond3A_232 = arith.constant 0 : i32
      %cond3A_233 = arith.cmpi ne, %convert_element_type3A_231, %cond3A_232 : i32
      scf.if %cond3A_233 {
        %add3A_391 = arith.constant 2 : i32
        %add3A_392 = arith.addi %add3A_225, %add3A_391 : i32
        %dma_start3A_393 = arith.constant 0 : i32
        %dma_start3A_394 = arith.constant 2 : i32
        %dma_start3A_395 = arith.constant 0 : i32
        %dma_start3A_396 = arith.constant 0 : i32
        %dma_start3A_397 = tpu.memref_slice %arg6[%dma_start3A_394, %dma_start3A_395, %dma_start3A_396] : memref<4x64x128xf32, #tpu.memory_space<vmem>> -> memref<1x64x128xf32, #tpu.memory_space<vmem>>
        %dma_start3A_398 = tpu.memref_squeeze %dma_start3A_397 : memref<1x64x128xf32, #tpu.memory_space<vmem>> -> memref<64x128xf32, #tpu.memory_space<vmem>>
        %dma_start3A_399 = arith.constant 0 : i32
        %dma_start3A_400 = tpu.memref_slice %arg5[%dma_start3A_393, %add3A_392, %dma_start3A_399] : memref<2x80x64xi32, #tpu.memory_space<vmem>> -> memref<1x1x64xi32, #tpu.memory_space<vmem>>
        %dma_start3A_401 = tpu.memref_squeeze %dma_start3A_400 : memref<1x1x64xi32, #tpu.memory_space<vmem>> -> memref<64xi32, #tpu.memory_space<vmem>>
        %dma_start3A_402 = arith.constant 0 : i32
        %dma_start3A_403 = arith.constant 0 : i32
        %dma_start3A_404 = tpu.memref_slice %arg2[%dma_start3A_402, %dma_start3A_403] : memref<10240x128xf32, #tpu.memory_space<hbm>> -> memref<10240x128xf32, #tpu.memory_space<hbm>>
        tpu.enqueue_indirect_dma source(%dma_start3A_404 : memref<10240x128xf32, #tpu.memory_space<hbm>>) target(%dma_start3A_398 : memref<64x128xf32, #tpu.memory_space<vmem>>) offsets(%dma_start3A_401 : memref<64xi32, #tpu.memory_space<vmem>>) semaphore(%arg10 : memref<!tpu.dma_semaphore, #tpu.memory_space<semaphore_mem>>)
      } else {
      }
      %dma_wait3A_234 = arith.constant 0 : i32
      %dma_wait3A_235 = arith.constant 0 : i32
      %dma_wait3A_236 = arith.constant 0 : i32
      %dma_wait3A_237 = tpu.memref_slice %arg6[%dma_wait3A_234, %dma_wait3A_235, %dma_wait3A_236] : memref<4x64x128xf32, #tpu.memory_space<vmem>> -> memref<1x64x128xf32, #tpu.memory_space<vmem>>
      %dma_wait3A_238 = tpu.memref_squeeze %dma_wait3A_237 : memref<1x64x128xf32, #tpu.memory_space<vmem>> -> memref<64x128xf32, #tpu.memory_space<vmem>>
      %dma_wait3A_239 = arith.constant 0 : i32
      %dma_wait3A_240 = arith.constant 0 : i32
      %dma_wait3A_241 = tpu.memref_slice %arg2[%dma_wait3A_239, %dma_wait3A_240] : memref<10240x128xf32, #tpu.memory_space<hbm>> -> memref<64x128xf32, #tpu.memory_space<hbm>>
      %dma_wait3A_242 = arith.constant 0 : i32
      %dma_wait3A_243 = arith.constant 0 : i32
      %dma_wait3A_244 = tpu.memref_slice %arg6[%dma_wait3A_234, %dma_wait3A_242, %dma_wait3A_243] : memref<4x64x128xf32, #tpu.memory_space<vmem>> -> memref<1x64x128xf32, #tpu.memory_space<vmem>>
      %dma_wait3A_245 = tpu.memref_squeeze %dma_wait3A_244 : memref<1x64x128xf32, #tpu.memory_space<vmem>> -> memref<64x128xf32, #tpu.memory_space<vmem>>
      %dma_wait3A_246 = arith.constant 0 : i32
      %dma_wait3A_247 = arith.constant 0 : i32
      %dma_wait3A_248 = tpu.memref_slice %arg2[%dma_wait3A_246, %dma_wait3A_247] : memref<10240x128xf32, #tpu.memory_space<hbm>> -> memref<64x128xf32, #tpu.memory_space<hbm>>
      tpu.wait_dma2 semaphore(%arg8 : memref<!tpu.dma_semaphore, #tpu.memory_space<semaphore_mem>>) src(%dma_wait3A_248 : memref<64x128xf32, #tpu.memory_space<hbm>>) dst(%dma_wait3A_245 : memref<64x128xf32, #tpu.memory_space<vmem>>)
      %dma_start3A_249 = arith.constant 0 : i32
      %dma_start3A_250 = arith.constant 1 : i32
      %dma_start3A_251 = arith.constant 0 : i32
      %dma_start3A_252 = arith.constant 0 : i32
      %dma_start3A_253 = tpu.memref_slice %arg6[%dma_start3A_249, %dma_start3A_251, %dma_start3A_252] : memref<4x64x128xf32, #tpu.memory_space<vmem>> -> memref<1x64x128xf32, #tpu.memory_space<vmem>>
      %dma_start3A_254 = tpu.memref_squeeze %dma_start3A_253 : memref<1x64x128xf32, #tpu.memory_space<vmem>> -> memref<64x128xf32, #tpu.memory_space<vmem>>
      %dma_start3A_255 = arith.constant 0 : i32
      %dma_start3A_256 = tpu.memref_slice %arg5[%dma_start3A_250, %add3A_225, %dma_start3A_255] : memref<2x80x64xi32, #tpu.memory_space<vmem>> -> memref<1x1x64xi32, #tpu.memory_space<vmem>>
      %dma_start3A_257 = tpu.memref_squeeze %dma_start3A_256 : memref<1x1x64xi32, #tpu.memory_space<vmem>> -> memref<64xi32, #tpu.memory_space<vmem>>
      %dma_start3A_258 = arith.constant 0 : i32
      %dma_start3A_259 = arith.constant 0 : i32
      %dma_start3A_260 = tpu.memref_slice %arg7[%dma_start3A_258, %dma_start3A_259] : memref<10240x128xf32, #tpu.memory_space<vmem_shared>> -> memref<10240x128xf32, #tpu.memory_space<vmem_shared>>
      tpu.enqueue_indirect_dma source(%dma_start3A_254 : memref<64x128xf32, #tpu.memory_space<vmem>>) target(%dma_start3A_260 : memref<10240x128xf32, #tpu.memory_space<vmem_shared>>) offsets(%dma_start3A_257 : memref<64xi32, #tpu.memory_space<vmem>>) semaphore(%arg12 : memref<!tpu.dma_semaphore, #tpu.memory_space<semaphore_mem>>) {add = true}
      %mul3A_261 = arith.constant 4 : i32
      %mul3A_262 = arith.muli %mul3A_261, %scan3A_220 : i32
      %add3A_263 = arith.constant 1 : i32
      %add3A_264 = arith.addi %mul3A_262, %add3A_263 : i32
      %ge3A_265 = arith.constant 2 : i32
      %ge3A_266 = arith.cmpi sge, %add3A_264, %ge3A_265 : i32
      %convert_element_type3A_267 = arith.extui %ge3A_266 : i1 to i32
      %cond3A_268 = arith.constant 0 : i32
      %cond3A_269 = arith.cmpi ne, %convert_element_type3A_267, %cond3A_268 : i32
      scf.if %cond3A_269 {
        %dma_wait3A_391 = arith.constant 0 : i32
        %dma_wait3A_392 = arith.constant 0 : i32
        %dma_wait3A_393 = arith.constant 0 : i32
        %dma_wait3A_394 = tpu.memref_slice %arg6[%dma_wait3A_391, %dma_wait3A_392, %dma_wait3A_393] : memref<4x64x128xf32, #tpu.memory_space<vmem>> -> memref<1x64x128xf32, #tpu.memory_space<vmem>>
        %dma_wait3A_395 = tpu.memref_squeeze %dma_wait3A_394 : memref<1x64x128xf32, #tpu.memory_space<vmem>> -> memref<64x128xf32, #tpu.memory_space<vmem>>
        %dma_wait3A_396 = arith.constant 0 : i32
        %dma_wait3A_397 = arith.constant 0 : i32
        %dma_wait3A_398 = tpu.memref_slice %arg2[%dma_wait3A_396, %dma_wait3A_397] : memref<10240x128xf32, #tpu.memory_space<hbm>> -> memref<64x128xf32, #tpu.memory_space<hbm>>
        %dma_wait3A_399 = arith.constant 0 : i32
        %dma_wait3A_400 = arith.constant 0 : i32
        %dma_wait3A_401 = tpu.memref_slice %arg6[%dma_wait3A_391, %dma_wait3A_399, %dma_wait3A_400] : memref<4x64x128xf32, #tpu.memory_space<vmem>> -> memref<1x64x128xf32, #tpu.memory_space<vmem>>
        %dma_wait3A_402 = tpu.memref_squeeze %dma_wait3A_401 : memref<1x64x128xf32, #tpu.memory_space<vmem>> -> memref<64x128xf32, #tpu.memory_space<vmem>>
        %dma_wait3A_403 = arith.constant 0 : i32
        %dma_wait3A_404 = arith.constant 0 : i32
        %dma_wait3A_405 = tpu.memref_slice %arg2[%dma_wait3A_403, %dma_wait3A_404] : memref<10240x128xf32, #tpu.memory_space<hbm>> -> memref<64x128xf32, #tpu.memory_space<hbm>>
        tpu.wait_dma2 semaphore(%arg15 : memref<!tpu.dma_semaphore, #tpu.memory_space<semaphore_mem>>) src(%dma_wait3A_405 : memref<64x128xf32, #tpu.memory_space<hbm>>) dst(%dma_wait3A_402 : memref<64x128xf32, #tpu.memory_space<vmem>>)
      } else {
      }
      %add3A_270 = arith.constant 2 : i32
      %add3A_271 = arith.addi %add3A_264, %add3A_270 : i32
      %lt3A_272 = arith.constant 80 : i32
      %lt3A_273 = arith.cmpi slt, %add3A_271, %lt3A_272 : i32
      %convert_element_type3A_274 = arith.extui %lt3A_273 : i1 to i32
      %cond3A_275 = arith.constant 0 : i32
      %cond3A_276 = arith.cmpi ne, %convert_element_type3A_274, %cond3A_275 : i32
      scf.if %cond3A_276 {
        %add3A_391 = arith.constant 2 : i32
        %add3A_392 = arith.addi %add3A_264, %add3A_391 : i32
        %dma_start3A_393 = arith.constant 0 : i32
        %dma_start3A_394 = arith.constant 3 : i32
        %dma_start3A_395 = arith.constant 0 : i32
        %dma_start3A_396 = arith.constant 0 : i32
        %dma_start3A_397 = tpu.memref_slice %arg6[%dma_start3A_394, %dma_start3A_395, %dma_start3A_396] : memref<4x64x128xf32, #tpu.memory_space<vmem>> -> memref<1x64x128xf32, #tpu.memory_space<vmem>>
        %dma_start3A_398 = tpu.memref_squeeze %dma_start3A_397 : memref<1x64x128xf32, #tpu.memory_space<vmem>> -> memref<64x128xf32, #tpu.memory_space<vmem>>
        %dma_start3A_399 = arith.constant 0 : i32
        %dma_start3A_400 = tpu.memref_slice %arg5[%dma_start3A_393, %add3A_392, %dma_start3A_399] : memref<2x80x64xi32, #tpu.memory_space<vmem>> -> memref<1x1x64xi32, #tpu.memory_space<vmem>>
        %dma_start3A_401 = tpu.memref_squeeze %dma_start3A_400 : memref<1x1x64xi32, #tpu.memory_space<vmem>> -> memref<64xi32, #tpu.memory_space<vmem>>
        %dma_start3A_402 = arith.constant 0 : i32
        %dma_start3A_403 = arith.constant 0 : i32
        %dma_start3A_404 = tpu.memref_slice %arg2[%dma_start3A_402, %dma_start3A_403] : memref<10240x128xf32, #tpu.memory_space<hbm>> -> memref<10240x128xf32, #tpu.memory_space<hbm>>
        tpu.enqueue_indirect_dma source(%dma_start3A_404 : memref<10240x128xf32, #tpu.memory_space<hbm>>) target(%dma_start3A_398 : memref<64x128xf32, #tpu.memory_space<vmem>>) offsets(%dma_start3A_401 : memref<64xi32, #tpu.memory_space<vmem>>) semaphore(%arg11 : memref<!tpu.dma_semaphore, #tpu.memory_space<semaphore_mem>>)
      } else {
      }
      %dma_wait3A_277 = arith.constant 0 : i32
      %dma_wait3A_278 = arith.constant 0 : i32
      %dma_wait3A_279 = arith.constant 0 : i32
      %dma_wait3A_280 = tpu.memref_slice %arg6[%dma_wait3A_277, %dma_wait3A_278, %dma_wait3A_279] : memref<4x64x128xf32, #tpu.memory_space<vmem>> -> memref<1x64x128xf32, #tpu.memory_space<vmem>>
      %dma_wait3A_281 = tpu.memref_squeeze %dma_wait3A_280 : memref<1x64x128xf32, #tpu.memory_space<vmem>> -> memref<64x128xf32, #tpu.memory_space<vmem>>
      %dma_wait3A_282 = arith.constant 0 : i32
      %dma_wait3A_283 = arith.constant 0 : i32
      %dma_wait3A_284 = tpu.memref_slice %arg2[%dma_wait3A_282, %dma_wait3A_283] : memref<10240x128xf32, #tpu.memory_space<hbm>> -> memref<64x128xf32, #tpu.memory_space<hbm>>
      %dma_wait3A_285 = arith.constant 0 : i32
      %dma_wait3A_286 = arith.constant 0 : i32
      %dma_wait3A_287 = tpu.memref_slice %arg6[%dma_wait3A_277, %dma_wait3A_285, %dma_wait3A_286] : memref<4x64x128xf32, #tpu.memory_space<vmem>> -> memref<1x64x128xf32, #tpu.memory_space<vmem>>
      %dma_wait3A_288 = tpu.memref_squeeze %dma_wait3A_287 : memref<1x64x128xf32, #tpu.memory_space<vmem>> -> memref<64x128xf32, #tpu.memory_space<vmem>>
      %dma_wait3A_289 = arith.constant 0 : i32
      %dma_wait3A_290 = arith.constant 0 : i32
      %dma_wait3A_291 = tpu.memref_slice %arg2[%dma_wait3A_289, %dma_wait3A_290] : memref<10240x128xf32, #tpu.memory_space<hbm>> -> memref<64x128xf32, #tpu.memory_space<hbm>>
      tpu.wait_dma2 semaphore(%arg9 : memref<!tpu.dma_semaphore, #tpu.memory_space<semaphore_mem>>) src(%dma_wait3A_291 : memref<64x128xf32, #tpu.memory_space<hbm>>) dst(%dma_wait3A_288 : memref<64x128xf32, #tpu.memory_space<vmem>>)
      %dma_start3A_292 = arith.constant 1 : i32
      %dma_start3A_293 = arith.constant 1 : i32
      %dma_start3A_294 = arith.constant 0 : i32
      %dma_start3A_295 = arith.constant 0 : i32
      %dma_start3A_296 = tpu.memref_slice %arg6[%dma_start3A_292, %dma_start3A_294, %dma_start3A_295] : memref<4x64x128xf32, #tpu.memory_space<vmem>> -> memref<1x64x128xf32, #tpu.memory_space<vmem>>
      %dma_start3A_297 = tpu.memref_squeeze %dma_start3A_296 : memref<1x64x128xf32, #tpu.memory_space<vmem>> -> memref<64x128xf32, #tpu.memory_space<vmem>>
      %dma_start3A_298 = arith.constant 0 : i32
      %dma_start3A_299 = tpu.memref_slice %arg5[%dma_start3A_293, %add3A_264, %dma_start3A_298] : memref<2x80x64xi32, #tpu.memory_space<vmem>> -> memref<1x1x64xi32, #tpu.memory_space<vmem>>
      %dma_start3A_300 = tpu.memref_squeeze %dma_start3A_299 : memref<1x1x64xi32, #tpu.memory_space<vmem>> -> memref<64xi32, #tpu.memory_space<vmem>>
      %dma_start3A_301 = arith.constant 0 : i32
      %dma_start3A_302 = arith.constant 0 : i32
      %dma_start3A_303 = tpu.memref_slice %arg7[%dma_start3A_301, %dma_start3A_302] : memref<10240x128xf32, #tpu.memory_space<vmem_shared>> -> memref<10240x128xf32, #tpu.memory_space<vmem_shared>>
      tpu.enqueue_indirect_dma source(%dma_start3A_297 : memref<64x128xf32, #tpu.memory_space<vmem>>) target(%dma_start3A_303 : memref<10240x128xf32, #tpu.memory_space<vmem_shared>>) offsets(%dma_start3A_300 : memref<64xi32, #tpu.memory_space<vmem>>) semaphore(%arg13 : memref<!tpu.dma_semaphore, #tpu.memory_space<semaphore_mem>>) {add = true}
      %mul3A_304 = arith.constant 4 : i32
      %mul3A_305 = arith.muli %mul3A_304, %scan3A_220 : i32
      %add3A_306 = arith.constant 2 : i32
      %add3A_307 = arith.addi %mul3A_305, %add3A_306 : i32
      %ge3A_308 = arith.constant 2 : i32
      %ge3A_309 = arith.cmpi sge, %add3A_307, %ge3A_308 : i32
      %convert_element_type3A_310 = arith.extui %ge3A_309 : i1 to i32
      %cond3A_311 = arith.constant 0 : i32
      %cond3A_312 = arith.cmpi ne, %convert_element_type3A_310, %cond3A_311 : i32
      scf.if %cond3A_312 {
        %dma_wait3A_391 = arith.constant 0 : i32
        %dma_wait3A_392 = arith.constant 0 : i32
        %dma_wait3A_393 = arith.constant 0 : i32
        %dma_wait3A_394 = tpu.memref_slice %arg6[%dma_wait3A_391, %dma_wait3A_392, %dma_wait3A_393] : memref<4x64x128xf32, #tpu.memory_space<vmem>> -> memref<1x64x128xf32, #tpu.memory_space<vmem>>
        %dma_wait3A_395 = tpu.memref_squeeze %dma_wait3A_394 : memref<1x64x128xf32, #tpu.memory_space<vmem>> -> memref<64x128xf32, #tpu.memory_space<vmem>>
        %dma_wait3A_396 = arith.constant 0 : i32
        %dma_wait3A_397 = arith.constant 0 : i32
        %dma_wait3A_398 = tpu.memref_slice %arg2[%dma_wait3A_396, %dma_wait3A_397] : memref<10240x128xf32, #tpu.memory_space<hbm>> -> memref<64x128xf32, #tpu.memory_space<hbm>>
        %dma_wait3A_399 = arith.constant 0 : i32
        %dma_wait3A_400 = arith.constant 0 : i32
        %dma_wait3A_401 = tpu.memref_slice %arg6[%dma_wait3A_391, %dma_wait3A_399, %dma_wait3A_400] : memref<4x64x128xf32, #tpu.memory_space<vmem>> -> memref<1x64x128xf32, #tpu.memory_space<vmem>>
        %dma_wait3A_402 = tpu.memref_squeeze %dma_wait3A_401 : memref<1x64x128xf32, #tpu.memory_space<vmem>> -> memref<64x128xf32, #tpu.memory_space<vmem>>
        %dma_wait3A_403 = arith.constant 0 : i32
        %dma_wait3A_404 = arith.constant 0 : i32
        %dma_wait3A_405 = tpu.memref_slice %arg2[%dma_wait3A_403, %dma_wait3A_404] : memref<10240x128xf32, #tpu.memory_space<hbm>> -> memref<64x128xf32, #tpu.memory_space<hbm>>
        tpu.wait_dma2 semaphore(%arg12 : memref<!tpu.dma_semaphore, #tpu.memory_space<semaphore_mem>>) src(%dma_wait3A_405 : memref<64x128xf32, #tpu.memory_space<hbm>>) dst(%dma_wait3A_402 : memref<64x128xf32, #tpu.memory_space<vmem>>)
      } else {
      }
      %add3A_313 = arith.constant 2 : i32
      %add3A_314 = arith.addi %add3A_307, %add3A_313 : i32
      %lt3A_315 = arith.constant 80 : i32
      %lt3A_316 = arith.cmpi slt, %add3A_314, %lt3A_315 : i32
      %convert_element_type3A_317 = arith.extui %lt3A_316 : i1 to i32
      %cond3A_318 = arith.constant 0 : i32
      %cond3A_319 = arith.cmpi ne, %convert_element_type3A_317, %cond3A_318 : i32
      scf.if %cond3A_319 {
        %add3A_391 = arith.constant 2 : i32
        %add3A_392 = arith.addi %add3A_307, %add3A_391 : i32
        %dma_start3A_393 = arith.constant 0 : i32
        %dma_start3A_394 = arith.constant 0 : i32
        %dma_start3A_395 = arith.constant 0 : i32
        %dma_start3A_396 = arith.constant 0 : i32
        %dma_start3A_397 = tpu.memref_slice %arg6[%dma_start3A_394, %dma_start3A_395, %dma_start3A_396] : memref<4x64x128xf32, #tpu.memory_space<vmem>> -> memref<1x64x128xf32, #tpu.memory_space<vmem>>
        %dma_start3A_398 = tpu.memref_squeeze %dma_start3A_397 : memref<1x64x128xf32, #tpu.memory_space<vmem>> -> memref<64x128xf32, #tpu.memory_space<vmem>>
        %dma_start3A_399 = arith.constant 0 : i32
        %dma_start3A_400 = tpu.memref_slice %arg5[%dma_start3A_393, %add3A_392, %dma_start3A_399] : memref<2x80x64xi32, #tpu.memory_space<vmem>> -> memref<1x1x64xi32, #tpu.memory_space<vmem>>
        %dma_start3A_401 = tpu.memref_squeeze %dma_start3A_400 : memref<1x1x64xi32, #tpu.memory_space<vmem>> -> memref<64xi32, #tpu.memory_space<vmem>>
        %dma_start3A_402 = arith.constant 0 : i32
        %dma_start3A_403 = arith.constant 0 : i32
        %dma_start3A_404 = tpu.memref_slice %arg2[%dma_start3A_402, %dma_start3A_403] : memref<10240x128xf32, #tpu.memory_space<hbm>> -> memref<10240x128xf32, #tpu.memory_space<hbm>>
        tpu.enqueue_indirect_dma source(%dma_start3A_404 : memref<10240x128xf32, #tpu.memory_space<hbm>>) target(%dma_start3A_398 : memref<64x128xf32, #tpu.memory_space<vmem>>) offsets(%dma_start3A_401 : memref<64xi32, #tpu.memory_space<vmem>>) semaphore(%arg8 : memref<!tpu.dma_semaphore, #tpu.memory_space<semaphore_mem>>)
      } else {
      }
      %dma_wait3A_320 = arith.constant 0 : i32
      %dma_wait3A_321 = arith.constant 0 : i32
      %dma_wait3A_322 = arith.constant 0 : i32
      %dma_wait3A_323 = tpu.memref_slice %arg6[%dma_wait3A_320, %dma_wait3A_321, %dma_wait3A_322] : memref<4x64x128xf32, #tpu.memory_space<vmem>> -> memref<1x64x128xf32, #tpu.memory_space<vmem>>
      %dma_wait3A_324 = tpu.memref_squeeze %dma_wait3A_323 : memref<1x64x128xf32, #tpu.memory_space<vmem>> -> memref<64x128xf32, #tpu.memory_space<vmem>>
      %dma_wait3A_325 = arith.constant 0 : i32
      %dma_wait3A_326 = arith.constant 0 : i32
      %dma_wait3A_327 = tpu.memref_slice %arg2[%dma_wait3A_325, %dma_wait3A_326] : memref<10240x128xf32, #tpu.memory_space<hbm>> -> memref<64x128xf32, #tpu.memory_space<hbm>>
      %dma_wait3A_328 = arith.constant 0 : i32
      %dma_wait3A_329 = arith.constant 0 : i32
      %dma_wait3A_330 = tpu.memref_slice %arg6[%dma_wait3A_320, %dma_wait3A_328, %dma_wait3A_329] : memref<4x64x128xf32, #tpu.memory_space<vmem>> -> memref<1x64x128xf32, #tpu.memory_space<vmem>>
      %dma_wait3A_331 = tpu.memref_squeeze %dma_wait3A_330 : memref<1x64x128xf32, #tpu.memory_space<vmem>> -> memref<64x128xf32, #tpu.memory_space<vmem>>
      %dma_wait3A_332 = arith.constant 0 : i32
      %dma_wait3A_333 = arith.constant 0 : i32
      %dma_wait3A_334 = tpu.memref_slice %arg2[%dma_wait3A_332, %dma_wait3A_333] : memref<10240x128xf32, #tpu.memory_space<hbm>> -> memref<64x128xf32, #tpu.memory_space<hbm>>
      tpu.wait_dma2 semaphore(%arg10 : memref<!tpu.dma_semaphore, #tpu.memory_space<semaphore_mem>>) src(%dma_wait3A_334 : memref<64x128xf32, #tpu.memory_space<hbm>>) dst(%dma_wait3A_331 : memref<64x128xf32, #tpu.memory_space<vmem>>)
      %dma_start3A_335 = arith.constant 2 : i32
      %dma_start3A_336 = arith.constant 1 : i32
      %dma_start3A_337 = arith.constant 0 : i32
      %dma_start3A_338 = arith.constant 0 : i32
      %dma_start3A_339 = tpu.memref_slice %arg6[%dma_start3A_335, %dma_start3A_337, %dma_start3A_338] : memref<4x64x128xf32, #tpu.memory_space<vmem>> -> memref<1x64x128xf32, #tpu.memory_space<vmem>>
      %dma_start3A_340 = tpu.memref_squeeze %dma_start3A_339 : memref<1x64x128xf32, #tpu.memory_space<vmem>> -> memref<64x128xf32, #tpu.memory_space<vmem>>
      %dma_start3A_341 = arith.constant 0 : i32
      %dma_start3A_342 = tpu.memref_slice %arg5[%dma_start3A_336, %add3A_307, %dma_start3A_341] : memref<2x80x64xi32, #tpu.memory_space<vmem>> -> memref<1x1x64xi32, #tpu.memory_space<vmem>>
      %dma_start3A_343 = tpu.memref_squeeze %dma_start3A_342 : memref<1x1x64xi32, #tpu.memory_space<vmem>> -> memref<64xi32, #tpu.memory_space<vmem>>
      %dma_start3A_344 = arith.constant 0 : i32
      %dma_start3A_345 = arith.constant 0 : i32
      %dma_start3A_346 = tpu.memref_slice %arg7[%dma_start3A_344, %dma_start3A_345] : memref<10240x128xf32, #tpu.memory_space<vmem_shared>> -> memref<10240x128xf32, #tpu.memory_space<vmem_shared>>
      tpu.enqueue_indirect_dma source(%dma_start3A_340 : memref<64x128xf32, #tpu.memory_space<vmem>>) target(%dma_start3A_346 : memref<10240x128xf32, #tpu.memory_space<vmem_shared>>) offsets(%dma_start3A_343 : memref<64xi32, #tpu.memory_space<vmem>>) semaphore(%arg14 : memref<!tpu.dma_semaphore, #tpu.memory_space<semaphore_mem>>) {add = true}
      %mul3A_347 = arith.constant 4 : i32
      %mul3A_348 = arith.muli %mul3A_347, %scan3A_220 : i32
      %add3A_349 = arith.constant 3 : i32
      %add3A_350 = arith.addi %mul3A_348, %add3A_349 : i32
      %ge3A_351 = arith.constant 2 : i32
      %ge3A_352 = arith.cmpi sge, %add3A_350, %ge3A_351 : i32
      %convert_element_type3A_353 = arith.extui %ge3A_352 : i1 to i32
      %cond3A_354 = arith.constant 0 : i32
      %cond3A_355 = arith.cmpi ne, %convert_element_type3A_353, %cond3A_354 : i32
      scf.if %cond3A_355 {
        %dma_wait3A_391 = arith.constant 0 : i32
        %dma_wait3A_392 = arith.constant 0 : i32
        %dma_wait3A_393 = arith.constant 0 : i32
        %dma_wait3A_394 = tpu.memref_slice %arg6[%dma_wait3A_391, %dma_wait3A_392, %dma_wait3A_393] : memref<4x64x128xf32, #tpu.memory_space<vmem>> -> memref<1x64x128xf32, #tpu.memory_space<vmem>>
        %dma_wait3A_395 = tpu.memref_squeeze %dma_wait3A_394 : memref<1x64x128xf32, #tpu.memory_space<vmem>> -> memref<64x128xf32, #tpu.memory_space<vmem>>
        %dma_wait3A_396 = arith.constant 0 : i32
        %dma_wait3A_397 = arith.constant 0 : i32
        %dma_wait3A_398 = tpu.memref_slice %arg2[%dma_wait3A_396, %dma_wait3A_397] : memref<10240x128xf32, #tpu.memory_space<hbm>> -> memref<64x128xf32, #tpu.memory_space<hbm>>
        %dma_wait3A_399 = arith.constant 0 : i32
        %dma_wait3A_400 = arith.constant 0 : i32
        %dma_wait3A_401 = tpu.memref_slice %arg6[%dma_wait3A_391, %dma_wait3A_399, %dma_wait3A_400] : memref<4x64x128xf32, #tpu.memory_space<vmem>> -> memref<1x64x128xf32, #tpu.memory_space<vmem>>
        %dma_wait3A_402 = tpu.memref_squeeze %dma_wait3A_401 : memref<1x64x128xf32, #tpu.memory_space<vmem>> -> memref<64x128xf32, #tpu.memory_space<vmem>>
        %dma_wait3A_403 = arith.constant 0 : i32
        %dma_wait3A_404 = arith.constant 0 : i32
        %dma_wait3A_405 = tpu.memref_slice %arg2[%dma_wait3A_403, %dma_wait3A_404] : memref<10240x128xf32, #tpu.memory_space<hbm>> -> memref<64x128xf32, #tpu.memory_space<hbm>>
        tpu.wait_dma2 semaphore(%arg13 : memref<!tpu.dma_semaphore, #tpu.memory_space<semaphore_mem>>) src(%dma_wait3A_405 : memref<64x128xf32, #tpu.memory_space<hbm>>) dst(%dma_wait3A_402 : memref<64x128xf32, #tpu.memory_space<vmem>>)
      } else {
      }
      %add3A_356 = arith.constant 2 : i32
      %add3A_357 = arith.addi %add3A_350, %add3A_356 : i32
      %lt3A_358 = arith.constant 80 : i32
      %lt3A_359 = arith.cmpi slt, %add3A_357, %lt3A_358 : i32
      %convert_element_type3A_360 = arith.extui %lt3A_359 : i1 to i32
      %cond3A_361 = arith.constant 0 : i32
      %cond3A_362 = arith.cmpi ne, %convert_element_type3A_360, %cond3A_361 : i32
      scf.if %cond3A_362 {
        %add3A_391 = arith.constant 2 : i32
        %add3A_392 = arith.addi %add3A_350, %add3A_391 : i32
        %dma_start3A_393 = arith.constant 0 : i32
        %dma_start3A_394 = arith.constant 1 : i32
        %dma_start3A_395 = arith.constant 0 : i32
        %dma_start3A_396 = arith.constant 0 : i32
        %dma_start3A_397 = tpu.memref_slice %arg6[%dma_start3A_394, %dma_start3A_395, %dma_start3A_396] : memref<4x64x128xf32, #tpu.memory_space<vmem>> -> memref<1x64x128xf32, #tpu.memory_space<vmem>>
        %dma_start3A_398 = tpu.memref_squeeze %dma_start3A_397 : memref<1x64x128xf32, #tpu.memory_space<vmem>> -> memref<64x128xf32, #tpu.memory_space<vmem>>
        %dma_start3A_399 = arith.constant 0 : i32
        %dma_start3A_400 = tpu.memref_slice %arg5[%dma_start3A_393, %add3A_392, %dma_start3A_399] : memref<2x80x64xi32, #tpu.memory_space<vmem>> -> memref<1x1x64xi32, #tpu.memory_space<vmem>>
        %dma_start3A_401 = tpu.memref_squeeze %dma_start3A_400 : memref<1x1x64xi32, #tpu.memory_space<vmem>> -> memref<64xi32, #tpu.memory_space<vmem>>
        %dma_start3A_402 = arith.constant 0 : i32
        %dma_start3A_403 = arith.constant 0 : i32
        %dma_start3A_404 = tpu.memref_slice %arg2[%dma_start3A_402, %dma_start3A_403] : memref<10240x128xf32, #tpu.memory_space<hbm>> -> memref<10240x128xf32, #tpu.memory_space<hbm>>
        tpu.enqueue_indirect_dma source(%dma_start3A_404 : memref<10240x128xf32, #tpu.memory_space<hbm>>) target(%dma_start3A_398 : memref<64x128xf32, #tpu.memory_space<vmem>>) offsets(%dma_start3A_401 : memref<64xi32, #tpu.memory_space<vmem>>) semaphore(%arg9 : memref<!tpu.dma_semaphore, #tpu.memory_space<semaphore_mem>>)
      } else {
      }
      %dma_wait3A_363 = arith.constant 0 : i32
      %dma_wait3A_364 = arith.constant 0 : i32
      %dma_wait3A_365 = arith.constant 0 : i32
      %dma_wait3A_366 = tpu.memref_slice %arg6[%dma_wait3A_363, %dma_wait3A_364, %dma_wait3A_365] : memref<4x64x128xf32, #tpu.memory_space<vmem>> -> memref<1x64x128xf32, #tpu.memory_space<vmem>>
      %dma_wait3A_367 = tpu.memref_squeeze %dma_wait3A_366 : memref<1x64x128xf32, #tpu.memory_space<vmem>> -> memref<64x128xf32, #tpu.memory_space<vmem>>
      %dma_wait3A_368 = arith.constant 0 : i32
      %dma_wait3A_369 = arith.constant 0 : i32
      %dma_wait3A_370 = tpu.memref_slice %arg2[%dma_wait3A_368, %dma_wait3A_369] : memref<10240x128xf32, #tpu.memory_space<hbm>> -> memref<64x128xf32, #tpu.memory_space<hbm>>
      %dma_wait3A_371 = arith.constant 0 : i32
      %dma_wait3A_372 = arith.constant 0 : i32
      %dma_wait3A_373 = tpu.memref_slice %arg6[%dma_wait3A_363, %dma_wait3A_371, %dma_wait3A_372] : memref<4x64x128xf32, #tpu.memory_space<vmem>> -> memref<1x64x128xf32, #tpu.memory_space<vmem>>
      %dma_wait3A_374 = tpu.memref_squeeze %dma_wait3A_373 : memref<1x64x128xf32, #tpu.memory_space<vmem>> -> memref<64x128xf32, #tpu.memory_space<vmem>>
      %dma_wait3A_375 = arith.constant 0 : i32
      %dma_wait3A_376 = arith.constant 0 : i32
      %dma_wait3A_377 = tpu.memref_slice %arg2[%dma_wait3A_375, %dma_wait3A_376] : memref<10240x128xf32, #tpu.memory_space<hbm>> -> memref<64x128xf32, #tpu.memory_space<hbm>>
      tpu.wait_dma2 semaphore(%arg11 : memref<!tpu.dma_semaphore, #tpu.memory_space<semaphore_mem>>) src(%dma_wait3A_377 : memref<64x128xf32, #tpu.memory_space<hbm>>) dst(%dma_wait3A_374 : memref<64x128xf32, #tpu.memory_space<vmem>>)
      %dma_start3A_378 = arith.constant 3 : i32
      %dma_start3A_379 = arith.constant 1 : i32
      %dma_start3A_380 = arith.constant 0 : i32
      %dma_start3A_381 = arith.constant 0 : i32
      %dma_start3A_382 = tpu.memref_slice %arg6[%dma_start3A_378, %dma_start3A_380, %dma_start3A_381] : memref<4x64x128xf32, #tpu.memory_space<vmem>> -> memref<1x64x128xf32, #tpu.memory_space<vmem>>
      %dma_start3A_383 = tpu.memref_squeeze %dma_start3A_382 : memref<1x64x128xf32, #tpu.memory_space<vmem>> -> memref<64x128xf32, #tpu.memory_space<vmem>>
      %dma_start3A_384 = arith.constant 0 : i32
      %dma_start3A_385 = tpu.memref_slice %arg5[%dma_start3A_379, %add3A_350, %dma_start3A_384] : memref<2x80x64xi32, #tpu.memory_space<vmem>> -> memref<1x1x64xi32, #tpu.memory_space<vmem>>
      %dma_start3A_386 = tpu.memref_squeeze %dma_start3A_385 : memref<1x1x64xi32, #tpu.memory_space<vmem>> -> memref<64xi32, #tpu.memory_space<vmem>>
      %dma_start3A_387 = arith.constant 0 : i32
      %dma_start3A_388 = arith.constant 0 : i32
      %dma_start3A_389 = tpu.memref_slice %arg7[%dma_start3A_387, %dma_start3A_388] : memref<10240x128xf32, #tpu.memory_space<vmem_shared>> -> memref<10240x128xf32, #tpu.memory_space<vmem_shared>>
      tpu.enqueue_indirect_dma source(%dma_start3A_383 : memref<64x128xf32, #tpu.memory_space<vmem>>) target(%dma_start3A_389 : memref<10240x128xf32, #tpu.memory_space<vmem_shared>>) offsets(%dma_start3A_386 : memref<64xi32, #tpu.memory_space<vmem>>) semaphore(%arg15 : memref<!tpu.dma_semaphore, #tpu.memory_space<semaphore_mem>>) {add = true}
      %scan3A_390 = arith.constant 0 : i32
      scf.yield %scan3A_390 : i32
    }
    %scan3A_168 = arith.constant 20 : i32
    %dma_wait3A_169 = arith.constant 0 : i32
    %dma_wait3A_170 = arith.constant 0 : i32
    %dma_wait3A_171 = arith.constant 0 : i32
    %dma_wait3A_172 = tpu.memref_slice %arg6[%dma_wait3A_169, %dma_wait3A_170, %dma_wait3A_171] : memref<4x64x128xf32, #tpu.memory_space<vmem>> -> memref<1x64x128xf32, #tpu.memory_space<vmem>>
    %dma_wait3A_173 = tpu.memref_squeeze %dma_wait3A_172 : memref<1x64x128xf32, #tpu.memory_space<vmem>> -> memref<64x128xf32, #tpu.memory_space<vmem>>
    %dma_wait3A_174 = arith.constant 0 : i32
    %dma_wait3A_175 = arith.constant 0 : i32
    %dma_wait3A_176 = tpu.memref_slice %arg2[%dma_wait3A_174, %dma_wait3A_175] : memref<10240x128xf32, #tpu.memory_space<hbm>> -> memref<64x128xf32, #tpu.memory_space<hbm>>
    %dma_wait3A_177 = arith.constant 0 : i32
    %dma_wait3A_178 = arith.constant 0 : i32
    %dma_wait3A_179 = tpu.memref_slice %arg6[%dma_wait3A_169, %dma_wait3A_177, %dma_wait3A_178] : memref<4x64x128xf32, #tpu.memory_space<vmem>> -> memref<1x64x128xf32, #tpu.memory_space<vmem>>
    %dma_wait3A_180 = tpu.memref_squeeze %dma_wait3A_179 : memref<1x64x128xf32, #tpu.memory_space<vmem>> -> memref<64x128xf32, #tpu.memory_space<vmem>>
    %dma_wait3A_181 = arith.constant 0 : i32
    %dma_wait3A_182 = arith.constant 0 : i32
    %dma_wait3A_183 = tpu.memref_slice %arg2[%dma_wait3A_181, %dma_wait3A_182] : memref<10240x128xf32, #tpu.memory_space<hbm>> -> memref<64x128xf32, #tpu.memory_space<hbm>>
    tpu.wait_dma2 semaphore(%arg14 : memref<!tpu.dma_semaphore, #tpu.memory_space<semaphore_mem>>) src(%dma_wait3A_183 : memref<64x128xf32, #tpu.memory_space<hbm>>) dst(%dma_wait3A_180 : memref<64x128xf32, #tpu.memory_space<vmem>>)
    %dma_wait3A_184 = arith.constant 0 : i32
    %dma_wait3A_185 = arith.constant 0 : i32
    %dma_wait3A_186 = arith.constant 0 : i32
    %dma_wait3A_187 = tpu.memref_slice %arg6[%dma_wait3A_184, %dma_wait3A_185, %dma_wait3A_186] : memref<4x64x128xf32, #tpu.memory_space<vmem>> -> memref<1x64x128xf32, #tpu.memory_space<vmem>>
    %dma_wait3A_188 = tpu.memref_squeeze %dma_wait3A_187 : memref<1x64x128xf32, #tpu.memory_space<vmem>> -> memref<64x128xf32, #tpu.memory_space<vmem>>
    %dma_wait3A_189 = arith.constant 0 : i32
    %dma_wait3A_190 = arith.constant 0 : i32
    %dma_wait3A_191 = tpu.memref_slice %arg2[%dma_wait3A_189, %dma_wait3A_190] : memref<10240x128xf32, #tpu.memory_space<hbm>> -> memref<64x128xf32, #tpu.memory_space<hbm>>
    %dma_wait3A_192 = arith.constant 0 : i32
    %dma_wait3A_193 = arith.constant 0 : i32
    %dma_wait3A_194 = tpu.memref_slice %arg6[%dma_wait3A_184, %dma_wait3A_192, %dma_wait3A_193] : memref<4x64x128xf32, #tpu.memory_space<vmem>> -> memref<1x64x128xf32, #tpu.memory_space<vmem>>
    %dma_wait3A_195 = tpu.memref_squeeze %dma_wait3A_194 : memref<1x64x128xf32, #tpu.memory_space<vmem>> -> memref<64x128xf32, #tpu.memory_space<vmem>>
    %dma_wait3A_196 = arith.constant 0 : i32
    %dma_wait3A_197 = arith.constant 0 : i32
    %dma_wait3A_198 = tpu.memref_slice %arg2[%dma_wait3A_196, %dma_wait3A_197] : memref<10240x128xf32, #tpu.memory_space<hbm>> -> memref<64x128xf32, #tpu.memory_space<hbm>>
    tpu.wait_dma2 semaphore(%arg15 : memref<!tpu.dma_semaphore, #tpu.memory_space<semaphore_mem>>) src(%dma_wait3A_198 : memref<64x128xf32, #tpu.memory_space<hbm>>) dst(%dma_wait3A_195 : memref<64x128xf32, #tpu.memory_space<vmem>>)
    %barrier3A_199 = arith.constant 0 : index
    tpu.barrier barrier_id(%barrier3A_199)
    %mul3A_200 = arith.constant 640 : i32
    %mul3A_201 = arith.muli %arg1, %mul3A_200 : i32
    %add3A_202 = arith.constant 0 : i32
    %add3A_203 = arith.addi %mul3A_201, %add3A_202 : i32
    "tpu.region"() ({
      %run_scoped3A_220 = tpu.sem_alloc : memref<!tpu.dma_semaphore, #tpu.memory_space<semaphore_mem>>
      %dma_start3A_221 = arith.constant 0 : i32
      %dma_start3A_222 = tpu.memref_slice %arg4[%arg0, %add3A_203, %dma_start3A_221] : memref<2x10240x128xf32, #tpu.memory_space<hbm>> -> memref<1x128x128xf32, #tpu.memory_space<hbm>>
      %dma_start3A_223 = tpu.memref_squeeze %dma_start3A_222 : memref<1x128x128xf32, #tpu.memory_space<hbm>> -> memref<128x128xf32, #tpu.memory_space<hbm>>
      %dma_start3A_224 = arith.constant 0 : i32
      %dma_start3A_225 = tpu.memref_slice %arg7[%add3A_203, %dma_start3A_224] : memref<10240x128xf32, #tpu.memory_space<vmem_shared>> -> memref<128x128xf32, #tpu.memory_space<vmem_shared>>
      tpu.enqueue_dma source(%dma_start3A_225 : memref<128x128xf32, #tpu.memory_space<vmem_shared>>) target(%dma_start3A_223 : memref<128x128xf32, #tpu.memory_space<hbm>>) target_semaphore(%run_scoped3A_220 : memref<!tpu.dma_semaphore, #tpu.memory_space<semaphore_mem>>)
      %dma_wait3A_226 = arith.constant 0 : i32
      %dma_wait3A_227 = tpu.memref_slice %arg4[%arg0, %add3A_203, %dma_wait3A_226] : memref<2x10240x128xf32, #tpu.memory_space<hbm>> -> memref<1x128x128xf32, #tpu.memory_space<hbm>>
      %dma_wait3A_228 = tpu.memref_squeeze %dma_wait3A_227 : memref<1x128x128xf32, #tpu.memory_space<hbm>> -> memref<128x128xf32, #tpu.memory_space<hbm>>
      %dma_wait3A_229 = arith.constant 0 : i32
      %dma_wait3A_230 = tpu.memref_slice %arg7[%add3A_203, %dma_wait3A_229] : memref<10240x128xf32, #tpu.memory_space<vmem_shared>> -> memref<128x128xf32, #tpu.memory_space<vmem_shared>>
      tpu.wait_dma2 semaphore(%run_scoped3A_220 : memref<!tpu.dma_semaphore, #tpu.memory_space<semaphore_mem>>) src(%dma_wait3A_230 : memref<128x128xf32, #tpu.memory_space<vmem_shared>>) dst(%dma_wait3A_228 : memref<128x128xf32, #tpu.memory_space<hbm>>)
      tpu.yield
    }) : () -> ()
    %mul3A_204 = arith.constant 640 : i32
    %mul3A_205 = arith.muli %arg1, %mul3A_204 : i32
    %add3A_206 = arith.constant 128 : i32
    %add3A_207 = arith.addi %mul3A_205, %add3A_206 : i32
    "tpu.region"() ({
      %run_scoped3A_220 = tpu.sem_alloc : memref<!tpu.dma_semaphore, #tpu.memory_space<semaphore_mem>>
      %dma_start3A_221 = arith.constant 0 : i32
      %dma_start3A_222 = tpu.memref_slice %arg4[%arg0, %add3A_207, %dma_start3A_221] : memref<2x10240x128xf32, #tpu.memory_space<hbm>> -> memref<1x128x128xf32, #tpu.memory_space<hbm>>
      %dma_start3A_223 = tpu.memref_squeeze %dma_start3A_222 : memref<1x128x128xf32, #tpu.memory_space<hbm>> -> memref<128x128xf32, #tpu.memory_space<hbm>>
      %dma_start3A_224 = arith.constant 0 : i32
      %dma_start3A_225 = tpu.memref_slice %arg7[%add3A_207, %dma_start3A_224] : memref<10240x128xf32, #tpu.memory_space<vmem_shared>> -> memref<128x128xf32, #tpu.memory_space<vmem_shared>>
      tpu.enqueue_dma source(%dma_start3A_225 : memref<128x128xf32, #tpu.memory_space<vmem_shared>>) target(%dma_start3A_223 : memref<128x128xf32, #tpu.memory_space<hbm>>) target_semaphore(%run_scoped3A_220 : memref<!tpu.dma_semaphore, #tpu.memory_space<semaphore_mem>>)
      %dma_wait3A_226 = arith.constant 0 : i32
      %dma_wait3A_227 = tpu.memref_slice %arg4[%arg0, %add3A_207, %dma_wait3A_226] : memref<2x10240x128xf32, #tpu.memory_space<hbm>> -> memref<1x128x128xf32, #tpu.memory_space<hbm>>
      %dma_wait3A_228 = tpu.memref_squeeze %dma_wait3A_227 : memref<1x128x128xf32, #tpu.memory_space<hbm>> -> memref<128x128xf32, #tpu.memory_space<hbm>>
      %dma_wait3A_229 = arith.constant 0 : i32
      %dma_wait3A_230 = tpu.memref_slice %arg7[%add3A_207, %dma_wait3A_229] : memref<10240x128xf32, #tpu.memory_space<vmem_shared>> -> memref<128x128xf32, #tpu.memory_space<vmem_shared>>
      tpu.wait_dma2 semaphore(%run_scoped3A_220 : memref<!tpu.dma_semaphore, #tpu.memory_space<semaphore_mem>>) src(%dma_wait3A_230 : memref<128x128xf32, #tpu.memory_space<vmem_shared>>) dst(%dma_wait3A_228 : memref<128x128xf32, #tpu.memory_space<hbm>>)
      tpu.yield
    }) : () -> ()
    %mul3A_208 = arith.constant 640 : i32
    %mul3A_209 = arith.muli %arg1, %mul3A_208 : i32
    %add3A_210 = arith.constant 256 : i32
    %add3A_211 = arith.addi %mul3A_209, %add3A_210 : i32
    "tpu.region"() ({
      %run_scoped3A_220 = tpu.sem_alloc : memref<!tpu.dma_semaphore, #tpu.memory_space<semaphore_mem>>
      %dma_start3A_221 = arith.constant 0 : i32
      %dma_start3A_222 = tpu.memref_slice %arg4[%arg0, %add3A_211, %dma_start3A_221] : memref<2x10240x128xf32, #tpu.memory_space<hbm>> -> memref<1x128x128xf32, #tpu.memory_space<hbm>>
      %dma_start3A_223 = tpu.memref_squeeze %dma_start3A_222 : memref<1x128x128xf32, #tpu.memory_space<hbm>> -> memref<128x128xf32, #tpu.memory_space<hbm>>
      %dma_start3A_224 = arith.constant 0 : i32
      %dma_start3A_225 = tpu.memref_slice %arg7[%add3A_211, %dma_start3A_224] : memref<10240x128xf32, #tpu.memory_space<vmem_shared>> -> memref<128x128xf32, #tpu.memory_space<vmem_shared>>
      tpu.enqueue_dma source(%dma_start3A_225 : memref<128x128xf32, #tpu.memory_space<vmem_shared>>) target(%dma_start3A_223 : memref<128x128xf32, #tpu.memory_space<hbm>>) target_semaphore(%run_scoped3A_220 : memref<!tpu.dma_semaphore, #tpu.memory_space<semaphore_mem>>)
      %dma_wait3A_226 = arith.constant 0 : i32
      %dma_wait3A_227 = tpu.memref_slice %arg4[%arg0, %add3A_211, %dma_wait3A_226] : memref<2x10240x128xf32, #tpu.memory_space<hbm>> -> memref<1x128x128xf32, #tpu.memory_space<hbm>>
      %dma_wait3A_228 = tpu.memref_squeeze %dma_wait3A_227 : memref<1x128x128xf32, #tpu.memory_space<hbm>> -> memref<128x128xf32, #tpu.memory_space<hbm>>
      %dma_wait3A_229 = arith.constant 0 : i32
      %dma_wait3A_230 = tpu.memref_slice %arg7[%add3A_211, %dma_wait3A_229] : memref<10240x128xf32, #tpu.memory_space<vmem_shared>> -> memref<128x128xf32, #tpu.memory_space<vmem_shared>>
      tpu.wait_dma2 semaphore(%run_scoped3A_220 : memref<!tpu.dma_semaphore, #tpu.memory_space<semaphore_mem>>) src(%dma_wait3A_230 : memref<128x128xf32, #tpu.memory_space<vmem_shared>>) dst(%dma_wait3A_228 : memref<128x128xf32, #tpu.memory_space<hbm>>)
      tpu.yield
    }) : () -> ()
    %mul3A_212 = arith.constant 640 : i32
    %mul3A_213 = arith.muli %arg1, %mul3A_212 : i32
    %add3A_214 = arith.constant 384 : i32
    %add3A_215 = arith.addi %mul3A_213, %add3A_214 : i32
    "tpu.region"() ({
      %run_scoped3A_220 = tpu.sem_alloc : memref<!tpu.dma_semaphore, #tpu.memory_space<semaphore_mem>>
      %dma_start3A_221 = arith.constant 0 : i32
      %dma_start3A_222 = tpu.memref_slice %arg4[%arg0, %add3A_215, %dma_start3A_221] : memref<2x10240x128xf32, #tpu.memory_space<hbm>> -> memref<1x128x128xf32, #tpu.memory_space<hbm>>
      %dma_start3A_223 = tpu.memref_squeeze %dma_start3A_222 : memref<1x128x128xf32, #tpu.memory_space<hbm>> -> memref<128x128xf32, #tpu.memory_space<hbm>>
      %dma_start3A_224 = arith.constant 0 : i32
      %dma_start3A_225 = tpu.memref_slice %arg7[%add3A_215, %dma_start3A_224] : memref<10240x128xf32, #tpu.memory_space<vmem_shared>> -> memref<128x128xf32, #tpu.memory_space<vmem_shared>>
      tpu.enqueue_dma source(%dma_start3A_225 : memref<128x128xf32, #tpu.memory_space<vmem_shared>>) target(%dma_start3A_223 : memref<128x128xf32, #tpu.memory_space<hbm>>) target_semaphore(%run_scoped3A_220 : memref<!tpu.dma_semaphore, #tpu.memory_space<semaphore_mem>>)
      %dma_wait3A_226 = arith.constant 0 : i32
      %dma_wait3A_227 = tpu.memref_slice %arg4[%arg0, %add3A_215, %dma_wait3A_226] : memref<2x10240x128xf32, #tpu.memory_space<hbm>> -> memref<1x128x128xf32, #tpu.memory_space<hbm>>
      %dma_wait3A_228 = tpu.memref_squeeze %dma_wait3A_227 : memref<1x128x128xf32, #tpu.memory_space<hbm>> -> memref<128x128xf32, #tpu.memory_space<hbm>>
      %dma_wait3A_229 = arith.constant 0 : i32
      %dma_wait3A_230 = tpu.memref_slice %arg7[%add3A_215, %dma_wait3A_229] : memref<10240x128xf32, #tpu.memory_space<vmem_shared>> -> memref<128x128xf32, #tpu.memory_space<vmem_shared>>
      tpu.wait_dma2 semaphore(%run_scoped3A_220 : memref<!tpu.dma_semaphore, #tpu.memory_space<semaphore_mem>>) src(%dma_wait3A_230 : memref<128x128xf32, #tpu.memory_space<vmem_shared>>) dst(%dma_wait3A_228 : memref<128x128xf32, #tpu.memory_space<hbm>>)
      tpu.yield
    }) : () -> ()
    %mul3A_216 = arith.constant 640 : i32
    %mul3A_217 = arith.muli %arg1, %mul3A_216 : i32
    %add3A_218 = arith.constant 512 : i32
    %add3A_219 = arith.addi %mul3A_217, %add3A_218 : i32
    "tpu.region"() ({
      %run_scoped3A_220 = tpu.sem_alloc : memref<!tpu.dma_semaphore, #tpu.memory_space<semaphore_mem>>
      %dma_start3A_221 = arith.constant 0 : i32
      %dma_start3A_222 = tpu.memref_slice %arg4[%arg0, %add3A_219, %dma_start3A_221] : memref<2x10240x128xf32, #tpu.memory_space<hbm>> -> memref<1x128x128xf32, #tpu.memory_space<hbm>>
      %dma_start3A_223 = tpu.memref_squeeze %dma_start3A_222 : memref<1x128x128xf32, #tpu.memory_space<hbm>> -> memref<128x128xf32, #tpu.memory_space<hbm>>
      %dma_start3A_224 = arith.constant 0 : i32
      %dma_start3A_225 = tpu.memref_slice %arg7[%add3A_219, %dma_start3A_224] : memref<10240x128xf32, #tpu.memory_space<vmem_shared>> -> memref<128x128xf32, #tpu.memory_space<vmem_shared>>
      tpu.enqueue_dma source(%dma_start3A_225 : memref<128x128xf32, #tpu.memory_space<vmem_shared>>) target(%dma_start3A_223 : memref<128x128xf32, #tpu.memory_space<hbm>>) target_semaphore(%run_scoped3A_220 : memref<!tpu.dma_semaphore, #tpu.memory_space<semaphore_mem>>)
      %dma_wait3A_226 = arith.constant 0 : i32
      %dma_wait3A_227 = tpu.memref_slice %arg4[%arg0, %add3A_219, %dma_wait3A_226] : memref<2x10240x128xf32, #tpu.memory_space<hbm>> -> memref<1x128x128xf32, #tpu.memory_space<hbm>>
      %dma_wait3A_228 = tpu.memref_squeeze %dma_wait3A_227 : memref<1x128x128xf32, #tpu.memory_space<hbm>> -> memref<128x128xf32, #tpu.memory_space<hbm>>
      %dma_wait3A_229 = arith.constant 0 : i32
      %dma_wait3A_230 = tpu.memref_slice %arg7[%add3A_219, %dma_wait3A_229] : memref<10240x128xf32, #tpu.memory_space<vmem_shared>> -> memref<128x128xf32, #tpu.memory_space<vmem_shared>>
      tpu.wait_dma2 semaphore(%run_scoped3A_220 : memref<!tpu.dma_semaphore, #tpu.memory_space<semaphore_mem>>) src(%dma_wait3A_230 : memref<128x128xf32, #tpu.memory_space<vmem_shared>>) dst(%dma_wait3A_228 : memref<128x128xf32, #tpu.memory_space<hbm>>)
      tpu.yield
    }) : () -> ()
    return
  }
}

#map = affine_map<(d0, d1) -> (0, 0)>
#map1 = affine_map<(d0, d1) -> (0, 0, 0)>
module attributes {stable_mosaic.version = 14 : i64} {
  func.func @_sc_prop(%arg0: i32, %arg1: i32, %arg2: memref<10240x128xf32, #tpu.memory_space<hbm>>, %arg3: memref<2x5120x64xi32, #tpu.memory_space<hbm>>, %arg4: memref<2x10240x128xf32, #tpu.memory_space<hbm>>, %arg5: memref<2x80x64xi32, #tpu.memory_space<vmem>>, %arg6: memref<4x64x128xf32, #tpu.memory_space<vmem>>, %arg7: memref<10240x128xf32, #tpu.memory_space<vmem_shared>>, %arg8: memref<!tpu.dma_semaphore, #tpu.memory_space<semaphore_mem>>, %arg9: memref<!tpu.dma_semaphore, #tpu.memory_space<semaphore_mem>>, %arg10: memref<!tpu.dma_semaphore, #tpu.memory_space<semaphore_mem>>, %arg11: memref<!tpu.dma_semaphore, #tpu.memory_space<semaphore_mem>>, %arg12: memref<!tpu.dma_semaphore, #tpu.memory_space<semaphore_mem>>, %arg13: memref<!tpu.dma_semaphore, #tpu.memory_space<semaphore_mem>>, %arg14: memref<!tpu.dma_semaphore, #tpu.memory_space<semaphore_mem>>, %arg15: memref<!tpu.dma_semaphore, #tpu.memory_space<semaphore_mem>>) attributes {dimension_semantics = [#tpu.dimension_semantics<core_parallel>, #tpu.dimension_semantics<subcore_parallel>], iteration_bounds = array<i64: 2, 16>, scalar_prefetch = 0 : i64, scratch_operands = 11 : i64, tpu.core_type = #tpu.core_type<sc_vector_subcore>, window_params = [{transform_indices = #map}, {transform_indices = #map1}, {transform_indices = #map1}]} {
    %broadcast_in_dim3A = arith.constant 0.000000e+00 : f32
    %broadcast_in_dim3A_0 = vector.broadcast %broadcast_in_dim3A : f32 to vector<16xf32>
    %scan3A = arith.constant 0 : i32
    %scan3A_1 = arith.constant 0 : i32
    %scan3A_2 = arith.constant 64 : i32
    %scan3A_3 = arith.addi %scan3A_1, %scan3A_2 : i32
    %scan3A_4 = arith.constant 1 : i32
    %scan3A_5 = scf.for %scan3A_220 = %scan3A_1 to %scan3A_3 step %scan3A_4 iter_args(%scan3A_221 = %scan3A) -> (i32)  : i32 {
      %swap3A = arith.constant 0 : i32
      %swap3A_222 = arith.index_cast %swap3A : i32 to index
      %swap3A_223 = arith.index_cast %scan3A_220 : i32 to index
      %swap3A_224 = arith.constant 0 : index
      %swap3A_225 = tpu.vector_load %arg6[%swap3A_222, %swap3A_223, %swap3A_224] {strides = array<i32>} : memref<4x64x128xf32, #tpu.memory_space<vmem>>, vector<1x1x16xf32>,
      %swap3A_226 = vector.shape_cast %swap3A_225 : vector<1x1x16xf32> to vector<16xf32>
      %swap3A_227 = vector.shape_cast %broadcast_in_dim3A_0 : vector<16xf32> to vector<1x1x16xf32>
      tpu.vector_store %arg6[%swap3A_222, %swap3A_223, %swap3A_224], %swap3A_227 {strides = array<i32>} : memref<4x64x128xf32, #tpu.memory_space<vmem>>, vector<1x1x16xf32>,
      %swap3A_228 = arith.constant 1 : i32
      %swap3A_229 = arith.index_cast %swap3A_228 : i32 to index
      %swap3A_230 = arith.index_cast %scan3A_220 : i32 to index
      %swap3A_231 = arith.constant 0 : index
      %swap3A_232 = tpu.vector_load %arg6[%swap3A_229, %swap3A_230, %swap3A_231] {strides = array<i32>} : memref<4x64x128xf32, #tpu.memory_space<vmem>>, vector<1x1x16xf32>,
      %swap3A_233 = vector.shape_cast %swap3A_232 : vector<1x1x16xf32> to vector<16xf32>
      %swap3A_234 = vector.shape_cast %broadcast_in_dim3A_0 : vector<16xf32> to vector<1x1x16xf32>
      tpu.vector_store %arg6[%swap3A_229, %swap3A_230, %swap3A_231], %swap3A_234 {strides = array<i32>} : memref<4x64x128xf32, #tpu.memory_space<vmem>>, vector<1x1x16xf32>,
      %swap3A_235 = arith.constant 0 : i32
      %swap3A_236 = arith.index_cast %swap3A_235 : i32 to index
      %swap3A_237 = arith.index_cast %scan3A_220 : i32 to index
      %swap3A_238 = arith.constant 16 : index
      %swap3A_239 = tpu.vector_load %arg6[%swap3A_236, %swap3A_237, %swap3A_238] {strides = array<i32>} : memref<4x64x128xf32, #tpu.memory_space<vmem>>, vector<1x1x16xf32>,
      %swap3A_240 = vector.shape_cast %swap3A_239 : vector<1x1x16xf32> to vector<16xf32>
      %swap3A_241 = vector.shape_cast %broadcast_in_dim3A_0 : vector<16xf32> to vector<1x1x16xf32>
      tpu.vector_store %arg6[%swap3A_236, %swap3A_237, %swap3A_238], %swap3A_241 {strides = array<i32>} : memref<4x64x128xf32, #tpu.memory_space<vmem>>, vector<1x1x16xf32>,
      %swap3A_242 = arith.constant 1 : i32
      %swap3A_243 = arith.index_cast %swap3A_242 : i32 to index
      %swap3A_244 = arith.index_cast %scan3A_220 : i32 to index
      %swap3A_245 = arith.constant 16 : index
      %swap3A_246 = tpu.vector_load %arg6[%swap3A_243, %swap3A_244, %swap3A_245] {strides = array<i32>} : memref<4x64x128xf32, #tpu.memory_space<vmem>>, vector<1x1x16xf32>,
      %swap3A_247 = vector.shape_cast %swap3A_246 : vector<1x1x16xf32> to vector<16xf32>
      %swap3A_248 = vector.shape_cast %broadcast_in_dim3A_0 : vector<16xf32> to vector<1x1x16xf32>
      tpu.vector_store %arg6[%swap3A_243, %swap3A_244, %swap3A_245], %swap3A_248 {strides = array<i32>} : memref<4x64x128xf32, #tpu.memory_space<vmem>>, vector<1x1x16xf32>,
      %swap3A_249 = arith.constant 0 : i32
      %swap3A_250 = arith.index_cast %swap3A_249 : i32 to index
      %swap3A_251 = arith.index_cast %scan3A_220 : i32 to index
      %swap3A_252 = arith.constant 32 : index
      %swap3A_253 = tpu.vector_load %arg6[%swap3A_250, %swap3A_251, %swap3A_252] {strides = array<i32>} : memref<4x64x128xf32, #tpu.memory_space<vmem>>, vector<1x1x16xf32>,
      %swap3A_254 = vector.shape_cast %swap3A_253 : vector<1x1x16xf32> to vector<16xf32>
      %swap3A_255 = vector.shape_cast %broadcast_in_dim3A_0 : vector<16xf32> to vector<1x1x16xf32>
      tpu.vector_store %arg6[%swap3A_250, %swap3A_251, %swap3A_252], %swap3A_255 {strides = array<i32>} : memref<4x64x128xf32, #tpu.memory_space<vmem>>, vector<1x1x16xf32>,
      %swap3A_256 = arith.constant 1 : i32
      %swap3A_257 = arith.index_cast %swap3A_256 : i32 to index
      %swap3A_258 = arith.index_cast %scan3A_220 : i32 to index
      %swap3A_259 = arith.constant 32 : index
      %swap3A_260 = tpu.vector_load %arg6[%swap3A_257, %swap3A_258, %swap3A_259] {strides = array<i32>} : memref<4x64x128xf32, #tpu.memory_space<vmem>>, vector<1x1x16xf32>,
      %swap3A_261 = vector.shape_cast %swap3A_260 : vector<1x1x16xf32> to vector<16xf32>
      %swap3A_262 = vector.shape_cast %broadcast_in_dim3A_0 : vector<16xf32> to vector<1x1x16xf32>
      tpu.vector_store %arg6[%swap3A_257, %swap3A_258, %swap3A_259], %swap3A_262 {strides = array<i32>} : memref<4x64x128xf32, #tpu.memory_space<vmem>>, vector<1x1x16xf32>,
      %swap3A_263 = arith.constant 0 : i32
      %swap3A_264 = arith.index_cast %swap3A_263 : i32 to index
      %swap3A_265 = arith.index_cast %scan3A_220 : i32 to index
      %swap3A_266 = arith.constant 48 : index
      %swap3A_267 = tpu.vector_load %arg6[%swap3A_264, %swap3A_265, %swap3A_266] {strides = array<i32>} : memref<4x64x128xf32, #tpu.memory_space<vmem>>, vector<1x1x16xf32>,
      %swap3A_268 = vector.shape_cast %swap3A_267 : vector<1x1x16xf32> to vector<16xf32>
      %swap3A_269 = vector.shape_cast %broadcast_in_dim3A_0 : vector<16xf32> to vector<1x1x16xf32>
      tpu.vector_store %arg6[%swap3A_264, %swap3A_265, %swap3A_266], %swap3A_269 {strides = array<i32>} : memref<4x64x128xf32, #tpu.memory_space<vmem>>, vector<1x1x16xf32>,
      %swap3A_270 = arith.constant 1 : i32
      %swap3A_271 = arith.index_cast %swap3A_270 : i32 to index
      %swap3A_272 = arith.index_cast %scan3A_220 : i32 to index
      %swap3A_273 = arith.constant 48 : index
      %swap3A_274 = tpu.vector_load %arg6[%swap3A_271, %swap3A_272, %swap3A_273] {strides = array<i32>} : memref<4x64x128xf32, #tpu.memory_space<vmem>>, vector<1x1x16xf32>,
      %swap3A_275 = vector.shape_cast %swap3A_274 : vector<1x1x16xf32> to vector<16xf32>
      %swap3A_276 = vector.shape_cast %broadcast_in_dim3A_0 : vector<16xf32> to vector<1x1x16xf32>
      tpu.vector_store %arg6[%swap3A_271, %swap3A_272, %swap3A_273], %swap3A_276 {strides = array<i32>} : memref<4x64x128xf32, #tpu.memory_space<vmem>>, vector<1x1x16xf32>,
      %swap3A_277 = arith.constant 0 : i32
      %swap3A_278 = arith.index_cast %swap3A_277 : i32 to index
      %swap3A_279 = arith.index_cast %scan3A_220 : i32 to index
      %swap3A_280 = arith.constant 64 : index
      %swap3A_281 = tpu.vector_load %arg6[%swap3A_278, %swap3A_279, %swap3A_280] {strides = array<i32>} : memref<4x64x128xf32, #tpu.memory_space<vmem>>, vector<1x1x16xf32>,
      %swap3A_282 = vector.shape_cast %swap3A_281 : vector<1x1x16xf32> to vector<16xf32>
      %swap3A_283 = vector.shape_cast %broadcast_in_dim3A_0 : vector<16xf32> to vector<1x1x16xf32>
      tpu.vector_store %arg6[%swap3A_278, %swap3A_279, %swap3A_280], %swap3A_283 {strides = array<i32>} : memref<4x64x128xf32, #tpu.memory_space<vmem>>, vector<1x1x16xf32>,
      %swap3A_284 = arith.constant 1 : i32
      %swap3A_285 = arith.index_cast %swap3A_284 : i32 to index
      %swap3A_286 = arith.index_cast %scan3A_220 : i32 to index
      %swap3A_287 = arith.constant 64 : index
      %swap3A_288 = tpu.vector_load %arg6[%swap3A_285, %swap3A_286, %swap3A_287] {strides = array<i32>} : memref<4x64x128xf32, #tpu.memory_space<vmem>>, vector<1x1x16xf32>,
      %swap3A_289 = vector.shape_cast %swap3A_288 : vector<1x1x16xf32> to vector<16xf32>
      %swap3A_290 = vector.shape_cast %broadcast_in_dim3A_0 : vector<16xf32> to vector<1x1x16xf32>
      tpu.vector_store %arg6[%swap3A_285, %swap3A_286, %swap3A_287], %swap3A_290 {strides = array<i32>} : memref<4x64x128xf32, #tpu.memory_space<vmem>>, vector<1x1x16xf32>,
      %swap3A_291 = arith.constant 0 : i32
      %swap3A_292 = arith.index_cast %swap3A_291 : i32 to index
      %swap3A_293 = arith.index_cast %scan3A_220 : i32 to index
      %swap3A_294 = arith.constant 80 : index
      %swap3A_295 = tpu.vector_load %arg6[%swap3A_292, %swap3A_293, %swap3A_294] {strides = array<i32>} : memref<4x64x128xf32, #tpu.memory_space<vmem>>, vector<1x1x16xf32>,
      %swap3A_296 = vector.shape_cast %swap3A_295 : vector<1x1x16xf32> to vector<16xf32>
      %swap3A_297 = vector.shape_cast %broadcast_in_dim3A_0 : vector<16xf32> to vector<1x1x16xf32>
      tpu.vector_store %arg6[%swap3A_292, %swap3A_293, %swap3A_294], %swap3A_297 {strides = array<i32>} : memref<4x64x128xf32, #tpu.memory_space<vmem>>, vector<1x1x16xf32>,
      %swap3A_298 = arith.constant 1 : i32
      %swap3A_299 = arith.index_cast %swap3A_298 : i32 to index
      %swap3A_300 = arith.index_cast %scan3A_220 : i32 to index
      %swap3A_301 = arith.constant 80 : index
      %swap3A_302 = tpu.vector_load %arg6[%swap3A_299, %swap3A_300, %swap3A_301] {strides = array<i32>} : memref<4x64x128xf32, #tpu.memory_space<vmem>>, vector<1x1x16xf32>,
      %swap3A_303 = vector.shape_cast %swap3A_302 : vector<1x1x16xf32> to vector<16xf32>
      %swap3A_304 = vector.shape_cast %broadcast_in_dim3A_0 : vector<16xf32> to vector<1x1x16xf32>
      tpu.vector_store %arg6[%swap3A_299, %swap3A_300, %swap3A_301], %swap3A_304 {strides = array<i32>} : memref<4x64x128xf32, #tpu.memory_space<vmem>>, vector<1x1x16xf32>,
      %swap3A_305 = arith.constant 0 : i32
      %swap3A_306 = arith.index_cast %swap3A_305 : i32 to index
      %swap3A_307 = arith.index_cast %scan3A_220 : i32 to index
      %swap3A_308 = arith.constant 96 : index
      %swap3A_309 = tpu.vector_load %arg6[%swap3A_306, %swap3A_307, %swap3A_308] {strides = array<i32>} : memref<4x64x128xf32, #tpu.memory_space<vmem>>, vector<1x1x16xf32>,
      %swap3A_310 = vector.shape_cast %swap3A_309 : vector<1x1x16xf32> to vector<16xf32>
      %swap3A_311 = vector.shape_cast %broadcast_in_dim3A_0 : vector<16xf32> to vector<1x1x16xf32>
      tpu.vector_store %arg6[%swap3A_306, %swap3A_307, %swap3A_308], %swap3A_311 {strides = array<i32>} : memref<4x64x128xf32, #tpu.memory_space<vmem>>, vector<1x1x16xf32>,
      %swap3A_312 = arith.constant 1 : i32
      %swap3A_313 = arith.index_cast %swap3A_312 : i32 to index
      %swap3A_314 = arith.index_cast %scan3A_220 : i32 to index
      %swap3A_315 = arith.constant 96 : index
      %swap3A_316 = tpu.vector_load %arg6[%swap3A_313, %swap3A_314, %swap3A_315] {strides = array<i32>} : memref<4x64x128xf32, #tpu.memory_space<vmem>>, vector<1x1x16xf32>,
      %swap3A_317 = vector.shape_cast %swap3A_316 : vector<1x1x16xf32> to vector<16xf32>
      %swap3A_318 = vector.shape_cast %broadcast_in_dim3A_0 : vector<16xf32> to vector<1x1x16xf32>
      tpu.vector_store %arg6[%swap3A_313, %swap3A_314, %swap3A_315], %swap3A_318 {strides = array<i32>} : memref<4x64x128xf32, #tpu.memory_space<vmem>>, vector<1x1x16xf32>,
      %swap3A_319 = arith.constant 0 : i32
      %swap3A_320 = arith.index_cast %swap3A_319 : i32 to index
      %swap3A_321 = arith.index_cast %scan3A_220 : i32 to index
      %swap3A_322 = arith.constant 112 : index
      %swap3A_323 = tpu.vector_load %arg6[%swap3A_320, %swap3A_321, %swap3A_322] {strides = array<i32>} : memref<4x64x128xf32, #tpu.memory_space<vmem>>, vector<1x1x16xf32>,
      %swap3A_324 = vector.shape_cast %swap3A_323 : vector<1x1x16xf32> to vector<16xf32>
      %swap3A_325 = vector.shape_cast %broadcast_in_dim3A_0 : vector<16xf32> to vector<1x1x16xf32>
      tpu.vector_store %arg6[%swap3A_320, %swap3A_321, %swap3A_322], %swap3A_325 {strides = array<i32>} : memref<4x64x128xf32, #tpu.memory_space<vmem>>, vector<1x1x16xf32>,
      %swap3A_326 = arith.constant 1 : i32
      %swap3A_327 = arith.index_cast %swap3A_326 : i32 to index
      %swap3A_328 = arith.index_cast %scan3A_220 : i32 to index
      %swap3A_329 = arith.constant 112 : index
      %swap3A_330 = tpu.vector_load %arg6[%swap3A_327, %swap3A_328, %swap3A_329] {strides = array<i32>} : memref<4x64x128xf32, #tpu.memory_space<vmem>>, vector<1x1x16xf32>,
      %swap3A_331 = vector.shape_cast %swap3A_330 : vector<1x1x16xf32> to vector<16xf32>
      %swap3A_332 = vector.shape_cast %broadcast_in_dim3A_0 : vector<16xf32> to vector<1x1x16xf32>
      tpu.vector_store %arg6[%swap3A_327, %swap3A_328, %swap3A_329], %swap3A_332 {strides = array<i32>} : memref<4x64x128xf32, #tpu.memory_space<vmem>>, vector<1x1x16xf32>,
      %scan3A_333 = arith.constant 0 : i32
      scf.yield %scan3A_333 : i32
    }
    %scan3A_6 = arith.constant 64 : i32
    %mul3A = arith.constant 640 : i32
    %mul3A_7 = arith.muli %arg1, %mul3A : i32
    %add3A = arith.constant 0 : i32
    %add3A_8 = arith.addi %mul3A_7, %add3A : i32
    %run_scoped3A = arith.constant 0 : i32
    "tpu.region"() ({
      %run_scoped3A_220 = tpu.sem_alloc : memref<!tpu.dma_semaphore, #tpu.memory_space<semaphore_mem>>
      %dma_start3A_221 = arith.constant 0 : i32
      %dma_start3A_222 = arith.constant 0 : i32
      %dma_start3A_223 = tpu.memref_slice %arg6[%run_scoped3A, %dma_start3A_221, %dma_start3A_222] : memref<4x64x128xf32, #tpu.memory_space<vmem>> -> memref<1x64x128xf32, #tpu.memory_space<vmem>>
      %dma_start3A_224 = tpu.memref_squeeze %dma_start3A_223 : memref<1x64x128xf32, #tpu.memory_space<vmem>> -> memref<64x128xf32, #tpu.memory_space<vmem>>
      %dma_start3A_225 = arith.constant 0 : i32
      %dma_start3A_226 = tpu.memref_slice %arg7[%add3A_8, %dma_start3A_225] : memref<10240x128xf32, #tpu.memory_space<vmem_shared>> -> memref<64x128xf32, #tpu.memory_space<vmem_shared>>
      %dma_start3A_227 = arith.constant 0 : i32
      %dma_start3A_228 = tpu.memref_slice %arg7[%add3A_8, %dma_start3A_227] : memref<10240x128xf32, #tpu.memory_space<vmem_shared>> -> memref<64x128xf32, #tpu.memory_space<vmem_shared>>
      %dma_start3A_229 = arith.constant 0 : i32
      %dma_start3A_230 = arith.constant 0 : i32
      %dma_start3A_231 = tpu.memref_slice %arg6[%run_scoped3A, %dma_start3A_229, %dma_start3A_230] : memref<4x64x128xf32, #tpu.memory_space<vmem>> -> memref<1x64x128xf32, #tpu.memory_space<vmem>>
      %dma_start3A_232 = tpu.memref_squeeze %dma_start3A_231 : memref<1x64x128xf32, #tpu.memory_space<vmem>> -> memref<64x128xf32, #tpu.memory_space<vmem>>
      tpu.enqueue_dma source(%dma_start3A_232 : memref<64x128xf32, #tpu.memory_space<vmem>>) target(%dma_start3A_228 : memref<64x128xf32, #tpu.memory_space<vmem_shared>>) target_semaphore(%run_scoped3A_220 : memref<!tpu.dma_semaphore, #tpu.memory_space<semaphore_mem>>)
      %dma_wait3A_233 = arith.constant 0 : i32
      %dma_wait3A_234 = arith.constant 0 : i32
      %dma_wait3A_235 = tpu.memref_slice %arg6[%run_scoped3A, %dma_wait3A_233, %dma_wait3A_234] : memref<4x64x128xf32, #tpu.memory_space<vmem>> -> memref<1x64x128xf32, #tpu.memory_space<vmem>>
      %dma_wait3A_236 = tpu.memref_squeeze %dma_wait3A_235 : memref<1x64x128xf32, #tpu.memory_space<vmem>> -> memref<64x128xf32, #tpu.memory_space<vmem>>
      %dma_wait3A_237 = arith.constant 0 : i32
      %dma_wait3A_238 = tpu.memref_slice %arg7[%add3A_8, %dma_wait3A_237] : memref<10240x128xf32, #tpu.memory_space<vmem_shared>> -> memref<64x128xf32, #tpu.memory_space<vmem_shared>>
      %dma_wait3A_239 = arith.constant 0 : i32
      %dma_wait3A_240 = tpu.memref_slice %arg7[%add3A_8, %dma_wait3A_239] : memref<10240x128xf32, #tpu.memory_space<vmem_shared>> -> memref<64x128xf32, #tpu.memory_space<vmem_shared>>
      %dma_wait3A_241 = arith.constant 0 : i32
      %dma_wait3A_242 = arith.constant 0 : i32
      %dma_wait3A_243 = tpu.memref_slice %arg6[%run_scoped3A, %dma_wait3A_241, %dma_wait3A_242] : memref<4x64x128xf32, #tpu.memory_space<vmem>> -> memref<1x64x128xf32, #tpu.memory_space<vmem>>
      %dma_wait3A_244 = tpu.memref_squeeze %dma_wait3A_243 : memref<1x64x128xf32, #tpu.memory_space<vmem>> -> memref<64x128xf32, #tpu.memory_space<vmem>>
      tpu.wait_dma2 semaphore(%run_scoped3A_220 : memref<!tpu.dma_semaphore, #tpu.memory_space<semaphore_mem>>) src(%dma_wait3A_244 : memref<64x128xf32, #tpu.memory_space<vmem>>) dst(%dma_wait3A_240 : memref<64x128xf32, #tpu.memory_space<vmem_shared>>)
      tpu.yield
    }) : () -> ()
    %mul3A_9 = arith.constant 640 : i32
    %mul3A_10 = arith.muli %arg1, %mul3A_9 : i32
    %add3A_11 = arith.constant 0 : i32
    %add3A_12 = arith.addi %mul3A_10, %add3A_11 : i32
    %add3A_13 = arith.constant 64 : i32
    %add3A_14 = arith.addi %add3A_12, %add3A_13 : i32
    %run_scoped3A_15 = arith.constant 1 : i32
    "tpu.region"() ({
      %run_scoped3A_220 = tpu.sem_alloc : memref<!tpu.dma_semaphore, #tpu.memory_space<semaphore_mem>>
      %dma_start3A_221 = arith.constant 0 : i32
      %dma_start3A_222 = arith.constant 0 : i32
      %dma_start3A_223 = tpu.memref_slice %arg6[%run_scoped3A_15, %dma_start3A_221, %dma_start3A_222] : memref<4x64x128xf32, #tpu.memory_space<vmem>> -> memref<1x64x128xf32, #tpu.memory_space<vmem>>
      %dma_start3A_224 = tpu.memref_squeeze %dma_start3A_223 : memref<1x64x128xf32, #tpu.memory_space<vmem>> -> memref<64x128xf32, #tpu.memory_space<vmem>>
      %dma_start3A_225 = arith.constant 0 : i32
      %dma_start3A_226 = tpu.memref_slice %arg7[%add3A_14, %dma_start3A_225] : memref<10240x128xf32, #tpu.memory_space<vmem_shared>> -> memref<64x128xf32, #tpu.memory_space<vmem_shared>>
      %dma_start3A_227 = arith.constant 0 : i32
      %dma_start3A_228 = tpu.memref_slice %arg7[%add3A_14, %dma_start3A_227] : memref<10240x128xf32, #tpu.memory_space<vmem_shared>> -> memref<64x128xf32, #tpu.memory_space<vmem_shared>>
      %dma_start3A_229 = arith.constant 0 : i32
      %dma_start3A_230 = arith.constant 0 : i32
      %dma_start3A_231 = tpu.memref_slice %arg6[%run_scoped3A_15, %dma_start3A_229, %dma_start3A_230] : memref<4x64x128xf32, #tpu.memory_space<vmem>> -> memref<1x64x128xf32, #tpu.memory_space<vmem>>
      %dma_start3A_232 = tpu.memref_squeeze %dma_start3A_231 : memref<1x64x128xf32, #tpu.memory_space<vmem>> -> memref<64x128xf32, #tpu.memory_space<vmem>>
      tpu.enqueue_dma source(%dma_start3A_232 : memref<64x128xf32, #tpu.memory_space<vmem>>) target(%dma_start3A_228 : memref<64x128xf32, #tpu.memory_space<vmem_shared>>) target_semaphore(%run_scoped3A_220 : memref<!tpu.dma_semaphore, #tpu.memory_space<semaphore_mem>>)
      %dma_wait3A_233 = arith.constant 0 : i32
      %dma_wait3A_234 = arith.constant 0 : i32
      %dma_wait3A_235 = tpu.memref_slice %arg6[%run_scoped3A_15, %dma_wait3A_233, %dma_wait3A_234] : memref<4x64x128xf32, #tpu.memory_space<vmem>> -> memref<1x64x128xf32, #tpu.memory_space<vmem>>
      %dma_wait3A_236 = tpu.memref_squeeze %dma_wait3A_235 : memref<1x64x128xf32, #tpu.memory_space<vmem>> -> memref<64x128xf32, #tpu.memory_space<vmem>>
      %dma_wait3A_237 = arith.constant 0 : i32
      %dma_wait3A_238 = tpu.memref_slice %arg7[%add3A_14, %dma_wait3A_237] : memref<10240x128xf32, #tpu.memory_space<vmem_shared>> -> memref<64x128xf32, #tpu.memory_space<vmem_shared>>
      %dma_wait3A_239 = arith.constant 0 : i32
      %dma_wait3A_240 = tpu.memref_slice %arg7[%add3A_14, %dma_wait3A_239] : memref<10240x128xf32, #tpu.memory_space<vmem_shared>> -> memref<64x128xf32, #tpu.memory_space<vmem_shared>>
      %dma_wait3A_241 = arith.constant 0 : i32
      %dma_wait3A_242 = arith.constant 0 : i32
      %dma_wait3A_243 = tpu.memref_slice %arg6[%run_scoped3A_15, %dma_wait3A_241, %dma_wait3A_242] : memref<4x64x128xf32, #tpu.memory_space<vmem>> -> memref<1x64x128xf32, #tpu.memory_space<vmem>>
      %dma_wait3A_244 = tpu.memref_squeeze %dma_wait3A_243 : memref<1x64x128xf32, #tpu.memory_space<vmem>> -> memref<64x128xf32, #tpu.memory_space<vmem>>
      tpu.wait_dma2 semaphore(%run_scoped3A_220 : memref<!tpu.dma_semaphore, #tpu.memory_space<semaphore_mem>>) src(%dma_wait3A_244 : memref<64x128xf32, #tpu.memory_space<vmem>>) dst(%dma_wait3A_240 : memref<64x128xf32, #tpu.memory_space<vmem_shared>>)
      tpu.yield
    }) : () -> ()
    %mul3A_16 = arith.constant 640 : i32
    %mul3A_17 = arith.muli %arg1, %mul3A_16 : i32
    %add3A_18 = arith.constant 128 : i32
    %add3A_19 = arith.addi %mul3A_17, %add3A_18 : i32
    %run_scoped3A_20 = arith.constant 0 : i32
    "tpu.region"() ({
      %run_scoped3A_220 = tpu.sem_alloc : memref<!tpu.dma_semaphore, #tpu.memory_space<semaphore_mem>>
      %dma_start3A_221 = arith.constant 0 : i32
      %dma_start3A_222 = arith.constant 0 : i32
      %dma_start3A_223 = tpu.memref_slice %arg6[%run_scoped3A_20, %dma_start3A_221, %dma_start3A_222] : memref<4x64x128xf32, #tpu.memory_space<vmem>> -> memref<1x64x128xf32, #tpu.memory_space<vmem>>
      %dma_start3A_224 = tpu.memref_squeeze %dma_start3A_223 : memref<1x64x128xf32, #tpu.memory_space<vmem>> -> memref<64x128xf32, #tpu.memory_space<vmem>>
      %dma_start3A_225 = arith.constant 0 : i32
      %dma_start3A_226 = tpu.memref_slice %arg7[%add3A_19, %dma_start3A_225] : memref<10240x128xf32, #tpu.memory_space<vmem_shared>> -> memref<64x128xf32, #tpu.memory_space<vmem_shared>>
      %dma_start3A_227 = arith.constant 0 : i32
      %dma_start3A_228 = tpu.memref_slice %arg7[%add3A_19, %dma_start3A_227] : memref<10240x128xf32, #tpu.memory_space<vmem_shared>> -> memref<64x128xf32, #tpu.memory_space<vmem_shared>>
      %dma_start3A_229 = arith.constant 0 : i32
      %dma_start3A_230 = arith.constant 0 : i32
      %dma_start3A_231 = tpu.memref_slice %arg6[%run_scoped3A_20, %dma_start3A_229, %dma_start3A_230] : memref<4x64x128xf32, #tpu.memory_space<vmem>> -> memref<1x64x128xf32, #tpu.memory_space<vmem>>
      %dma_start3A_232 = tpu.memref_squeeze %dma_start3A_231 : memref<1x64x128xf32, #tpu.memory_space<vmem>> -> memref<64x128xf32, #tpu.memory_space<vmem>>
      tpu.enqueue_dma source(%dma_start3A_232 : memref<64x128xf32, #tpu.memory_space<vmem>>) target(%dma_start3A_228 : memref<64x128xf32, #tpu.memory_space<vmem_shared>>) target_semaphore(%run_scoped3A_220 : memref<!tpu.dma_semaphore, #tpu.memory_space<semaphore_mem>>)
      %dma_wait3A_233 = arith.constant 0 : i32
      %dma_wait3A_234 = arith.constant 0 : i32
      %dma_wait3A_235 = tpu.memref_slice %arg6[%run_scoped3A_20, %dma_wait3A_233, %dma_wait3A_234] : memref<4x64x128xf32, #tpu.memory_space<vmem>> -> memref<1x64x128xf32, #tpu.memory_space<vmem>>
      %dma_wait3A_236 = tpu.memref_squeeze %dma_wait3A_235 : memref<1x64x128xf32, #tpu.memory_space<vmem>> -> memref<64x128xf32, #tpu.memory_space<vmem>>
      %dma_wait3A_237 = arith.constant 0 : i32
      %dma_wait3A_238 = tpu.memref_slice %arg7[%add3A_19, %dma_wait3A_237] : memref<10240x128xf32, #tpu.memory_space<vmem_shared>> -> memref<64x128xf32, #tpu.memory_space<vmem_shared>>
      %dma_wait3A_239 = arith.constant 0 : i32
      %dma_wait3A_240 = tpu.memref_slice %arg7[%add3A_19, %dma_wait3A_239] : memref<10240x128xf32, #tpu.memory_space<vmem_shared>> -> memref<64x128xf32, #tpu.memory_space<vmem_shared>>
      %dma_wait3A_241 = arith.constant 0 : i32
      %dma_wait3A_242 = arith.constant 0 : i32
      %dma_wait3A_243 = tpu.memref_slice %arg6[%run_scoped3A_20, %dma_wait3A_241, %dma_wait3A_242] : memref<4x64x128xf32, #tpu.memory_space<vmem>> -> memref<1x64x128xf32, #tpu.memory_space<vmem>>
      %dma_wait3A_244 = tpu.memref_squeeze %dma_wait3A_243 : memref<1x64x128xf32, #tpu.memory_space<vmem>> -> memref<64x128xf32, #tpu.memory_space<vmem>>
      tpu.wait_dma2 semaphore(%run_scoped3A_220 : memref<!tpu.dma_semaphore, #tpu.memory_space<semaphore_mem>>) src(%dma_wait3A_244 : memref<64x128xf32, #tpu.memory_space<vmem>>) dst(%dma_wait3A_240 : memref<64x128xf32, #tpu.memory_space<vmem_shared>>)
      tpu.yield
    }) : () -> ()
    %mul3A_21 = arith.constant 640 : i32
    %mul3A_22 = arith.muli %arg1, %mul3A_21 : i32
    %add3A_23 = arith.constant 128 : i32
    %add3A_24 = arith.addi %mul3A_22, %add3A_23 : i32
    %add3A_25 = arith.constant 64 : i32
    %add3A_26 = arith.addi %add3A_24, %add3A_25 : i32
    %run_scoped3A_27 = arith.constant 1 : i32
    "tpu.region"() ({
      %run_scoped3A_220 = tpu.sem_alloc : memref<!tpu.dma_semaphore, #tpu.memory_space<semaphore_mem>>
      %dma_start3A_221 = arith.constant 0 : i32
      %dma_start3A_222 = arith.constant 0 : i32
      %dma_start3A_223 = tpu.memref_slice %arg6[%run_scoped3A_27, %dma_start3A_221, %dma_start3A_222] : memref<4x64x128xf32, #tpu.memory_space<vmem>> -> memref<1x64x128xf32, #tpu.memory_space<vmem>>
      %dma_start3A_224 = tpu.memref_squeeze %dma_start3A_223 : memref<1x64x128xf32, #tpu.memory_space<vmem>> -> memref<64x128xf32, #tpu.memory_space<vmem>>
      %dma_start3A_225 = arith.constant 0 : i32
      %dma_start3A_226 = tpu.memref_slice %arg7[%add3A_26, %dma_start3A_225] : memref<10240x128xf32, #tpu.memory_space<vmem_shared>> -> memref<64x128xf32, #tpu.memory_space<vmem_shared>>
      %dma_start3A_227 = arith.constant 0 : i32
      %dma_start3A_228 = tpu.memref_slice %arg7[%add3A_26, %dma_start3A_227] : memref<10240x128xf32, #tpu.memory_space<vmem_shared>> -> memref<64x128xf32, #tpu.memory_space<vmem_shared>>
      %dma_start3A_229 = arith.constant 0 : i32
      %dma_start3A_230 = arith.constant 0 : i32
      %dma_start3A_231 = tpu.memref_slice %arg6[%run_scoped3A_27, %dma_start3A_229, %dma_start3A_230] : memref<4x64x128xf32, #tpu.memory_space<vmem>> -> memref<1x64x128xf32, #tpu.memory_space<vmem>>
      %dma_start3A_232 = tpu.memref_squeeze %dma_start3A_231 : memref<1x64x128xf32, #tpu.memory_space<vmem>> -> memref<64x128xf32, #tpu.memory_space<vmem>>
      tpu.enqueue_dma source(%dma_start3A_232 : memref<64x128xf32, #tpu.memory_space<vmem>>) target(%dma_start3A_228 : memref<64x128xf32, #tpu.memory_space<vmem_shared>>) target_semaphore(%run_scoped3A_220 : memref<!tpu.dma_semaphore, #tpu.memory_space<semaphore_mem>>)
      %dma_wait3A_233 = arith.constant 0 : i32
      %dma_wait3A_234 = arith.constant 0 : i32
      %dma_wait3A_235 = tpu.memref_slice %arg6[%run_scoped3A_27, %dma_wait3A_233, %dma_wait3A_234] : memref<4x64x128xf32, #tpu.memory_space<vmem>> -> memref<1x64x128xf32, #tpu.memory_space<vmem>>
      %dma_wait3A_236 = tpu.memref_squeeze %dma_wait3A_235 : memref<1x64x128xf32, #tpu.memory_space<vmem>> -> memref<64x128xf32, #tpu.memory_space<vmem>>
      %dma_wait3A_237 = arith.constant 0 : i32
      %dma_wait3A_238 = tpu.memref_slice %arg7[%add3A_26, %dma_wait3A_237] : memref<10240x128xf32, #tpu.memory_space<vmem_shared>> -> memref<64x128xf32, #tpu.memory_space<vmem_shared>>
      %dma_wait3A_239 = arith.constant 0 : i32
      %dma_wait3A_240 = tpu.memref_slice %arg7[%add3A_26, %dma_wait3A_239] : memref<10240x128xf32, #tpu.memory_space<vmem_shared>> -> memref<64x128xf32, #tpu.memory_space<vmem_shared>>
      %dma_wait3A_241 = arith.constant 0 : i32
      %dma_wait3A_242 = arith.constant 0 : i32
      %dma_wait3A_243 = tpu.memref_slice %arg6[%run_scoped3A_27, %dma_wait3A_241, %dma_wait3A_242] : memref<4x64x128xf32, #tpu.memory_space<vmem>> -> memref<1x64x128xf32, #tpu.memory_space<vmem>>
      %dma_wait3A_244 = tpu.memref_squeeze %dma_wait3A_243 : memref<1x64x128xf32, #tpu.memory_space<vmem>> -> memref<64x128xf32, #tpu.memory_space<vmem>>
      tpu.wait_dma2 semaphore(%run_scoped3A_220 : memref<!tpu.dma_semaphore, #tpu.memory_space<semaphore_mem>>) src(%dma_wait3A_244 : memref<64x128xf32, #tpu.memory_space<vmem>>) dst(%dma_wait3A_240 : memref<64x128xf32, #tpu.memory_space<vmem_shared>>)
      tpu.yield
    }) : () -> ()
    %mul3A_28 = arith.constant 640 : i32
    %mul3A_29 = arith.muli %arg1, %mul3A_28 : i32
    %add3A_30 = arith.constant 256 : i32
    %add3A_31 = arith.addi %mul3A_29, %add3A_30 : i32
    %run_scoped3A_32 = arith.constant 0 : i32
    "tpu.region"() ({
      %run_scoped3A_220 = tpu.sem_alloc : memref<!tpu.dma_semaphore, #tpu.memory_space<semaphore_mem>>
      %dma_start3A_221 = arith.constant 0 : i32
      %dma_start3A_222 = arith.constant 0 : i32
      %dma_start3A_223 = tpu.memref_slice %arg6[%run_scoped3A_32, %dma_start3A_221, %dma_start3A_222] : memref<4x64x128xf32, #tpu.memory_space<vmem>> -> memref<1x64x128xf32, #tpu.memory_space<vmem>>
      %dma_start3A_224 = tpu.memref_squeeze %dma_start3A_223 : memref<1x64x128xf32, #tpu.memory_space<vmem>> -> memref<64x128xf32, #tpu.memory_space<vmem>>
      %dma_start3A_225 = arith.constant 0 : i32
      %dma_start3A_226 = tpu.memref_slice %arg7[%add3A_31, %dma_start3A_225] : memref<10240x128xf32, #tpu.memory_space<vmem_shared>> -> memref<64x128xf32, #tpu.memory_space<vmem_shared>>
      %dma_start3A_227 = arith.constant 0 : i32
      %dma_start3A_228 = tpu.memref_slice %arg7[%add3A_31, %dma_start3A_227] : memref<10240x128xf32, #tpu.memory_space<vmem_shared>> -> memref<64x128xf32, #tpu.memory_space<vmem_shared>>
      %dma_start3A_229 = arith.constant 0 : i32
      %dma_start3A_230 = arith.constant 0 : i32
      %dma_start3A_231 = tpu.memref_slice %arg6[%run_scoped3A_32, %dma_start3A_229, %dma_start3A_230] : memref<4x64x128xf32, #tpu.memory_space<vmem>> -> memref<1x64x128xf32, #tpu.memory_space<vmem>>
      %dma_start3A_232 = tpu.memref_squeeze %dma_start3A_231 : memref<1x64x128xf32, #tpu.memory_space<vmem>> -> memref<64x128xf32, #tpu.memory_space<vmem>>
      tpu.enqueue_dma source(%dma_start3A_232 : memref<64x128xf32, #tpu.memory_space<vmem>>) target(%dma_start3A_228 : memref<64x128xf32, #tpu.memory_space<vmem_shared>>) target_semaphore(%run_scoped3A_220 : memref<!tpu.dma_semaphore, #tpu.memory_space<semaphore_mem>>)
      %dma_wait3A_233 = arith.constant 0 : i32
      %dma_wait3A_234 = arith.constant 0 : i32
      %dma_wait3A_235 = tpu.memref_slice %arg6[%run_scoped3A_32, %dma_wait3A_233, %dma_wait3A_234] : memref<4x64x128xf32, #tpu.memory_space<vmem>> -> memref<1x64x128xf32, #tpu.memory_space<vmem>>
      %dma_wait3A_236 = tpu.memref_squeeze %dma_wait3A_235 : memref<1x64x128xf32, #tpu.memory_space<vmem>> -> memref<64x128xf32, #tpu.memory_space<vmem>>
      %dma_wait3A_237 = arith.constant 0 : i32
      %dma_wait3A_238 = tpu.memref_slice %arg7[%add3A_31, %dma_wait3A_237] : memref<10240x128xf32, #tpu.memory_space<vmem_shared>> -> memref<64x128xf32, #tpu.memory_space<vmem_shared>>
      %dma_wait3A_239 = arith.constant 0 : i32
      %dma_wait3A_240 = tpu.memref_slice %arg7[%add3A_31, %dma_wait3A_239] : memref<10240x128xf32, #tpu.memory_space<vmem_shared>> -> memref<64x128xf32, #tpu.memory_space<vmem_shared>>
      %dma_wait3A_241 = arith.constant 0 : i32
      %dma_wait3A_242 = arith.constant 0 : i32
      %dma_wait3A_243 = tpu.memref_slice %arg6[%run_scoped3A_32, %dma_wait3A_241, %dma_wait3A_242] : memref<4x64x128xf32, #tpu.memory_space<vmem>> -> memref<1x64x128xf32, #tpu.memory_space<vmem>>
      %dma_wait3A_244 = tpu.memref_squeeze %dma_wait3A_243 : memref<1x64x128xf32, #tpu.memory_space<vmem>> -> memref<64x128xf32, #tpu.memory_space<vmem>>
      tpu.wait_dma2 semaphore(%run_scoped3A_220 : memref<!tpu.dma_semaphore, #tpu.memory_space<semaphore_mem>>) src(%dma_wait3A_244 : memref<64x128xf32, #tpu.memory_space<vmem>>) dst(%dma_wait3A_240 : memref<64x128xf32, #tpu.memory_space<vmem_shared>>)
      tpu.yield
    }) : () -> ()
    %mul3A_33 = arith.constant 640 : i32
    %mul3A_34 = arith.muli %arg1, %mul3A_33 : i32
    %add3A_35 = arith.constant 256 : i32
    %add3A_36 = arith.addi %mul3A_34, %add3A_35 : i32
    %add3A_37 = arith.constant 64 : i32
    %add3A_38 = arith.addi %add3A_36, %add3A_37 : i32
    %run_scoped3A_39 = arith.constant 1 : i32
    "tpu.region"() ({
      %run_scoped3A_220 = tpu.sem_alloc : memref<!tpu.dma_semaphore, #tpu.memory_space<semaphore_mem>>
      %dma_start3A_221 = arith.constant 0 : i32
      %dma_start3A_222 = arith.constant 0 : i32
      %dma_start3A_223 = tpu.memref_slice %arg6[%run_scoped3A_39, %dma_start3A_221, %dma_start3A_222] : memref<4x64x128xf32, #tpu.memory_space<vmem>> -> memref<1x64x128xf32, #tpu.memory_space<vmem>>
      %dma_start3A_224 = tpu.memref_squeeze %dma_start3A_223 : memref<1x64x128xf32, #tpu.memory_space<vmem>> -> memref<64x128xf32, #tpu.memory_space<vmem>>
      %dma_start3A_225 = arith.constant 0 : i32
      %dma_start3A_226 = tpu.memref_slice %arg7[%add3A_38, %dma_start3A_225] : memref<10240x128xf32, #tpu.memory_space<vmem_shared>> -> memref<64x128xf32, #tpu.memory_space<vmem_shared>>
      %dma_start3A_227 = arith.constant 0 : i32
      %dma_start3A_228 = tpu.memref_slice %arg7[%add3A_38, %dma_start3A_227] : memref<10240x128xf32, #tpu.memory_space<vmem_shared>> -> memref<64x128xf32, #tpu.memory_space<vmem_shared>>
      %dma_start3A_229 = arith.constant 0 : i32
      %dma_start3A_230 = arith.constant 0 : i32
      %dma_start3A_231 = tpu.memref_slice %arg6[%run_scoped3A_39, %dma_start3A_229, %dma_start3A_230] : memref<4x64x128xf32, #tpu.memory_space<vmem>> -> memref<1x64x128xf32, #tpu.memory_space<vmem>>
      %dma_start3A_232 = tpu.memref_squeeze %dma_start3A_231 : memref<1x64x128xf32, #tpu.memory_space<vmem>> -> memref<64x128xf32, #tpu.memory_space<vmem>>
      tpu.enqueue_dma source(%dma_start3A_232 : memref<64x128xf32, #tpu.memory_space<vmem>>) target(%dma_start3A_228 : memref<64x128xf32, #tpu.memory_space<vmem_shared>>) target_semaphore(%run_scoped3A_220 : memref<!tpu.dma_semaphore, #tpu.memory_space<semaphore_mem>>)
      %dma_wait3A_233 = arith.constant 0 : i32
      %dma_wait3A_234 = arith.constant 0 : i32
      %dma_wait3A_235 = tpu.memref_slice %arg6[%run_scoped3A_39, %dma_wait3A_233, %dma_wait3A_234] : memref<4x64x128xf32, #tpu.memory_space<vmem>> -> memref<1x64x128xf32, #tpu.memory_space<vmem>>
      %dma_wait3A_236 = tpu.memref_squeeze %dma_wait3A_235 : memref<1x64x128xf32, #tpu.memory_space<vmem>> -> memref<64x128xf32, #tpu.memory_space<vmem>>
      %dma_wait3A_237 = arith.constant 0 : i32
      %dma_wait3A_238 = tpu.memref_slice %arg7[%add3A_38, %dma_wait3A_237] : memref<10240x128xf32, #tpu.memory_space<vmem_shared>> -> memref<64x128xf32, #tpu.memory_space<vmem_shared>>
      %dma_wait3A_239 = arith.constant 0 : i32
      %dma_wait3A_240 = tpu.memref_slice %arg7[%add3A_38, %dma_wait3A_239] : memref<10240x128xf32, #tpu.memory_space<vmem_shared>> -> memref<64x128xf32, #tpu.memory_space<vmem_shared>>
      %dma_wait3A_241 = arith.constant 0 : i32
      %dma_wait3A_242 = arith.constant 0 : i32
      %dma_wait3A_243 = tpu.memref_slice %arg6[%run_scoped3A_39, %dma_wait3A_241, %dma_wait3A_242] : memref<4x64x128xf32, #tpu.memory_space<vmem>> -> memref<1x64x128xf32, #tpu.memory_space<vmem>>
      %dma_wait3A_244 = tpu.memref_squeeze %dma_wait3A_243 : memref<1x64x128xf32, #tpu.memory_space<vmem>> -> memref<64x128xf32, #tpu.memory_space<vmem>>
      tpu.wait_dma2 semaphore(%run_scoped3A_220 : memref<!tpu.dma_semaphore, #tpu.memory_space<semaphore_mem>>) src(%dma_wait3A_244 : memref<64x128xf32, #tpu.memory_space<vmem>>) dst(%dma_wait3A_240 : memref<64x128xf32, #tpu.memory_space<vmem_shared>>)
      tpu.yield
    }) : () -> ()
    %mul3A_40 = arith.constant 640 : i32
    %mul3A_41 = arith.muli %arg1, %mul3A_40 : i32
    %add3A_42 = arith.constant 384 : i32
    %add3A_43 = arith.addi %mul3A_41, %add3A_42 : i32
    %run_scoped3A_44 = arith.constant 0 : i32
    "tpu.region"() ({
      %run_scoped3A_220 = tpu.sem_alloc : memref<!tpu.dma_semaphore, #tpu.memory_space<semaphore_mem>>
      %dma_start3A_221 = arith.constant 0 : i32
      %dma_start3A_222 = arith.constant 0 : i32
      %dma_start3A_223 = tpu.memref_slice %arg6[%run_scoped3A_44, %dma_start3A_221, %dma_start3A_222] : memref<4x64x128xf32, #tpu.memory_space<vmem>> -> memref<1x64x128xf32, #tpu.memory_space<vmem>>
      %dma_start3A_224 = tpu.memref_squeeze %dma_start3A_223 : memref<1x64x128xf32, #tpu.memory_space<vmem>> -> memref<64x128xf32, #tpu.memory_space<vmem>>
      %dma_start3A_225 = arith.constant 0 : i32
      %dma_start3A_226 = tpu.memref_slice %arg7[%add3A_43, %dma_start3A_225] : memref<10240x128xf32, #tpu.memory_space<vmem_shared>> -> memref<64x128xf32, #tpu.memory_space<vmem_shared>>
      %dma_start3A_227 = arith.constant 0 : i32
      %dma_start3A_228 = tpu.memref_slice %arg7[%add3A_43, %dma_start3A_227] : memref<10240x128xf32, #tpu.memory_space<vmem_shared>> -> memref<64x128xf32, #tpu.memory_space<vmem_shared>>
      %dma_start3A_229 = arith.constant 0 : i32
      %dma_start3A_230 = arith.constant 0 : i32
      %dma_start3A_231 = tpu.memref_slice %arg6[%run_scoped3A_44, %dma_start3A_229, %dma_start3A_230] : memref<4x64x128xf32, #tpu.memory_space<vmem>> -> memref<1x64x128xf32, #tpu.memory_space<vmem>>
      %dma_start3A_232 = tpu.memref_squeeze %dma_start3A_231 : memref<1x64x128xf32, #tpu.memory_space<vmem>> -> memref<64x128xf32, #tpu.memory_space<vmem>>
      tpu.enqueue_dma source(%dma_start3A_232 : memref<64x128xf32, #tpu.memory_space<vmem>>) target(%dma_start3A_228 : memref<64x128xf32, #tpu.memory_space<vmem_shared>>) target_semaphore(%run_scoped3A_220 : memref<!tpu.dma_semaphore, #tpu.memory_space<semaphore_mem>>)
      %dma_wait3A_233 = arith.constant 0 : i32
      %dma_wait3A_234 = arith.constant 0 : i32
      %dma_wait3A_235 = tpu.memref_slice %arg6[%run_scoped3A_44, %dma_wait3A_233, %dma_wait3A_234] : memref<4x64x128xf32, #tpu.memory_space<vmem>> -> memref<1x64x128xf32, #tpu.memory_space<vmem>>
      %dma_wait3A_236 = tpu.memref_squeeze %dma_wait3A_235 : memref<1x64x128xf32, #tpu.memory_space<vmem>> -> memref<64x128xf32, #tpu.memory_space<vmem>>
      %dma_wait3A_237 = arith.constant 0 : i32
      %dma_wait3A_238 = tpu.memref_slice %arg7[%add3A_43, %dma_wait3A_237] : memref<10240x128xf32, #tpu.memory_space<vmem_shared>> -> memref<64x128xf32, #tpu.memory_space<vmem_shared>>
      %dma_wait3A_239 = arith.constant 0 : i32
      %dma_wait3A_240 = tpu.memref_slice %arg7[%add3A_43, %dma_wait3A_239] : memref<10240x128xf32, #tpu.memory_space<vmem_shared>> -> memref<64x128xf32, #tpu.memory_space<vmem_shared>>
      %dma_wait3A_241 = arith.constant 0 : i32
      %dma_wait3A_242 = arith.constant 0 : i32
      %dma_wait3A_243 = tpu.memref_slice %arg6[%run_scoped3A_44, %dma_wait3A_241, %dma_wait3A_242] : memref<4x64x128xf32, #tpu.memory_space<vmem>> -> memref<1x64x128xf32, #tpu.memory_space<vmem>>
      %dma_wait3A_244 = tpu.memref_squeeze %dma_wait3A_243 : memref<1x64x128xf32, #tpu.memory_space<vmem>> -> memref<64x128xf32, #tpu.memory_space<vmem>>
      tpu.wait_dma2 semaphore(%run_scoped3A_220 : memref<!tpu.dma_semaphore, #tpu.memory_space<semaphore_mem>>) src(%dma_wait3A_244 : memref<64x128xf32, #tpu.memory_space<vmem>>) dst(%dma_wait3A_240 : memref<64x128xf32, #tpu.memory_space<vmem_shared>>)
      tpu.yield
    }) : () -> ()
    %mul3A_45 = arith.constant 640 : i32
    %mul3A_46 = arith.muli %arg1, %mul3A_45 : i32
    %add3A_47 = arith.constant 384 : i32
    %add3A_48 = arith.addi %mul3A_46, %add3A_47 : i32
    %add3A_49 = arith.constant 64 : i32
    %add3A_50 = arith.addi %add3A_48, %add3A_49 : i32
    %run_scoped3A_51 = arith.constant 1 : i32
    "tpu.region"() ({
      %run_scoped3A_220 = tpu.sem_alloc : memref<!tpu.dma_semaphore, #tpu.memory_space<semaphore_mem>>
      %dma_start3A_221 = arith.constant 0 : i32
      %dma_start3A_222 = arith.constant 0 : i32
      %dma_start3A_223 = tpu.memref_slice %arg6[%run_scoped3A_51, %dma_start3A_221, %dma_start3A_222] : memref<4x64x128xf32, #tpu.memory_space<vmem>> -> memref<1x64x128xf32, #tpu.memory_space<vmem>>
      %dma_start3A_224 = tpu.memref_squeeze %dma_start3A_223 : memref<1x64x128xf32, #tpu.memory_space<vmem>> -> memref<64x128xf32, #tpu.memory_space<vmem>>
      %dma_start3A_225 = arith.constant 0 : i32
      %dma_start3A_226 = tpu.memref_slice %arg7[%add3A_50, %dma_start3A_225] : memref<10240x128xf32, #tpu.memory_space<vmem_shared>> -> memref<64x128xf32, #tpu.memory_space<vmem_shared>>
      %dma_start3A_227 = arith.constant 0 : i32
      %dma_start3A_228 = tpu.memref_slice %arg7[%add3A_50, %dma_start3A_227] : memref<10240x128xf32, #tpu.memory_space<vmem_shared>> -> memref<64x128xf32, #tpu.memory_space<vmem_shared>>
      %dma_start3A_229 = arith.constant 0 : i32
      %dma_start3A_230 = arith.constant 0 : i32
      %dma_start3A_231 = tpu.memref_slice %arg6[%run_scoped3A_51, %dma_start3A_229, %dma_start3A_230] : memref<4x64x128xf32, #tpu.memory_space<vmem>> -> memref<1x64x128xf32, #tpu.memory_space<vmem>>
      %dma_start3A_232 = tpu.memref_squeeze %dma_start3A_231 : memref<1x64x128xf32, #tpu.memory_space<vmem>> -> memref<64x128xf32, #tpu.memory_space<vmem>>
      tpu.enqueue_dma source(%dma_start3A_232 : memref<64x128xf32, #tpu.memory_space<vmem>>) target(%dma_start3A_228 : memref<64x128xf32, #tpu.memory_space<vmem_shared>>) target_semaphore(%run_scoped3A_220 : memref<!tpu.dma_semaphore, #tpu.memory_space<semaphore_mem>>)
      %dma_wait3A_233 = arith.constant 0 : i32
      %dma_wait3A_234 = arith.constant 0 : i32
      %dma_wait3A_235 = tpu.memref_slice %arg6[%run_scoped3A_51, %dma_wait3A_233, %dma_wait3A_234] : memref<4x64x128xf32, #tpu.memory_space<vmem>> -> memref<1x64x128xf32, #tpu.memory_space<vmem>>
      %dma_wait3A_236 = tpu.memref_squeeze %dma_wait3A_235 : memref<1x64x128xf32, #tpu.memory_space<vmem>> -> memref<64x128xf32, #tpu.memory_space<vmem>>
      %dma_wait3A_237 = arith.constant 0 : i32
      %dma_wait3A_238 = tpu.memref_slice %arg7[%add3A_50, %dma_wait3A_237] : memref<10240x128xf32, #tpu.memory_space<vmem_shared>> -> memref<64x128xf32, #tpu.memory_space<vmem_shared>>
      %dma_wait3A_239 = arith.constant 0 : i32
      %dma_wait3A_240 = tpu.memref_slice %arg7[%add3A_50, %dma_wait3A_239] : memref<10240x128xf32, #tpu.memory_space<vmem_shared>> -> memref<64x128xf32, #tpu.memory_space<vmem_shared>>
      %dma_wait3A_241 = arith.constant 0 : i32
      %dma_wait3A_242 = arith.constant 0 : i32
      %dma_wait3A_243 = tpu.memref_slice %arg6[%run_scoped3A_51, %dma_wait3A_241, %dma_wait3A_242] : memref<4x64x128xf32, #tpu.memory_space<vmem>> -> memref<1x64x128xf32, #tpu.memory_space<vmem>>
      %dma_wait3A_244 = tpu.memref_squeeze %dma_wait3A_243 : memref<1x64x128xf32, #tpu.memory_space<vmem>> -> memref<64x128xf32, #tpu.memory_space<vmem>>
      tpu.wait_dma2 semaphore(%run_scoped3A_220 : memref<!tpu.dma_semaphore, #tpu.memory_space<semaphore_mem>>) src(%dma_wait3A_244 : memref<64x128xf32, #tpu.memory_space<vmem>>) dst(%dma_wait3A_240 : memref<64x128xf32, #tpu.memory_space<vmem_shared>>)
      tpu.yield
    }) : () -> ()
    %mul3A_52 = arith.constant 640 : i32
    %mul3A_53 = arith.muli %arg1, %mul3A_52 : i32
    %add3A_54 = arith.constant 512 : i32
    %add3A_55 = arith.addi %mul3A_53, %add3A_54 : i32
    %run_scoped3A_56 = arith.constant 0 : i32
    "tpu.region"() ({
      %run_scoped3A_220 = tpu.sem_alloc : memref<!tpu.dma_semaphore, #tpu.memory_space<semaphore_mem>>
      %dma_start3A_221 = arith.constant 0 : i32
      %dma_start3A_222 = arith.constant 0 : i32
      %dma_start3A_223 = tpu.memref_slice %arg6[%run_scoped3A_56, %dma_start3A_221, %dma_start3A_222] : memref<4x64x128xf32, #tpu.memory_space<vmem>> -> memref<1x64x128xf32, #tpu.memory_space<vmem>>
      %dma_start3A_224 = tpu.memref_squeeze %dma_start3A_223 : memref<1x64x128xf32, #tpu.memory_space<vmem>> -> memref<64x128xf32, #tpu.memory_space<vmem>>
      %dma_start3A_225 = arith.constant 0 : i32
      %dma_start3A_226 = tpu.memref_slice %arg7[%add3A_55, %dma_start3A_225] : memref<10240x128xf32, #tpu.memory_space<vmem_shared>> -> memref<64x128xf32, #tpu.memory_space<vmem_shared>>
      %dma_start3A_227 = arith.constant 0 : i32
      %dma_start3A_228 = tpu.memref_slice %arg7[%add3A_55, %dma_start3A_227] : memref<10240x128xf32, #tpu.memory_space<vmem_shared>> -> memref<64x128xf32, #tpu.memory_space<vmem_shared>>
      %dma_start3A_229 = arith.constant 0 : i32
      %dma_start3A_230 = arith.constant 0 : i32
      %dma_start3A_231 = tpu.memref_slice %arg6[%run_scoped3A_56, %dma_start3A_229, %dma_start3A_230] : memref<4x64x128xf32, #tpu.memory_space<vmem>> -> memref<1x64x128xf32, #tpu.memory_space<vmem>>
      %dma_start3A_232 = tpu.memref_squeeze %dma_start3A_231 : memref<1x64x128xf32, #tpu.memory_space<vmem>> -> memref<64x128xf32, #tpu.memory_space<vmem>>
      tpu.enqueue_dma source(%dma_start3A_232 : memref<64x128xf32, #tpu.memory_space<vmem>>) target(%dma_start3A_228 : memref<64x128xf32, #tpu.memory_space<vmem_shared>>) target_semaphore(%run_scoped3A_220 : memref<!tpu.dma_semaphore, #tpu.memory_space<semaphore_mem>>)
      %dma_wait3A_233 = arith.constant 0 : i32
      %dma_wait3A_234 = arith.constant 0 : i32
      %dma_wait3A_235 = tpu.memref_slice %arg6[%run_scoped3A_56, %dma_wait3A_233, %dma_wait3A_234] : memref<4x64x128xf32, #tpu.memory_space<vmem>> -> memref<1x64x128xf32, #tpu.memory_space<vmem>>
      %dma_wait3A_236 = tpu.memref_squeeze %dma_wait3A_235 : memref<1x64x128xf32, #tpu.memory_space<vmem>> -> memref<64x128xf32, #tpu.memory_space<vmem>>
      %dma_wait3A_237 = arith.constant 0 : i32
      %dma_wait3A_238 = tpu.memref_slice %arg7[%add3A_55, %dma_wait3A_237] : memref<10240x128xf32, #tpu.memory_space<vmem_shared>> -> memref<64x128xf32, #tpu.memory_space<vmem_shared>>
      %dma_wait3A_239 = arith.constant 0 : i32
      %dma_wait3A_240 = tpu.memref_slice %arg7[%add3A_55, %dma_wait3A_239] : memref<10240x128xf32, #tpu.memory_space<vmem_shared>> -> memref<64x128xf32, #tpu.memory_space<vmem_shared>>
      %dma_wait3A_241 = arith.constant 0 : i32
      %dma_wait3A_242 = arith.constant 0 : i32
      %dma_wait3A_243 = tpu.memref_slice %arg6[%run_scoped3A_56, %dma_wait3A_241, %dma_wait3A_242] : memref<4x64x128xf32, #tpu.memory_space<vmem>> -> memref<1x64x128xf32, #tpu.memory_space<vmem>>
      %dma_wait3A_244 = tpu.memref_squeeze %dma_wait3A_243 : memref<1x64x128xf32, #tpu.memory_space<vmem>> -> memref<64x128xf32, #tpu.memory_space<vmem>>
      tpu.wait_dma2 semaphore(%run_scoped3A_220 : memref<!tpu.dma_semaphore, #tpu.memory_space<semaphore_mem>>) src(%dma_wait3A_244 : memref<64x128xf32, #tpu.memory_space<vmem>>) dst(%dma_wait3A_240 : memref<64x128xf32, #tpu.memory_space<vmem_shared>>)
      tpu.yield
    }) : () -> ()
    %mul3A_57 = arith.constant 640 : i32
    %mul3A_58 = arith.muli %arg1, %mul3A_57 : i32
    %add3A_59 = arith.constant 512 : i32
    %add3A_60 = arith.addi %mul3A_58, %add3A_59 : i32
    %add3A_61 = arith.constant 64 : i32
    %add3A_62 = arith.addi %add3A_60, %add3A_61 : i32
    %run_scoped3A_63 = arith.constant 1 : i32
    "tpu.region"() ({
      %run_scoped3A_220 = tpu.sem_alloc : memref<!tpu.dma_semaphore, #tpu.memory_space<semaphore_mem>>
      %dma_start3A_221 = arith.constant 0 : i32
      %dma_start3A_222 = arith.constant 0 : i32
      %dma_start3A_223 = tpu.memref_slice %arg6[%run_scoped3A_63, %dma_start3A_221, %dma_start3A_222] : memref<4x64x128xf32, #tpu.memory_space<vmem>> -> memref<1x64x128xf32, #tpu.memory_space<vmem>>
      %dma_start3A_224 = tpu.memref_squeeze %dma_start3A_223 : memref<1x64x128xf32, #tpu.memory_space<vmem>> -> memref<64x128xf32, #tpu.memory_space<vmem>>
      %dma_start3A_225 = arith.constant 0 : i32
      %dma_start3A_226 = tpu.memref_slice %arg7[%add3A_62, %dma_start3A_225] : memref<10240x128xf32, #tpu.memory_space<vmem_shared>> -> memref<64x128xf32, #tpu.memory_space<vmem_shared>>
      %dma_start3A_227 = arith.constant 0 : i32
      %dma_start3A_228 = tpu.memref_slice %arg7[%add3A_62, %dma_start3A_227] : memref<10240x128xf32, #tpu.memory_space<vmem_shared>> -> memref<64x128xf32, #tpu.memory_space<vmem_shared>>
      %dma_start3A_229 = arith.constant 0 : i32
      %dma_start3A_230 = arith.constant 0 : i32
      %dma_start3A_231 = tpu.memref_slice %arg6[%run_scoped3A_63, %dma_start3A_229, %dma_start3A_230] : memref<4x64x128xf32, #tpu.memory_space<vmem>> -> memref<1x64x128xf32, #tpu.memory_space<vmem>>
      %dma_start3A_232 = tpu.memref_squeeze %dma_start3A_231 : memref<1x64x128xf32, #tpu.memory_space<vmem>> -> memref<64x128xf32, #tpu.memory_space<vmem>>
      tpu.enqueue_dma source(%dma_start3A_232 : memref<64x128xf32, #tpu.memory_space<vmem>>) target(%dma_start3A_228 : memref<64x128xf32, #tpu.memory_space<vmem_shared>>) target_semaphore(%run_scoped3A_220 : memref<!tpu.dma_semaphore, #tpu.memory_space<semaphore_mem>>)
      %dma_wait3A_233 = arith.constant 0 : i32
      %dma_wait3A_234 = arith.constant 0 : i32
      %dma_wait3A_235 = tpu.memref_slice %arg6[%run_scoped3A_63, %dma_wait3A_233, %dma_wait3A_234] : memref<4x64x128xf32, #tpu.memory_space<vmem>> -> memref<1x64x128xf32, #tpu.memory_space<vmem>>
      %dma_wait3A_236 = tpu.memref_squeeze %dma_wait3A_235 : memref<1x64x128xf32, #tpu.memory_space<vmem>> -> memref<64x128xf32, #tpu.memory_space<vmem>>
      %dma_wait3A_237 = arith.constant 0 : i32
      %dma_wait3A_238 = tpu.memref_slice %arg7[%add3A_62, %dma_wait3A_237] : memref<10240x128xf32, #tpu.memory_space<vmem_shared>> -> memref<64x128xf32, #tpu.memory_space<vmem_shared>>
      %dma_wait3A_239 = arith.constant 0 : i32
      %dma_wait3A_240 = tpu.memref_slice %arg7[%add3A_62, %dma_wait3A_239] : memref<10240x128xf32, #tpu.memory_space<vmem_shared>> -> memref<64x128xf32, #tpu.memory_space<vmem_shared>>
      %dma_wait3A_241 = arith.constant 0 : i32
      %dma_wait3A_242 = arith.constant 0 : i32
      %dma_wait3A_243 = tpu.memref_slice %arg6[%run_scoped3A_63, %dma_wait3A_241, %dma_wait3A_242] : memref<4x64x128xf32, #tpu.memory_space<vmem>> -> memref<1x64x128xf32, #tpu.memory_space<vmem>>
      %dma_wait3A_244 = tpu.memref_squeeze %dma_wait3A_243 : memref<1x64x128xf32, #tpu.memory_space<vmem>> -> memref<64x128xf32, #tpu.memory_space<vmem>>
      tpu.wait_dma2 semaphore(%run_scoped3A_220 : memref<!tpu.dma_semaphore, #tpu.memory_space<semaphore_mem>>) src(%dma_wait3A_244 : memref<64x128xf32, #tpu.memory_space<vmem>>) dst(%dma_wait3A_240 : memref<64x128xf32, #tpu.memory_space<vmem_shared>>)
      tpu.yield
    }) : () -> ()
    %barrier3A = arith.constant 0 : index
    tpu.barrier barrier_id(%barrier3A)
    %mul3A_64 = arith.constant 1280 : i32
    %mul3A_65 = arith.muli %arg0, %mul3A_64 : i32
    %mul3A_66 = arith.constant 80 : i32
    %mul3A_67 = arith.muli %arg1, %mul3A_66 : i32
    %add3A_68 = arith.addi %mul3A_65, %mul3A_67 : i32
    %mul3A_69 = arith.constant 2 : i32
    %mul3A_70 = arith.muli %mul3A_69, %add3A_68 : i32
    %add3A_71 = arith.constant 0 : i32
    %add3A_72 = arith.addi %mul3A_70, %add3A_71 : i32
    "tpu.region"() ({
      %run_scoped3A_220 = tpu.sem_alloc : memref<!tpu.dma_semaphore, #tpu.memory_space<semaphore_mem>>
      %dma_start3A_221 = arith.constant 0 : i32
      %dma_start3A_222 = arith.constant 0 : i32
      %dma_start3A_223 = tpu.memref_slice %arg3[%dma_start3A_221, %add3A_72, %dma_start3A_222] : memref<2x5120x64xi32, #tpu.memory_space<hbm>> -> memref<2x80x64xi32, #tpu.memory_space<hbm>>
      %dma_start3A_224 = arith.constant 0 : i32
      %dma_start3A_225 = arith.constant 0 : i32
      %dma_start3A_226 = tpu.memref_slice %arg3[%dma_start3A_224, %add3A_72, %dma_start3A_225] : memref<2x5120x64xi32, #tpu.memory_space<hbm>> -> memref<2x80x64xi32, #tpu.memory_space<hbm>>
      tpu.enqueue_dma source(%dma_start3A_226 : memref<2x80x64xi32, #tpu.memory_space<hbm>>) target(%arg5 : memref<2x80x64xi32, #tpu.memory_space<vmem>>) target_semaphore(%run_scoped3A_220 : memref<!tpu.dma_semaphore, #tpu.memory_space<semaphore_mem>>)
      %dma_wait3A_227 = arith.constant 0 : i32
      %dma_wait3A_228 = arith.constant 0 : i32
      %dma_wait3A_229 = tpu.memref_slice %arg3[%dma_wait3A_227, %add3A_72, %dma_wait3A_228] : memref<2x5120x64xi32, #tpu.memory_space<hbm>> -> memref<2x80x64xi32, #tpu.memory_space<hbm>>
      %dma_wait3A_230 = arith.constant 0 : i32
      %dma_wait3A_231 = arith.constant 0 : i32
      %dma_wait3A_232 = tpu.memref_slice %arg3[%dma_wait3A_230, %add3A_72, %dma_wait3A_231] : memref<2x5120x64xi32, #tpu.memory_space<hbm>> -> memref<2x80x64xi32, #tpu.memory_space<hbm>>
      tpu.wait_dma2 semaphore(%run_scoped3A_220 : memref<!tpu.dma_semaphore, #tpu.memory_space<semaphore_mem>>) src(%dma_wait3A_232 : memref<2x80x64xi32, #tpu.memory_space<hbm>>) dst(%arg5 : memref<2x80x64xi32, #tpu.memory_space<vmem>>)
      tpu.yield
    }) : () -> ()
    %dma_start3A = arith.constant 0 : i32
    %dma_start3A_73 = arith.constant 0 : i32
    %dma_start3A_74 = arith.constant 0 : i32
    %dma_start3A_75 = arith.constant 0 : i32
    %dma_start3A_76 = arith.constant 0 : i32
    %dma_start3A_77 = tpu.memref_slice %arg6[%dma_start3A_74, %dma_start3A_75, %dma_start3A_76] : memref<4x64x128xf32, #tpu.memory_space<vmem>> -> memref<1x64x128xf32, #tpu.memory_space<vmem>>
    %dma_start3A_78 = tpu.memref_squeeze %dma_start3A_77 : memref<1x64x128xf32, #tpu.memory_space<vmem>> -> memref<64x128xf32, #tpu.memory_space<vmem>>
    %dma_start3A_79 = arith.constant 0 : i32
    %dma_start3A_80 = tpu.memref_slice %arg5[%dma_start3A, %dma_start3A_73, %dma_start3A_79] : memref<2x80x64xi32, #tpu.memory_space<vmem>> -> memref<1x1x64xi32, #tpu.memory_space<vmem>>
    %dma_start3A_81 = tpu.memref_squeeze %dma_start3A_80 : memref<1x1x64xi32, #tpu.memory_space<vmem>> -> memref<64xi32, #tpu.memory_space<vmem>>
    %dma_start3A_82 = arith.constant 0 : i32
    %dma_start3A_83 = arith.constant 0 : i32
    %dma_start3A_84 = tpu.memref_slice %arg2[%dma_start3A_82, %dma_start3A_83] : memref<10240x128xf32, #tpu.memory_space<hbm>> -> memref<10240x128xf32, #tpu.memory_space<hbm>>
    tpu.enqueue_indirect_dma source(%dma_start3A_84 : memref<10240x128xf32, #tpu.memory_space<hbm>>) target(%dma_start3A_78 : memref<64x128xf32, #tpu.memory_space<vmem>>) offsets(%dma_start3A_81 : memref<64xi32, #tpu.memory_space<vmem>>) semaphore(%arg8 : memref<!tpu.dma_semaphore, #tpu.memory_space<semaphore_mem>>)
    %dma_start3A_85 = arith.constant 0 : i32
    %dma_start3A_86 = arith.constant 1 : i32
    %dma_start3A_87 = arith.constant 1 : i32
    %dma_start3A_88 = arith.constant 0 : i32
    %dma_start3A_89 = arith.constant 0 : i32
    %dma_start3A_90 = tpu.memref_slice %arg6[%dma_start3A_87, %dma_start3A_88, %dma_start3A_89] : memref<4x64x128xf32, #tpu.memory_space<vmem>> -> memref<1x64x128xf32, #tpu.memory_space<vmem>>
    %dma_start3A_91 = tpu.memref_squeeze %dma_start3A_90 : memref<1x64x128xf32, #tpu.memory_space<vmem>> -> memref<64x128xf32, #tpu.memory_space<vmem>>
    %dma_start3A_92 = arith.constant 0 : i32
    %dma_start3A_93 = tpu.memref_slice %arg5[%dma_start3A_85, %dma_start3A_86, %dma_start3A_92] : memref<2x80x64xi32, #tpu.memory_space<vmem>> -> memref<1x1x64xi32, #tpu.memory_space<vmem>>
    %dma_start3A_94 = tpu.memref_squeeze %dma_start3A_93 : memref<1x1x64xi32, #tpu.memory_space<vmem>> -> memref<64xi32, #tpu.memory_space<vmem>>
    %dma_start3A_95 = arith.constant 0 : i32
    %dma_start3A_96 = arith.constant 0 : i32
    %dma_start3A_97 = tpu.memref_slice %arg2[%dma_start3A_95, %dma_start3A_96] : memref<10240x128xf32, #tpu.memory_space<hbm>> -> memref<10240x128xf32, #tpu.memory_space<hbm>>
    tpu.enqueue_indirect_dma source(%dma_start3A_97 : memref<10240x128xf32, #tpu.memory_space<hbm>>) target(%dma_start3A_91 : memref<64x128xf32, #tpu.memory_space<vmem>>) offsets(%dma_start3A_94 : memref<64xi32, #tpu.memory_space<vmem>>) semaphore(%arg9 : memref<!tpu.dma_semaphore, #tpu.memory_space<semaphore_mem>>)
    %scan3A_98 = arith.constant 0 : i32
    %scan3A_99 = arith.constant 0 : i32
    %scan3A_100 = arith.constant 20 : i32
    %scan3A_101 = arith.addi %scan3A_99, %scan3A_100 : i32
    %scan3A_102 = arith.constant 1 : i32
    %scan3A_103 = scf.for %scan3A_220 = %scan3A_99 to %scan3A_101 step %scan3A_102 iter_args(%scan3A_221 = %scan3A_98) -> (i32)  : i32 {
      %mul3A_222 = arith.constant 4 : i32
      %mul3A_223 = arith.muli %mul3A_222, %scan3A_220 : i32
      %add3A_224 = arith.constant 0 : i32
      %add3A_225 = arith.addi %mul3A_223, %add3A_224 : i32
      %ge3A = arith.constant 2 : i32
      %ge3A_226 = arith.cmpi sge, %add3A_225, %ge3A : i32
      %convert_element_type3A = arith.extui %ge3A_226 : i1 to i32
      %cond3A = arith.constant 0 : i32
      %cond3A_227 = arith.cmpi ne, %convert_element_type3A, %cond3A : i32
      scf.if %cond3A_227 {
        %dma_wait3A_391 = arith.constant 0 : i32
        %dma_wait3A_392 = arith.constant 0 : i32
        %dma_wait3A_393 = arith.constant 0 : i32
        %dma_wait3A_394 = tpu.memref_slice %arg6[%dma_wait3A_391, %dma_wait3A_392, %dma_wait3A_393] : memref<4x64x128xf32, #tpu.memory_space<vmem>> -> memref<1x64x128xf32, #tpu.memory_space<vmem>>
        %dma_wait3A_395 = tpu.memref_squeeze %dma_wait3A_394 : memref<1x64x128xf32, #tpu.memory_space<vmem>> -> memref<64x128xf32, #tpu.memory_space<vmem>>
        %dma_wait3A_396 = arith.constant 0 : i32
        %dma_wait3A_397 = arith.constant 0 : i32
        %dma_wait3A_398 = tpu.memref_slice %arg2[%dma_wait3A_396, %dma_wait3A_397] : memref<10240x128xf32, #tpu.memory_space<hbm>> -> memref<64x128xf32, #tpu.memory_space<hbm>>
        %dma_wait3A_399 = arith.constant 0 : i32
        %dma_wait3A_400 = arith.constant 0 : i32
        %dma_wait3A_401 = tpu.memref_slice %arg6[%dma_wait3A_391, %dma_wait3A_399, %dma_wait3A_400] : memref<4x64x128xf32, #tpu.memory_space<vmem>> -> memref<1x64x128xf32, #tpu.memory_space<vmem>>
        %dma_wait3A_402 = tpu.memref_squeeze %dma_wait3A_401 : memref<1x64x128xf32, #tpu.memory_space<vmem>> -> memref<64x128xf32, #tpu.memory_space<vmem>>
        %dma_wait3A_403 = arith.constant 0 : i32
        %dma_wait3A_404 = arith.constant 0 : i32
        %dma_wait3A_405 = tpu.memref_slice %arg2[%dma_wait3A_403, %dma_wait3A_404] : memref<10240x128xf32, #tpu.memory_space<hbm>> -> memref<64x128xf32, #tpu.memory_space<hbm>>
        tpu.wait_dma2 semaphore(%arg14 : memref<!tpu.dma_semaphore, #tpu.memory_space<semaphore_mem>>) src(%dma_wait3A_405 : memref<64x128xf32, #tpu.memory_space<hbm>>) dst(%dma_wait3A_402 : memref<64x128xf32, #tpu.memory_space<vmem>>)
      } else {
      }
      %add3A_228 = arith.constant 2 : i32
      %add3A_229 = arith.addi %add3A_225, %add3A_228 : i32
      %lt3A = arith.constant 80 : i32
      %lt3A_230 = arith.cmpi slt, %add3A_229, %lt3A : i32
      %convert_element_type3A_231 = arith.extui %lt3A_230 : i1 to i32
      %cond3A_232 = arith.constant 0 : i32
      %cond3A_233 = arith.cmpi ne, %convert_element_type3A_231, %cond3A_232 : i32
      scf.if %cond3A_233 {
        %add3A_391 = arith.constant 2 : i32
        %add3A_392 = arith.addi %add3A_225, %add3A_391 : i32
        %dma_start3A_393 = arith.constant 0 : i32
        %dma_start3A_394 = arith.constant 2 : i32
        %dma_start3A_395 = arith.constant 0 : i32
        %dma_start3A_396 = arith.constant 0 : i32
        %dma_start3A_397 = tpu.memref_slice %arg6[%dma_start3A_394, %dma_start3A_395, %dma_start3A_396] : memref<4x64x128xf32, #tpu.memory_space<vmem>> -> memref<1x64x128xf32, #tpu.memory_space<vmem>>
        %dma_start3A_398 = tpu.memref_squeeze %dma_start3A_397 : memref<1x64x128xf32, #tpu.memory_space<vmem>> -> memref<64x128xf32, #tpu.memory_space<vmem>>
        %dma_start3A_399 = arith.constant 0 : i32
        %dma_start3A_400 = tpu.memref_slice %arg5[%dma_start3A_393, %add3A_392, %dma_start3A_399] : memref<2x80x64xi32, #tpu.memory_space<vmem>> -> memref<1x1x64xi32, #tpu.memory_space<vmem>>
        %dma_start3A_401 = tpu.memref_squeeze %dma_start3A_400 : memref<1x1x64xi32, #tpu.memory_space<vmem>> -> memref<64xi32, #tpu.memory_space<vmem>>
        %dma_start3A_402 = arith.constant 0 : i32
        %dma_start3A_403 = arith.constant 0 : i32
        %dma_start3A_404 = tpu.memref_slice %arg2[%dma_start3A_402, %dma_start3A_403] : memref<10240x128xf32, #tpu.memory_space<hbm>> -> memref<10240x128xf32, #tpu.memory_space<hbm>>
        tpu.enqueue_indirect_dma source(%dma_start3A_404 : memref<10240x128xf32, #tpu.memory_space<hbm>>) target(%dma_start3A_398 : memref<64x128xf32, #tpu.memory_space<vmem>>) offsets(%dma_start3A_401 : memref<64xi32, #tpu.memory_space<vmem>>) semaphore(%arg10 : memref<!tpu.dma_semaphore, #tpu.memory_space<semaphore_mem>>)
      } else {
      }
      %dma_wait3A_234 = arith.constant 0 : i32
      %dma_wait3A_235 = arith.constant 0 : i32
      %dma_wait3A_236 = arith.constant 0 : i32
      %dma_wait3A_237 = tpu.memref_slice %arg6[%dma_wait3A_234, %dma_wait3A_235, %dma_wait3A_236] : memref<4x64x128xf32, #tpu.memory_space<vmem>> -> memref<1x64x128xf32, #tpu.memory_space<vmem>>
      %dma_wait3A_238 = tpu.memref_squeeze %dma_wait3A_237 : memref<1x64x128xf32, #tpu.memory_space<vmem>> -> memref<64x128xf32, #tpu.memory_space<vmem>>
      %dma_wait3A_239 = arith.constant 0 : i32
      %dma_wait3A_240 = arith.constant 0 : i32
      %dma_wait3A_241 = tpu.memref_slice %arg2[%dma_wait3A_239, %dma_wait3A_240] : memref<10240x128xf32, #tpu.memory_space<hbm>> -> memref<64x128xf32, #tpu.memory_space<hbm>>
      %dma_wait3A_242 = arith.constant 0 : i32
      %dma_wait3A_243 = arith.constant 0 : i32
      %dma_wait3A_244 = tpu.memref_slice %arg6[%dma_wait3A_234, %dma_wait3A_242, %dma_wait3A_243] : memref<4x64x128xf32, #tpu.memory_space<vmem>> -> memref<1x64x128xf32, #tpu.memory_space<vmem>>
      %dma_wait3A_245 = tpu.memref_squeeze %dma_wait3A_244 : memref<1x64x128xf32, #tpu.memory_space<vmem>> -> memref<64x128xf32, #tpu.memory_space<vmem>>
      %dma_wait3A_246 = arith.constant 0 : i32
      %dma_wait3A_247 = arith.constant 0 : i32
      %dma_wait3A_248 = tpu.memref_slice %arg2[%dma_wait3A_246, %dma_wait3A_247] : memref<10240x128xf32, #tpu.memory_space<hbm>> -> memref<64x128xf32, #tpu.memory_space<hbm>>
      tpu.wait_dma2 semaphore(%arg8 : memref<!tpu.dma_semaphore, #tpu.memory_space<semaphore_mem>>) src(%dma_wait3A_248 : memref<64x128xf32, #tpu.memory_space<hbm>>) dst(%dma_wait3A_245 : memref<64x128xf32, #tpu.memory_space<vmem>>)
      %dma_start3A_249 = arith.constant 0 : i32
      %dma_start3A_250 = arith.constant 1 : i32
      %dma_start3A_251 = arith.constant 0 : i32
      %dma_start3A_252 = arith.constant 0 : i32
      %dma_start3A_253 = tpu.memref_slice %arg6[%dma_start3A_249, %dma_start3A_251, %dma_start3A_252] : memref<4x64x128xf32, #tpu.memory_space<vmem>> -> memref<1x64x128xf32, #tpu.memory_space<vmem>>
      %dma_start3A_254 = tpu.memref_squeeze %dma_start3A_253 : memref<1x64x128xf32, #tpu.memory_space<vmem>> -> memref<64x128xf32, #tpu.memory_space<vmem>>
      %dma_start3A_255 = arith.constant 0 : i32
      %dma_start3A_256 = tpu.memref_slice %arg5[%dma_start3A_250, %add3A_225, %dma_start3A_255] : memref<2x80x64xi32, #tpu.memory_space<vmem>> -> memref<1x1x64xi32, #tpu.memory_space<vmem>>
      %dma_start3A_257 = tpu.memref_squeeze %dma_start3A_256 : memref<1x1x64xi32, #tpu.memory_space<vmem>> -> memref<64xi32, #tpu.memory_space<vmem>>
      %dma_start3A_258 = arith.constant 0 : i32
      %dma_start3A_259 = arith.constant 0 : i32
      %dma_start3A_260 = tpu.memref_slice %arg7[%dma_start3A_258, %dma_start3A_259] : memref<10240x128xf32, #tpu.memory_space<vmem_shared>> -> memref<10240x128xf32, #tpu.memory_space<vmem_shared>>
      tpu.enqueue_indirect_dma source(%dma_start3A_254 : memref<64x128xf32, #tpu.memory_space<vmem>>) target(%dma_start3A_260 : memref<10240x128xf32, #tpu.memory_space<vmem_shared>>) offsets(%dma_start3A_257 : memref<64xi32, #tpu.memory_space<vmem>>) semaphore(%arg12 : memref<!tpu.dma_semaphore, #tpu.memory_space<semaphore_mem>>) {add = true}
      %mul3A_261 = arith.constant 4 : i32
      %mul3A_262 = arith.muli %mul3A_261, %scan3A_220 : i32
      %add3A_263 = arith.constant 1 : i32
      %add3A_264 = arith.addi %mul3A_262, %add3A_263 : i32
      %ge3A_265 = arith.constant 2 : i32
      %ge3A_266 = arith.cmpi sge, %add3A_264, %ge3A_265 : i32
      %convert_element_type3A_267 = arith.extui %ge3A_266 : i1 to i32
      %cond3A_268 = arith.constant 0 : i32
      %cond3A_269 = arith.cmpi ne, %convert_element_type3A_267, %cond3A_268 : i32
      scf.if %cond3A_269 {
        %dma_wait3A_391 = arith.constant 0 : i32
        %dma_wait3A_392 = arith.constant 0 : i32
        %dma_wait3A_393 = arith.constant 0 : i32
        %dma_wait3A_394 = tpu.memref_slice %arg6[%dma_wait3A_391, %dma_wait3A_392, %dma_wait3A_393] : memref<4x64x128xf32, #tpu.memory_space<vmem>> -> memref<1x64x128xf32, #tpu.memory_space<vmem>>
        %dma_wait3A_395 = tpu.memref_squeeze %dma_wait3A_394 : memref<1x64x128xf32, #tpu.memory_space<vmem>> -> memref<64x128xf32, #tpu.memory_space<vmem>>
        %dma_wait3A_396 = arith.constant 0 : i32
        %dma_wait3A_397 = arith.constant 0 : i32
        %dma_wait3A_398 = tpu.memref_slice %arg2[%dma_wait3A_396, %dma_wait3A_397] : memref<10240x128xf32, #tpu.memory_space<hbm>> -> memref<64x128xf32, #tpu.memory_space<hbm>>
        %dma_wait3A_399 = arith.constant 0 : i32
        %dma_wait3A_400 = arith.constant 0 : i32
        %dma_wait3A_401 = tpu.memref_slice %arg6[%dma_wait3A_391, %dma_wait3A_399, %dma_wait3A_400] : memref<4x64x128xf32, #tpu.memory_space<vmem>> -> memref<1x64x128xf32, #tpu.memory_space<vmem>>
        %dma_wait3A_402 = tpu.memref_squeeze %dma_wait3A_401 : memref<1x64x128xf32, #tpu.memory_space<vmem>> -> memref<64x128xf32, #tpu.memory_space<vmem>>
        %dma_wait3A_403 = arith.constant 0 : i32
        %dma_wait3A_404 = arith.constant 0 : i32
        %dma_wait3A_405 = tpu.memref_slice %arg2[%dma_wait3A_403, %dma_wait3A_404] : memref<10240x128xf32, #tpu.memory_space<hbm>> -> memref<64x128xf32, #tpu.memory_space<hbm>>
        tpu.wait_dma2 semaphore(%arg15 : memref<!tpu.dma_semaphore, #tpu.memory_space<semaphore_mem>>) src(%dma_wait3A_405 : memref<64x128xf32, #tpu.memory_space<hbm>>) dst(%dma_wait3A_402 : memref<64x128xf32, #tpu.memory_space<vmem>>)
      } else {
      }
      %add3A_270 = arith.constant 2 : i32
      %add3A_271 = arith.addi %add3A_264, %add3A_270 : i32
      %lt3A_272 = arith.constant 80 : i32
      %lt3A_273 = arith.cmpi slt, %add3A_271, %lt3A_272 : i32
      %convert_element_type3A_274 = arith.extui %lt3A_273 : i1 to i32
      %cond3A_275 = arith.constant 0 : i32
      %cond3A_276 = arith.cmpi ne, %convert_element_type3A_274, %cond3A_275 : i32
      scf.if %cond3A_276 {
        %add3A_391 = arith.constant 2 : i32
        %add3A_392 = arith.addi %add3A_264, %add3A_391 : i32
        %dma_start3A_393 = arith.constant 0 : i32
        %dma_start3A_394 = arith.constant 3 : i32
        %dma_start3A_395 = arith.constant 0 : i32
        %dma_start3A_396 = arith.constant 0 : i32
        %dma_start3A_397 = tpu.memref_slice %arg6[%dma_start3A_394, %dma_start3A_395, %dma_start3A_396] : memref<4x64x128xf32, #tpu.memory_space<vmem>> -> memref<1x64x128xf32, #tpu.memory_space<vmem>>
        %dma_start3A_398 = tpu.memref_squeeze %dma_start3A_397 : memref<1x64x128xf32, #tpu.memory_space<vmem>> -> memref<64x128xf32, #tpu.memory_space<vmem>>
        %dma_start3A_399 = arith.constant 0 : i32
        %dma_start3A_400 = tpu.memref_slice %arg5[%dma_start3A_393, %add3A_392, %dma_start3A_399] : memref<2x80x64xi32, #tpu.memory_space<vmem>> -> memref<1x1x64xi32, #tpu.memory_space<vmem>>
        %dma_start3A_401 = tpu.memref_squeeze %dma_start3A_400 : memref<1x1x64xi32, #tpu.memory_space<vmem>> -> memref<64xi32, #tpu.memory_space<vmem>>
        %dma_start3A_402 = arith.constant 0 : i32
        %dma_start3A_403 = arith.constant 0 : i32
        %dma_start3A_404 = tpu.memref_slice %arg2[%dma_start3A_402, %dma_start3A_403] : memref<10240x128xf32, #tpu.memory_space<hbm>> -> memref<10240x128xf32, #tpu.memory_space<hbm>>
        tpu.enqueue_indirect_dma source(%dma_start3A_404 : memref<10240x128xf32, #tpu.memory_space<hbm>>) target(%dma_start3A_398 : memref<64x128xf32, #tpu.memory_space<vmem>>) offsets(%dma_start3A_401 : memref<64xi32, #tpu.memory_space<vmem>>) semaphore(%arg11 : memref<!tpu.dma_semaphore, #tpu.memory_space<semaphore_mem>>)
      } else {
      }
      %dma_wait3A_277 = arith.constant 0 : i32
      %dma_wait3A_278 = arith.constant 0 : i32
      %dma_wait3A_279 = arith.constant 0 : i32
      %dma_wait3A_280 = tpu.memref_slice %arg6[%dma_wait3A_277, %dma_wait3A_278, %dma_wait3A_279] : memref<4x64x128xf32, #tpu.memory_space<vmem>> -> memref<1x64x128xf32, #tpu.memory_space<vmem>>
      %dma_wait3A_281 = tpu.memref_squeeze %dma_wait3A_280 : memref<1x64x128xf32, #tpu.memory_space<vmem>> -> memref<64x128xf32, #tpu.memory_space<vmem>>
      %dma_wait3A_282 = arith.constant 0 : i32
      %dma_wait3A_283 = arith.constant 0 : i32
      %dma_wait3A_284 = tpu.memref_slice %arg2[%dma_wait3A_282, %dma_wait3A_283] : memref<10240x128xf32, #tpu.memory_space<hbm>> -> memref<64x128xf32, #tpu.memory_space<hbm>>
      %dma_wait3A_285 = arith.constant 0 : i32
      %dma_wait3A_286 = arith.constant 0 : i32
      %dma_wait3A_287 = tpu.memref_slice %arg6[%dma_wait3A_277, %dma_wait3A_285, %dma_wait3A_286] : memref<4x64x128xf32, #tpu.memory_space<vmem>> -> memref<1x64x128xf32, #tpu.memory_space<vmem>>
      %dma_wait3A_288 = tpu.memref_squeeze %dma_wait3A_287 : memref<1x64x128xf32, #tpu.memory_space<vmem>> -> memref<64x128xf32, #tpu.memory_space<vmem>>
      %dma_wait3A_289 = arith.constant 0 : i32
      %dma_wait3A_290 = arith.constant 0 : i32
      %dma_wait3A_291 = tpu.memref_slice %arg2[%dma_wait3A_289, %dma_wait3A_290] : memref<10240x128xf32, #tpu.memory_space<hbm>> -> memref<64x128xf32, #tpu.memory_space<hbm>>
      tpu.wait_dma2 semaphore(%arg9 : memref<!tpu.dma_semaphore, #tpu.memory_space<semaphore_mem>>) src(%dma_wait3A_291 : memref<64x128xf32, #tpu.memory_space<hbm>>) dst(%dma_wait3A_288 : memref<64x128xf32, #tpu.memory_space<vmem>>)
      %dma_start3A_292 = arith.constant 1 : i32
      %dma_start3A_293 = arith.constant 1 : i32
      %dma_start3A_294 = arith.constant 0 : i32
      %dma_start3A_295 = arith.constant 0 : i32
      %dma_start3A_296 = tpu.memref_slice %arg6[%dma_start3A_292, %dma_start3A_294, %dma_start3A_295] : memref<4x64x128xf32, #tpu.memory_space<vmem>> -> memref<1x64x128xf32, #tpu.memory_space<vmem>>
      %dma_start3A_297 = tpu.memref_squeeze %dma_start3A_296 : memref<1x64x128xf32, #tpu.memory_space<vmem>> -> memref<64x128xf32, #tpu.memory_space<vmem>>
      %dma_start3A_298 = arith.constant 0 : i32
      %dma_start3A_299 = tpu.memref_slice %arg5[%dma_start3A_293, %add3A_264, %dma_start3A_298] : memref<2x80x64xi32, #tpu.memory_space<vmem>> -> memref<1x1x64xi32, #tpu.memory_space<vmem>>
      %dma_start3A_300 = tpu.memref_squeeze %dma_start3A_299 : memref<1x1x64xi32, #tpu.memory_space<vmem>> -> memref<64xi32, #tpu.memory_space<vmem>>
      %dma_start3A_301 = arith.constant 0 : i32
      %dma_start3A_302 = arith.constant 0 : i32
      %dma_start3A_303 = tpu.memref_slice %arg7[%dma_start3A_301, %dma_start3A_302] : memref<10240x128xf32, #tpu.memory_space<vmem_shared>> -> memref<10240x128xf32, #tpu.memory_space<vmem_shared>>
      tpu.enqueue_indirect_dma source(%dma_start3A_297 : memref<64x128xf32, #tpu.memory_space<vmem>>) target(%dma_start3A_303 : memref<10240x128xf32, #tpu.memory_space<vmem_shared>>) offsets(%dma_start3A_300 : memref<64xi32, #tpu.memory_space<vmem>>) semaphore(%arg13 : memref<!tpu.dma_semaphore, #tpu.memory_space<semaphore_mem>>) {add = true}
      %mul3A_304 = arith.constant 4 : i32
      %mul3A_305 = arith.muli %mul3A_304, %scan3A_220 : i32
      %add3A_306 = arith.constant 2 : i32
      %add3A_307 = arith.addi %mul3A_305, %add3A_306 : i32
      %ge3A_308 = arith.constant 2 : i32
      %ge3A_309 = arith.cmpi sge, %add3A_307, %ge3A_308 : i32
      %convert_element_type3A_310 = arith.extui %ge3A_309 : i1 to i32
      %cond3A_311 = arith.constant 0 : i32
      %cond3A_312 = arith.cmpi ne, %convert_element_type3A_310, %cond3A_311 : i32
      scf.if %cond3A_312 {
        %dma_wait3A_391 = arith.constant 0 : i32
        %dma_wait3A_392 = arith.constant 0 : i32
        %dma_wait3A_393 = arith.constant 0 : i32
        %dma_wait3A_394 = tpu.memref_slice %arg6[%dma_wait3A_391, %dma_wait3A_392, %dma_wait3A_393] : memref<4x64x128xf32, #tpu.memory_space<vmem>> -> memref<1x64x128xf32, #tpu.memory_space<vmem>>
        %dma_wait3A_395 = tpu.memref_squeeze %dma_wait3A_394 : memref<1x64x128xf32, #tpu.memory_space<vmem>> -> memref<64x128xf32, #tpu.memory_space<vmem>>
        %dma_wait3A_396 = arith.constant 0 : i32
        %dma_wait3A_397 = arith.constant 0 : i32
        %dma_wait3A_398 = tpu.memref_slice %arg2[%dma_wait3A_396, %dma_wait3A_397] : memref<10240x128xf32, #tpu.memory_space<hbm>> -> memref<64x128xf32, #tpu.memory_space<hbm>>
        %dma_wait3A_399 = arith.constant 0 : i32
        %dma_wait3A_400 = arith.constant 0 : i32
        %dma_wait3A_401 = tpu.memref_slice %arg6[%dma_wait3A_391, %dma_wait3A_399, %dma_wait3A_400] : memref<4x64x128xf32, #tpu.memory_space<vmem>> -> memref<1x64x128xf32, #tpu.memory_space<vmem>>
        %dma_wait3A_402 = tpu.memref_squeeze %dma_wait3A_401 : memref<1x64x128xf32, #tpu.memory_space<vmem>> -> memref<64x128xf32, #tpu.memory_space<vmem>>
        %dma_wait3A_403 = arith.constant 0 : i32
        %dma_wait3A_404 = arith.constant 0 : i32
        %dma_wait3A_405 = tpu.memref_slice %arg2[%dma_wait3A_403, %dma_wait3A_404] : memref<10240x128xf32, #tpu.memory_space<hbm>> -> memref<64x128xf32, #tpu.memory_space<hbm>>
        tpu.wait_dma2 semaphore(%arg12 : memref<!tpu.dma_semaphore, #tpu.memory_space<semaphore_mem>>) src(%dma_wait3A_405 : memref<64x128xf32, #tpu.memory_space<hbm>>) dst(%dma_wait3A_402 : memref<64x128xf32, #tpu.memory_space<vmem>>)
      } else {
      }
      %add3A_313 = arith.constant 2 : i32
      %add3A_314 = arith.addi %add3A_307, %add3A_313 : i32
      %lt3A_315 = arith.constant 80 : i32
      %lt3A_316 = arith.cmpi slt, %add3A_314, %lt3A_315 : i32
      %convert_element_type3A_317 = arith.extui %lt3A_316 : i1 to i32
      %cond3A_318 = arith.constant 0 : i32
      %cond3A_319 = arith.cmpi ne, %convert_element_type3A_317, %cond3A_318 : i32
      scf.if %cond3A_319 {
        %add3A_391 = arith.constant 2 : i32
        %add3A_392 = arith.addi %add3A_307, %add3A_391 : i32
        %dma_start3A_393 = arith.constant 0 : i32
        %dma_start3A_394 = arith.constant 0 : i32
        %dma_start3A_395 = arith.constant 0 : i32
        %dma_start3A_396 = arith.constant 0 : i32
        %dma_start3A_397 = tpu.memref_slice %arg6[%dma_start3A_394, %dma_start3A_395, %dma_start3A_396] : memref<4x64x128xf32, #tpu.memory_space<vmem>> -> memref<1x64x128xf32, #tpu.memory_space<vmem>>
        %dma_start3A_398 = tpu.memref_squeeze %dma_start3A_397 : memref<1x64x128xf32, #tpu.memory_space<vmem>> -> memref<64x128xf32, #tpu.memory_space<vmem>>
        %dma_start3A_399 = arith.constant 0 : i32
        %dma_start3A_400 = tpu.memref_slice %arg5[%dma_start3A_393, %add3A_392, %dma_start3A_399] : memref<2x80x64xi32, #tpu.memory_space<vmem>> -> memref<1x1x64xi32, #tpu.memory_space<vmem>>
        %dma_start3A_401 = tpu.memref_squeeze %dma_start3A_400 : memref<1x1x64xi32, #tpu.memory_space<vmem>> -> memref<64xi32, #tpu.memory_space<vmem>>
        %dma_start3A_402 = arith.constant 0 : i32
        %dma_start3A_403 = arith.constant 0 : i32
        %dma_start3A_404 = tpu.memref_slice %arg2[%dma_start3A_402, %dma_start3A_403] : memref<10240x128xf32, #tpu.memory_space<hbm>> -> memref<10240x128xf32, #tpu.memory_space<hbm>>
        tpu.enqueue_indirect_dma source(%dma_start3A_404 : memref<10240x128xf32, #tpu.memory_space<hbm>>) target(%dma_start3A_398 : memref<64x128xf32, #tpu.memory_space<vmem>>) offsets(%dma_start3A_401 : memref<64xi32, #tpu.memory_space<vmem>>) semaphore(%arg8 : memref<!tpu.dma_semaphore, #tpu.memory_space<semaphore_mem>>)
      } else {
      }
      %dma_wait3A_320 = arith.constant 0 : i32
      %dma_wait3A_321 = arith.constant 0 : i32
      %dma_wait3A_322 = arith.constant 0 : i32
      %dma_wait3A_323 = tpu.memref_slice %arg6[%dma_wait3A_320, %dma_wait3A_321, %dma_wait3A_322] : memref<4x64x128xf32, #tpu.memory_space<vmem>> -> memref<1x64x128xf32, #tpu.memory_space<vmem>>
      %dma_wait3A_324 = tpu.memref_squeeze %dma_wait3A_323 : memref<1x64x128xf32, #tpu.memory_space<vmem>> -> memref<64x128xf32, #tpu.memory_space<vmem>>
      %dma_wait3A_325 = arith.constant 0 : i32
      %dma_wait3A_326 = arith.constant 0 : i32
      %dma_wait3A_327 = tpu.memref_slice %arg2[%dma_wait3A_325, %dma_wait3A_326] : memref<10240x128xf32, #tpu.memory_space<hbm>> -> memref<64x128xf32, #tpu.memory_space<hbm>>
      %dma_wait3A_328 = arith.constant 0 : i32
      %dma_wait3A_329 = arith.constant 0 : i32
      %dma_wait3A_330 = tpu.memref_slice %arg6[%dma_wait3A_320, %dma_wait3A_328, %dma_wait3A_329] : memref<4x64x128xf32, #tpu.memory_space<vmem>> -> memref<1x64x128xf32, #tpu.memory_space<vmem>>
      %dma_wait3A_331 = tpu.memref_squeeze %dma_wait3A_330 : memref<1x64x128xf32, #tpu.memory_space<vmem>> -> memref<64x128xf32, #tpu.memory_space<vmem>>
      %dma_wait3A_332 = arith.constant 0 : i32
      %dma_wait3A_333 = arith.constant 0 : i32
      %dma_wait3A_334 = tpu.memref_slice %arg2[%dma_wait3A_332, %dma_wait3A_333] : memref<10240x128xf32, #tpu.memory_space<hbm>> -> memref<64x128xf32, #tpu.memory_space<hbm>>
      tpu.wait_dma2 semaphore(%arg10 : memref<!tpu.dma_semaphore, #tpu.memory_space<semaphore_mem>>) src(%dma_wait3A_334 : memref<64x128xf32, #tpu.memory_space<hbm>>) dst(%dma_wait3A_331 : memref<64x128xf32, #tpu.memory_space<vmem>>)
      %dma_start3A_335 = arith.constant 2 : i32
      %dma_start3A_336 = arith.constant 1 : i32
      %dma_start3A_337 = arith.constant 0 : i32
      %dma_start3A_338 = arith.constant 0 : i32
      %dma_start3A_339 = tpu.memref_slice %arg6[%dma_start3A_335, %dma_start3A_337, %dma_start3A_338] : memref<4x64x128xf32, #tpu.memory_space<vmem>> -> memref<1x64x128xf32, #tpu.memory_space<vmem>>
      %dma_start3A_340 = tpu.memref_squeeze %dma_start3A_339 : memref<1x64x128xf32, #tpu.memory_space<vmem>> -> memref<64x128xf32, #tpu.memory_space<vmem>>
      %dma_start3A_341 = arith.constant 0 : i32
      %dma_start3A_342 = tpu.memref_slice %arg5[%dma_start3A_336, %add3A_307, %dma_start3A_341] : memref<2x80x64xi32, #tpu.memory_space<vmem>> -> memref<1x1x64xi32, #tpu.memory_space<vmem>>
      %dma_start3A_343 = tpu.memref_squeeze %dma_start3A_342 : memref<1x1x64xi32, #tpu.memory_space<vmem>> -> memref<64xi32, #tpu.memory_space<vmem>>
      %dma_start3A_344 = arith.constant 0 : i32
      %dma_start3A_345 = arith.constant 0 : i32
      %dma_start3A_346 = tpu.memref_slice %arg7[%dma_start3A_344, %dma_start3A_345] : memref<10240x128xf32, #tpu.memory_space<vmem_shared>> -> memref<10240x128xf32, #tpu.memory_space<vmem_shared>>
      tpu.enqueue_indirect_dma source(%dma_start3A_340 : memref<64x128xf32, #tpu.memory_space<vmem>>) target(%dma_start3A_346 : memref<10240x128xf32, #tpu.memory_space<vmem_shared>>) offsets(%dma_start3A_343 : memref<64xi32, #tpu.memory_space<vmem>>) semaphore(%arg14 : memref<!tpu.dma_semaphore, #tpu.memory_space<semaphore_mem>>) {add = true}
      %mul3A_347 = arith.constant 4 : i32
      %mul3A_348 = arith.muli %mul3A_347, %scan3A_220 : i32
      %add3A_349 = arith.constant 3 : i32
      %add3A_350 = arith.addi %mul3A_348, %add3A_349 : i32
      %ge3A_351 = arith.constant 2 : i32
      %ge3A_352 = arith.cmpi sge, %add3A_350, %ge3A_351 : i32
      %convert_element_type3A_353 = arith.extui %ge3A_352 : i1 to i32
      %cond3A_354 = arith.constant 0 : i32
      %cond3A_355 = arith.cmpi ne, %convert_element_type3A_353, %cond3A_354 : i32
      scf.if %cond3A_355 {
        %dma_wait3A_391 = arith.constant 0 : i32
        %dma_wait3A_392 = arith.constant 0 : i32
        %dma_wait3A_393 = arith.constant 0 : i32
        %dma_wait3A_394 = tpu.memref_slice %arg6[%dma_wait3A_391, %dma_wait3A_392, %dma_wait3A_393] : memref<4x64x128xf32, #tpu.memory_space<vmem>> -> memref<1x64x128xf32, #tpu.memory_space<vmem>>
        %dma_wait3A_395 = tpu.memref_squeeze %dma_wait3A_394 : memref<1x64x128xf32, #tpu.memory_space<vmem>> -> memref<64x128xf32, #tpu.memory_space<vmem>>
        %dma_wait3A_396 = arith.constant 0 : i32
        %dma_wait3A_397 = arith.constant 0 : i32
        %dma_wait3A_398 = tpu.memref_slice %arg2[%dma_wait3A_396, %dma_wait3A_397] : memref<10240x128xf32, #tpu.memory_space<hbm>> -> memref<64x128xf32, #tpu.memory_space<hbm>>
        %dma_wait3A_399 = arith.constant 0 : i32
        %dma_wait3A_400 = arith.constant 0 : i32
        %dma_wait3A_401 = tpu.memref_slice %arg6[%dma_wait3A_391, %dma_wait3A_399, %dma_wait3A_400] : memref<4x64x128xf32, #tpu.memory_space<vmem>> -> memref<1x64x128xf32, #tpu.memory_space<vmem>>
        %dma_wait3A_402 = tpu.memref_squeeze %dma_wait3A_401 : memref<1x64x128xf32, #tpu.memory_space<vmem>> -> memref<64x128xf32, #tpu.memory_space<vmem>>
        %dma_wait3A_403 = arith.constant 0 : i32
        %dma_wait3A_404 = arith.constant 0 : i32
        %dma_wait3A_405 = tpu.memref_slice %arg2[%dma_wait3A_403, %dma_wait3A_404] : memref<10240x128xf32, #tpu.memory_space<hbm>> -> memref<64x128xf32, #tpu.memory_space<hbm>>
        tpu.wait_dma2 semaphore(%arg13 : memref<!tpu.dma_semaphore, #tpu.memory_space<semaphore_mem>>) src(%dma_wait3A_405 : memref<64x128xf32, #tpu.memory_space<hbm>>) dst(%dma_wait3A_402 : memref<64x128xf32, #tpu.memory_space<vmem>>)
      } else {
      }
      %add3A_356 = arith.constant 2 : i32
      %add3A_357 = arith.addi %add3A_350, %add3A_356 : i32
      %lt3A_358 = arith.constant 80 : i32
      %lt3A_359 = arith.cmpi slt, %add3A_357, %lt3A_358 : i32
      %convert_element_type3A_360 = arith.extui %lt3A_359 : i1 to i32
      %cond3A_361 = arith.constant 0 : i32
      %cond3A_362 = arith.cmpi ne, %convert_element_type3A_360, %cond3A_361 : i32
      scf.if %cond3A_362 {
        %add3A_391 = arith.constant 2 : i32
        %add3A_392 = arith.addi %add3A_350, %add3A_391 : i32
        %dma_start3A_393 = arith.constant 0 : i32
        %dma_start3A_394 = arith.constant 1 : i32
        %dma_start3A_395 = arith.constant 0 : i32
        %dma_start3A_396 = arith.constant 0 : i32
        %dma_start3A_397 = tpu.memref_slice %arg6[%dma_start3A_394, %dma_start3A_395, %dma_start3A_396] : memref<4x64x128xf32, #tpu.memory_space<vmem>> -> memref<1x64x128xf32, #tpu.memory_space<vmem>>
        %dma_start3A_398 = tpu.memref_squeeze %dma_start3A_397 : memref<1x64x128xf32, #tpu.memory_space<vmem>> -> memref<64x128xf32, #tpu.memory_space<vmem>>
        %dma_start3A_399 = arith.constant 0 : i32
        %dma_start3A_400 = tpu.memref_slice %arg5[%dma_start3A_393, %add3A_392, %dma_start3A_399] : memref<2x80x64xi32, #tpu.memory_space<vmem>> -> memref<1x1x64xi32, #tpu.memory_space<vmem>>
        %dma_start3A_401 = tpu.memref_squeeze %dma_start3A_400 : memref<1x1x64xi32, #tpu.memory_space<vmem>> -> memref<64xi32, #tpu.memory_space<vmem>>
        %dma_start3A_402 = arith.constant 0 : i32
        %dma_start3A_403 = arith.constant 0 : i32
        %dma_start3A_404 = tpu.memref_slice %arg2[%dma_start3A_402, %dma_start3A_403] : memref<10240x128xf32, #tpu.memory_space<hbm>> -> memref<10240x128xf32, #tpu.memory_space<hbm>>
        tpu.enqueue_indirect_dma source(%dma_start3A_404 : memref<10240x128xf32, #tpu.memory_space<hbm>>) target(%dma_start3A_398 : memref<64x128xf32, #tpu.memory_space<vmem>>) offsets(%dma_start3A_401 : memref<64xi32, #tpu.memory_space<vmem>>) semaphore(%arg9 : memref<!tpu.dma_semaphore, #tpu.memory_space<semaphore_mem>>)
      } else {
      }
      %dma_wait3A_363 = arith.constant 0 : i32
      %dma_wait3A_364 = arith.constant 0 : i32
      %dma_wait3A_365 = arith.constant 0 : i32
      %dma_wait3A_366 = tpu.memref_slice %arg6[%dma_wait3A_363, %dma_wait3A_364, %dma_wait3A_365] : memref<4x64x128xf32, #tpu.memory_space<vmem>> -> memref<1x64x128xf32, #tpu.memory_space<vmem>>
      %dma_wait3A_367 = tpu.memref_squeeze %dma_wait3A_366 : memref<1x64x128xf32, #tpu.memory_space<vmem>> -> memref<64x128xf32, #tpu.memory_space<vmem>>
      %dma_wait3A_368 = arith.constant 0 : i32
      %dma_wait3A_369 = arith.constant 0 : i32
      %dma_wait3A_370 = tpu.memref_slice %arg2[%dma_wait3A_368, %dma_wait3A_369] : memref<10240x128xf32, #tpu.memory_space<hbm>> -> memref<64x128xf32, #tpu.memory_space<hbm>>
      %dma_wait3A_371 = arith.constant 0 : i32
      %dma_wait3A_372 = arith.constant 0 : i32
      %dma_wait3A_373 = tpu.memref_slice %arg6[%dma_wait3A_363, %dma_wait3A_371, %dma_wait3A_372] : memref<4x64x128xf32, #tpu.memory_space<vmem>> -> memref<1x64x128xf32, #tpu.memory_space<vmem>>
      %dma_wait3A_374 = tpu.memref_squeeze %dma_wait3A_373 : memref<1x64x128xf32, #tpu.memory_space<vmem>> -> memref<64x128xf32, #tpu.memory_space<vmem>>
      %dma_wait3A_375 = arith.constant 0 : i32
      %dma_wait3A_376 = arith.constant 0 : i32
      %dma_wait3A_377 = tpu.memref_slice %arg2[%dma_wait3A_375, %dma_wait3A_376] : memref<10240x128xf32, #tpu.memory_space<hbm>> -> memref<64x128xf32, #tpu.memory_space<hbm>>
      tpu.wait_dma2 semaphore(%arg11 : memref<!tpu.dma_semaphore, #tpu.memory_space<semaphore_mem>>) src(%dma_wait3A_377 : memref<64x128xf32, #tpu.memory_space<hbm>>) dst(%dma_wait3A_374 : memref<64x128xf32, #tpu.memory_space<vmem>>)
      %dma_start3A_378 = arith.constant 3 : i32
      %dma_start3A_379 = arith.constant 1 : i32
      %dma_start3A_380 = arith.constant 0 : i32
      %dma_start3A_381 = arith.constant 0 : i32
      %dma_start3A_382 = tpu.memref_slice %arg6[%dma_start3A_378, %dma_start3A_380, %dma_start3A_381] : memref<4x64x128xf32, #tpu.memory_space<vmem>> -> memref<1x64x128xf32, #tpu.memory_space<vmem>>
      %dma_start3A_383 = tpu.memref_squeeze %dma_start3A_382 : memref<1x64x128xf32, #tpu.memory_space<vmem>> -> memref<64x128xf32, #tpu.memory_space<vmem>>
      %dma_start3A_384 = arith.constant 0 : i32
      %dma_start3A_385 = tpu.memref_slice %arg5[%dma_start3A_379, %add3A_350, %dma_start3A_384] : memref<2x80x64xi32, #tpu.memory_space<vmem>> -> memref<1x1x64xi32, #tpu.memory_space<vmem>>
      %dma_start3A_386 = tpu.memref_squeeze %dma_start3A_385 : memref<1x1x64xi32, #tpu.memory_space<vmem>> -> memref<64xi32, #tpu.memory_space<vmem>>
      %dma_start3A_387 = arith.constant 0 : i32
      %dma_start3A_388 = arith.constant 0 : i32
      %dma_start3A_389 = tpu.memref_slice %arg7[%dma_start3A_387, %dma_start3A_388] : memref<10240x128xf32, #tpu.memory_space<vmem_shared>> -> memref<10240x128xf32, #tpu.memory_space<vmem_shared>>
      tpu.enqueue_indirect_dma source(%dma_start3A_383 : memref<64x128xf32, #tpu.memory_space<vmem>>) target(%dma_start3A_389 : memref<10240x128xf32, #tpu.memory_space<vmem_shared>>) offsets(%dma_start3A_386 : memref<64xi32, #tpu.memory_space<vmem>>) semaphore(%arg15 : memref<!tpu.dma_semaphore, #tpu.memory_space<semaphore_mem>>) {add = true}
      %scan3A_390 = arith.constant 0 : i32
      scf.yield %scan3A_390 : i32
    }
    %scan3A_104 = arith.constant 20 : i32
    %dma_wait3A = arith.constant 0 : i32
    %dma_wait3A_105 = arith.constant 0 : i32
    %dma_wait3A_106 = arith.constant 0 : i32
    %dma_wait3A_107 = tpu.memref_slice %arg6[%dma_wait3A, %dma_wait3A_105, %dma_wait3A_106] : memref<4x64x128xf32, #tpu.memory_space<vmem>> -> memref<1x64x128xf32, #tpu.memory_space<vmem>>
    %dma_wait3A_108 = tpu.memref_squeeze %dma_wait3A_107 : memref<1x64x128xf32, #tpu.memory_space<vmem>> -> memref<64x128xf32, #tpu.memory_space<vmem>>
    %dma_wait3A_109 = arith.constant 0 : i32
    %dma_wait3A_110 = arith.constant 0 : i32
    %dma_wait3A_111 = tpu.memref_slice %arg2[%dma_wait3A_109, %dma_wait3A_110] : memref<10240x128xf32, #tpu.memory_space<hbm>> -> memref<64x128xf32, #tpu.memory_space<hbm>>
    %dma_wait3A_112 = arith.constant 0 : i32
    %dma_wait3A_113 = arith.constant 0 : i32
    %dma_wait3A_114 = tpu.memref_slice %arg6[%dma_wait3A, %dma_wait3A_112, %dma_wait3A_113] : memref<4x64x128xf32, #tpu.memory_space<vmem>> -> memref<1x64x128xf32, #tpu.memory_space<vmem>>
    %dma_wait3A_115 = tpu.memref_squeeze %dma_wait3A_114 : memref<1x64x128xf32, #tpu.memory_space<vmem>> -> memref<64x128xf32, #tpu.memory_space<vmem>>
    %dma_wait3A_116 = arith.constant 0 : i32
    %dma_wait3A_117 = arith.constant 0 : i32
    %dma_wait3A_118 = tpu.memref_slice %arg2[%dma_wait3A_116, %dma_wait3A_117] : memref<10240x128xf32, #tpu.memory_space<hbm>> -> memref<64x128xf32, #tpu.memory_space<hbm>>
    tpu.wait_dma2 semaphore(%arg14 : memref<!tpu.dma_semaphore, #tpu.memory_space<semaphore_mem>>) src(%dma_wait3A_118 : memref<64x128xf32, #tpu.memory_space<hbm>>) dst(%dma_wait3A_115 : memref<64x128xf32, #tpu.memory_space<vmem>>)
    %dma_wait3A_119 = arith.constant 0 : i32
    %dma_wait3A_120 = arith.constant 0 : i32
    %dma_wait3A_121 = arith.constant 0 : i32
    %dma_wait3A_122 = tpu.memref_slice %arg6[%dma_wait3A_119, %dma_wait3A_120, %dma_wait3A_121] : memref<4x64x128xf32, #tpu.memory_space<vmem>> -> memref<1x64x128xf32, #tpu.memory_space<vmem>>
    %dma_wait3A_123 = tpu.memref_squeeze %dma_wait3A_122 : memref<1x64x128xf32, #tpu.memory_space<vmem>> -> memref<64x128xf32, #tpu.memory_space<vmem>>
    %dma_wait3A_124 = arith.constant 0 : i32
    %dma_wait3A_125 = arith.constant 0 : i32
    %dma_wait3A_126 = tpu.memref_slice %arg2[%dma_wait3A_124, %dma_wait3A_125] : memref<10240x128xf32, #tpu.memory_space<hbm>> -> memref<64x128xf32, #tpu.memory_space<hbm>>
    %dma_wait3A_127 = arith.constant 0 : i32
    %dma_wait3A_128 = arith.constant 0 : i32
    %dma_wait3A_129 = tpu.memref_slice %arg6[%dma_wait3A_119, %dma_wait3A_127, %dma_wait3A_128] : memref<4x64x128xf32, #tpu.memory_space<vmem>> -> memref<1x64x128xf32, #tpu.memory_space<vmem>>
    %dma_wait3A_130 = tpu.memref_squeeze %dma_wait3A_129 : memref<1x64x128xf32, #tpu.memory_space<vmem>> -> memref<64x128xf32, #tpu.memory_space<vmem>>
    %dma_wait3A_131 = arith.constant 0 : i32
    %dma_wait3A_132 = arith.constant 0 : i32
    %dma_wait3A_133 = tpu.memref_slice %arg2[%dma_wait3A_131, %dma_wait3A_132] : memref<10240x128xf32, #tpu.memory_space<hbm>> -> memref<64x128xf32, #tpu.memory_space<hbm>>
    tpu.wait_dma2 semaphore(%arg15 : memref<!tpu.dma_semaphore, #tpu.memory_space<semaphore_mem>>) src(%dma_wait3A_133 : memref<64x128xf32, #tpu.memory_space<hbm>>) dst(%dma_wait3A_130 : memref<64x128xf32, #tpu.memory_space<vmem>>)
    %add3A_134 = arith.constant 80 : i32
    %add3A_135 = arith.addi %mul3A_70, %add3A_134 : i32
    "tpu.region"() ({
      %run_scoped3A_220 = tpu.sem_alloc : memref<!tpu.dma_semaphore, #tpu.memory_space<semaphore_mem>>
      %dma_start3A_221 = arith.constant 0 : i32
      %dma_start3A_222 = arith.constant 0 : i32
      %dma_start3A_223 = tpu.memref_slice %arg3[%dma_start3A_221, %add3A_135, %dma_start3A_222] : memref<2x5120x64xi32, #tpu.memory_space<hbm>> -> memref<2x80x64xi32, #tpu.memory_space<hbm>>
      %dma_start3A_224 = arith.constant 0 : i32
      %dma_start3A_225 = arith.constant 0 : i32
      %dma_start3A_226 = tpu.memref_slice %arg3[%dma_start3A_224, %add3A_135, %dma_start3A_225] : memref<2x5120x64xi32, #tpu.memory_space<hbm>> -> memref<2x80x64xi32, #tpu.memory_space<hbm>>
      tpu.enqueue_dma source(%dma_start3A_226 : memref<2x80x64xi32, #tpu.memory_space<hbm>>) target(%arg5 : memref<2x80x64xi32, #tpu.memory_space<vmem>>) target_semaphore(%run_scoped3A_220 : memref<!tpu.dma_semaphore, #tpu.memory_space<semaphore_mem>>)
      %dma_wait3A_227 = arith.constant 0 : i32
      %dma_wait3A_228 = arith.constant 0 : i32
      %dma_wait3A_229 = tpu.memref_slice %arg3[%dma_wait3A_227, %add3A_135, %dma_wait3A_228] : memref<2x5120x64xi32, #tpu.memory_space<hbm>> -> memref<2x80x64xi32, #tpu.memory_space<hbm>>
      %dma_wait3A_230 = arith.constant 0 : i32
      %dma_wait3A_231 = arith.constant 0 : i32
      %dma_wait3A_232 = tpu.memref_slice %arg3[%dma_wait3A_230, %add3A_135, %dma_wait3A_231] : memref<2x5120x64xi32, #tpu.memory_space<hbm>> -> memref<2x80x64xi32, #tpu.memory_space<hbm>>
      tpu.wait_dma2 semaphore(%run_scoped3A_220 : memref<!tpu.dma_semaphore, #tpu.memory_space<semaphore_mem>>) src(%dma_wait3A_232 : memref<2x80x64xi32, #tpu.memory_space<hbm>>) dst(%arg5 : memref<2x80x64xi32, #tpu.memory_space<vmem>>)
      tpu.yield
    }) : () -> ()
    %dma_start3A_136 = arith.constant 0 : i32
    %dma_start3A_137 = arith.constant 0 : i32
    %dma_start3A_138 = arith.constant 0 : i32
    %dma_start3A_139 = arith.constant 0 : i32
    %dma_start3A_140 = arith.constant 0 : i32
    %dma_start3A_141 = tpu.memref_slice %arg6[%dma_start3A_138, %dma_start3A_139, %dma_start3A_140] : memref<4x64x128xf32, #tpu.memory_space<vmem>> -> memref<1x64x128xf32, #tpu.memory_space<vmem>>
    %dma_start3A_142 = tpu.memref_squeeze %dma_start3A_141 : memref<1x64x128xf32, #tpu.memory_space<vmem>> -> memref<64x128xf32, #tpu.memory_space<vmem>>
    %dma_start3A_143 = arith.constant 0 : i32
    %dma_start3A_144 = tpu.memref_slice %arg5[%dma_start3A_136, %dma_start3A_137, %dma_start3A_143] : memref<2x80x64xi32, #tpu.memory_space<vmem>> -> memref<1x1x64xi32, #tpu.memory_space<vmem>>
    %dma_start3A_145 = tpu.memref_squeeze %dma_start3A_144 : memref<1x1x64xi32, #tpu.memory_space<vmem>> -> memref<64xi32, #tpu.memory_space<vmem>>
    %dma_start3A_146 = arith.constant 0 : i32
    %dma_start3A_147 = arith.constant 0 : i32
    %dma_start3A_148 = tpu.memref_slice %arg2[%dma_start3A_146, %dma_start3A_147] : memref<10240x128xf32, #tpu.memory_space<hbm>> -> memref<10240x128xf32, #tpu.memory_space<hbm>>
    tpu.enqueue_indirect_dma source(%dma_start3A_148 : memref<10240x128xf32, #tpu.memory_space<hbm>>) target(%dma_start3A_142 : memref<64x128xf32, #tpu.memory_space<vmem>>) offsets(%dma_start3A_145 : memref<64xi32, #tpu.memory_space<vmem>>) semaphore(%arg8 : memref<!tpu.dma_semaphore, #tpu.memory_space<semaphore_mem>>)
    %dma_start3A_149 = arith.constant 0 : i32
    %dma_start3A_150 = arith.constant 1 : i32
    %dma_start3A_151 = arith.constant 1 : i32
    %dma_start3A_152 = arith.constant 0 : i32
    %dma_start3A_153 = arith.constant 0 : i32
    %dma_start3A_154 = tpu.memref_slice %arg6[%dma_start3A_151, %dma_start3A_152, %dma_start3A_153] : memref<4x64x128xf32, #tpu.memory_space<vmem>> -> memref<1x64x128xf32, #tpu.memory_space<vmem>>
    %dma_start3A_155 = tpu.memref_squeeze %dma_start3A_154 : memref<1x64x128xf32, #tpu.memory_space<vmem>> -> memref<64x128xf32, #tpu.memory_space<vmem>>
    %dma_start3A_156 = arith.constant 0 : i32
    %dma_start3A_157 = tpu.memref_slice %arg5[%dma_start3A_149, %dma_start3A_150, %dma_start3A_156] : memref<2x80x64xi32, #tpu.memory_space<vmem>> -> memref<1x1x64xi32, #tpu.memory_space<vmem>>
    %dma_start3A_158 = tpu.memref_squeeze %dma_start3A_157 : memref<1x1x64xi32, #tpu.memory_space<vmem>> -> memref<64xi32, #tpu.memory_space<vmem>>
    %dma_start3A_159 = arith.constant 0 : i32
    %dma_start3A_160 = arith.constant 0 : i32
    %dma_start3A_161 = tpu.memref_slice %arg2[%dma_start3A_159, %dma_start3A_160] : memref<10240x128xf32, #tpu.memory_space<hbm>> -> memref<10240x128xf32, #tpu.memory_space<hbm>>
    tpu.enqueue_indirect_dma source(%dma_start3A_161 : memref<10240x128xf32, #tpu.memory_space<hbm>>) target(%dma_start3A_155 : memref<64x128xf32, #tpu.memory_space<vmem>>) offsets(%dma_start3A_158 : memref<64xi32, #tpu.memory_space<vmem>>) semaphore(%arg9 : memref<!tpu.dma_semaphore, #tpu.memory_space<semaphore_mem>>)
    %scan3A_162 = arith.constant 0 : i32
    %scan3A_163 = arith.constant 0 : i32
    %scan3A_164 = arith.constant 20 : i32
    %scan3A_165 = arith.addi %scan3A_163, %scan3A_164 : i32
    %scan3A_166 = arith.constant 1 : i32
    %scan3A_167 = scf.for %scan3A_220 = %scan3A_163 to %scan3A_165 step %scan3A_166 iter_args(%scan3A_221 = %scan3A_162) -> (i32)  : i32 {
      %mul3A_222 = arith.constant 4 : i32
      %mul3A_223 = arith.muli %mul3A_222, %scan3A_220 : i32
      %add3A_224 = arith.constant 0 : i32
      %add3A_225 = arith.addi %mul3A_223, %add3A_224 : i32
      %ge3A = arith.constant 2 : i32
      %ge3A_226 = arith.cmpi sge, %add3A_225, %ge3A : i32
      %convert_element_type3A = arith.extui %ge3A_226 : i1 to i32
      %cond3A = arith.constant 0 : i32
      %cond3A_227 = arith.cmpi ne, %convert_element_type3A, %cond3A : i32
      scf.if %cond3A_227 {
        %dma_wait3A_391 = arith.constant 0 : i32
        %dma_wait3A_392 = arith.constant 0 : i32
        %dma_wait3A_393 = arith.constant 0 : i32
        %dma_wait3A_394 = tpu.memref_slice %arg6[%dma_wait3A_391, %dma_wait3A_392, %dma_wait3A_393] : memref<4x64x128xf32, #tpu.memory_space<vmem>> -> memref<1x64x128xf32, #tpu.memory_space<vmem>>
        %dma_wait3A_395 = tpu.memref_squeeze %dma_wait3A_394 : memref<1x64x128xf32, #tpu.memory_space<vmem>> -> memref<64x128xf32, #tpu.memory_space<vmem>>
        %dma_wait3A_396 = arith.constant 0 : i32
        %dma_wait3A_397 = arith.constant 0 : i32
        %dma_wait3A_398 = tpu.memref_slice %arg2[%dma_wait3A_396, %dma_wait3A_397] : memref<10240x128xf32, #tpu.memory_space<hbm>> -> memref<64x128xf32, #tpu.memory_space<hbm>>
        %dma_wait3A_399 = arith.constant 0 : i32
        %dma_wait3A_400 = arith.constant 0 : i32
        %dma_wait3A_401 = tpu.memref_slice %arg6[%dma_wait3A_391, %dma_wait3A_399, %dma_wait3A_400] : memref<4x64x128xf32, #tpu.memory_space<vmem>> -> memref<1x64x128xf32, #tpu.memory_space<vmem>>
        %dma_wait3A_402 = tpu.memref_squeeze %dma_wait3A_401 : memref<1x64x128xf32, #tpu.memory_space<vmem>> -> memref<64x128xf32, #tpu.memory_space<vmem>>
        %dma_wait3A_403 = arith.constant 0 : i32
        %dma_wait3A_404 = arith.constant 0 : i32
        %dma_wait3A_405 = tpu.memref_slice %arg2[%dma_wait3A_403, %dma_wait3A_404] : memref<10240x128xf32, #tpu.memory_space<hbm>> -> memref<64x128xf32, #tpu.memory_space<hbm>>
        tpu.wait_dma2 semaphore(%arg14 : memref<!tpu.dma_semaphore, #tpu.memory_space<semaphore_mem>>) src(%dma_wait3A_405 : memref<64x128xf32, #tpu.memory_space<hbm>>) dst(%dma_wait3A_402 : memref<64x128xf32, #tpu.memory_space<vmem>>)
      } else {
      }
      %add3A_228 = arith.constant 2 : i32
      %add3A_229 = arith.addi %add3A_225, %add3A_228 : i32
      %lt3A = arith.constant 80 : i32
      %lt3A_230 = arith.cmpi slt, %add3A_229, %lt3A : i32
      %convert_element_type3A_231 = arith.extui %lt3A_230 : i1 to i32
      %cond3A_232 = arith.constant 0 : i32
      %cond3A_233 = arith.cmpi ne, %convert_element_type3A_231, %cond3A_232 : i32
      scf.if %cond3A_233 {
        %add3A_391 = arith.constant 2 : i32
        %add3A_392 = arith.addi %add3A_225, %add3A_391 : i32
        %dma_start3A_393 = arith.constant 0 : i32
        %dma_start3A_394 = arith.constant 2 : i32
        %dma_start3A_395 = arith.constant 0 : i32
        %dma_start3A_396 = arith.constant 0 : i32
        %dma_start3A_397 = tpu.memref_slice %arg6[%dma_start3A_394, %dma_start3A_395, %dma_start3A_396] : memref<4x64x128xf32, #tpu.memory_space<vmem>> -> memref<1x64x128xf32, #tpu.memory_space<vmem>>
        %dma_start3A_398 = tpu.memref_squeeze %dma_start3A_397 : memref<1x64x128xf32, #tpu.memory_space<vmem>> -> memref<64x128xf32, #tpu.memory_space<vmem>>
        %dma_start3A_399 = arith.constant 0 : i32
        %dma_start3A_400 = tpu.memref_slice %arg5[%dma_start3A_393, %add3A_392, %dma_start3A_399] : memref<2x80x64xi32, #tpu.memory_space<vmem>> -> memref<1x1x64xi32, #tpu.memory_space<vmem>>
        %dma_start3A_401 = tpu.memref_squeeze %dma_start3A_400 : memref<1x1x64xi32, #tpu.memory_space<vmem>> -> memref<64xi32, #tpu.memory_space<vmem>>
        %dma_start3A_402 = arith.constant 0 : i32
        %dma_start3A_403 = arith.constant 0 : i32
        %dma_start3A_404 = tpu.memref_slice %arg2[%dma_start3A_402, %dma_start3A_403] : memref<10240x128xf32, #tpu.memory_space<hbm>> -> memref<10240x128xf32, #tpu.memory_space<hbm>>
        tpu.enqueue_indirect_dma source(%dma_start3A_404 : memref<10240x128xf32, #tpu.memory_space<hbm>>) target(%dma_start3A_398 : memref<64x128xf32, #tpu.memory_space<vmem>>) offsets(%dma_start3A_401 : memref<64xi32, #tpu.memory_space<vmem>>) semaphore(%arg10 : memref<!tpu.dma_semaphore, #tpu.memory_space<semaphore_mem>>)
      } else {
      }
      %dma_wait3A_234 = arith.constant 0 : i32
      %dma_wait3A_235 = arith.constant 0 : i32
      %dma_wait3A_236 = arith.constant 0 : i32
      %dma_wait3A_237 = tpu.memref_slice %arg6[%dma_wait3A_234, %dma_wait3A_235, %dma_wait3A_236] : memref<4x64x128xf32, #tpu.memory_space<vmem>> -> memref<1x64x128xf32, #tpu.memory_space<vmem>>
      %dma_wait3A_238 = tpu.memref_squeeze %dma_wait3A_237 : memref<1x64x128xf32, #tpu.memory_space<vmem>> -> memref<64x128xf32, #tpu.memory_space<vmem>>
      %dma_wait3A_239 = arith.constant 0 : i32
      %dma_wait3A_240 = arith.constant 0 : i32
      %dma_wait3A_241 = tpu.memref_slice %arg2[%dma_wait3A_239, %dma_wait3A_240] : memref<10240x128xf32, #tpu.memory_space<hbm>> -> memref<64x128xf32, #tpu.memory_space<hbm>>
      %dma_wait3A_242 = arith.constant 0 : i32
      %dma_wait3A_243 = arith.constant 0 : i32
      %dma_wait3A_244 = tpu.memref_slice %arg6[%dma_wait3A_234, %dma_wait3A_242, %dma_wait3A_243] : memref<4x64x128xf32, #tpu.memory_space<vmem>> -> memref<1x64x128xf32, #tpu.memory_space<vmem>>
      %dma_wait3A_245 = tpu.memref_squeeze %dma_wait3A_244 : memref<1x64x128xf32, #tpu.memory_space<vmem>> -> memref<64x128xf32, #tpu.memory_space<vmem>>
      %dma_wait3A_246 = arith.constant 0 : i32
      %dma_wait3A_247 = arith.constant 0 : i32
      %dma_wait3A_248 = tpu.memref_slice %arg2[%dma_wait3A_246, %dma_wait3A_247] : memref<10240x128xf32, #tpu.memory_space<hbm>> -> memref<64x128xf32, #tpu.memory_space<hbm>>
      tpu.wait_dma2 semaphore(%arg8 : memref<!tpu.dma_semaphore, #tpu.memory_space<semaphore_mem>>) src(%dma_wait3A_248 : memref<64x128xf32, #tpu.memory_space<hbm>>) dst(%dma_wait3A_245 : memref<64x128xf32, #tpu.memory_space<vmem>>)
      %dma_start3A_249 = arith.constant 0 : i32
      %dma_start3A_250 = arith.constant 1 : i32
      %dma_start3A_251 = arith.constant 0 : i32
      %dma_start3A_252 = arith.constant 0 : i32
      %dma_start3A_253 = tpu.memref_slice %arg6[%dma_start3A_249, %dma_start3A_251, %dma_start3A_252] : memref<4x64x128xf32, #tpu.memory_space<vmem>> -> memref<1x64x128xf32, #tpu.memory_space<vmem>>
      %dma_start3A_254 = tpu.memref_squeeze %dma_start3A_253 : memref<1x64x128xf32, #tpu.memory_space<vmem>> -> memref<64x128xf32, #tpu.memory_space<vmem>>
      %dma_start3A_255 = arith.constant 0 : i32
      %dma_start3A_256 = tpu.memref_slice %arg5[%dma_start3A_250, %add3A_225, %dma_start3A_255] : memref<2x80x64xi32, #tpu.memory_space<vmem>> -> memref<1x1x64xi32, #tpu.memory_space<vmem>>
      %dma_start3A_257 = tpu.memref_squeeze %dma_start3A_256 : memref<1x1x64xi32, #tpu.memory_space<vmem>> -> memref<64xi32, #tpu.memory_space<vmem>>
      %dma_start3A_258 = arith.constant 0 : i32
      %dma_start3A_259 = arith.constant 0 : i32
      %dma_start3A_260 = tpu.memref_slice %arg7[%dma_start3A_258, %dma_start3A_259] : memref<10240x128xf32, #tpu.memory_space<vmem_shared>> -> memref<10240x128xf32, #tpu.memory_space<vmem_shared>>
      tpu.enqueue_indirect_dma source(%dma_start3A_254 : memref<64x128xf32, #tpu.memory_space<vmem>>) target(%dma_start3A_260 : memref<10240x128xf32, #tpu.memory_space<vmem_shared>>) offsets(%dma_start3A_257 : memref<64xi32, #tpu.memory_space<vmem>>) semaphore(%arg12 : memref<!tpu.dma_semaphore, #tpu.memory_space<semaphore_mem>>) {add = true}
      %mul3A_261 = arith.constant 4 : i32
      %mul3A_262 = arith.muli %mul3A_261, %scan3A_220 : i32
      %add3A_263 = arith.constant 1 : i32
      %add3A_264 = arith.addi %mul3A_262, %add3A_263 : i32
      %ge3A_265 = arith.constant 2 : i32
      %ge3A_266 = arith.cmpi sge, %add3A_264, %ge3A_265 : i32
      %convert_element_type3A_267 = arith.extui %ge3A_266 : i1 to i32
      %cond3A_268 = arith.constant 0 : i32
      %cond3A_269 = arith.cmpi ne, %convert_element_type3A_267, %cond3A_268 : i32
      scf.if %cond3A_269 {
        %dma_wait3A_391 = arith.constant 0 : i32
        %dma_wait3A_392 = arith.constant 0 : i32
        %dma_wait3A_393 = arith.constant 0 : i32
        %dma_wait3A_394 = tpu.memref_slice %arg6[%dma_wait3A_391, %dma_wait3A_392, %dma_wait3A_393] : memref<4x64x128xf32, #tpu.memory_space<vmem>> -> memref<1x64x128xf32, #tpu.memory_space<vmem>>
        %dma_wait3A_395 = tpu.memref_squeeze %dma_wait3A_394 : memref<1x64x128xf32, #tpu.memory_space<vmem>> -> memref<64x128xf32, #tpu.memory_space<vmem>>
        %dma_wait3A_396 = arith.constant 0 : i32
        %dma_wait3A_397 = arith.constant 0 : i32
        %dma_wait3A_398 = tpu.memref_slice %arg2[%dma_wait3A_396, %dma_wait3A_397] : memref<10240x128xf32, #tpu.memory_space<hbm>> -> memref<64x128xf32, #tpu.memory_space<hbm>>
        %dma_wait3A_399 = arith.constant 0 : i32
        %dma_wait3A_400 = arith.constant 0 : i32
        %dma_wait3A_401 = tpu.memref_slice %arg6[%dma_wait3A_391, %dma_wait3A_399, %dma_wait3A_400] : memref<4x64x128xf32, #tpu.memory_space<vmem>> -> memref<1x64x128xf32, #tpu.memory_space<vmem>>
        %dma_wait3A_402 = tpu.memref_squeeze %dma_wait3A_401 : memref<1x64x128xf32, #tpu.memory_space<vmem>> -> memref<64x128xf32, #tpu.memory_space<vmem>>
        %dma_wait3A_403 = arith.constant 0 : i32
        %dma_wait3A_404 = arith.constant 0 : i32
        %dma_wait3A_405 = tpu.memref_slice %arg2[%dma_wait3A_403, %dma_wait3A_404] : memref<10240x128xf32, #tpu.memory_space<hbm>> -> memref<64x128xf32, #tpu.memory_space<hbm>>
        tpu.wait_dma2 semaphore(%arg15 : memref<!tpu.dma_semaphore, #tpu.memory_space<semaphore_mem>>) src(%dma_wait3A_405 : memref<64x128xf32, #tpu.memory_space<hbm>>) dst(%dma_wait3A_402 : memref<64x128xf32, #tpu.memory_space<vmem>>)
      } else {
      }
      %add3A_270 = arith.constant 2 : i32
      %add3A_271 = arith.addi %add3A_264, %add3A_270 : i32
      %lt3A_272 = arith.constant 80 : i32
      %lt3A_273 = arith.cmpi slt, %add3A_271, %lt3A_272 : i32
      %convert_element_type3A_274 = arith.extui %lt3A_273 : i1 to i32
      %cond3A_275 = arith.constant 0 : i32
      %cond3A_276 = arith.cmpi ne, %convert_element_type3A_274, %cond3A_275 : i32
      scf.if %cond3A_276 {
        %add3A_391 = arith.constant 2 : i32
        %add3A_392 = arith.addi %add3A_264, %add3A_391 : i32
        %dma_start3A_393 = arith.constant 0 : i32
        %dma_start3A_394 = arith.constant 3 : i32
        %dma_start3A_395 = arith.constant 0 : i32
        %dma_start3A_396 = arith.constant 0 : i32
        %dma_start3A_397 = tpu.memref_slice %arg6[%dma_start3A_394, %dma_start3A_395, %dma_start3A_396] : memref<4x64x128xf32, #tpu.memory_space<vmem>> -> memref<1x64x128xf32, #tpu.memory_space<vmem>>
        %dma_start3A_398 = tpu.memref_squeeze %dma_start3A_397 : memref<1x64x128xf32, #tpu.memory_space<vmem>> -> memref<64x128xf32, #tpu.memory_space<vmem>>
        %dma_start3A_399 = arith.constant 0 : i32
        %dma_start3A_400 = tpu.memref_slice %arg5[%dma_start3A_393, %add3A_392, %dma_start3A_399] : memref<2x80x64xi32, #tpu.memory_space<vmem>> -> memref<1x1x64xi32, #tpu.memory_space<vmem>>
        %dma_start3A_401 = tpu.memref_squeeze %dma_start3A_400 : memref<1x1x64xi32, #tpu.memory_space<vmem>> -> memref<64xi32, #tpu.memory_space<vmem>>
        %dma_start3A_402 = arith.constant 0 : i32
        %dma_start3A_403 = arith.constant 0 : i32
        %dma_start3A_404 = tpu.memref_slice %arg2[%dma_start3A_402, %dma_start3A_403] : memref<10240x128xf32, #tpu.memory_space<hbm>> -> memref<10240x128xf32, #tpu.memory_space<hbm>>
        tpu.enqueue_indirect_dma source(%dma_start3A_404 : memref<10240x128xf32, #tpu.memory_space<hbm>>) target(%dma_start3A_398 : memref<64x128xf32, #tpu.memory_space<vmem>>) offsets(%dma_start3A_401 : memref<64xi32, #tpu.memory_space<vmem>>) semaphore(%arg11 : memref<!tpu.dma_semaphore, #tpu.memory_space<semaphore_mem>>)
      } else {
      }
      %dma_wait3A_277 = arith.constant 0 : i32
      %dma_wait3A_278 = arith.constant 0 : i32
      %dma_wait3A_279 = arith.constant 0 : i32
      %dma_wait3A_280 = tpu.memref_slice %arg6[%dma_wait3A_277, %dma_wait3A_278, %dma_wait3A_279] : memref<4x64x128xf32, #tpu.memory_space<vmem>> -> memref<1x64x128xf32, #tpu.memory_space<vmem>>
      %dma_wait3A_281 = tpu.memref_squeeze %dma_wait3A_280 : memref<1x64x128xf32, #tpu.memory_space<vmem>> -> memref<64x128xf32, #tpu.memory_space<vmem>>
      %dma_wait3A_282 = arith.constant 0 : i32
      %dma_wait3A_283 = arith.constant 0 : i32
      %dma_wait3A_284 = tpu.memref_slice %arg2[%dma_wait3A_282, %dma_wait3A_283] : memref<10240x128xf32, #tpu.memory_space<hbm>> -> memref<64x128xf32, #tpu.memory_space<hbm>>
      %dma_wait3A_285 = arith.constant 0 : i32
      %dma_wait3A_286 = arith.constant 0 : i32
      %dma_wait3A_287 = tpu.memref_slice %arg6[%dma_wait3A_277, %dma_wait3A_285, %dma_wait3A_286] : memref<4x64x128xf32, #tpu.memory_space<vmem>> -> memref<1x64x128xf32, #tpu.memory_space<vmem>>
      %dma_wait3A_288 = tpu.memref_squeeze %dma_wait3A_287 : memref<1x64x128xf32, #tpu.memory_space<vmem>> -> memref<64x128xf32, #tpu.memory_space<vmem>>
      %dma_wait3A_289 = arith.constant 0 : i32
      %dma_wait3A_290 = arith.constant 0 : i32
      %dma_wait3A_291 = tpu.memref_slice %arg2[%dma_wait3A_289, %dma_wait3A_290] : memref<10240x128xf32, #tpu.memory_space<hbm>> -> memref<64x128xf32, #tpu.memory_space<hbm>>
      tpu.wait_dma2 semaphore(%arg9 : memref<!tpu.dma_semaphore, #tpu.memory_space<semaphore_mem>>) src(%dma_wait3A_291 : memref<64x128xf32, #tpu.memory_space<hbm>>) dst(%dma_wait3A_288 : memref<64x128xf32, #tpu.memory_space<vmem>>)
      %dma_start3A_292 = arith.constant 1 : i32
      %dma_start3A_293 = arith.constant 1 : i32
      %dma_start3A_294 = arith.constant 0 : i32
      %dma_start3A_295 = arith.constant 0 : i32
      %dma_start3A_296 = tpu.memref_slice %arg6[%dma_start3A_292, %dma_start3A_294, %dma_start3A_295] : memref<4x64x128xf32, #tpu.memory_space<vmem>> -> memref<1x64x128xf32, #tpu.memory_space<vmem>>
      %dma_start3A_297 = tpu.memref_squeeze %dma_start3A_296 : memref<1x64x128xf32, #tpu.memory_space<vmem>> -> memref<64x128xf32, #tpu.memory_space<vmem>>
      %dma_start3A_298 = arith.constant 0 : i32
      %dma_start3A_299 = tpu.memref_slice %arg5[%dma_start3A_293, %add3A_264, %dma_start3A_298] : memref<2x80x64xi32, #tpu.memory_space<vmem>> -> memref<1x1x64xi32, #tpu.memory_space<vmem>>
      %dma_start3A_300 = tpu.memref_squeeze %dma_start3A_299 : memref<1x1x64xi32, #tpu.memory_space<vmem>> -> memref<64xi32, #tpu.memory_space<vmem>>
      %dma_start3A_301 = arith.constant 0 : i32
      %dma_start3A_302 = arith.constant 0 : i32
      %dma_start3A_303 = tpu.memref_slice %arg7[%dma_start3A_301, %dma_start3A_302] : memref<10240x128xf32, #tpu.memory_space<vmem_shared>> -> memref<10240x128xf32, #tpu.memory_space<vmem_shared>>
      tpu.enqueue_indirect_dma source(%dma_start3A_297 : memref<64x128xf32, #tpu.memory_space<vmem>>) target(%dma_start3A_303 : memref<10240x128xf32, #tpu.memory_space<vmem_shared>>) offsets(%dma_start3A_300 : memref<64xi32, #tpu.memory_space<vmem>>) semaphore(%arg13 : memref<!tpu.dma_semaphore, #tpu.memory_space<semaphore_mem>>) {add = true}
      %mul3A_304 = arith.constant 4 : i32
      %mul3A_305 = arith.muli %mul3A_304, %scan3A_220 : i32
      %add3A_306 = arith.constant 2 : i32
      %add3A_307 = arith.addi %mul3A_305, %add3A_306 : i32
      %ge3A_308 = arith.constant 2 : i32
      %ge3A_309 = arith.cmpi sge, %add3A_307, %ge3A_308 : i32
      %convert_element_type3A_310 = arith.extui %ge3A_309 : i1 to i32
      %cond3A_311 = arith.constant 0 : i32
      %cond3A_312 = arith.cmpi ne, %convert_element_type3A_310, %cond3A_311 : i32
      scf.if %cond3A_312 {
        %dma_wait3A_391 = arith.constant 0 : i32
        %dma_wait3A_392 = arith.constant 0 : i32
        %dma_wait3A_393 = arith.constant 0 : i32
        %dma_wait3A_394 = tpu.memref_slice %arg6[%dma_wait3A_391, %dma_wait3A_392, %dma_wait3A_393] : memref<4x64x128xf32, #tpu.memory_space<vmem>> -> memref<1x64x128xf32, #tpu.memory_space<vmem>>
        %dma_wait3A_395 = tpu.memref_squeeze %dma_wait3A_394 : memref<1x64x128xf32, #tpu.memory_space<vmem>> -> memref<64x128xf32, #tpu.memory_space<vmem>>
        %dma_wait3A_396 = arith.constant 0 : i32
        %dma_wait3A_397 = arith.constant 0 : i32
        %dma_wait3A_398 = tpu.memref_slice %arg2[%dma_wait3A_396, %dma_wait3A_397] : memref<10240x128xf32, #tpu.memory_space<hbm>> -> memref<64x128xf32, #tpu.memory_space<hbm>>
        %dma_wait3A_399 = arith.constant 0 : i32
        %dma_wait3A_400 = arith.constant 0 : i32
        %dma_wait3A_401 = tpu.memref_slice %arg6[%dma_wait3A_391, %dma_wait3A_399, %dma_wait3A_400] : memref<4x64x128xf32, #tpu.memory_space<vmem>> -> memref<1x64x128xf32, #tpu.memory_space<vmem>>
        %dma_wait3A_402 = tpu.memref_squeeze %dma_wait3A_401 : memref<1x64x128xf32, #tpu.memory_space<vmem>> -> memref<64x128xf32, #tpu.memory_space<vmem>>
        %dma_wait3A_403 = arith.constant 0 : i32
        %dma_wait3A_404 = arith.constant 0 : i32
        %dma_wait3A_405 = tpu.memref_slice %arg2[%dma_wait3A_403, %dma_wait3A_404] : memref<10240x128xf32, #tpu.memory_space<hbm>> -> memref<64x128xf32, #tpu.memory_space<hbm>>
        tpu.wait_dma2 semaphore(%arg12 : memref<!tpu.dma_semaphore, #tpu.memory_space<semaphore_mem>>) src(%dma_wait3A_405 : memref<64x128xf32, #tpu.memory_space<hbm>>) dst(%dma_wait3A_402 : memref<64x128xf32, #tpu.memory_space<vmem>>)
      } else {
      }
      %add3A_313 = arith.constant 2 : i32
      %add3A_314 = arith.addi %add3A_307, %add3A_313 : i32
      %lt3A_315 = arith.constant 80 : i32
      %lt3A_316 = arith.cmpi slt, %add3A_314, %lt3A_315 : i32
      %convert_element_type3A_317 = arith.extui %lt3A_316 : i1 to i32
      %cond3A_318 = arith.constant 0 : i32
      %cond3A_319 = arith.cmpi ne, %convert_element_type3A_317, %cond3A_318 : i32
      scf.if %cond3A_319 {
        %add3A_391 = arith.constant 2 : i32
        %add3A_392 = arith.addi %add3A_307, %add3A_391 : i32
        %dma_start3A_393 = arith.constant 0 : i32
        %dma_start3A_394 = arith.constant 0 : i32
        %dma_start3A_395 = arith.constant 0 : i32
        %dma_start3A_396 = arith.constant 0 : i32
        %dma_start3A_397 = tpu.memref_slice %arg6[%dma_start3A_394, %dma_start3A_395, %dma_start3A_396] : memref<4x64x128xf32, #tpu.memory_space<vmem>> -> memref<1x64x128xf32, #tpu.memory_space<vmem>>
        %dma_start3A_398 = tpu.memref_squeeze %dma_start3A_397 : memref<1x64x128xf32, #tpu.memory_space<vmem>> -> memref<64x128xf32, #tpu.memory_space<vmem>>
        %dma_start3A_399 = arith.constant 0 : i32
        %dma_start3A_400 = tpu.memref_slice %arg5[%dma_start3A_393, %add3A_392, %dma_start3A_399] : memref<2x80x64xi32, #tpu.memory_space<vmem>> -> memref<1x1x64xi32, #tpu.memory_space<vmem>>
        %dma_start3A_401 = tpu.memref_squeeze %dma_start3A_400 : memref<1x1x64xi32, #tpu.memory_space<vmem>> -> memref<64xi32, #tpu.memory_space<vmem>>
        %dma_start3A_402 = arith.constant 0 : i32
        %dma_start3A_403 = arith.constant 0 : i32
        %dma_start3A_404 = tpu.memref_slice %arg2[%dma_start3A_402, %dma_start3A_403] : memref<10240x128xf32, #tpu.memory_space<hbm>> -> memref<10240x128xf32, #tpu.memory_space<hbm>>
        tpu.enqueue_indirect_dma source(%dma_start3A_404 : memref<10240x128xf32, #tpu.memory_space<hbm>>) target(%dma_start3A_398 : memref<64x128xf32, #tpu.memory_space<vmem>>) offsets(%dma_start3A_401 : memref<64xi32, #tpu.memory_space<vmem>>) semaphore(%arg8 : memref<!tpu.dma_semaphore, #tpu.memory_space<semaphore_mem>>)
      } else {
      }
      %dma_wait3A_320 = arith.constant 0 : i32
      %dma_wait3A_321 = arith.constant 0 : i32
      %dma_wait3A_322 = arith.constant 0 : i32
      %dma_wait3A_323 = tpu.memref_slice %arg6[%dma_wait3A_320, %dma_wait3A_321, %dma_wait3A_322] : memref<4x64x128xf32, #tpu.memory_space<vmem>> -> memref<1x64x128xf32, #tpu.memory_space<vmem>>
      %dma_wait3A_324 = tpu.memref_squeeze %dma_wait3A_323 : memref<1x64x128xf32, #tpu.memory_space<vmem>> -> memref<64x128xf32, #tpu.memory_space<vmem>>
      %dma_wait3A_325 = arith.constant 0 : i32
      %dma_wait3A_326 = arith.constant 0 : i32
      %dma_wait3A_327 = tpu.memref_slice %arg2[%dma_wait3A_325, %dma_wait3A_326] : memref<10240x128xf32, #tpu.memory_space<hbm>> -> memref<64x128xf32, #tpu.memory_space<hbm>>
      %dma_wait3A_328 = arith.constant 0 : i32
      %dma_wait3A_329 = arith.constant 0 : i32
      %dma_wait3A_330 = tpu.memref_slice %arg6[%dma_wait3A_320, %dma_wait3A_328, %dma_wait3A_329] : memref<4x64x128xf32, #tpu.memory_space<vmem>> -> memref<1x64x128xf32, #tpu.memory_space<vmem>>
      %dma_wait3A_331 = tpu.memref_squeeze %dma_wait3A_330 : memref<1x64x128xf32, #tpu.memory_space<vmem>> -> memref<64x128xf32, #tpu.memory_space<vmem>>
      %dma_wait3A_332 = arith.constant 0 : i32
      %dma_wait3A_333 = arith.constant 0 : i32
      %dma_wait3A_334 = tpu.memref_slice %arg2[%dma_wait3A_332, %dma_wait3A_333] : memref<10240x128xf32, #tpu.memory_space<hbm>> -> memref<64x128xf32, #tpu.memory_space<hbm>>
      tpu.wait_dma2 semaphore(%arg10 : memref<!tpu.dma_semaphore, #tpu.memory_space<semaphore_mem>>) src(%dma_wait3A_334 : memref<64x128xf32, #tpu.memory_space<hbm>>) dst(%dma_wait3A_331 : memref<64x128xf32, #tpu.memory_space<vmem>>)
      %dma_start3A_335 = arith.constant 2 : i32
      %dma_start3A_336 = arith.constant 1 : i32
      %dma_start3A_337 = arith.constant 0 : i32
      %dma_start3A_338 = arith.constant 0 : i32
      %dma_start3A_339 = tpu.memref_slice %arg6[%dma_start3A_335, %dma_start3A_337, %dma_start3A_338] : memref<4x64x128xf32, #tpu.memory_space<vmem>> -> memref<1x64x128xf32, #tpu.memory_space<vmem>>
      %dma_start3A_340 = tpu.memref_squeeze %dma_start3A_339 : memref<1x64x128xf32, #tpu.memory_space<vmem>> -> memref<64x128xf32, #tpu.memory_space<vmem>>
      %dma_start3A_341 = arith.constant 0 : i32
      %dma_start3A_342 = tpu.memref_slice %arg5[%dma_start3A_336, %add3A_307, %dma_start3A_341] : memref<2x80x64xi32, #tpu.memory_space<vmem>> -> memref<1x1x64xi32, #tpu.memory_space<vmem>>
      %dma_start3A_343 = tpu.memref_squeeze %dma_start3A_342 : memref<1x1x64xi32, #tpu.memory_space<vmem>> -> memref<64xi32, #tpu.memory_space<vmem>>
      %dma_start3A_344 = arith.constant 0 : i32
      %dma_start3A_345 = arith.constant 0 : i32
      %dma_start3A_346 = tpu.memref_slice %arg7[%dma_start3A_344, %dma_start3A_345] : memref<10240x128xf32, #tpu.memory_space<vmem_shared>> -> memref<10240x128xf32, #tpu.memory_space<vmem_shared>>
      tpu.enqueue_indirect_dma source(%dma_start3A_340 : memref<64x128xf32, #tpu.memory_space<vmem>>) target(%dma_start3A_346 : memref<10240x128xf32, #tpu.memory_space<vmem_shared>>) offsets(%dma_start3A_343 : memref<64xi32, #tpu.memory_space<vmem>>) semaphore(%arg14 : memref<!tpu.dma_semaphore, #tpu.memory_space<semaphore_mem>>) {add = true}
      %mul3A_347 = arith.constant 4 : i32
      %mul3A_348 = arith.muli %mul3A_347, %scan3A_220 : i32
      %add3A_349 = arith.constant 3 : i32
      %add3A_350 = arith.addi %mul3A_348, %add3A_349 : i32
      %ge3A_351 = arith.constant 2 : i32
      %ge3A_352 = arith.cmpi sge, %add3A_350, %ge3A_351 : i32
      %convert_element_type3A_353 = arith.extui %ge3A_352 : i1 to i32
      %cond3A_354 = arith.constant 0 : i32
      %cond3A_355 = arith.cmpi ne, %convert_element_type3A_353, %cond3A_354 : i32
      scf.if %cond3A_355 {
        %dma_wait3A_391 = arith.constant 0 : i32
        %dma_wait3A_392 = arith.constant 0 : i32
        %dma_wait3A_393 = arith.constant 0 : i32
        %dma_wait3A_394 = tpu.memref_slice %arg6[%dma_wait3A_391, %dma_wait3A_392, %dma_wait3A_393] : memref<4x64x128xf32, #tpu.memory_space<vmem>> -> memref<1x64x128xf32, #tpu.memory_space<vmem>>
        %dma_wait3A_395 = tpu.memref_squeeze %dma_wait3A_394 : memref<1x64x128xf32, #tpu.memory_space<vmem>> -> memref<64x128xf32, #tpu.memory_space<vmem>>
        %dma_wait3A_396 = arith.constant 0 : i32
        %dma_wait3A_397 = arith.constant 0 : i32
        %dma_wait3A_398 = tpu.memref_slice %arg2[%dma_wait3A_396, %dma_wait3A_397] : memref<10240x128xf32, #tpu.memory_space<hbm>> -> memref<64x128xf32, #tpu.memory_space<hbm>>
        %dma_wait3A_399 = arith.constant 0 : i32
        %dma_wait3A_400 = arith.constant 0 : i32
        %dma_wait3A_401 = tpu.memref_slice %arg6[%dma_wait3A_391, %dma_wait3A_399, %dma_wait3A_400] : memref<4x64x128xf32, #tpu.memory_space<vmem>> -> memref<1x64x128xf32, #tpu.memory_space<vmem>>
        %dma_wait3A_402 = tpu.memref_squeeze %dma_wait3A_401 : memref<1x64x128xf32, #tpu.memory_space<vmem>> -> memref<64x128xf32, #tpu.memory_space<vmem>>
        %dma_wait3A_403 = arith.constant 0 : i32
        %dma_wait3A_404 = arith.constant 0 : i32
        %dma_wait3A_405 = tpu.memref_slice %arg2[%dma_wait3A_403, %dma_wait3A_404] : memref<10240x128xf32, #tpu.memory_space<hbm>> -> memref<64x128xf32, #tpu.memory_space<hbm>>
        tpu.wait_dma2 semaphore(%arg13 : memref<!tpu.dma_semaphore, #tpu.memory_space<semaphore_mem>>) src(%dma_wait3A_405 : memref<64x128xf32, #tpu.memory_space<hbm>>) dst(%dma_wait3A_402 : memref<64x128xf32, #tpu.memory_space<vmem>>)
      } else {
      }
      %add3A_356 = arith.constant 2 : i32
      %add3A_357 = arith.addi %add3A_350, %add3A_356 : i32
      %lt3A_358 = arith.constant 80 : i32
      %lt3A_359 = arith.cmpi slt, %add3A_357, %lt3A_358 : i32
      %convert_element_type3A_360 = arith.extui %lt3A_359 : i1 to i32
      %cond3A_361 = arith.constant 0 : i32
      %cond3A_362 = arith.cmpi ne, %convert_element_type3A_360, %cond3A_361 : i32
      scf.if %cond3A_362 {
        %add3A_391 = arith.constant 2 : i32
        %add3A_392 = arith.addi %add3A_350, %add3A_391 : i32
        %dma_start3A_393 = arith.constant 0 : i32
        %dma_start3A_394 = arith.constant 1 : i32
        %dma_start3A_395 = arith.constant 0 : i32
        %dma_start3A_396 = arith.constant 0 : i32
        %dma_start3A_397 = tpu.memref_slice %arg6[%dma_start3A_394, %dma_start3A_395, %dma_start3A_396] : memref<4x64x128xf32, #tpu.memory_space<vmem>> -> memref<1x64x128xf32, #tpu.memory_space<vmem>>
        %dma_start3A_398 = tpu.memref_squeeze %dma_start3A_397 : memref<1x64x128xf32, #tpu.memory_space<vmem>> -> memref<64x128xf32, #tpu.memory_space<vmem>>
        %dma_start3A_399 = arith.constant 0 : i32
        %dma_start3A_400 = tpu.memref_slice %arg5[%dma_start3A_393, %add3A_392, %dma_start3A_399] : memref<2x80x64xi32, #tpu.memory_space<vmem>> -> memref<1x1x64xi32, #tpu.memory_space<vmem>>
        %dma_start3A_401 = tpu.memref_squeeze %dma_start3A_400 : memref<1x1x64xi32, #tpu.memory_space<vmem>> -> memref<64xi32, #tpu.memory_space<vmem>>
        %dma_start3A_402 = arith.constant 0 : i32
        %dma_start3A_403 = arith.constant 0 : i32
        %dma_start3A_404 = tpu.memref_slice %arg2[%dma_start3A_402, %dma_start3A_403] : memref<10240x128xf32, #tpu.memory_space<hbm>> -> memref<10240x128xf32, #tpu.memory_space<hbm>>
        tpu.enqueue_indirect_dma source(%dma_start3A_404 : memref<10240x128xf32, #tpu.memory_space<hbm>>) target(%dma_start3A_398 : memref<64x128xf32, #tpu.memory_space<vmem>>) offsets(%dma_start3A_401 : memref<64xi32, #tpu.memory_space<vmem>>) semaphore(%arg9 : memref<!tpu.dma_semaphore, #tpu.memory_space<semaphore_mem>>)
      } else {
      }
      %dma_wait3A_363 = arith.constant 0 : i32
      %dma_wait3A_364 = arith.constant 0 : i32
      %dma_wait3A_365 = arith.constant 0 : i32
      %dma_wait3A_366 = tpu.memref_slice %arg6[%dma_wait3A_363, %dma_wait3A_364, %dma_wait3A_365] : memref<4x64x128xf32, #tpu.memory_space<vmem>> -> memref<1x64x128xf32, #tpu.memory_space<vmem>>
      %dma_wait3A_367 = tpu.memref_squeeze %dma_wait3A_366 : memref<1x64x128xf32, #tpu.memory_space<vmem>> -> memref<64x128xf32, #tpu.memory_space<vmem>>
      %dma_wait3A_368 = arith.constant 0 : i32
      %dma_wait3A_369 = arith.constant 0 : i32
      %dma_wait3A_370 = tpu.memref_slice %arg2[%dma_wait3A_368, %dma_wait3A_369] : memref<10240x128xf32, #tpu.memory_space<hbm>> -> memref<64x128xf32, #tpu.memory_space<hbm>>
      %dma_wait3A_371 = arith.constant 0 : i32
      %dma_wait3A_372 = arith.constant 0 : i32
      %dma_wait3A_373 = tpu.memref_slice %arg6[%dma_wait3A_363, %dma_wait3A_371, %dma_wait3A_372] : memref<4x64x128xf32, #tpu.memory_space<vmem>> -> memref<1x64x128xf32, #tpu.memory_space<vmem>>
      %dma_wait3A_374 = tpu.memref_squeeze %dma_wait3A_373 : memref<1x64x128xf32, #tpu.memory_space<vmem>> -> memref<64x128xf32, #tpu.memory_space<vmem>>
      %dma_wait3A_375 = arith.constant 0 : i32
      %dma_wait3A_376 = arith.constant 0 : i32
      %dma_wait3A_377 = tpu.memref_slice %arg2[%dma_wait3A_375, %dma_wait3A_376] : memref<10240x128xf32, #tpu.memory_space<hbm>> -> memref<64x128xf32, #tpu.memory_space<hbm>>
      tpu.wait_dma2 semaphore(%arg11 : memref<!tpu.dma_semaphore, #tpu.memory_space<semaphore_mem>>) src(%dma_wait3A_377 : memref<64x128xf32, #tpu.memory_space<hbm>>) dst(%dma_wait3A_374 : memref<64x128xf32, #tpu.memory_space<vmem>>)
      %dma_start3A_378 = arith.constant 3 : i32
      %dma_start3A_379 = arith.constant 1 : i32
      %dma_start3A_380 = arith.constant 0 : i32
      %dma_start3A_381 = arith.constant 0 : i32
      %dma_start3A_382 = tpu.memref_slice %arg6[%dma_start3A_378, %dma_start3A_380, %dma_start3A_381] : memref<4x64x128xf32, #tpu.memory_space<vmem>> -> memref<1x64x128xf32, #tpu.memory_space<vmem>>
      %dma_start3A_383 = tpu.memref_squeeze %dma_start3A_382 : memref<1x64x128xf32, #tpu.memory_space<vmem>> -> memref<64x128xf32, #tpu.memory_space<vmem>>
      %dma_start3A_384 = arith.constant 0 : i32
      %dma_start3A_385 = tpu.memref_slice %arg5[%dma_start3A_379, %add3A_350, %dma_start3A_384] : memref<2x80x64xi32, #tpu.memory_space<vmem>> -> memref<1x1x64xi32, #tpu.memory_space<vmem>>
      %dma_start3A_386 = tpu.memref_squeeze %dma_start3A_385 : memref<1x1x64xi32, #tpu.memory_space<vmem>> -> memref<64xi32, #tpu.memory_space<vmem>>
      %dma_start3A_387 = arith.constant 0 : i32
      %dma_start3A_388 = arith.constant 0 : i32
      %dma_start3A_389 = tpu.memref_slice %arg7[%dma_start3A_387, %dma_start3A_388] : memref<10240x128xf32, #tpu.memory_space<vmem_shared>> -> memref<10240x128xf32, #tpu.memory_space<vmem_shared>>
      tpu.enqueue_indirect_dma source(%dma_start3A_383 : memref<64x128xf32, #tpu.memory_space<vmem>>) target(%dma_start3A_389 : memref<10240x128xf32, #tpu.memory_space<vmem_shared>>) offsets(%dma_start3A_386 : memref<64xi32, #tpu.memory_space<vmem>>) semaphore(%arg15 : memref<!tpu.dma_semaphore, #tpu.memory_space<semaphore_mem>>) {add = true}
      %scan3A_390 = arith.constant 0 : i32
      scf.yield %scan3A_390 : i32
    }
    %scan3A_168 = arith.constant 20 : i32
    %dma_wait3A_169 = arith.constant 0 : i32
    %dma_wait3A_170 = arith.constant 0 : i32
    %dma_wait3A_171 = arith.constant 0 : i32
    %dma_wait3A_172 = tpu.memref_slice %arg6[%dma_wait3A_169, %dma_wait3A_170, %dma_wait3A_171] : memref<4x64x128xf32, #tpu.memory_space<vmem>> -> memref<1x64x128xf32, #tpu.memory_space<vmem>>
    %dma_wait3A_173 = tpu.memref_squeeze %dma_wait3A_172 : memref<1x64x128xf32, #tpu.memory_space<vmem>> -> memref<64x128xf32, #tpu.memory_space<vmem>>
    %dma_wait3A_174 = arith.constant 0 : i32
    %dma_wait3A_175 = arith.constant 0 : i32
    %dma_wait3A_176 = tpu.memref_slice %arg2[%dma_wait3A_174, %dma_wait3A_175] : memref<10240x128xf32, #tpu.memory_space<hbm>> -> memref<64x128xf32, #tpu.memory_space<hbm>>
    %dma_wait3A_177 = arith.constant 0 : i32
    %dma_wait3A_178 = arith.constant 0 : i32
    %dma_wait3A_179 = tpu.memref_slice %arg6[%dma_wait3A_169, %dma_wait3A_177, %dma_wait3A_178] : memref<4x64x128xf32, #tpu.memory_space<vmem>> -> memref<1x64x128xf32, #tpu.memory_space<vmem>>
    %dma_wait3A_180 = tpu.memref_squeeze %dma_wait3A_179 : memref<1x64x128xf32, #tpu.memory_space<vmem>> -> memref<64x128xf32, #tpu.memory_space<vmem>>
    %dma_wait3A_181 = arith.constant 0 : i32
    %dma_wait3A_182 = arith.constant 0 : i32
    %dma_wait3A_183 = tpu.memref_slice %arg2[%dma_wait3A_181, %dma_wait3A_182] : memref<10240x128xf32, #tpu.memory_space<hbm>> -> memref<64x128xf32, #tpu.memory_space<hbm>>
    tpu.wait_dma2 semaphore(%arg14 : memref<!tpu.dma_semaphore, #tpu.memory_space<semaphore_mem>>) src(%dma_wait3A_183 : memref<64x128xf32, #tpu.memory_space<hbm>>) dst(%dma_wait3A_180 : memref<64x128xf32, #tpu.memory_space<vmem>>)
    %dma_wait3A_184 = arith.constant 0 : i32
    %dma_wait3A_185 = arith.constant 0 : i32
    %dma_wait3A_186 = arith.constant 0 : i32
    %dma_wait3A_187 = tpu.memref_slice %arg6[%dma_wait3A_184, %dma_wait3A_185, %dma_wait3A_186] : memref<4x64x128xf32, #tpu.memory_space<vmem>> -> memref<1x64x128xf32, #tpu.memory_space<vmem>>
    %dma_wait3A_188 = tpu.memref_squeeze %dma_wait3A_187 : memref<1x64x128xf32, #tpu.memory_space<vmem>> -> memref<64x128xf32, #tpu.memory_space<vmem>>
    %dma_wait3A_189 = arith.constant 0 : i32
    %dma_wait3A_190 = arith.constant 0 : i32
    %dma_wait3A_191 = tpu.memref_slice %arg2[%dma_wait3A_189, %dma_wait3A_190] : memref<10240x128xf32, #tpu.memory_space<hbm>> -> memref<64x128xf32, #tpu.memory_space<hbm>>
    %dma_wait3A_192 = arith.constant 0 : i32
    %dma_wait3A_193 = arith.constant 0 : i32
    %dma_wait3A_194 = tpu.memref_slice %arg6[%dma_wait3A_184, %dma_wait3A_192, %dma_wait3A_193] : memref<4x64x128xf32, #tpu.memory_space<vmem>> -> memref<1x64x128xf32, #tpu.memory_space<vmem>>
    %dma_wait3A_195 = tpu.memref_squeeze %dma_wait3A_194 : memref<1x64x128xf32, #tpu.memory_space<vmem>> -> memref<64x128xf32, #tpu.memory_space<vmem>>
    %dma_wait3A_196 = arith.constant 0 : i32
    %dma_wait3A_197 = arith.constant 0 : i32
    %dma_wait3A_198 = tpu.memref_slice %arg2[%dma_wait3A_196, %dma_wait3A_197] : memref<10240x128xf32, #tpu.memory_space<hbm>> -> memref<64x128xf32, #tpu.memory_space<hbm>>
    tpu.wait_dma2 semaphore(%arg15 : memref<!tpu.dma_semaphore, #tpu.memory_space<semaphore_mem>>) src(%dma_wait3A_198 : memref<64x128xf32, #tpu.memory_space<hbm>>) dst(%dma_wait3A_195 : memref<64x128xf32, #tpu.memory_space<vmem>>)
    %barrier3A_199 = arith.constant 0 : index
    tpu.barrier barrier_id(%barrier3A_199)
    %mul3A_200 = arith.constant 640 : i32
    %mul3A_201 = arith.muli %arg1, %mul3A_200 : i32
    %add3A_202 = arith.constant 0 : i32
    %add3A_203 = arith.addi %mul3A_201, %add3A_202 : i32
    "tpu.region"() ({
      %run_scoped3A_220 = tpu.sem_alloc : memref<!tpu.dma_semaphore, #tpu.memory_space<semaphore_mem>>
      %dma_start3A_221 = arith.constant 0 : i32
      %dma_start3A_222 = tpu.memref_slice %arg4[%arg0, %add3A_203, %dma_start3A_221] : memref<2x10240x128xf32, #tpu.memory_space<hbm>> -> memref<1x128x128xf32, #tpu.memory_space<hbm>>
      %dma_start3A_223 = tpu.memref_squeeze %dma_start3A_222 : memref<1x128x128xf32, #tpu.memory_space<hbm>> -> memref<128x128xf32, #tpu.memory_space<hbm>>
      %dma_start3A_224 = arith.constant 0 : i32
      %dma_start3A_225 = tpu.memref_slice %arg7[%add3A_203, %dma_start3A_224] : memref<10240x128xf32, #tpu.memory_space<vmem_shared>> -> memref<128x128xf32, #tpu.memory_space<vmem_shared>>
      tpu.enqueue_dma source(%dma_start3A_225 : memref<128x128xf32, #tpu.memory_space<vmem_shared>>) target(%dma_start3A_223 : memref<128x128xf32, #tpu.memory_space<hbm>>) target_semaphore(%run_scoped3A_220 : memref<!tpu.dma_semaphore, #tpu.memory_space<semaphore_mem>>)
      %dma_wait3A_226 = arith.constant 0 : i32
      %dma_wait3A_227 = tpu.memref_slice %arg4[%arg0, %add3A_203, %dma_wait3A_226] : memref<2x10240x128xf32, #tpu.memory_space<hbm>> -> memref<1x128x128xf32, #tpu.memory_space<hbm>>
      %dma_wait3A_228 = tpu.memref_squeeze %dma_wait3A_227 : memref<1x128x128xf32, #tpu.memory_space<hbm>> -> memref<128x128xf32, #tpu.memory_space<hbm>>
      %dma_wait3A_229 = arith.constant 0 : i32
      %dma_wait3A_230 = tpu.memref_slice %arg7[%add3A_203, %dma_wait3A_229] : memref<10240x128xf32, #tpu.memory_space<vmem_shared>> -> memref<128x128xf32, #tpu.memory_space<vmem_shared>>
      tpu.wait_dma2 semaphore(%run_scoped3A_220 : memref<!tpu.dma_semaphore, #tpu.memory_space<semaphore_mem>>) src(%dma_wait3A_230 : memref<128x128xf32, #tpu.memory_space<vmem_shared>>) dst(%dma_wait3A_228 : memref<128x128xf32, #tpu.memory_space<hbm>>)
      tpu.yield
    }) : () -> ()
    %mul3A_204 = arith.constant 640 : i32
    %mul3A_205 = arith.muli %arg1, %mul3A_204 : i32
    %add3A_206 = arith.constant 128 : i32
    %add3A_207 = arith.addi %mul3A_205, %add3A_206 : i32
    "tpu.region"() ({
      %run_scoped3A_220 = tpu.sem_alloc : memref<!tpu.dma_semaphore, #tpu.memory_space<semaphore_mem>>
      %dma_start3A_221 = arith.constant 0 : i32
      %dma_start3A_222 = tpu.memref_slice %arg4[%arg0, %add3A_207, %dma_start3A_221] : memref<2x10240x128xf32, #tpu.memory_space<hbm>> -> memref<1x128x128xf32, #tpu.memory_space<hbm>>
      %dma_start3A_223 = tpu.memref_squeeze %dma_start3A_222 : memref<1x128x128xf32, #tpu.memory_space<hbm>> -> memref<128x128xf32, #tpu.memory_space<hbm>>
      %dma_start3A_224 = arith.constant 0 : i32
      %dma_start3A_225 = tpu.memref_slice %arg7[%add3A_207, %dma_start3A_224] : memref<10240x128xf32, #tpu.memory_space<vmem_shared>> -> memref<128x128xf32, #tpu.memory_space<vmem_shared>>
      tpu.enqueue_dma source(%dma_start3A_225 : memref<128x128xf32, #tpu.memory_space<vmem_shared>>) target(%dma_start3A_223 : memref<128x128xf32, #tpu.memory_space<hbm>>) target_semaphore(%run_scoped3A_220 : memref<!tpu.dma_semaphore, #tpu.memory_space<semaphore_mem>>)
      %dma_wait3A_226 = arith.constant 0 : i32
      %dma_wait3A_227 = tpu.memref_slice %arg4[%arg0, %add3A_207, %dma_wait3A_226] : memref<2x10240x128xf32, #tpu.memory_space<hbm>> -> memref<1x128x128xf32, #tpu.memory_space<hbm>>
      %dma_wait3A_228 = tpu.memref_squeeze %dma_wait3A_227 : memref<1x128x128xf32, #tpu.memory_space<hbm>> -> memref<128x128xf32, #tpu.memory_space<hbm>>
      %dma_wait3A_229 = arith.constant 0 : i32
      %dma_wait3A_230 = tpu.memref_slice %arg7[%add3A_207, %dma_wait3A_229] : memref<10240x128xf32, #tpu.memory_space<vmem_shared>> -> memref<128x128xf32, #tpu.memory_space<vmem_shared>>
      tpu.wait_dma2 semaphore(%run_scoped3A_220 : memref<!tpu.dma_semaphore, #tpu.memory_space<semaphore_mem>>) src(%dma_wait3A_230 : memref<128x128xf32, #tpu.memory_space<vmem_shared>>) dst(%dma_wait3A_228 : memref<128x128xf32, #tpu.memory_space<hbm>>)
      tpu.yield
    }) : () -> ()
    %mul3A_208 = arith.constant 640 : i32
    %mul3A_209 = arith.muli %arg1, %mul3A_208 : i32
    %add3A_210 = arith.constant 256 : i32
    %add3A_211 = arith.addi %mul3A_209, %add3A_210 : i32
    "tpu.region"() ({
      %run_scoped3A_220 = tpu.sem_alloc : memref<!tpu.dma_semaphore, #tpu.memory_space<semaphore_mem>>
      %dma_start3A_221 = arith.constant 0 : i32
      %dma_start3A_222 = tpu.memref_slice %arg4[%arg0, %add3A_211, %dma_start3A_221] : memref<2x10240x128xf32, #tpu.memory_space<hbm>> -> memref<1x128x128xf32, #tpu.memory_space<hbm>>
      %dma_start3A_223 = tpu.memref_squeeze %dma_start3A_222 : memref<1x128x128xf32, #tpu.memory_space<hbm>> -> memref<128x128xf32, #tpu.memory_space<hbm>>
      %dma_start3A_224 = arith.constant 0 : i32
      %dma_start3A_225 = tpu.memref_slice %arg7[%add3A_211, %dma_start3A_224] : memref<10240x128xf32, #tpu.memory_space<vmem_shared>> -> memref<128x128xf32, #tpu.memory_space<vmem_shared>>
      tpu.enqueue_dma source(%dma_start3A_225 : memref<128x128xf32, #tpu.memory_space<vmem_shared>>) target(%dma_start3A_223 : memref<128x128xf32, #tpu.memory_space<hbm>>) target_semaphore(%run_scoped3A_220 : memref<!tpu.dma_semaphore, #tpu.memory_space<semaphore_mem>>)
      %dma_wait3A_226 = arith.constant 0 : i32
      %dma_wait3A_227 = tpu.memref_slice %arg4[%arg0, %add3A_211, %dma_wait3A_226] : memref<2x10240x128xf32, #tpu.memory_space<hbm>> -> memref<1x128x128xf32, #tpu.memory_space<hbm>>
      %dma_wait3A_228 = tpu.memref_squeeze %dma_wait3A_227 : memref<1x128x128xf32, #tpu.memory_space<hbm>> -> memref<128x128xf32, #tpu.memory_space<hbm>>
      %dma_wait3A_229 = arith.constant 0 : i32
      %dma_wait3A_230 = tpu.memref_slice %arg7[%add3A_211, %dma_wait3A_229] : memref<10240x128xf32, #tpu.memory_space<vmem_shared>> -> memref<128x128xf32, #tpu.memory_space<vmem_shared>>
      tpu.wait_dma2 semaphore(%run_scoped3A_220 : memref<!tpu.dma_semaphore, #tpu.memory_space<semaphore_mem>>) src(%dma_wait3A_230 : memref<128x128xf32, #tpu.memory_space<vmem_shared>>) dst(%dma_wait3A_228 : memref<128x128xf32, #tpu.memory_space<hbm>>)
      tpu.yield
    }) : () -> ()
    %mul3A_212 = arith.constant 640 : i32
    %mul3A_213 = arith.muli %arg1, %mul3A_212 : i32
    %add3A_214 = arith.constant 384 : i32
    %add3A_215 = arith.addi %mul3A_213, %add3A_214 : i32
    "tpu.region"() ({
      %run_scoped3A_220 = tpu.sem_alloc : memref<!tpu.dma_semaphore, #tpu.memory_space<semaphore_mem>>
      %dma_start3A_221 = arith.constant 0 : i32
      %dma_start3A_222 = tpu.memref_slice %arg4[%arg0, %add3A_215, %dma_start3A_221] : memref<2x10240x128xf32, #tpu.memory_space<hbm>> -> memref<1x128x128xf32, #tpu.memory_space<hbm>>
      %dma_start3A_223 = tpu.memref_squeeze %dma_start3A_222 : memref<1x128x128xf32, #tpu.memory_space<hbm>> -> memref<128x128xf32, #tpu.memory_space<hbm>>
      %dma_start3A_224 = arith.constant 0 : i32
      %dma_start3A_225 = tpu.memref_slice %arg7[%add3A_215, %dma_start3A_224] : memref<10240x128xf32, #tpu.memory_space<vmem_shared>> -> memref<128x128xf32, #tpu.memory_space<vmem_shared>>
      tpu.enqueue_dma source(%dma_start3A_225 : memref<128x128xf32, #tpu.memory_space<vmem_shared>>) target(%dma_start3A_223 : memref<128x128xf32, #tpu.memory_space<hbm>>) target_semaphore(%run_scoped3A_220 : memref<!tpu.dma_semaphore, #tpu.memory_space<semaphore_mem>>)
      %dma_wait3A_226 = arith.constant 0 : i32
      %dma_wait3A_227 = tpu.memref_slice %arg4[%arg0, %add3A_215, %dma_wait3A_226] : memref<2x10240x128xf32, #tpu.memory_space<hbm>> -> memref<1x128x128xf32, #tpu.memory_space<hbm>>
      %dma_wait3A_228 = tpu.memref_squeeze %dma_wait3A_227 : memref<1x128x128xf32, #tpu.memory_space<hbm>> -> memref<128x128xf32, #tpu.memory_space<hbm>>
      %dma_wait3A_229 = arith.constant 0 : i32
      %dma_wait3A_230 = tpu.memref_slice %arg7[%add3A_215, %dma_wait3A_229] : memref<10240x128xf32, #tpu.memory_space<vmem_shared>> -> memref<128x128xf32, #tpu.memory_space<vmem_shared>>
      tpu.wait_dma2 semaphore(%run_scoped3A_220 : memref<!tpu.dma_semaphore, #tpu.memory_space<semaphore_mem>>) src(%dma_wait3A_230 : memref<128x128xf32, #tpu.memory_space<vmem_shared>>) dst(%dma_wait3A_228 : memref<128x128xf32, #tpu.memory_space<hbm>>)
      tpu.yield
    }) : () -> ()
    %mul3A_216 = arith.constant 640 : i32
    %mul3A_217 = arith.muli %arg1, %mul3A_216 : i32
    %add3A_218 = arith.constant 512 : i32
    %add3A_219 = arith.addi %mul3A_217, %add3A_218 : i32
    "tpu.region"() ({
      %run_scoped3A_220 = tpu.sem_alloc : memref<!tpu.dma_semaphore, #tpu.memory_space<semaphore_mem>>
      %dma_start3A_221 = arith.constant 0 : i32
      %dma_start3A_222 = tpu.memref_slice %arg4[%arg0, %add3A_219, %dma_start3A_221] : memref<2x10240x128xf32, #tpu.memory_space<hbm>> -> memref<1x128x128xf32, #tpu.memory_space<hbm>>
      %dma_start3A_223 = tpu.memref_squeeze %dma_start3A_222 : memref<1x128x128xf32, #tpu.memory_space<hbm>> -> memref<128x128xf32, #tpu.memory_space<hbm>>
      %dma_start3A_224 = arith.constant 0 : i32
      %dma_start3A_225 = tpu.memref_slice %arg7[%add3A_219, %dma_start3A_224] : memref<10240x128xf32, #tpu.memory_space<vmem_shared>> -> memref<128x128xf32, #tpu.memory_space<vmem_shared>>
      tpu.enqueue_dma source(%dma_start3A_225 : memref<128x128xf32, #tpu.memory_space<vmem_shared>>) target(%dma_start3A_223 : memref<128x128xf32, #tpu.memory_space<hbm>>) target_semaphore(%run_scoped3A_220 : memref<!tpu.dma_semaphore, #tpu.memory_space<semaphore_mem>>)
      %dma_wait3A_226 = arith.constant 0 : i32
      %dma_wait3A_227 = tpu.memref_slice %arg4[%arg0, %add3A_219, %dma_wait3A_226] : memref<2x10240x128xf32, #tpu.memory_space<hbm>> -> memref<1x128x128xf32, #tpu.memory_space<hbm>>
      %dma_wait3A_228 = tpu.memref_squeeze %dma_wait3A_227 : memref<1x128x128xf32, #tpu.memory_space<hbm>> -> memref<128x128xf32, #tpu.memory_space<hbm>>
      %dma_wait3A_229 = arith.constant 0 : i32
      %dma_wait3A_230 = tpu.memref_slice %arg7[%add3A_219, %dma_wait3A_229] : memref<10240x128xf32, #tpu.memory_space<vmem_shared>> -> memref<128x128xf32, #tpu.memory_space<vmem_shared>>
      tpu.wait_dma2 semaphore(%run_scoped3A_220 : memref<!tpu.dma_semaphore, #tpu.memory_space<semaphore_mem>>) src(%dma_wait3A_230 : memref<128x128xf32, #tpu.memory_space<vmem_shared>>) dst(%dma_wait3A_228 : memref<128x128xf32, #tpu.memory_space<hbm>>)
      tpu.yield
    }) : () -> ()
    return
  }
}

#map = affine_map<(d0, d1) -> (0, 0, 0)>
#map1 = affine_map<(d0, d1) -> (0, 0)>
module attributes {stable_mosaic.version = 14 : i64} {
  func.func @_sc_degree(%arg0: i32, %arg1: i32, %arg2: memref<2x2560x128xi32, #tpu.memory_space<hbm>>, %arg3: memref<2x10240xf32, #tpu.memory_space<hbm>>, %arg4: memref<80x128xi32, #tpu.memory_space<vmem>>, %arg5: memref<128xf32, #tpu.memory_space<vmem>>, %arg6: memref<640xf32, #tpu.memory_space<vmem>>, %arg7: memref<10240xf32, #tpu.memory_space<vmem_shared>>, %arg8: memref<!tpu.dma_semaphore, #tpu.memory_space<semaphore_mem>>) attributes {dimension_semantics = [#tpu.dimension_semantics<core_parallel>, #tpu.dimension_semantics<subcore_parallel>], iteration_bounds = array<i64: 2, 16>, scalar_prefetch = 0 : i64, scratch_operands = 5 : i64, tpu.core_type = #tpu.core_type<sc_vector_subcore>, window_params = [{transform_indices = #map}, {transform_indices = #map1}]} {
    %broadcast_in_dim3A = arith.constant 1.000000e+00 : f32
    %broadcast_in_dim3A_0 = vector.broadcast %broadcast_in_dim3A : f32 to vector<16xf32>
    %broadcast_in_dim3A_1 = arith.constant 0.000000e+00 : f32
    %broadcast_in_dim3A_2 = vector.broadcast %broadcast_in_dim3A_1 : f32 to vector<16xf32>
    %swap3A = arith.constant 0 : index
    %swap3A_3 = tpu.vector_load %arg5[%swap3A] {strides = array<i32>} : memref<128xf32, #tpu.memory_space<vmem>>, vector<16xf32>,
    %swap3A_4 = vector.shape_cast %swap3A_3 : vector<16xf32> to vector<16xf32>
    %swap3A_5 = vector.shape_cast %broadcast_in_dim3A_0 : vector<16xf32> to vector<16xf32>
    tpu.vector_store %arg5[%swap3A], %swap3A_5 {strides = array<i32>} : memref<128xf32, #tpu.memory_space<vmem>>, vector<16xf32>,
    %swap3A_6 = arith.constant 16 : index
    %swap3A_7 = tpu.vector_load %arg5[%swap3A_6] {strides = array<i32>} : memref<128xf32, #tpu.memory_space<vmem>>, vector<16xf32>,
    %swap3A_8 = vector.shape_cast %swap3A_7 : vector<16xf32> to vector<16xf32>
    %swap3A_9 = vector.shape_cast %broadcast_in_dim3A_0 : vector<16xf32> to vector<16xf32>
    tpu.vector_store %arg5[%swap3A_6], %swap3A_9 {strides = array<i32>} : memref<128xf32, #tpu.memory_space<vmem>>, vector<16xf32>,
    %swap3A_10 = arith.constant 32 : index
    %swap3A_11 = tpu.vector_load %arg5[%swap3A_10] {strides = array<i32>} : memref<128xf32, #tpu.memory_space<vmem>>, vector<16xf32>,
    %swap3A_12 = vector.shape_cast %swap3A_11 : vector<16xf32> to vector<16xf32>
    %swap3A_13 = vector.shape_cast %broadcast_in_dim3A_0 : vector<16xf32> to vector<16xf32>
    tpu.vector_store %arg5[%swap3A_10], %swap3A_13 {strides = array<i32>} : memref<128xf32, #tpu.memory_space<vmem>>, vector<16xf32>,
    %swap3A_14 = arith.constant 48 : index
    %swap3A_15 = tpu.vector_load %arg5[%swap3A_14] {strides = array<i32>} : memref<128xf32, #tpu.memory_space<vmem>>, vector<16xf32>,
    %swap3A_16 = vector.shape_cast %swap3A_15 : vector<16xf32> to vector<16xf32>
    %swap3A_17 = vector.shape_cast %broadcast_in_dim3A_0 : vector<16xf32> to vector<16xf32>
    tpu.vector_store %arg5[%swap3A_14], %swap3A_17 {strides = array<i32>} : memref<128xf32, #tpu.memory_space<vmem>>, vector<16xf32>,
    %swap3A_18 = arith.constant 64 : index
    %swap3A_19 = tpu.vector_load %arg5[%swap3A_18] {strides = array<i32>} : memref<128xf32, #tpu.memory_space<vmem>>, vector<16xf32>,
    %swap3A_20 = vector.shape_cast %swap3A_19 : vector<16xf32> to vector<16xf32>
    %swap3A_21 = vector.shape_cast %broadcast_in_dim3A_0 : vector<16xf32> to vector<16xf32>
    tpu.vector_store %arg5[%swap3A_18], %swap3A_21 {strides = array<i32>} : memref<128xf32, #tpu.memory_space<vmem>>, vector<16xf32>,
    %swap3A_22 = arith.constant 80 : index
    %swap3A_23 = tpu.vector_load %arg5[%swap3A_22] {strides = array<i32>} : memref<128xf32, #tpu.memory_space<vmem>>, vector<16xf32>,
    %swap3A_24 = vector.shape_cast %swap3A_23 : vector<16xf32> to vector<16xf32>
    %swap3A_25 = vector.shape_cast %broadcast_in_dim3A_0 : vector<16xf32> to vector<16xf32>
    tpu.vector_store %arg5[%swap3A_22], %swap3A_25 {strides = array<i32>} : memref<128xf32, #tpu.memory_space<vmem>>, vector<16xf32>,
    %swap3A_26 = arith.constant 96 : index
    %swap3A_27 = tpu.vector_load %arg5[%swap3A_26] {strides = array<i32>} : memref<128xf32, #tpu.memory_space<vmem>>, vector<16xf32>,
    %swap3A_28 = vector.shape_cast %swap3A_27 : vector<16xf32> to vector<16xf32>
    %swap3A_29 = vector.shape_cast %broadcast_in_dim3A_0 : vector<16xf32> to vector<16xf32>
    tpu.vector_store %arg5[%swap3A_26], %swap3A_29 {strides = array<i32>} : memref<128xf32, #tpu.memory_space<vmem>>, vector<16xf32>,
    %swap3A_30 = arith.constant 112 : index
    %swap3A_31 = tpu.vector_load %arg5[%swap3A_30] {strides = array<i32>} : memref<128xf32, #tpu.memory_space<vmem>>, vector<16xf32>,
    %swap3A_32 = vector.shape_cast %swap3A_31 : vector<16xf32> to vector<16xf32>
    %swap3A_33 = vector.shape_cast %broadcast_in_dim3A_0 : vector<16xf32> to vector<16xf32>
    tpu.vector_store %arg5[%swap3A_30], %swap3A_33 {strides = array<i32>} : memref<128xf32, #tpu.memory_space<vmem>>, vector<16xf32>,
    %scan3A = arith.constant 0 : i32
    %scan3A_34 = arith.constant 0 : i32
    %scan3A_35 = arith.constant 40 : i32
    %scan3A_36 = arith.addi %scan3A_34, %scan3A_35 : i32
    %scan3A_37 = arith.constant 1 : i32
    %scan3A_38 = scf.for %scan3A_57 = %scan3A_34 to %scan3A_36 step %scan3A_37 iter_args(%scan3A_58 = %scan3A) -> (i32)  : i32 {
      %mul3A_59 = arith.constant 16 : i32
      %mul3A_60 = arith.muli %scan3A_57, %mul3A_59 : i32
      %swap3A_61 = arith.index_cast %mul3A_60 : i32 to index
      %swap3A_62 = tpu.vector_load %arg6[%swap3A_61] {strides = array<i32>} : memref<640xf32, #tpu.memory_space<vmem>>, vector<16xf32>,
      %swap3A_63 = vector.shape_cast %swap3A_62 : vector<16xf32> to vector<16xf32>
      %swap3A_64 = vector.shape_cast %broadcast_in_dim3A_2 : vector<16xf32> to vector<16xf32>
      tpu.vector_store %arg6[%swap3A_61], %swap3A_64 {strides = array<i32>} : memref<640xf32, #tpu.memory_space<vmem>>, vector<16xf32>,
      %scan3A_65 = arith.constant 0 : i32
      scf.yield %scan3A_65 : i32
    }
    %scan3A_39 = arith.constant 40 : i32
    %mul3A = arith.constant 640 : i32
    %mul3A_40 = arith.muli %arg1, %mul3A : i32
    "tpu.region"() ({
      %run_scoped3A_57 = tpu.sem_alloc : memref<!tpu.dma_semaphore, #tpu.memory_space<semaphore_mem>>
      %dma_start3A = tpu.memref_slice %arg7[%mul3A_40] : memref<10240xf32, #tpu.memory_space<vmem_shared>> -> memref<640xf32, #tpu.memory_space<vmem_shared>>
      %dma_start3A_58 = tpu.memref_slice %arg7[%mul3A_40] : memref<10240xf32, #tpu.memory_space<vmem_shared>> -> memref<640xf32, #tpu.memory_space<vmem_shared>>
      tpu.enqueue_dma source(%arg6 : memref<640xf32, #tpu.memory_space<vmem>>) target(%dma_start3A_58 : memref<640xf32, #tpu.memory_space<vmem_shared>>) target_semaphore(%run_scoped3A_57 : memref<!tpu.dma_semaphore, #tpu.memory_space<semaphore_mem>>)
      %dma_wait3A = tpu.memref_slice %arg7[%mul3A_40] : memref<10240xf32, #tpu.memory_space<vmem_shared>> -> memref<640xf32, #tpu.memory_space<vmem_shared>>
      %dma_wait3A_59 = tpu.memref_slice %arg7[%mul3A_40] : memref<10240xf32, #tpu.memory_space<vmem_shared>> -> memref<640xf32, #tpu.memory_space<vmem_shared>>
      tpu.wait_dma2 semaphore(%run_scoped3A_57 : memref<!tpu.dma_semaphore, #tpu.memory_space<semaphore_mem>>) src(%arg6 : memref<640xf32, #tpu.memory_space<vmem>>) dst(%dma_wait3A_59 : memref<640xf32, #tpu.memory_space<vmem_shared>>)
      tpu.yield
    }) : () -> ()
    %mul3A_41 = arith.constant 1280 : i32
    %mul3A_42 = arith.muli %arg0, %mul3A_41 : i32
    %mul3A_43 = arith.constant 80 : i32
    %mul3A_44 = arith.muli %arg1, %mul3A_43 : i32
    %add3A = arith.addi %mul3A_42, %mul3A_44 : i32
    %run_scoped3A = arith.constant 1 : i32
    "tpu.region"() ({
      %run_scoped3A_57 = tpu.sem_alloc : memref<!tpu.dma_semaphore, #tpu.memory_space<semaphore_mem>>
      %dma_start3A = arith.constant 0 : i32
      %dma_start3A_58 = tpu.memref_slice %arg2[%run_scoped3A, %add3A, %dma_start3A] : memref<2x2560x128xi32, #tpu.memory_space<hbm>> -> memref<1x80x128xi32, #tpu.memory_space<hbm>>
      %dma_start3A_59 = tpu.memref_squeeze %dma_start3A_58 : memref<1x80x128xi32, #tpu.memory_space<hbm>> -> memref<80x128xi32, #tpu.memory_space<hbm>>
      %dma_start3A_60 = arith.constant 0 : i32
      %dma_start3A_61 = tpu.memref_slice %arg2[%run_scoped3A, %add3A, %dma_start3A_60] : memref<2x2560x128xi32, #tpu.memory_space<hbm>> -> memref<1x80x128xi32, #tpu.memory_space<hbm>>
      %dma_start3A_62 = tpu.memref_squeeze %dma_start3A_61 : memref<1x80x128xi32, #tpu.memory_space<hbm>> -> memref<80x128xi32, #tpu.memory_space<hbm>>
      tpu.enqueue_dma source(%dma_start3A_62 : memref<80x128xi32, #tpu.memory_space<hbm>>) target(%arg4 : memref<80x128xi32, #tpu.memory_space<vmem>>) target_semaphore(%run_scoped3A_57 : memref<!tpu.dma_semaphore, #tpu.memory_space<semaphore_mem>>)
      %dma_wait3A = arith.constant 0 : i32
      %dma_wait3A_63 = tpu.memref_slice %arg2[%run_scoped3A, %add3A, %dma_wait3A] : memref<2x2560x128xi32, #tpu.memory_space<hbm>> -> memref<1x80x128xi32, #tpu.memory_space<hbm>>
      %dma_wait3A_64 = tpu.memref_squeeze %dma_wait3A_63 : memref<1x80x128xi32, #tpu.memory_space<hbm>> -> memref<80x128xi32, #tpu.memory_space<hbm>>
      %dma_wait3A_65 = arith.constant 0 : i32
      %dma_wait3A_66 = tpu.memref_slice %arg2[%run_scoped3A, %add3A, %dma_wait3A_65] : memref<2x2560x128xi32, #tpu.memory_space<hbm>> -> memref<1x80x128xi32, #tpu.memory_space<hbm>>
      %dma_wait3A_67 = tpu.memref_squeeze %dma_wait3A_66 : memref<1x80x128xi32, #tpu.memory_space<hbm>> -> memref<80x128xi32, #tpu.memory_space<hbm>>
      tpu.wait_dma2 semaphore(%run_scoped3A_57 : memref<!tpu.dma_semaphore, #tpu.memory_space<semaphore_mem>>) src(%dma_wait3A_67 : memref<80x128xi32, #tpu.memory_space<hbm>>) dst(%arg4 : memref<80x128xi32, #tpu.memory_space<vmem>>)
      tpu.yield
    }) : () -> ()
    %barrier3A = arith.constant 0 : index
    tpu.barrier barrier_id(%barrier3A)
    %scan3A_45 = arith.constant 0 : i32
    %scan3A_46 = arith.constant 0 : i32
    %scan3A_47 = arith.constant 10 : i32
    %scan3A_48 = arith.addi %scan3A_46, %scan3A_47 : i32
    %scan3A_49 = arith.constant 1 : i32
    %scan3A_50 = scf.for %scan3A_57 = %scan3A_46 to %scan3A_48 step %scan3A_49 iter_args(%scan3A_58 = %scan3A_45) -> (i32)  : i32 {
      %mul3A_59 = arith.constant 8 : i32
      %mul3A_60 = arith.muli %mul3A_59, %scan3A_57 : i32
      %add3A_61 = arith.constant 0 : i32
      %add3A_62 = arith.addi %mul3A_60, %add3A_61 : i32
      %dma_start3A = arith.constant 0 : i32
      %dma_start3A_63 = tpu.memref_slice %arg4[%add3A_62, %dma_start3A] : memref<80x128xi32, #tpu.memory_space<vmem>> -> memref<1x128xi32, #tpu.memory_space<vmem>>
      %dma_start3A_64 = tpu.memref_squeeze %dma_start3A_63 : memref<1x128xi32, #tpu.memory_space<vmem>> -> memref<128xi32, #tpu.memory_space<vmem>>
      %dma_start3A_65 = arith.constant 0 : i32
      %dma_start3A_66 = tpu.memref_slice %arg7[%dma_start3A_65] : memref<10240xf32, #tpu.memory_space<vmem_shared>> -> memref<10240xf32, #tpu.memory_space<vmem_shared>>
      tpu.enqueue_indirect_dma source(%arg5 : memref<128xf32, #tpu.memory_space<vmem>>) target(%dma_start3A_66 : memref<10240xf32, #tpu.memory_space<vmem_shared>>) offsets(%dma_start3A_64 : memref<128xi32, #tpu.memory_space<vmem>>) semaphore(%arg8 : memref<!tpu.dma_semaphore, #tpu.memory_space<semaphore_mem>>) {add = true}
      %mul3A_67 = arith.constant 8 : i32
      %mul3A_68 = arith.muli %mul3A_67, %scan3A_57 : i32
      %add3A_69 = arith.constant 1 : i32
      %add3A_70 = arith.addi %mul3A_68, %add3A_69 : i32
      %dma_start3A_71 = arith.constant 0 : i32
      %dma_start3A_72 = tpu.memref_slice %arg4[%add3A_70, %dma_start3A_71] : memref<80x128xi32, #tpu.memory_space<vmem>> -> memref<1x128xi32, #tpu.memory_space<vmem>>
      %dma_start3A_73 = tpu.memref_squeeze %dma_start3A_72 : memref<1x128xi32, #tpu.memory_space<vmem>> -> memref<128xi32, #tpu.memory_space<vmem>>
      %dma_start3A_74 = arith.constant 0 : i32
      %dma_start3A_75 = tpu.memref_slice %arg7[%dma_start3A_74] : memref<10240xf32, #tpu.memory_space<vmem_shared>> -> memref<10240xf32, #tpu.memory_space<vmem_shared>>
      tpu.enqueue_indirect_dma source(%arg5 : memref<128xf32, #tpu.memory_space<vmem>>) target(%dma_start3A_75 : memref<10240xf32, #tpu.memory_space<vmem_shared>>) offsets(%dma_start3A_73 : memref<128xi32, #tpu.memory_space<vmem>>) semaphore(%arg8 : memref<!tpu.dma_semaphore, #tpu.memory_space<semaphore_mem>>) {add = true}
      %mul3A_76 = arith.constant 8 : i32
      %mul3A_77 = arith.muli %mul3A_76, %scan3A_57 : i32
      %add3A_78 = arith.constant 2 : i32
      %add3A_79 = arith.addi %mul3A_77, %add3A_78 : i32
      %dma_start3A_80 = arith.constant 0 : i32
      %dma_start3A_81 = tpu.memref_slice %arg4[%add3A_79, %dma_start3A_80] : memref<80x128xi32, #tpu.memory_space<vmem>> -> memref<1x128xi32, #tpu.memory_space<vmem>>
      %dma_start3A_82 = tpu.memref_squeeze %dma_start3A_81 : memref<1x128xi32, #tpu.memory_space<vmem>> -> memref<128xi32, #tpu.memory_space<vmem>>
      %dma_start3A_83 = arith.constant 0 : i32
      %dma_start3A_84 = tpu.memref_slice %arg7[%dma_start3A_83] : memref<10240xf32, #tpu.memory_space<vmem_shared>> -> memref<10240xf32, #tpu.memory_space<vmem_shared>>
      tpu.enqueue_indirect_dma source(%arg5 : memref<128xf32, #tpu.memory_space<vmem>>) target(%dma_start3A_84 : memref<10240xf32, #tpu.memory_space<vmem_shared>>) offsets(%dma_start3A_82 : memref<128xi32, #tpu.memory_space<vmem>>) semaphore(%arg8 : memref<!tpu.dma_semaphore, #tpu.memory_space<semaphore_mem>>) {add = true}
      %mul3A_85 = arith.constant 8 : i32
      %mul3A_86 = arith.muli %mul3A_85, %scan3A_57 : i32
      %add3A_87 = arith.constant 3 : i32
      %add3A_88 = arith.addi %mul3A_86, %add3A_87 : i32
      %dma_start3A_89 = arith.constant 0 : i32
      %dma_start3A_90 = tpu.memref_slice %arg4[%add3A_88, %dma_start3A_89] : memref<80x128xi32, #tpu.memory_space<vmem>> -> memref<1x128xi32, #tpu.memory_space<vmem>>
      %dma_start3A_91 = tpu.memref_squeeze %dma_start3A_90 : memref<1x128xi32, #tpu.memory_space<vmem>> -> memref<128xi32, #tpu.memory_space<vmem>>
      %dma_start3A_92 = arith.constant 0 : i32
      %dma_start3A_93 = tpu.memref_slice %arg7[%dma_start3A_92] : memref<10240xf32, #tpu.memory_space<vmem_shared>> -> memref<10240xf32, #tpu.memory_space<vmem_shared>>
      tpu.enqueue_indirect_dma source(%arg5 : memref<128xf32, #tpu.memory_space<vmem>>) target(%dma_start3A_93 : memref<10240xf32, #tpu.memory_space<vmem_shared>>) offsets(%dma_start3A_91 : memref<128xi32, #tpu.memory_space<vmem>>) semaphore(%arg8 : memref<!tpu.dma_semaphore, #tpu.memory_space<semaphore_mem>>) {add = true}
      %mul3A_94 = arith.constant 8 : i32
      %mul3A_95 = arith.muli %mul3A_94, %scan3A_57 : i32
      %add3A_96 = arith.constant 4 : i32
      %add3A_97 = arith.addi %mul3A_95, %add3A_96 : i32
      %dma_start3A_98 = arith.constant 0 : i32
      %dma_start3A_99 = tpu.memref_slice %arg4[%add3A_97, %dma_start3A_98] : memref<80x128xi32, #tpu.memory_space<vmem>> -> memref<1x128xi32, #tpu.memory_space<vmem>>
      %dma_start3A_100 = tpu.memref_squeeze %dma_start3A_99 : memref<1x128xi32, #tpu.memory_space<vmem>> -> memref<128xi32, #tpu.memory_space<vmem>>
      %dma_start3A_101 = arith.constant 0 : i32
      %dma_start3A_102 = tpu.memref_slice %arg7[%dma_start3A_101] : memref<10240xf32, #tpu.memory_space<vmem_shared>> -> memref<10240xf32, #tpu.memory_space<vmem_shared>>
      tpu.enqueue_indirect_dma source(%arg5 : memref<128xf32, #tpu.memory_space<vmem>>) target(%dma_start3A_102 : memref<10240xf32, #tpu.memory_space<vmem_shared>>) offsets(%dma_start3A_100 : memref<128xi32, #tpu.memory_space<vmem>>) semaphore(%arg8 : memref<!tpu.dma_semaphore, #tpu.memory_space<semaphore_mem>>) {add = true}
      %mul3A_103 = arith.constant 8 : i32
      %mul3A_104 = arith.muli %mul3A_103, %scan3A_57 : i32
      %add3A_105 = arith.constant 5 : i32
      %add3A_106 = arith.addi %mul3A_104, %add3A_105 : i32
      %dma_start3A_107 = arith.constant 0 : i32
      %dma_start3A_108 = tpu.memref_slice %arg4[%add3A_106, %dma_start3A_107] : memref<80x128xi32, #tpu.memory_space<vmem>> -> memref<1x128xi32, #tpu.memory_space<vmem>>
      %dma_start3A_109 = tpu.memref_squeeze %dma_start3A_108 : memref<1x128xi32, #tpu.memory_space<vmem>> -> memref<128xi32, #tpu.memory_space<vmem>>
      %dma_start3A_110 = arith.constant 0 : i32
      %dma_start3A_111 = tpu.memref_slice %arg7[%dma_start3A_110] : memref<10240xf32, #tpu.memory_space<vmem_shared>> -> memref<10240xf32, #tpu.memory_space<vmem_shared>>
      tpu.enqueue_indirect_dma source(%arg5 : memref<128xf32, #tpu.memory_space<vmem>>) target(%dma_start3A_111 : memref<10240xf32, #tpu.memory_space<vmem_shared>>) offsets(%dma_start3A_109 : memref<128xi32, #tpu.memory_space<vmem>>) semaphore(%arg8 : memref<!tpu.dma_semaphore, #tpu.memory_space<semaphore_mem>>) {add = true}
      %mul3A_112 = arith.constant 8 : i32
      %mul3A_113 = arith.muli %mul3A_112, %scan3A_57 : i32
      %add3A_114 = arith.constant 6 : i32
      %add3A_115 = arith.addi %mul3A_113, %add3A_114 : i32
      %dma_start3A_116 = arith.constant 0 : i32
      %dma_start3A_117 = tpu.memref_slice %arg4[%add3A_115, %dma_start3A_116] : memref<80x128xi32, #tpu.memory_space<vmem>> -> memref<1x128xi32, #tpu.memory_space<vmem>>
      %dma_start3A_118 = tpu.memref_squeeze %dma_start3A_117 : memref<1x128xi32, #tpu.memory_space<vmem>> -> memref<128xi32, #tpu.memory_space<vmem>>
      %dma_start3A_119 = arith.constant 0 : i32
      %dma_start3A_120 = tpu.memref_slice %arg7[%dma_start3A_119] : memref<10240xf32, #tpu.memory_space<vmem_shared>> -> memref<10240xf32, #tpu.memory_space<vmem_shared>>
      tpu.enqueue_indirect_dma source(%arg5 : memref<128xf32, #tpu.memory_space<vmem>>) target(%dma_start3A_120 : memref<10240xf32, #tpu.memory_space<vmem_shared>>) offsets(%dma_start3A_118 : memref<128xi32, #tpu.memory_space<vmem>>) semaphore(%arg8 : memref<!tpu.dma_semaphore, #tpu.memory_space<semaphore_mem>>) {add = true}
      %mul3A_121 = arith.constant 8 : i32
      %mul3A_122 = arith.muli %mul3A_121, %scan3A_57 : i32
      %add3A_123 = arith.constant 7 : i32
      %add3A_124 = arith.addi %mul3A_122, %add3A_123 : i32
      %dma_start3A_125 = arith.constant 0 : i32
      %dma_start3A_126 = tpu.memref_slice %arg4[%add3A_124, %dma_start3A_125] : memref<80x128xi32, #tpu.memory_space<vmem>> -> memref<1x128xi32, #tpu.memory_space<vmem>>
      %dma_start3A_127 = tpu.memref_squeeze %dma_start3A_126 : memref<1x128xi32, #tpu.memory_space<vmem>> -> memref<128xi32, #tpu.memory_space<vmem>>
      %dma_start3A_128 = arith.constant 0 : i32
      %dma_start3A_129 = tpu.memref_slice %arg7[%dma_start3A_128] : memref<10240xf32, #tpu.memory_space<vmem_shared>> -> memref<10240xf32, #tpu.memory_space<vmem_shared>>
      tpu.enqueue_indirect_dma source(%arg5 : memref<128xf32, #tpu.memory_space<vmem>>) target(%dma_start3A_129 : memref<10240xf32, #tpu.memory_space<vmem_shared>>) offsets(%dma_start3A_127 : memref<128xi32, #tpu.memory_space<vmem>>) semaphore(%arg8 : memref<!tpu.dma_semaphore, #tpu.memory_space<semaphore_mem>>) {add = true}
      %dma_wait3A = arith.constant 0 : i32
      %dma_wait3A_130 = arith.constant 0 : i32
      %dma_wait3A_131 = tpu.memref_slice %arg3[%dma_wait3A, %dma_wait3A_130] : memref<2x10240xf32, #tpu.memory_space<hbm>> -> memref<1x128xf32, #tpu.memory_space<hbm>>
      %dma_wait3A_132 = tpu.memref_squeeze %dma_wait3A_131 : memref<1x128xf32, #tpu.memory_space<hbm>> -> memref<128xf32, #tpu.memory_space<hbm>>
      %dma_wait3A_133 = arith.constant 0 : i32
      %dma_wait3A_134 = tpu.memref_slice %arg3[%dma_wait3A, %dma_wait3A_133] : memref<2x10240xf32, #tpu.memory_space<hbm>> -> memref<1x128xf32, #tpu.memory_space<hbm>>
      %dma_wait3A_135 = tpu.memref_squeeze %dma_wait3A_134 : memref<1x128xf32, #tpu.memory_space<hbm>> -> memref<128xf32, #tpu.memory_space<hbm>>
      tpu.wait_dma2 semaphore(%arg8 : memref<!tpu.dma_semaphore, #tpu.memory_space<semaphore_mem>>) src(%dma_wait3A_135 : memref<128xf32, #tpu.memory_space<hbm>>) dst(%arg5 : memref<128xf32, #tpu.memory_space<vmem>>)
      %dma_wait3A_136 = arith.constant 0 : i32
      %dma_wait3A_137 = arith.constant 0 : i32
      %dma_wait3A_138 = tpu.memref_slice %arg3[%dma_wait3A_136, %dma_wait3A_137] : memref<2x10240xf32, #tpu.memory_space<hbm>> -> memref<1x128xf32, #tpu.memory_space<hbm>>
      %dma_wait3A_139 = tpu.memref_squeeze %dma_wait3A_138 : memref<1x128xf32, #tpu.memory_space<hbm>> -> memref<128xf32, #tpu.memory_space<hbm>>
      %dma_wait3A_140 = arith.constant 0 : i32
      %dma_wait3A_141 = tpu.memref_slice %arg3[%dma_wait3A_136, %dma_wait3A_140] : memref<2x10240xf32, #tpu.memory_space<hbm>> -> memref<1x128xf32, #tpu.memory_space<hbm>>
      %dma_wait3A_142 = tpu.memref_squeeze %dma_wait3A_141 : memref<1x128xf32, #tpu.memory_space<hbm>> -> memref<128xf32, #tpu.memory_space<hbm>>
      tpu.wait_dma2 semaphore(%arg8 : memref<!tpu.dma_semaphore, #tpu.memory_space<semaphore_mem>>) src(%dma_wait3A_142 : memref<128xf32, #tpu.memory_space<hbm>>) dst(%arg5 : memref<128xf32, #tpu.memory_space<vmem>>)
      %dma_wait3A_143 = arith.constant 0 : i32
      %dma_wait3A_144 = arith.constant 0 : i32
      %dma_wait3A_145 = tpu.memref_slice %arg3[%dma_wait3A_143, %dma_wait3A_144] : memref<2x10240xf32, #tpu.memory_space<hbm>> -> memref<1x128xf32, #tpu.memory_space<hbm>>
      %dma_wait3A_146 = tpu.memref_squeeze %dma_wait3A_145 : memref<1x128xf32, #tpu.memory_space<hbm>> -> memref<128xf32, #tpu.memory_space<hbm>>
      %dma_wait3A_147 = arith.constant 0 : i32
      %dma_wait3A_148 = tpu.memref_slice %arg3[%dma_wait3A_143, %dma_wait3A_147] : memref<2x10240xf32, #tpu.memory_space<hbm>> -> memref<1x128xf32, #tpu.memory_space<hbm>>
      %dma_wait3A_149 = tpu.memref_squeeze %dma_wait3A_148 : memref<1x128xf32, #tpu.memory_space<hbm>> -> memref<128xf32, #tpu.memory_space<hbm>>
      tpu.wait_dma2 semaphore(%arg8 : memref<!tpu.dma_semaphore, #tpu.memory_space<semaphore_mem>>) src(%dma_wait3A_149 : memref<128xf32, #tpu.memory_space<hbm>>) dst(%arg5 : memref<128xf32, #tpu.memory_space<vmem>>)
      %dma_wait3A_150 = arith.constant 0 : i32
      %dma_wait3A_151 = arith.constant 0 : i32
      %dma_wait3A_152 = tpu.memref_slice %arg3[%dma_wait3A_150, %dma_wait3A_151] : memref<2x10240xf32, #tpu.memory_space<hbm>> -> memref<1x128xf32, #tpu.memory_space<hbm>>
      %dma_wait3A_153 = tpu.memref_squeeze %dma_wait3A_152 : memref<1x128xf32, #tpu.memory_space<hbm>> -> memref<128xf32, #tpu.memory_space<hbm>>
      %dma_wait3A_154 = arith.constant 0 : i32
      %dma_wait3A_155 = tpu.memref_slice %arg3[%dma_wait3A_150, %dma_wait3A_154] : memref<2x10240xf32, #tpu.memory_space<hbm>> -> memref<1x128xf32, #tpu.memory_space<hbm>>
      %dma_wait3A_156 = tpu.memref_squeeze %dma_wait3A_155 : memref<1x128xf32, #tpu.memory_space<hbm>> -> memref<128xf32, #tpu.memory_space<hbm>>
      tpu.wait_dma2 semaphore(%arg8 : memref<!tpu.dma_semaphore, #tpu.memory_space<semaphore_mem>>) src(%dma_wait3A_156 : memref<128xf32, #tpu.memory_space<hbm>>) dst(%arg5 : memref<128xf32, #tpu.memory_space<vmem>>)
      %dma_wait3A_157 = arith.constant 0 : i32
      %dma_wait3A_158 = arith.constant 0 : i32
      %dma_wait3A_159 = tpu.memref_slice %arg3[%dma_wait3A_157, %dma_wait3A_158] : memref<2x10240xf32, #tpu.memory_space<hbm>> -> memref<1x128xf32, #tpu.memory_space<hbm>>
      %dma_wait3A_160 = tpu.memref_squeeze %dma_wait3A_159 : memref<1x128xf32, #tpu.memory_space<hbm>> -> memref<128xf32, #tpu.memory_space<hbm>>
      %dma_wait3A_161 = arith.constant 0 : i32
      %dma_wait3A_162 = tpu.memref_slice %arg3[%dma_wait3A_157, %dma_wait3A_161] : memref<2x10240xf32, #tpu.memory_space<hbm>> -> memref<1x128xf32, #tpu.memory_space<hbm>>
      %dma_wait3A_163 = tpu.memref_squeeze %dma_wait3A_162 : memref<1x128xf32, #tpu.memory_space<hbm>> -> memref<128xf32, #tpu.memory_space<hbm>>
      tpu.wait_dma2 semaphore(%arg8 : memref<!tpu.dma_semaphore, #tpu.memory_space<semaphore_mem>>) src(%dma_wait3A_163 : memref<128xf32, #tpu.memory_space<hbm>>) dst(%arg5 : memref<128xf32, #tpu.memory_space<vmem>>)
      %dma_wait3A_164 = arith.constant 0 : i32
      %dma_wait3A_165 = arith.constant 0 : i32
      %dma_wait3A_166 = tpu.memref_slice %arg3[%dma_wait3A_164, %dma_wait3A_165] : memref<2x10240xf32, #tpu.memory_space<hbm>> -> memref<1x128xf32, #tpu.memory_space<hbm>>
      %dma_wait3A_167 = tpu.memref_squeeze %dma_wait3A_166 : memref<1x128xf32, #tpu.memory_space<hbm>> -> memref<128xf32, #tpu.memory_space<hbm>>
      %dma_wait3A_168 = arith.constant 0 : i32
      %dma_wait3A_169 = tpu.memref_slice %arg3[%dma_wait3A_164, %dma_wait3A_168] : memref<2x10240xf32, #tpu.memory_space<hbm>> -> memref<1x128xf32, #tpu.memory_space<hbm>>
      %dma_wait3A_170 = tpu.memref_squeeze %dma_wait3A_169 : memref<1x128xf32, #tpu.memory_space<hbm>> -> memref<128xf32, #tpu.memory_space<hbm>>
      tpu.wait_dma2 semaphore(%arg8 : memref<!tpu.dma_semaphore, #tpu.memory_space<semaphore_mem>>) src(%dma_wait3A_170 : memref<128xf32, #tpu.memory_space<hbm>>) dst(%arg5 : memref<128xf32, #tpu.memory_space<vmem>>)
      %dma_wait3A_171 = arith.constant 0 : i32
      %dma_wait3A_172 = arith.constant 0 : i32
      %dma_wait3A_173 = tpu.memref_slice %arg3[%dma_wait3A_171, %dma_wait3A_172] : memref<2x10240xf32, #tpu.memory_space<hbm>> -> memref<1x128xf32, #tpu.memory_space<hbm>>
      %dma_wait3A_174 = tpu.memref_squeeze %dma_wait3A_173 : memref<1x128xf32, #tpu.memory_space<hbm>> -> memref<128xf32, #tpu.memory_space<hbm>>
      %dma_wait3A_175 = arith.constant 0 : i32
      %dma_wait3A_176 = tpu.memref_slice %arg3[%dma_wait3A_171, %dma_wait3A_175] : memref<2x10240xf32, #tpu.memory_space<hbm>> -> memref<1x128xf32, #tpu.memory_space<hbm>>
      %dma_wait3A_177 = tpu.memref_squeeze %dma_wait3A_176 : memref<1x128xf32, #tpu.memory_space<hbm>> -> memref<128xf32, #tpu.memory_space<hbm>>
      tpu.wait_dma2 semaphore(%arg8 : memref<!tpu.dma_semaphore, #tpu.memory_space<semaphore_mem>>) src(%dma_wait3A_177 : memref<128xf32, #tpu.memory_space<hbm>>) dst(%arg5 : memref<128xf32, #tpu.memory_space<vmem>>)
      %dma_wait3A_178 = arith.constant 0 : i32
      %dma_wait3A_179 = arith.constant 0 : i32
      %dma_wait3A_180 = tpu.memref_slice %arg3[%dma_wait3A_178, %dma_wait3A_179] : memref<2x10240xf32, #tpu.memory_space<hbm>> -> memref<1x128xf32, #tpu.memory_space<hbm>>
      %dma_wait3A_181 = tpu.memref_squeeze %dma_wait3A_180 : memref<1x128xf32, #tpu.memory_space<hbm>> -> memref<128xf32, #tpu.memory_space<hbm>>
      %dma_wait3A_182 = arith.constant 0 : i32
      %dma_wait3A_183 = tpu.memref_slice %arg3[%dma_wait3A_178, %dma_wait3A_182] : memref<2x10240xf32, #tpu.memory_space<hbm>> -> memref<1x128xf32, #tpu.memory_space<hbm>>
      %dma_wait3A_184 = tpu.memref_squeeze %dma_wait3A_183 : memref<1x128xf32, #tpu.memory_space<hbm>> -> memref<128xf32, #tpu.memory_space<hbm>>
      tpu.wait_dma2 semaphore(%arg8 : memref<!tpu.dma_semaphore, #tpu.memory_space<semaphore_mem>>) src(%dma_wait3A_184 : memref<128xf32, #tpu.memory_space<hbm>>) dst(%arg5 : memref<128xf32, #tpu.memory_space<vmem>>)
      %scan3A_185 = arith.constant 0 : i32
      scf.yield %scan3A_185 : i32
    }
    %scan3A_51 = arith.constant 10 : i32
    %barrier3A_52 = arith.constant 0 : index
    tpu.barrier barrier_id(%barrier3A_52)
    %mul3A_53 = arith.constant 640 : i32
    %mul3A_54 = arith.muli %arg1, %mul3A_53 : i32
    "tpu.region"() ({
      %run_scoped3A_57 = tpu.sem_alloc : memref<!tpu.dma_semaphore, #tpu.memory_space<semaphore_mem>>
      %dma_start3A = tpu.memref_slice %arg7[%mul3A_54] : memref<10240xf32, #tpu.memory_space<vmem_shared>> -> memref<640xf32, #tpu.memory_space<vmem_shared>>
      %dma_start3A_58 = tpu.memref_slice %arg7[%mul3A_54] : memref<10240xf32, #tpu.memory_space<vmem_shared>> -> memref<640xf32, #tpu.memory_space<vmem_shared>>
      tpu.enqueue_dma source(%dma_start3A_58 : memref<640xf32, #tpu.memory_space<vmem_shared>>) target(%arg6 : memref<640xf32, #tpu.memory_space<vmem>>) target_semaphore(%run_scoped3A_57 : memref<!tpu.dma_semaphore, #tpu.memory_space<semaphore_mem>>)
      %dma_wait3A = tpu.memref_slice %arg7[%mul3A_54] : memref<10240xf32, #tpu.memory_space<vmem_shared>> -> memref<640xf32, #tpu.memory_space<vmem_shared>>
      %dma_wait3A_59 = tpu.memref_slice %arg7[%mul3A_54] : memref<10240xf32, #tpu.memory_space<vmem_shared>> -> memref<640xf32, #tpu.memory_space<vmem_shared>>
      tpu.wait_dma2 semaphore(%run_scoped3A_57 : memref<!tpu.dma_semaphore, #tpu.memory_space<semaphore_mem>>) src(%dma_wait3A_59 : memref<640xf32, #tpu.memory_space<vmem_shared>>) dst(%arg6 : memref<640xf32, #tpu.memory_space<vmem>>)
      tpu.yield
    }) : () -> ()
    %mul3A_55 = arith.constant 640 : i32
    %mul3A_56 = arith.muli %arg1, %mul3A_55 : i32
    "tpu.region"() ({
      %run_scoped3A_57 = tpu.sem_alloc : memref<!tpu.dma_semaphore, #tpu.memory_space<semaphore_mem>>
      %dma_start3A = tpu.memref_slice %arg3[%arg0, %mul3A_56] : memref<2x10240xf32, #tpu.memory_space<hbm>> -> memref<1x640xf32, #tpu.memory_space<hbm>>
      %dma_start3A_58 = tpu.memref_squeeze %dma_start3A : memref<1x640xf32, #tpu.memory_space<hbm>> -> memref<640xf32, #tpu.memory_space<hbm>>
      %dma_start3A_59 = tpu.memref_slice %arg3[%arg0, %mul3A_56] : memref<2x10240xf32, #tpu.memory_space<hbm>> -> memref<1x640xf32, #tpu.memory_space<hbm>>
      %dma_start3A_60 = tpu.memref_squeeze %dma_start3A_59 : memref<1x640xf32, #tpu.memory_space<hbm>> -> memref<640xf32, #tpu.memory_space<hbm>>
      tpu.enqueue_dma source(%arg6 : memref<640xf32, #tpu.memory_space<vmem>>) target(%dma_start3A_60 : memref<640xf32, #tpu.memory_space<hbm>>) target_semaphore(%run_scoped3A_57 : memref<!tpu.dma_semaphore, #tpu.memory_space<semaphore_mem>>)
      %dma_wait3A = tpu.memref_slice %arg3[%arg0, %mul3A_56] : memref<2x10240xf32, #tpu.memory_space<hbm>> -> memref<1x640xf32, #tpu.memory_space<hbm>>
      %dma_wait3A_61 = tpu.memref_squeeze %dma_wait3A : memref<1x640xf32, #tpu.memory_space<hbm>> -> memref<640xf32, #tpu.memory_space<hbm>>
      %dma_wait3A_62 = tpu.memref_slice %arg3[%arg0, %mul3A_56] : memref<2x10240xf32, #tpu.memory_space<hbm>> -> memref<1x640xf32, #tpu.memory_space<hbm>>
      %dma_wait3A_63 = tpu.memref_squeeze %dma_wait3A_62 : memref<1x640xf32, #tpu.memory_space<hbm>> -> memref<640xf32, #tpu.memory_space<hbm>>
      tpu.wait_dma2 semaphore(%run_scoped3A_57 : memref<!tpu.dma_semaphore, #tpu.memory_space<semaphore_mem>>) src(%arg6 : memref<640xf32, #tpu.memory_space<vmem>>) dst(%dma_wait3A_63 : memref<640xf32, #tpu.memory_space<hbm>>)
      tpu.yield
    }) : () -> ()
    return
  }
}

module attributes {stable_mosaic.version = 14 : i64} {
  func.func @_tc1_body(%arg0: i32, %arg1: memref<1024x128xf32, #tpu.memory_space<vmem>>, %arg2: memref<128x128xf32, #tpu.memory_space<vmem>>, %arg3: memref<2x1024xf32, #tpu.memory_space<vmem>>, %arg4: memref<1024x128xf32, #tpu.memory_space<vmem>>) attributes {dimension_semantics = [#tpu.dimension_semantics<arbitrary>], iteration_bounds = array<i64: 10>, scalar_prefetch = 0 : i64, scratch_operands = 0 : i64, tpu.core_type = #tpu.core_type<tc>, window_params = [{transform_indices = @transform_0, window_bounds = array<i64: 1024, 128>}, {pipeline_mode = #tpu.pipeline_mode<synchronous>, transform_indices = @transform_1, window_bounds = array<i64: 128, 128>}, {transform_indices = @transform_2, window_bounds = array<i64: 2, 1024>}, {transform_indices = @transform_3, window_bounds = array<i64: 1024, 128>}]} {
    %get3A = arith.constant 0 : index
    %get3A_0 = arith.constant 0 : index
    %get3A_1 = vector.load %arg3[%get3A, %get3A_0] : memref<2x1024xf32, #tpu.memory_space<vmem>>, vector<2x1024xf32>
    %broadcast_in_dim3A = arith.constant 1.000000e+00 : f32
    %broadcast_in_dim3A_2 = vector.broadcast %broadcast_in_dim3A : f32 to vector<2x1xf32>
    %dot_general3A = arith.constant dense<0.000000e+00> : vector<1024x1xf32>
    %dot_general3A_3 = tpu.matmul %get3A_1, %broadcast_in_dim3A_2, %dot_general3A {dimension_numbers = #tpu.dot_dimension_numbers<[0], [0], [1], [1], [0, 1, 1, 1], [], []>, transpose_lhs_hint = false} : vector<2x1024xf32>, vector<2x1xf32>, vector<1024x1xf32> -> vector<1024x1xf32>
    %add3A = arith.constant 1.000000e+00 : f32
    %add3A_4 = vector.broadcast %add3A : f32 to vector<1024x1xf32>
    %add3A_5 = arith.addf %dot_general3A_3, %add3A_4 : vector<1024x1xf32>
    %rsqrt3A = math.rsqrt %add3A_5 : vector<1024x1xf32>
    %get3A_6 = arith.constant 0 : index
    %get3A_7 = arith.constant 0 : index
    %get3A_8 = vector.load %arg1[%get3A_6, %get3A_7] : memref<1024x128xf32, #tpu.memory_space<vmem>>, vector<1024x128xf32>
    %get3A_9 = arith.constant 0 : index
    %get3A_10 = arith.constant 0 : index
    %get3A_11 = vector.load %arg2[%get3A_9, %get3A_10] : memref<128x128xf32, #tpu.memory_space<vmem>>, vector<128x128xf32>
    %dot_general3A_12 = arith.constant dense<0.000000e+00> : vector<1024x128xf32>
    %dot_general3A_13 = tpu.matmul %get3A_8, %get3A_11, %dot_general3A_12 {dimension_numbers = #tpu.dot_dimension_numbers<[1], [0], [0], [1], [0, 0, 1, 1], [], []>, transpose_lhs_hint = false} : vector<1024x128xf32>, vector<128x128xf32>, vector<1024x128xf32> -> vector<1024x128xf32>
    %mul3A = vector.broadcast %rsqrt3A : vector<1024x1xf32> to vector<1024x128xf32>
    %mul3A_14 = arith.mulf %dot_general3A_13, %mul3A : vector<1024x128xf32>
    %swap3A = arith.constant 0 : index
    %swap3A_15 = arith.constant 0 : index
    %swap3A_16 = vector.load %arg4[%swap3A, %swap3A_15] : memref<1024x128xf32, #tpu.memory_space<vmem>>, vector<1024x128xf32>
    tpu.vector_store %arg4[%swap3A, %swap3A_15], %mul3A_14 {strides = array<i32>} : memref<1024x128xf32, #tpu.memory_space<vmem>>, vector<1024x128xf32>,
    return
  }
  func.func @transform_0(%arg0: i32) -> (i32, i32) {
    %c0_i32 = arith.constant 0 : i32
    %c0_i32_0 = arith.constant 0 : i32
    return %arg0, %c0_i32 : i32, i32
  }
  func.func @transform_1(%arg0: i32) -> (i32, i32) {
    %c0_i32 = arith.constant 0 : i32
    %c0_i32_0 = arith.constant 0 : i32
    %c0_i32_1 = arith.constant 0 : i32
    return %c0_i32, %c0_i32_0 : i32, i32
  }
  func.func @transform_2(%arg0: i32) -> (i32, i32) {
    %c0_i32 = arith.constant 0 : i32
    %c0_i32_0 = arith.constant 0 : i32
    return %c0_i32, %arg0 : i32, i32
  }
  func.func @transform_3(%arg0: i32) -> (i32, i32) {
    %c0_i32 = arith.constant 0 : i32
    %c0_i32_0 = arith.constant 0 : i32
    return %arg0, %c0_i32 : i32, i32
  }
}

module attributes {stable_mosaic.version = 14 : i64} {
  func.func @_tc2_body(%arg0: i32, %arg1: memref<2x1024x128xf32, #tpu.memory_space<vmem>>, %arg2: memref<1024x128xf32, #tpu.memory_space<vmem>>, %arg3: memref<2x1024xf32, #tpu.memory_space<vmem>>, %arg4: memref<1x128xf32, #tpu.memory_space<vmem>>, %arg5: memref<128x128xf32, #tpu.memory_space<vmem>>, %arg6: memref<1024x128xf32, #tpu.memory_space<vmem>>) attributes {dimension_semantics = [#tpu.dimension_semantics<arbitrary>], iteration_bounds = array<i64: 10>, scalar_prefetch = 0 : i64, scratch_operands = 0 : i64, tpu.core_type = #tpu.core_type<tc>, window_params = [{transform_indices = @transform_0, window_bounds = array<i64: 2, 1024, 128>}, {transform_indices = @transform_1, window_bounds = array<i64: 1024, 128>}, {transform_indices = @transform_2, window_bounds = array<i64: 2, 1024>}, {pipeline_mode = #tpu.pipeline_mode<synchronous>, transform_indices = @transform_3, window_bounds = array<i64: 1, 128>}, {pipeline_mode = #tpu.pipeline_mode<synchronous>, transform_indices = @transform_4, window_bounds = array<i64: 128, 128>}, {transform_indices = @transform_5, window_bounds = array<i64: 1024, 128>}]} {
    %get3A = arith.constant 0 : index
    %get3A_0 = arith.constant 0 : index
    %get3A_1 = vector.load %arg3[%get3A, %get3A_0] : memref<2x1024xf32, #tpu.memory_space<vmem>>, vector<2x1024xf32>
    %broadcast_in_dim3A = arith.constant 1.000000e+00 : f32
    %broadcast_in_dim3A_2 = vector.broadcast %broadcast_in_dim3A : f32 to vector<2x1xf32>
    %dot_general3A = arith.constant dense<0.000000e+00> : vector<1024x1xf32>
    %dot_general3A_3 = tpu.matmul %get3A_1, %broadcast_in_dim3A_2, %dot_general3A {dimension_numbers = #tpu.dot_dimension_numbers<[0], [0], [1], [1], [0, 1, 1, 1], [], []>, transpose_lhs_hint = false} : vector<2x1024xf32>, vector<2x1xf32>, vector<1024x1xf32> -> vector<1024x1xf32>
    %add3A = arith.constant 1.000000e+00 : f32
    %add3A_4 = vector.broadcast %add3A : f32 to vector<1024x1xf32>
    %add3A_5 = arith.addf %dot_general3A_3, %add3A_4 : vector<1024x1xf32>
    %rsqrt3A = math.rsqrt %add3A_5 : vector<1024x1xf32>
    %get3A_6 = arith.constant 0 : index
    %get3A_7 = arith.constant 0 : index
    %get3A_8 = arith.constant 0 : index
    %get3A_9 = vector.load %arg1[%get3A_6, %get3A_7, %get3A_8] : memref<2x1024x128xf32, #tpu.memory_space<vmem>>, vector<1x1024x128xf32>
    %get3A_10 = vector.shape_cast %get3A_9 : vector<1x1024x128xf32> to vector<1024x128xf32>
    %get3A_11 = arith.constant 1 : index
    %get3A_12 = arith.constant 0 : index
    %get3A_13 = arith.constant 0 : index
    %get3A_14 = vector.load %arg1[%get3A_11, %get3A_12, %get3A_13] : memref<2x1024x128xf32, #tpu.memory_space<vmem>>, vector<1x1024x128xf32>
    %get3A_15 = vector.shape_cast %get3A_14 : vector<1x1024x128xf32> to vector<1024x128xf32>
    %add3A_16 = arith.addf %get3A_10, %get3A_15 : vector<1024x128xf32>
    %get3A_17 = arith.constant 0 : index
    %get3A_18 = arith.constant 0 : index
    %get3A_19 = vector.load %arg2[%get3A_17, %get3A_18] : memref<1024x128xf32, #tpu.memory_space<vmem>>, vector<1024x128xf32>
    %add3A_20 = arith.addf %add3A_16, %get3A_19 : vector<1024x128xf32>
    %mul3A = vector.broadcast %rsqrt3A : vector<1024x1xf32> to vector<1024x128xf32>
    %mul3A_21 = arith.mulf %mul3A, %add3A_20 : vector<1024x128xf32>
    %get3A_22 = arith.constant 0 : index
    %get3A_23 = arith.constant 0 : index
    %get3A_24 = vector.load %arg4[%get3A_22, %get3A_23] : memref<1x128xf32, #tpu.memory_space<vmem>>, vector<1x128xf32>
    %add3A_25 = vector.broadcast %get3A_24 : vector<1x128xf32> to vector<1024x128xf32>
    %add3A_26 = arith.addf %mul3A_21, %add3A_25 : vector<1024x128xf32>
    %max3A = arith.constant 0.000000e+00 : f32
    %max3A_27 = vector.broadcast %max3A : f32 to vector<1024x128xf32>
    %max3A_28 = arith.maximumf %add3A_26, %max3A_27 : vector<1024x128xf32>
    %get3A_29 = arith.constant 0 : index
    %get3A_30 = arith.constant 0 : index
    %get3A_31 = vector.load %arg5[%get3A_29, %get3A_30] : memref<128x128xf32, #tpu.memory_space<vmem>>, vector<128x128xf32>
    %dot_general3A_32 = arith.constant dense<0.000000e+00> : vector<1024x128xf32>
    %dot_general3A_33 = tpu.matmul %max3A_28, %get3A_31, %dot_general3A_32 {dimension_numbers = #tpu.dot_dimension_numbers<[1], [0], [0], [1], [0, 0, 1, 1], [], []>, transpose_lhs_hint = false} : vector<1024x128xf32>, vector<128x128xf32>, vector<1024x128xf32> -> vector<1024x128xf32>
    %mul3A_34 = vector.broadcast %rsqrt3A : vector<1024x1xf32> to vector<1024x128xf32>
    %mul3A_35 = arith.mulf %dot_general3A_33, %mul3A_34 : vector<1024x128xf32>
    %swap3A = arith.constant 0 : index
    %swap3A_36 = arith.constant 0 : index
    %swap3A_37 = vector.load %arg6[%swap3A, %swap3A_36] : memref<1024x128xf32, #tpu.memory_space<vmem>>, vector<1024x128xf32>
    tpu.vector_store %arg6[%swap3A, %swap3A_36], %mul3A_35 {strides = array<i32>} : memref<1024x128xf32, #tpu.memory_space<vmem>>, vector<1024x128xf32>,
    return
  }
  func.func @transform_0(%arg0: i32) -> (i32, i32, i32) {
    %c0_i32 = arith.constant 0 : i32
    %c0_i32_0 = arith.constant 0 : i32
    %c0_i32_1 = arith.constant 0 : i32
    return %c0_i32, %arg0, %c0_i32_0 : i32, i32, i32
  }
  func.func @transform_1(%arg0: i32) -> (i32, i32) {
    %c0_i32 = arith.constant 0 : i32
    %c0_i32_0 = arith.constant 0 : i32
    return %arg0, %c0_i32 : i32, i32
  }
  func.func @transform_2(%arg0: i32) -> (i32, i32) {
    %c0_i32 = arith.constant 0 : i32
    %c0_i32_0 = arith.constant 0 : i32
    return %c0_i32, %arg0 : i32, i32
  }
  func.func @transform_3(%arg0: i32) -> (i32, i32) {
    %c0_i32 = arith.constant 0 : i32
    %c0_i32_0 = arith.constant 0 : i32
    %c0_i32_1 = arith.constant 0 : i32
    return %c0_i32, %c0_i32_0 : i32, i32
  }
  func.func @transform_4(%arg0: i32) -> (i32, i32) {
    %c0_i32 = arith.constant 0 : i32
    %c0_i32_0 = arith.constant 0 : i32
    %c0_i32_1 = arith.constant 0 : i32
    return %c0_i32, %c0_i32_0 : i32, i32
  }
  func.func @transform_5(%arg0: i32) -> (i32, i32) {
    %c0_i32 = arith.constant 0 : i32
    %c0_i32_0 = arith.constant 0 : i32
    return %arg0, %c0_i32 : i32, i32
  }
}

module attributes {stable_mosaic.version = 14 : i64} {
  func.func @_tc3_body(%arg0: i32, %arg1: memref<2x1024x128xf32, #tpu.memory_space<vmem>>, %arg2: memref<1024x128xf32, #tpu.memory_space<vmem>>, %arg3: memref<2x1024xf32, #tpu.memory_space<vmem>>, %arg4: memref<1x128xf32, #tpu.memory_space<vmem>>, %arg5: memref<128x64xf32, #tpu.memory_space<vmem>>, %arg6: memref<1x64xf32, #tpu.memory_space<vmem>>, %arg7: memref<1024x64xf32, #tpu.memory_space<vmem>>) attributes {dimension_semantics = [#tpu.dimension_semantics<arbitrary>], iteration_bounds = array<i64: 10>, scalar_prefetch = 0 : i64, scratch_operands = 0 : i64, tpu.core_type = #tpu.core_type<tc>, window_params = [{transform_indices = @transform_0, window_bounds = array<i64: 2, 1024, 128>}, {transform_indices = @transform_1, window_bounds = array<i64: 1024, 128>}, {transform_indices = @transform_2, window_bounds = array<i64: 2, 1024>}, {pipeline_mode = #tpu.pipeline_mode<synchronous>, transform_indices = @transform_3, window_bounds = array<i64: 1, 128>}, {pipeline_mode = #tpu.pipeline_mode<synchronous>, transform_indices = @transform_4, window_bounds = array<i64: 128, 64>}, {pipeline_mode = #tpu.pipeline_mode<synchronous>, transform_indices = @transform_5, window_bounds = array<i64: 1, 64>}, {transform_indices = @transform_6, window_bounds = array<i64: 1024, 64>}]} {
    %get3A = arith.constant 0 : index
    %get3A_0 = arith.constant 0 : index
    %get3A_1 = vector.load %arg3[%get3A, %get3A_0] : memref<2x1024xf32, #tpu.memory_space<vmem>>, vector<2x1024xf32>
    %broadcast_in_dim3A = arith.constant 1.000000e+00 : f32
    %broadcast_in_dim3A_2 = vector.broadcast %broadcast_in_dim3A : f32 to vector<2x1xf32>
    %dot_general3A = arith.constant dense<0.000000e+00> : vector<1024x1xf32>
    %dot_general3A_3 = tpu.matmul %get3A_1, %broadcast_in_dim3A_2, %dot_general3A {dimension_numbers = #tpu.dot_dimension_numbers<[0], [0], [1], [1], [0, 1, 1, 1], [], []>, transpose_lhs_hint = false} : vector<2x1024xf32>, vector<2x1xf32>, vector<1024x1xf32> -> vector<1024x1xf32>
    %add3A = arith.constant 1.000000e+00 : f32
    %add3A_4 = vector.broadcast %add3A : f32 to vector<1024x1xf32>
    %add3A_5 = arith.addf %dot_general3A_3, %add3A_4 : vector<1024x1xf32>
    %rsqrt3A = math.rsqrt %add3A_5 : vector<1024x1xf32>
    %get3A_6 = arith.constant 0 : index
    %get3A_7 = arith.constant 0 : index
    %get3A_8 = arith.constant 0 : index
    %get3A_9 = vector.load %arg1[%get3A_6, %get3A_7, %get3A_8] : memref<2x1024x128xf32, #tpu.memory_space<vmem>>, vector<1x1024x128xf32>
    %get3A_10 = vector.shape_cast %get3A_9 : vector<1x1024x128xf32> to vector<1024x128xf32>
    %get3A_11 = arith.constant 1 : index
    %get3A_12 = arith.constant 0 : index
    %get3A_13 = arith.constant 0 : index
    %get3A_14 = vector.load %arg1[%get3A_11, %get3A_12, %get3A_13] : memref<2x1024x128xf32, #tpu.memory_space<vmem>>, vector<1x1024x128xf32>
    %get3A_15 = vector.shape_cast %get3A_14 : vector<1x1024x128xf32> to vector<1024x128xf32>
    %add3A_16 = arith.addf %get3A_10, %get3A_15 : vector<1024x128xf32>
    %get3A_17 = arith.constant 0 : index
    %get3A_18 = arith.constant 0 : index
    %get3A_19 = vector.load %arg2[%get3A_17, %get3A_18] : memref<1024x128xf32, #tpu.memory_space<vmem>>, vector<1024x128xf32>
    %add3A_20 = arith.addf %add3A_16, %get3A_19 : vector<1024x128xf32>
    %mul3A = vector.broadcast %rsqrt3A : vector<1024x1xf32> to vector<1024x128xf32>
    %mul3A_21 = arith.mulf %mul3A, %add3A_20 : vector<1024x128xf32>
    %get3A_22 = arith.constant 0 : index
    %get3A_23 = arith.constant 0 : index
    %get3A_24 = vector.load %arg4[%get3A_22, %get3A_23] : memref<1x128xf32, #tpu.memory_space<vmem>>, vector<1x128xf32>
    %add3A_25 = vector.broadcast %get3A_24 : vector<1x128xf32> to vector<1024x128xf32>
    %add3A_26 = arith.addf %mul3A_21, %add3A_25 : vector<1024x128xf32>
    %max3A = arith.constant 0.000000e+00 : f32
    %max3A_27 = vector.broadcast %max3A : f32 to vector<1024x128xf32>
    %max3A_28 = arith.maximumf %add3A_26, %max3A_27 : vector<1024x128xf32>
    %get3A_29 = arith.constant 0 : index
    %get3A_30 = arith.constant 0 : index
    %get3A_31 = vector.load %arg5[%get3A_29, %get3A_30] : memref<128x64xf32, #tpu.memory_space<vmem>>, vector<128x64xf32>
    %dot_general3A_32 = arith.constant dense<0.000000e+00> : vector<1024x64xf32>
    %dot_general3A_33 = tpu.matmul %max3A_28, %get3A_31, %dot_general3A_32 {dimension_numbers = #tpu.dot_dimension_numbers<[1], [0], [0], [1], [0, 0, 1, 1], [], []>, transpose_lhs_hint = false} : vector<1024x128xf32>, vector<128x64xf32>, vector<1024x64xf32> -> vector<1024x64xf32>
    %get3A_34 = arith.constant 0 : index
    %get3A_35 = arith.constant 0 : index
    %get3A_36 = vector.load %arg6[%get3A_34, %get3A_35] : memref<1x64xf32, #tpu.memory_space<vmem>>, vector<1x64xf32>
    %add3A_37 = vector.broadcast %get3A_36 : vector<1x64xf32> to vector<1024x64xf32>
    %add3A_38 = arith.addf %dot_general3A_33, %add3A_37 : vector<1024x64xf32>
    %swap3A = arith.constant 0 : index
    %swap3A_39 = arith.constant 0 : index
    %swap3A_40 = vector.load %arg7[%swap3A, %swap3A_39] : memref<1024x64xf32, #tpu.memory_space<vmem>>, vector<1024x64xf32>
    tpu.vector_store %arg7[%swap3A, %swap3A_39], %add3A_38 {strides = array<i32>} : memref<1024x64xf32, #tpu.memory_space<vmem>>, vector<1024x64xf32>,
    return
  }
  func.func @transform_0(%arg0: i32) -> (i32, i32, i32) {
    %c0_i32 = arith.constant 0 : i32
    %c0_i32_0 = arith.constant 0 : i32
    %c0_i32_1 = arith.constant 0 : i32
    return %c0_i32, %arg0, %c0_i32_0 : i32, i32, i32
  }
  func.func @transform_1(%arg0: i32) -> (i32, i32) {
    %c0_i32 = arith.constant 0 : i32
    %c0_i32_0 = arith.constant 0 : i32
    return %arg0, %c0_i32 : i32, i32
  }
  func.func @transform_2(%arg0: i32) -> (i32, i32) {
    %c0_i32 = arith.constant 0 : i32
    %c0_i32_0 = arith.constant 0 : i32
    return %c0_i32, %arg0 : i32, i32
  }
  func.func @transform_3(%arg0: i32) -> (i32, i32) {
    %c0_i32 = arith.constant 0 : i32
    %c0_i32_0 = arith.constant 0 : i32
    %c0_i32_1 = arith.constant 0 : i32
    return %c0_i32, %c0_i32_0 : i32, i32
  }
  func.func @transform_4(%arg0: i32) -> (i32, i32) {
    %c0_i32 = arith.constant 0 : i32
    %c0_i32_0 = arith.constant 0 : i32
    %c0_i32_1 = arith.constant 0 : i32
    return %c0_i32, %c0_i32_0 : i32, i32
  }
  func.func @transform_5(%arg0: i32) -> (i32, i32) {
    %c0_i32 = arith.constant 0 : i32
    %c0_i32_0 = arith.constant 0 : i32
    %c0_i32_1 = arith.constant 0 : i32
    return %c0_i32, %c0_i32_0 : i32, i32
  }
  func.func @transform_6(%arg0: i32) -> (i32, i32) {
    %c0_i32 = arith.constant 0 : i32
    %c0_i32_0 = arith.constant 0 : i32
    return %arg0, %c0_i32 : i32, i32
  }
}

</mosaic_0001>

<sc_bundles>
// kernel: kernel.11.cloned.1.call-start
scs
__scs_entry_jumppad:
0x0: {  	(pc) =	sbr.rel $0x88, $3  }
0x1: {  	(tag) =	ssettag $0x0;
	lr =	simm.s32 $0x1  }
0x2: {  	[smem:$0x3F99] =	sst lr;
	_ =	strace $0xD0000000  }
0x3: {  	_ = 	snop  }
0x4: {  	_ = 	snop  }
0x5: {  	_ = 	snop  }
0x6: {  	_ = 	snop  }
0x7: {  	_ = 	snop  }
__scs_overlays_trampoline_lowered:
0x8: {  	[smem:$0x3FA8] =	sst s0  }
0x9: {  	[smem:$0x3FA9] =	sst s1  }
0xa: {  	[smem:$0x3FAA] =	sst s2  }
0xb: {  	[smem:$0x3FAB] =	sst s3  }
0xc: {  	[smem:$0x3FAC] =	sst s4  }
0xd: {  	[smem:$0x3FAD] =	sst s5  }
0xe: {  	[smem:$0x3FAE] =	sst s6  }
0xf: {  	[smem:$0x3FAF] =	sst s7  }
0x10: {  	[smem:$0x3FB0] =	sst s8  }
0x11: {  	[smem:$0x3FB1] =	sst s9;
	s0 =	simm.s32 @!p0 $0x0  }
0x12: {  	s1 =	sld [smem:$0x3F97];
	s0 =	simm.s32 @p0 $0x1  }
0x13: {  	[smem:$0x3FB2] =	sst s0;
	s0 =	simm.s32 @!p1 $0x0  }
0x14: {  	s2 =	sld [smem:$0x3F96];
	s0 =	simm.s32 @p1 $0x1  }
0x15: {  	[smem:$0x3FB3] =	sst s0;
	s0 =	simm.s32 @!p2 $0x0  }
0x16: {  	s3 =	sld [smem:$0x3FDB];
	s0 =	simm.s32 @p2 $0x1  }
0x17: {  	s4 =	simm.s32 $0x1BF5;
	[smem:$0x3FB5] =	sst s0  }
0x18: {  	s0 =	sld [smem:$0x3F98];
	_ =	swait.ge [sflag:s4], $0x0  }
0x19: {  	s7 =	sld [smem:$0x3F99]  }
0x1a: {  	s8 =	sadd.s32 $0xFFFFE003, lr  }
0x1b: {  	s9 =	sadd.s32 $0xFFFFFEF7, lr;
	s5 =	simm.s32 $0xFFFFFFFF;
	p2 =	slt.u32 s8, $0xFFFFF086  }
0x1c: {  	p1 =	slt.u32 s9, $0xF7A;
	s5 =	simm.s32 @!p2 $0x0  }
0x1d: {  	s5 =	simm.s32 @p1 $0x1;
	p0 =	seq.s32 s7, s2  }
0x1e: {  	s7 =	smul.u32 @!p0 $0xF7A, s2;
	p2 =	seq.s32 @!p0 s5, $0x0  }
0x1f: {  	s9 =	smul.u32 $0xF7A, s1;
	s8 =	simm.s32 @!p0 $0x1BF5;
	p2 =	por !p2, p0  }
0x20: {  	[sflag:s8] =	ssyncset.s32 @!p0 $0xFFFFF086;
	s6 =	sadd.s32 @!p0 s3, s7;
	s7 =	simm.s32 @!p0 $0x108  }
0x21: {  	s3 =	sadd.s32 s3, s9;
	s6 =	sadd.s32 @!p0 $0x88, s6;
	s7 =	simm.s32 @p2 $0x1082  }
0x22: {  	[simem:s7], [sflag:s8] =	dma.local @!p0 [hbm:s6], $0xF7A  }
0x23: {  	s9 =	sor.u32 $0xD0000000, s2;
	s6 =	simm.s32 $0x108;
	_ =	swait.ge @!p0 [sflag:s8], $0x0  }
0x24: {  	s3 =	sadd.s32 $0x88, s3;
	s6 =	simm.s32 @!p1 $0x1082;
	[sflag:s4] =	ssyncset.s32 $0xFFFFF086  }
0x25: {  	[simem:s6], [sflag:s4] =	dma.local [hbm:s3], $0xF7A  }
0x26: {  	[smem:$0x3F99] =	sst s1;
	(tag) =	ssettag s2;
	_ =	strace s9  }
0x27: {  	s1 =	sld [smem:$0x3FA9]  }
0x28: {  	s2 =	sld [smem:$0x3FAA]  }
0x29: {  	s4 =	sld [smem:$0x3FAC]  }
0x2a: {  	p0 =	seq.s32 s5, $0x0;
	s5 =	sld [smem:$0x3FAD]  }
0x2b: {  	s6 =	sld [smem:$0x3FAE]  }
0x2c: {  	s7 =	sld [smem:$0x3FAF]  }
0x2d: {  	s3 =	simm.s32 $0x108;
	s8 =	sld [smem:$0x3FB0]  }
0x2e: {  	s3 =	simm.s32 @!p0 $0x1082;
	s9 =	sld [smem:$0x3FB1]  }
0x2f: {  	lr =	sadd.s32 s0, s3;
	s0 =	sld [smem:$0x3FA8]  }
0x30: {  	s3 =	sld [smem:$0x3FAB]  }
0x31: {  	[smem:$0x3FB4] =	sst s10  }
0x32: {  	s10 =	sld [smem:$0x3FB2];
	_ =	sdelay $0x3  }
0x33: {  	p0 =	seq.s32 s10, $0x1;
	s10 =	sld [smem:$0x3FB4];
	_ =	sdelay $0x3  }
0x34: {  	[smem:$0x3FB4] =	sst s10  }
0x35: {  	s10 =	sld [smem:$0x3FB3];
	_ =	sdelay $0x3  }
0x36: {  	p1 =	seq.s32 s10, $0x1;
	s10 =	sld [smem:$0x3FB4];
	_ =	sdelay $0x3  }
0x37: {  	[smem:$0x3FB4] =	sst s10  }
0x38: {  	s10 =	sld [smem:$0x3FB5]  }
0x39: {  	_ = 	snop;
	(pc) =	sbr.ind lr, $3  }
0x3a: {  	_ = 	snop  }
0x3b: {  	_ = 	snop  }
0x3c: {  	p2 =	seq.s32 s10, $0x1;
	s10 =	sld [smem:$0x3FB4]  }
0x3d: {  	_ =	shalt  }
0x3e: {  	_ =	shalt  }
0x3f: {  	_ =	shalt  }
0x40: {  	_ =	shalt  }
0x41: {  	_ =	shalt  }
0x42: {  	_ =	shalt  }
0x43: {  	_ =	shalt  }
0x44: {  	_ =	shalt  }
0x45: {  	_ =	shalt  }
0x46: {  	_ =	shalt  }
0x47: {  	_ =	shalt  }
0x48: {  	_ =	shalt  }
0x49: {  	_ =	shalt  }
0x4a: {  	_ =	shalt  }
0x4b: {  	_ =	shalt  }
0x4c: {  	_ =	shalt  }
0x4d: {  	_ =	shalt  }
0x4e: {  	_ =	shalt  }
0x4f: {  	_ =	shalt  }
0x50: {  	_ =	shalt  }
0x51: {  	_ =	shalt  }
0x52: {  	_ =	shalt  }
0x53: {  	_ =	shalt  }
0x54: {  	_ =	shalt  }
0x55: {  	_ =	shalt  }
0x56: {  	_ =	shalt  }
0x57: {  	_ =	shalt  }
0x58: {  	_ =	shalt  }
0x59: {  	_ =	shalt  }
0x5a: {  	_ =	shalt  }
0x5b: {  	_ =	shalt  }
0x5c: {  	_ =	shalt  }
0x5d: {  	_ =	shalt  }
0x5e: {  	_ =	shalt  }
0x5f: {  	_ =	shalt  }
0x60: {  	_ =	shalt  }
0x61: {  	_ =	shalt  }
0x62: {  	_ =	shalt  }
0x63: {  	_ =	shalt  }
0x64: {  	_ =	shalt  }
0x65: {  	_ =	shalt  }
0x66: {  	_ =	shalt  }
0x67: {  	_ =	shalt  }
0x68: {  	_ =	shalt  }
0x69: {  	_ =	shalt  }
0x6a: {  	_ =	shalt  }
0x6b: {  	_ =	shalt  }
0x6c: {  	_ =	shalt  }
0x6d: {  	_ =	shalt  }
0x6e: {  	_ =	shalt  }
0x6f: {  	_ =	shalt  }
0x70: {  	_ =	shalt  }
0x71: {  	_ =	shalt  }
0x72: {  	_ =	shalt  }
0x73: {  	_ =	shalt  }
0x74: {  	_ =	shalt  }
0x75: {  	_ =	shalt  }
0x76: {  	_ =	shalt  }
0x77: {  	_ =	shalt  }
0x78: {  	_ =	shalt  }
0x79: {  	_ =	shalt  }
0x7a: {  	_ =	shalt  }
0x7b: {  	_ =	shalt  }
0x7c: {  	_ =	shalt  }
0x7d: {  	_ =	shalt  }
0x7e: {  	_ =	shalt  }
0x7f: {  	_ =	shalt  }
0x80: {  	_ =	shalt  }
0x81: {  	_ =	shalt  }
0x82: {  	_ =	shalt  }
0x83: {  	_ =	shalt  }
0x84: {  	_ =	shalt  }
0x85: {  	_ =	shalt  }
0x86: {  	_ =	shalt  }
0x87: {  	_ =	shalt  }
.Lfunc_end0:
.L_simem_size_0:
called_computation.1_lowered:
.L_overlay_start_0:
0x88: {  	s2 =	sld [smem:$0x3FD9]  }
0x89: {  	s3 =	sld [smem:$0x3FFE];
	_ =	sdelay $0x1  }
0x8a: {  	s1 =	srdreg.scid  }
0x8b: {  	s0 =	sand.u32 $0x1, s1  }
0x8c: {  	s16 =	sshll.u32 s0, $0xA;
	s2 =	sadd.s32 s3, s2  }
0x8d: {  	s2 =	sadd.s32 s2, s16  }
0x8e: {  	[smem:$0x3FC0] =	sst s2  }
0x8f: {  	_ = 	snop  }
0x90: {  	(tm) =	ssettm $0x1  }
0x91: {  	s17 =	sld [smem:$0x3FFB];
	_ =	sdelay $0x3  }
0x92: {  	_ =	strace s17  }
0x93: {  	s2 =	sld [smem:$0x3FFC];
	_ =	sdelay $0x3  }
0x94: {  	_ =	strace s2  }
0x95: {  	s2 =	sld [smem:$0x3FFD];
	_ =	sdelay $0x3  }
0x96: {  	_ =	strace s2  }
0x97: {  	_ =	strace $0x8FFFFFFF  }
0x98: {  	s18 =	sld [smem:$0x3FDB];
	_ =	sdelay $0x1  }
0x99: {  	s19 =	simm.s32 $_scs_section_size  }
0x9a: {  	s4 =	simm.s32 $_size__tile_overlayer_lowered;
	s5 =	simm.s32 $_tile_overlayer_lowered  }
0x9b: {  	s22 =	simm.s32 $0x1BFF;
	s21 =	sshll.u32 s5, $0x1;
	s2 =	sadd.s32 s19, s18  }
0x9c: {  	s6 =	simm.s32 $0x0;
	s20 =	sshll.u32 s4, $0x1;
	s4 =	sadd.s32 s21, s2  }
0x9d: {  	[timem:s6], [sflag:s22] =	dma.local [hbm:s4], s20  }
0x9e: {  	_ =	swait.ge [sflag:s22], s20  }
0x9f: {  	s3 =	ssub.s32 $0x0, s20;
	[sflag:s22] =	ssyncset.done $0x0  }
0xa0: {  	[sflag:s22] =	ssyncadd.s32 s3;
	_ =	sdelay $0x1  }
0xa1: {  	s23 =	simm.s32 $0x1B8B  }
0xa2: {  	_ =	swait.ge [sflag:s23], $0x1  }
0xa3: {  	[sflag:s23] =	ssyncset.done $0x0  }
0xa4: {  	s25 =	simm.s32 $0x1B8E;
	s24 =	sld [smem:$0x3FFE];
	[sflag:s23] =	ssyncadd.s32 $0xFFFFFFFF  }
0xa5: {  	s26 =	simm.s32 $execute0_lowered;
	[smem:$0x3FD2] =	sst s25  }
0xa6: {  	s4 =	sshll.u32 s26, $0x1;
	_ =	strace $0x80000049;
	[dreg:$0x1] =	wrdreg $0xFFFFFFFF  }
0xa7: {  	s28 =	simm.s32 $_size_execute0_lowered;
	s2 =	sadd.s32 s2, s4;
	[dreg:$0x0] =	wrdreg $0x0  }
0xa8: {  	s4 =	sshll.u32 s28, $0x1;
	[dreg:$0x2] =	wrdreg s2  }
0xa9: {  	[dreg:$0x3] =	wrdreg s4  }
0xaa: {  	[dreg:$0x4] =	wrdreg $0xC0  }
0xab: {  	_ =	task [dreg:s6], $0x5FFFF  }
0xac: {  	[dreg:$0x1] =	wrdreg $0xFFFFFFFF  }
0xad: {  	[dreg:$0x0] =	wrdreg $0x60  }
0xae: {  	[dreg:$0x2] =	wrdreg s24  }
0xaf: {  	[dreg:$0x3] =	wrdreg $0xA8000  }
0xb0: {  	[dreg:$0x4] =	wrdreg $0x9  }
0xb1: {  	_ =	task.clear_ibuf [dreg:s6], $0x5FFFF;
	_ =	strace $0x90000049  }
0xb2: {  	s29 =	simm.s32 $0x9;
	_ =	strace $0x8000004B  }
0xb3: {  	_ =	swait.ge [sflag:s29], $0x1  }
0xb4: {  	[sflag:s29] =	ssyncadd.s32 $0xFFFFFFFF  }
0xb5: {  	_ =	strace $0x9000004B  }
0xb6: {  	_ =	sfence  }
0xb7: {  	s30 =	sld [smem:$0x0];
	_ =	sdelay $0x2  }
0xb8: {  	s31 =	sshll.u32 s1, $0xD;
	s1 =	sshrl.u32 s1, $0x2  }
0xb9: {  	s3 =	sand.u32 $0x4000, s31;
	s1 =	sadd.s32 s1, s30  }
0xba: {  	s0 =	sor.u32 s3, s0;
	s1 =	sshll.u32 s1, $0x11  }
0xbb: {  	s0 =	sor.u32 s1, s0  }
0xbc: {  	s0 =	sadd.s32 $0x8F2B, s0  }
0xbd: {  	[sflag:s0] =	ssyncadd.remote.s32 $0x1  }
0xbe: {  	_ =	sfence.sel $0xFFFF  }
0xbf: {  	[dreg:$0x0] =	wrdreg $0xFFFFFFFF;
	(pc) =	sbr.abs _section_cstart, $3  }
0xc0: {  	[dreg:$0x1] =	wrdreg $0xFFFFFFFF  }
0xc1: {  	_ =	task.clear_ibuf [dreg:s6], $0x2FFFF;
	_ =	strace $0x9FFFFFFF  }
0xc2: {  	(tm) =	ssettm $0x7FFFFFFF  }
0xc3: {  	_ =	shalt  }
tec
execute0_lowered:
.L_overlay_start_1:
0x0: {  	(tag) =	ssettag $0x1  }
0x1: {  	s0 =	rddreg [dreg:$0x0];
	s1 =	srdreg.scid  }
0x2: {  	s2 =	rddreg [dreg:$0x1];
	s9 =	stileid.u32  }
0x3: {  	s3 =	simm.s32 $0x0;
	s29 =	simm.s32 $0x40;
	s6 =	smul.u32 $0x50, s9  }
0x4: {  	s31 =	simm.s32 $0x6800;
	s28 =	simm.s32 $0x4;
	s7 =	smul.u32 $0x50000, s9  }
0x5: {  	s30 =	simm.s32 $0x8;
	s1 =	sand.u32 $0x1, s1;
	s10 =	smul.u32 $0x14000, s9  }
0x6: {  	[smem:$0x7FF] =	sst s3;
	s4 =	sadd.s32 $0x2BC00, s0;
	s5 =	smul.u32 $0x500, s1  }
0x7: {  	_ =	strace $0x8000004A;
	s16 =	ssub.s32 $0x2, s1;
	s1 =	smul.u32 $0x140000, s1  }
0x8: {  	s17 =	sshrl.u32 s16, $0x1;
	s7 =	sshrl.u32 s7, $0x2;
	s14 =	sadd.s32 $0x4000, s10  }
0x9: {  	s15 =	sadd.s32 $0x8000, s10;
	s5 =	sadd.s32 s6, s5;
	s6 =	ssub.s32 s16, s17  }
0xa: {  	s12 =	sadd.s32 s7, s2;
	s9 =	sadd.s32 s15, s2;
	s16 =	sadd.s32 $0xC000, s10  }
0xb: {  	s17 =	sadd.s32 $0x10000, s10;
	s19 =	sadd.s32 s1, s14;
	s23 =	sadd.s32 s1, s15  }
0xc: {  	s15 =	simm.s32 $0x3;
	s5 =	sshll.u32 s5, $0x4;
	s7 =	sadd.s32 $0x2000, s12  }
0xd: {  	s18 =	sadd.s32 $0x6000, s12;
	s11 =	sadd.s32 $0xA000, s12;
	s13 =	sadd.s32 $0xE000, s12  }
0xe: {  	s12 =	sadd.s32 $0x12000, s12;
	s24 =	sadd.s32 s1, s16;
	[dreg:$0x3] =	wrdreg s7  }
0xf: {  	s26 =	smax.u32 s6, $0x1;
	s6 =	simm.s32 $0x8800;
	[dreg:$0x4] =	wrdreg s18  }
0x10: {  	s8 =	sadd.s32 s5, s0;
	s0 =	sadd.s32 $0x53C00, s0;
	[dreg:$0x5] =	wrdreg s11  }
0x11: {  	s5 =	sadd.s32 s10, s2;
	s7 =	sadd.s32 s14, s2;
	[dreg:$0x6] =	wrdreg s13  }
0x12: {  	s11 =	sadd.s32 s16, s2;
	s13 =	sadd.s32 s17, s2;
	[dreg:$0x7] =	wrdreg s12  }
0x13: {  	s10 =	sadd.s32 s10, s1;
	s12 =	sshrl.u32 s19, $0x3;
	s1 =	sadd.s32 s1, s17  }
0x14: {  	[dreg:$0xf] =	wrdreg s26;
	s26 =	simm.s32 $0x1400;
	s17 =	simm.s32 $0x6  }
0x15: {  	s14 =	simm.s32 $0x2780;
	s16 =	simm.s32 $0x27C0;
	s20 =	sadd.s32 $0x17C00, s8  }
0x16: {  	s10 =	sshrl.u32 s10, $0x3;
	s8 =	sadd.s32 $0x17E80, s8;
	[dreg:$0x8] =	wrdreg s20  }
0x17: {  	s22 =	sadd.s32 s0, s12;
	s1 =	sshrl.u32 s1, $0x3;
	[dreg:$0x9] =	wrdreg s8  }
0x18: {  	s12 =	simm.s32 $0x5;
	s21 =	sadd.s32 s0, s10;
	[dreg:$0xb] =	wrdreg s22  }
0x19: {  	s8 =	sshrl.u32 s23, $0x3;
	s10 =	sshrl.u32 s24, $0x3;
	s23 =	simm.s32 $0x2800  }
0x1a: {  	s24 =	simm.s32 $0x9;
	[dreg:$0xa] =	wrdreg s21;
	s8 =	sadd.s32 s0, s8  }
0x1b: {  	s20 =	simm.s32 $0x7;
	s25 =	sadd.s32 s0, s10;
	[dreg:$0xc] =	wrdreg s8  }
0x1c: {  	s22 =	simm.s32 $0x2700;
	s0 =	sadd.s32 s0, s1;
	[dreg:$0xd] =	wrdreg s25  }
0x1d: {  	s1 =	simm.s32 $0x13C0;
	s10 =	simm.s32 $0x2740;
	[dreg:$0xe] =	wrdreg s0  }
0x1e: {  	v0 =	vimm.f32 $0.0e+00;
	s25 =	simm.s32 $0x4800;
	s0 =	simm.s32 $0x1;
	s8 =	simm.s32 $0x2  }
.LBB2_1:
0x1f: {  	s18 =	simm.s32 $0x40;
	s19 =	simm.s32 $0x300  }
.LBB2_2:
0x20: {  	p0 =	sne.s32 s19, $0x7F00;
	[tilespmem:s18+$0x4830] =	vst v0  }
0x21: {  	[tilespmem:s18+$0x27C0] =	vst v0  }
0x22: {  	[tilespmem:s18+$0x47C0] =	vst v0  }
0x23: {  	[tilespmem:s18+$0x27D0] =	vst v0  }
0x24: {  	[tilespmem:s18+$0x47D0] =	vst v0  }
0x25: {  	[tilespmem:s18+$0x27E0] =	vst v0  }
0x26: {  	[tilespmem:s18+$0x47E0] =	vst v0  }
0x27: {  	[tilespmem:s18+$0x27F0] =	vst v0  }
0x28: {  	[tilespmem:s18+$0x47F0] =	vst v0  }
0x29: {  	[tilespmem:s18+$0x2800] =	vst v0  }
0x2a: {  	[tilespmem:s18+$0x4800] =	vst v0  }
.Ltmp0:
0x2b: {  	[tilespmem:s18+$0x2810] =	vst v0;
	(pc) =	sbr.rel @p0 .LBB2_2-.Ltmp0, $4  }
0x2c: {  	[tilespmem:s18+$0x4810] =	vst v0  }
0x2d: {  	[tilespmem:s18+$0x2820] =	vst v0  }
0x2e: {  	[tilespmem:s18+$0x4820] =	vst v0  }
0x2f: {  	[tilespmem:s18+$0x2830] =	vst v0;
	s18 =	sshra.s32 s19, $0x2;
	s19 =	sadd.s32 $0x200, s19  }
0x30: {  	[tilespmem:s18+$0x4830] =	vst v0  }
0x31: {  	[tilespmem:s18+$0x27C0] =	vst v0  }
0x32: {  	[tilespmem:s18+$0x47C0] =	vst v0  }
0x33: {  	[tilespmem:s18+$0x27D0] =	vst v0  }
0x34: {  	[tilespmem:s18+$0x47D0] =	vst v0  }
0x35: {  	[tilespmem:s18+$0x27E0] =	vst v0  }
0x36: {  	[tilespmem:s18+$0x47E0] =	vst v0  }
0x37: {  	[tilespmem:s18+$0x27F0] =	vst v0  }
0x38: {  	[tilespmem:s18+$0x47F0] =	vst v0  }
0x39: {  	[tilespmem:s18+$0x2800] =	vst v0  }
0x3a: {  	[tilespmem:s18+$0x4800] =	vst v0  }
0x3b: {  	[tilespmem:s18+$0x2810] =	vst v0  }
0x3c: {  	[tilespmem:s18+$0x4810] =	vst v0  }
0x3d: {  	[tilespmem:s18+$0x2820] =	vst v0  }
0x3e: {  	[tilespmem:s18+$0x4820] =	vst v0  }
0x3f: {  	[tilespmem:s18+$0x2830] =	vst v0  }
0x40: {  	[spmem:s5] =	stream.linear.scatter [tilespmem:s23], [sflag:$0x9], $0x2000, $0x38;
	[tilespmem:$0x1E800] =	vst v63  }
0x41: {  	_ =	swait.ge [sflag:s24], $0x2000  }
0x42: {  	[sflag:s24] =	ssyncset.done $0x0  }
0x43: {  	s21 =	rddreg [dreg:$0x3];
	[sflag:s24] =	ssyncadd.s32 $0xFFFFE000  }
0x44: {  	[spmem:s21] =	stream.linear.scatter [tilespmem:s25], [sflag:$0x9], $0x2000, $0x38;
	[tilespmem:$0x1E800] =	vst v63  }
0x45: {  	_ =	swait.ge [sflag:s24], $0x2000  }
0x46: {  	[sflag:s24] =	ssyncset.done $0x0  }
0x47: {  	[sflag:s24] =	ssyncadd.s32 $0xFFFFE000  }
0x48: {  	[spmem:s7] =	stream.linear.scatter [tilespmem:s23], [sflag:$0x9], $0x2000, $0x38;
	[tilespmem:$0x1E800] =	vst v63  }
0x49: {  	_ =	swait.ge [sflag:s24], $0x2000  }
0x4a: {  	[sflag:s24] =	ssyncset.done $0x0  }
0x4b: {  	s19 =	rddreg [dreg:$0x4];
	[sflag:s24] =	ssyncadd.s32 $0xFFFFE000  }
0x4c: {  	[spmem:s19] =	stream.linear.scatter [tilespmem:s25], [sflag:$0x9], $0x2000, $0x38;
	[tilespmem:$0x1E800] =	vst v63  }
0x4d: {  	_ =	swait.ge [sflag:s24], $0x2000  }
0x4e: {  	[sflag:s24] =	ssyncset.done $0x0  }
0x4f: {  	[sflag:s24] =	ssyncadd.s32 $0xFFFFE000  }
0x50: {  	[spmem:s9] =	stream.linear.scatter [tilespmem:s23], [sflag:$0x9], $0x2000, $0x38;
	[tilespmem:$0x1E800] =	vst v63  }
0x51: {  	_ =	swait.ge [sflag:s24], $0x2000  }
0x52: {  	[sflag:s24] =	ssyncset.done $0x0  }
0x53: {  	s21 =	rddreg [dreg:$0x5];
	[sflag:s24] =	ssyncadd.s32 $0xFFFFE000  }
0x54: {  	[spmem:s21] =	stream.linear.scatter [tilespmem:s25], [sflag:$0x9], $0x2000, $0x38;
	[tilespmem:$0x1E800] =	vst v63  }
0x55: {  	_ =	swait.ge [sflag:s24], $0x2000  }
0x56: {  	[sflag:s24] =	ssyncset.done $0x0  }
0x57: {  	[sflag:s24] =	ssyncadd.s32 $0xFFFFE000  }
0x58: {  	[spmem:s11] =	stream.linear.scatter [tilespmem:s23], [sflag:$0x9], $0x2000, $0x38;
	[tilespmem:$0x1E800] =	vst v63  }
0x59: {  	_ =	swait.ge [sflag:s24], $0x2000  }
0x5a: {  	[sflag:s24] =	ssyncset.done $0x0  }
0x5b: {  	s19 =	rddreg [dreg:$0x6];
	[sflag:s24] =	ssyncadd.s32 $0xFFFFE000  }
0x5c: {  	[spmem:s19] =	stream.linear.scatter [tilespmem:s25], [sflag:$0x9], $0x2000, $0x38;
	[tilespmem:$0x1E800] =	vst v63  }
0x5d: {  	_ =	swait.ge [sflag:s24], $0x2000  }
0x5e: {  	[sflag:s24] =	ssyncset.done $0x0  }
0x5f: {  	[sflag:s24] =	ssyncadd.s32 $0xFFFFE000  }
0x60: {  	[spmem:s13] =	stream.linear.scatter [tilespmem:s23], [sflag:$0x9], $0x2000, $0x38;
	[tilespmem:$0x1E800] =	vst v63  }
0x61: {  	_ =	swait.ge [sflag:s24], $0x2000  }
0x62: {  	[sflag:s24] =	ssyncset.done $0x0  }
0x63: {  	s21 =	rddreg [dreg:$0x7];
	[sflag:s24] =	ssyncadd.s32 $0xFFFFE000  }
0x64: {  	[spmem:s21] =	stream.linear.scatter [tilespmem:s25], [sflag:$0x9], $0x2000, $0x38;
	[tilespmem:$0x1E800] =	vst v63  }
0x65: {  	_ =	swait.ge [sflag:s24], $0x2000  }
0x66: {  	[sflag:s24] =	ssyncset.done $0x0  }
0x67: {  	[sflag:s24] =	ssyncadd.s32 $0xFFFFE000  }
0x68: {  	[bflag:$0x0] =	sbarrier.arrive $0xFFFF  }
0x69: {  	s18 =	simm.s32 $0x0;
	s21 =	simm.s32 $0x50000;
	s19 =	rddreg [dreg:$0x8]  }
0x6a: {  	[tilespmem:s18], [sflag:$0x9] =	stream.strided.gather [hbm4b:s19+s26], $0x2800, s21, s26, $0x38;
	[tilespmem:$0x1E800] =	vst v63  }
0x6b: {  	_ =	swait.ge [sflag:s24], $0x2800  }
0x6c: {  	[sflag:s24] =	ssyncset.done $0x0  }
0x6d: {  	[sflag:s24] =	ssyncadd.s32 $0xFFFFD800  }
0x6e: {  	[tilespmem:s23], [sflag:$0x1] =	stream.indirect.gather [hbm4b:s4+s29], $0x80, s18, s29, $0xb8;
	[tilespmem:$0x1E800] =	vst v63  }
0x6f: {  	_ = 	snop  }
0x70: {  	[tilespmem:s25], [sflag:$0x2] =	stream.indirect.gather [hbm4b:s4+s29], $0x80, s29, s29, $0xb8;
	[tilespmem:$0x1E800] =	vst v63  }
0x71: {  	s19 =	simm.s32 $0x80  }
0x72: {  	[tilespmem:s31], [sflag:$0x3] =	stream.indirect.gather [hbm4b:s4+s29], $0x80, s19, s29, $0xb8;
	[tilespmem:$0x1E800] =	vst v63  }
0x73: {  	_ =	swait.ge [sflag:s0], $0x2000  }
0x74: {  	[sflag:s0] =	ssyncset.done $0x0  }
0x75: {  	[sflag:s0] =	ssyncadd.s32 $0xFFFFE000  }
0x76: {  	[spmem:s2] =	stream.indirect.scatter.add.f32 [tilespmem:s23], [sflag:$0x5], $0x80, s26, s29, $0xb8;
	[tilespmem:$0x1E800] =	vst v63  }
0x77: {  	s21 =	simm.s32 $0xC0  }
0x78: {  	[tilespmem:s6], [sflag:$0x4] =	stream.indirect.gather [hbm4b:s4+s29], $0x80, s21, s29, $0xb8;
	[tilespmem:$0x1E800] =	vst v63  }
0x79: {  	_ =	swait.ge [sflag:s8], $0x2000  }
0x7a: {  	[sflag:s8] =	ssyncset.done $0x0  }
0x7b: {  	s19 =	simm.s32 $0x1440;
	[sflag:s8] =	ssyncadd.s32 $0xFFFFE000  }
0x7c: {  	[spmem:s2] =	stream.indirect.scatter.add.f32 [tilespmem:s25], [sflag:$0x6], $0x80, s19, s29, $0xb8;
	[tilespmem:$0x1E800] =	vst v63  }
0x7d: {  	_ =	swait.ge [sflag:s12], $0x2000  }
0x7e: {  	[sflag:s12] =	ssyncset.done $0x0  }
0x7f: {  	s21 =	simm.s32 $0x100;
	[sflag:s12] =	ssyncadd.s32 $0xFFFFE000  }
0x80: {  	[tilespmem:s23], [sflag:$0x1] =	stream.indirect.gather [hbm4b:s4+s29], $0x80, s21, s29, $0xb8;
	[tilespmem:$0x1E800] =	vst v63  }
0x81: {  	_ =	swait.ge [sflag:s15], $0x2000  }
0x82: {  	[sflag:s15] =	ssyncset.done $0x0  }
0x83: {  	s19 =	simm.s32 $0x1480;
	[sflag:s15] =	ssyncadd.s32 $0xFFFFE000  }
0x84: {  	[spmem:s2] =	stream.indirect.scatter.add.f32 [tilespmem:s31], [sflag:$0x7], $0x80, s19, s29, $0xb8;
	[tilespmem:$0x1E800] =	vst v63  }
0x85: {  	_ =	swait.ge [sflag:s17], $0x2000  }
0x86: {  	[sflag:s17] =	ssyncset.done $0x0  }
0x87: {  	s21 =	simm.s32 $0x140;
	[sflag:s17] =	ssyncadd.s32 $0xFFFFE000  }
0x88: {  	[tilespmem:s25], [sflag:$0x2] =	stream.indirect.gather [hbm4b:s4+s29], $0x80, s21, s29, $0xb8;
	[tilespmem:$0x1E800] =	vst v63  }
0x89: {  	_ =	swait.ge [sflag:s28], $0x2000  }
0x8a: {  	[sflag:s28] =	ssyncset.done $0x0  }
0x8b: {  	s19 =	simm.s32 $0x14C0;
	[sflag:s28] =	ssyncadd.s32 $0xFFFFE000  }
0x8c: {  	[spmem:s2] =	stream.indirect.scatter.add.f32 [tilespmem:s6], [sflag:$0x8], $0x80, s19, s29, $0xb8;
	[tilespmem:$0x1E800] =	vst v63  }
0x8d: {  	_ =	swait.ge [sflag:s20], $0x2000  }
0x8e: {  	[sflag:s20] =	ssyncset.done $0x0  }
0x8f: {  	s21 =	simm.s32 $0x180;
	[sflag:s20] =	ssyncadd.s32 $0xFFFFE000  }
0x90: {  	[tilespmem:s31], [sflag:$0x3] =	stream.indirect.gather [hbm4b:s4+s29], $0x80, s21, s29, $0xb8;
	[tilespmem:$0x1E800] =	vst v63  }
0x91: {  	_ =	swait.ge [sflag:s0], $0x2000  }
0x92: {  	[sflag:s0] =	ssyncset.done $0x0  }
0x93: {  	s19 =	simm.s32 $0x1500;
	[sflag:s0] =	ssyncadd.s32 $0xFFFFE000  }
0x94: {  	[spmem:s2] =	stream.indirect.scatter.add.f32 [tilespmem:s23], [sflag:$0x5], $0x80, s19, s29, $0xb8;
	[tilespmem:$0x1E800] =	vst v63  }
0x95: {  	_ =	swait.ge [sflag:s30], $0x2000  }
0x96: {  	[sflag:s30] =	ssyncset.done $0x0  }
0x97: {  	s21 =	simm.s32 $0x1C0;
	[sflag:s30] =	ssyncadd.s32 $0xFFFFE000  }
0x98: {  	[tilespmem:s6], [sflag:$0x4] =	stream.indirect.gather [hbm4b:s4+s29], $0x80, s21, s29, $0xb8;
	[tilespmem:$0x1E800] =	vst v63  }
0x99: {  	_ =	swait.ge [sflag:s8], $0x2000  }
0x9a: {  	[sflag:s8] =	ssyncset.done $0x0  }
0x9b: {  	s19 =	simm.s32 $0x1540;
	[sflag:s8] =	ssyncadd.s32 $0xFFFFE000  }
0x9c: {  	[spmem:s2] =	stream.indirect.scatter.add.f32 [tilespmem:s25], [sflag:$0x6], $0x80, s19, s29, $0xb8;
	[tilespmem:$0x1E800] =	vst v63  }
0x9d: {  	_ =	swait.ge [sflag:s12], $0x2000  }
0x9e: {  	[sflag:s12] =	ssyncset.done $0x0  }
0x9f: {  	s21 =	simm.s32 $0x200;
	[sflag:s12] =	ssyncadd.s32 $0xFFFFE000  }
0xa0: {  	[tilespmem:s23], [sflag:$0x1] =	stream.indirect.gather [hbm4b:s4+s29], $0x80, s21, s29, $0xb8;
	[tilespmem:$0x1E800] =	vst v63  }
0xa1: {  	_ =	swait.ge [sflag:s15], $0x2000  }
0xa2: {  	[sflag:s15] =	ssyncset.done $0x0  }
0xa3: {  	s19 =	simm.s32 $0x1580;
	[sflag:s15] =	ssyncadd.s32 $0xFFFFE000  }
0xa4: {  	[spmem:s2] =	stream.indirect.scatter.add.f32 [tilespmem:s31], [sflag:$0x7], $0x80, s19, s29, $0xb8;
	[tilespmem:$0x1E800] =	vst v63  }
0xa5: {  	_ =	swait.ge [sflag:s17], $0x2000  }
0xa6: {  	[sflag:s17] =	ssyncset.done $0x0  }
0xa7: {  	s21 =	simm.s32 $0x240;
	[sflag:s17] =	ssyncadd.s32 $0xFFFFE000  }
0xa8: {  	[tilespmem:s25], [sflag:$0x2] =	stream.indirect.gather [hbm4b:s4+s29], $0x80, s21, s29, $0xb8;
	[tilespmem:$0x1E800] =	vst v63  }
0xa9: {  	_ =	swait.ge [sflag:s28], $0x2000  }
0xaa: {  	[sflag:s28] =	ssyncset.done $0x0  }
0xab: {  	s18 =	simm.s32 $0x400;
	s19 =	simm.s32 $0x15C0;
	[sflag:s28] =	ssyncadd.s32 $0xFFFFE000  }
.LBB2_4:
0xac: {  	[spmem:s2] =	stream.indirect.scatter.add.f32 [tilespmem:s6], [sflag:$0x8], $0x80, s19, s29, $0xb8;
	[tilespmem:$0x1E800] =	vst v63  }
0xad: {  	s19 =	smov.u32 s18  }
0xae: {  	p0 =	sne.s32 s18, $0x4400;
	s18 =	sadd.s32 $0x400, s18;
	_ =	swait.ge [sflag:s20], $0x2000  }
0xaf: {  	s19 =	sshra.s32 s19, $0x2;
	[sflag:s20] =	ssyncset.done $0x0  }
0xb0: {  	s21 =	sadd.s32 $0x180, s19;
	[sflag:s20] =	ssyncadd.s32 $0xFFFFE000  }
0xb1: {  	[tilespmem:s31], [sflag:$0x3] =	stream.indirect.gather [hbm4b:s4+s29], $0x80, s21, s29, $0xb8;
	[tilespmem:$0x1E800] =	vst v63  }
0xb2: {  	_ =	swait.ge [sflag:s0], $0x2000  }
0xb3: {  	[sflag:s0] =	ssyncset.done $0x0  }
0xb4: {  	s21 =	sadd.s32 $0x1500, s19;
	[sflag:s0] =	ssyncadd.s32 $0xFFFFE000  }
0xb5: {  	[spmem:s2] =	stream.indirect.scatter.add.f32 [tilespmem:s23], [sflag:$0x5], $0x80, s21, s29, $0xb8;
	[tilespmem:$0x1E800] =	vst v63  }
0xb6: {  	_ =	swait.ge [sflag:s30], $0x2000  }
0xb7: {  	[sflag:s30] =	ssyncset.done $0x0  }
0xb8: {  	s21 =	sadd.s32 $0x1C0, s19;
	[sflag:s30] =	ssyncadd.s32 $0xFFFFE000  }
0xb9: {  	[tilespmem:s6], [sflag:$0x4] =	stream.indirect.gather [hbm4b:s4+s29], $0x80, s21, s29, $0xb8;
	[tilespmem:$0x1E800] =	vst v63  }
0xba: {  	_ =	swait.ge [sflag:s8], $0x2000  }
0xbb: {  	[sflag:s8] =	ssyncset.done $0x0  }
0xbc: {  	s21 =	sadd.s32 $0x1540, s19;
	[sflag:s8] =	ssyncadd.s32 $0xFFFFE000  }
0xbd: {  	[spmem:s2] =	stream.indirect.scatter.add.f32 [tilespmem:s25], [sflag:$0x6], $0x80, s21, s29, $0xb8;
	[tilespmem:$0x1E800] =	vst v63  }
0xbe: {  	_ =	swait.ge [sflag:s12], $0x2000  }
0xbf: {  	[sflag:s12] =	ssyncset.done $0x0  }
0xc0: {  	s21 =	sadd.s32 $0x200, s19;
	[sflag:s12] =	ssyncadd.s32 $0xFFFFE000  }
0xc1: {  	[tilespmem:s23], [sflag:$0x1] =	stream.indirect.gather [hbm4b:s4+s29], $0x80, s21, s29, $0xb8;
	[tilespmem:$0x1E800] =	vst v63  }
0xc2: {  	_ =	swait.ge [sflag:s15], $0x2000  }
0xc3: {  	[sflag:s15] =	ssyncset.done $0x0  }
0xc4: {  	s21 =	sadd.s32 $0x1580, s19;
	[sflag:s15] =	ssyncadd.s32 $0xFFFFE000  }
0xc5: {  	[spmem:s2] =	stream.indirect.scatter.add.f32 [tilespmem:s31], [sflag:$0x7], $0x80, s21, s29, $0xb8;
	[tilespmem:$0x1E800] =	vst v63  }
0xc6: {  	_ =	swait.ge [sflag:s17], $0x2000  }
0xc7: {  	[sflag:s17] =	ssyncset.done $0x0  }
.Ltmp1:
0xc8: {  	s21 =	sadd.s32 $0x240, s19;
	[sflag:s17] =	ssyncadd.s32 $0xFFFFE000;
	(pc) =	sbr.rel @p0 .LBB2_4-.Ltmp1, $4  }
0xc9: {  	[tilespmem:s25], [sflag:$0x2] =	stream.indirect.gather [hbm4b:s4+s29], $0x80, s21, s29, $0xb8;
	[tilespmem:$0x1E800] =	vst v63  }
0xca: {  	_ =	swait.ge [sflag:s28], $0x2000  }
0xcb: {  	[sflag:s28] =	ssyncset.done $0x0  }
0xcc: {  	s19 =	sadd.s32 $0x15C0, s19;
	[sflag:s28] =	ssyncadd.s32 $0xFFFFE000  }
0xcd: {  	[spmem:s2] =	stream.indirect.scatter.add.f32 [tilespmem:s6], [sflag:$0x8], $0x80, s19, s29, $0xb8;
	[tilespmem:$0x1E800] =	vst v63  }
0xce: {  	_ =	swait.ge [sflag:s20], $0x2000  }
0xcf: {  	[sflag:s20] =	ssyncset.done $0x0  }
0xd0: {  	s18 =	simm.s32 $0x1380;
	[sflag:s20] =	ssyncadd.s32 $0xFFFFE000  }
0xd1: {  	[tilespmem:s31], [sflag:$0x3] =	stream.indirect.gather [hbm4b:s4+s29], $0x80, s18, s29, $0xb8;
	[tilespmem:$0x1E800] =	vst v63  }
0xd2: {  	_ =	swait.ge [sflag:s0], $0x2000  }
0xd3: {  	[sflag:s0] =	ssyncset.done $0x0  }
0xd4: {  	[sflag:s0] =	ssyncadd.s32 $0xFFFFE000  }
0xd5: {  	[spmem:s2] =	stream.indirect.scatter.add.f32 [tilespmem:s23], [sflag:$0x5], $0x80, s22, s29, $0xb8;
	[tilespmem:$0x1E800] =	vst v63  }
0xd6: {  	_ =	swait.ge [sflag:s30], $0x2000  }
0xd7: {  	[sflag:s30] =	ssyncset.done $0x0  }
0xd8: {  	[sflag:s30] =	ssyncadd.s32 $0xFFFFE000  }
0xd9: {  	[tilespmem:s6], [sflag:$0x4] =	stream.indirect.gather [hbm4b:s4+s29], $0x80, s1, s29, $0xb8;
	[tilespmem:$0x1E800] =	vst v63  }
0xda: {  	_ =	swait.ge [sflag:s8], $0x2000  }
0xdb: {  	[sflag:s8] =	ssyncset.done $0x0  }
0xdc: {  	[sflag:s8] =	ssyncadd.s32 $0xFFFFE000  }
0xdd: {  	[spmem:s2] =	stream.indirect.scatter.add.f32 [tilespmem:s25], [sflag:$0x6], $0x80, s10, s29, $0xb8;
	[tilespmem:$0x1E800] =	vst v63  }
0xde: {  	_ =	swait.ge [sflag:s12], $0x2000  }
0xdf: {  	[sflag:s12] =	ssyncset.done $0x0  }
0xe0: {  	[sflag:s12] =	ssyncadd.s32 $0xFFFFE000  }
0xe1: {  	_ =	swait.ge [sflag:s15], $0x2000  }
0xe2: {  	[sflag:s15] =	ssyncset.done $0x0  }
0xe3: {  	[sflag:s15] =	ssyncadd.s32 $0xFFFFE000  }
0xe4: {  	[spmem:s2] =	stream.indirect.scatter.add.f32 [tilespmem:s31], [sflag:$0x7], $0x80, s14, s29, $0xb8;
	[tilespmem:$0x1E800] =	vst v63  }
0xe5: {  	_ =	swait.ge [sflag:s17], $0x2000  }
0xe6: {  	[sflag:s17] =	ssyncset.done $0x0  }
0xe7: {  	[sflag:s17] =	ssyncadd.s32 $0xFFFFE000  }
0xe8: {  	_ =	swait.ge [sflag:s28], $0x2000  }
0xe9: {  	[sflag:s28] =	ssyncset.done $0x0  }
0xea: {  	[sflag:s28] =	ssyncadd.s32 $0xFFFFE000  }
0xeb: {  	[spmem:s2] =	stream.indirect.scatter.add.f32 [tilespmem:s6], [sflag:$0x8], $0x80, s16, s29, $0xb8;
	[tilespmem:$0x1E800] =	vst v63  }
0xec: {  	_ =	swait.ge [sflag:s20], $0x2000  }
0xed: {  	[sflag:s20] =	ssyncset.done $0x0  }
0xee: {  	[sflag:s20] =	ssyncadd.s32 $0xFFFFE000  }
0xef: {  	_ =	swait.ge [sflag:s30], $0x2000  }
0xf0: {  	s21 =	simm.s32 $0x50000;
	[sflag:s30] =	ssyncset.done $0x0  }
0xf1: {  	s18 =	simm.s32 $0x0;
	s19 =	rddreg [dreg:$0x9];
	[sflag:s30] =	ssyncadd.s32 $0xFFFFE000  }
0xf2: {  	[tilespmem:s18], [sflag:$0x9] =	stream.strided.gather [hbm4b:s19+s26], $0x2800, s21, s26, $0x38;
	[tilespmem:$0x1E800] =	vst v63  }
0xf3: {  	_ =	swait.ge [sflag:s24], $0x2800  }
0xf4: {  	[sflag:s24] =	ssyncset.done $0x0  }
0xf5: {  	[sflag:s24] =	ssyncadd.s32 $0xFFFFD800  }
0xf6: {  	[tilespmem:s23], [sflag:$0x1] =	stream.indirect.gather [hbm4b:s4+s29], $0x80, s18, s29, $0xb8;
	[tilespmem:$0x1E800] =	vst v63  }
0xf7: {  	_ = 	snop  }
0xf8: {  	[tilespmem:s25], [sflag:$0x2] =	stream.indirect.gather [hbm4b:s4+s29], $0x80, s29, s29, $0xb8;
	[tilespmem:$0x1E800] =	vst v63  }
0xf9: {  	s19 =	simm.s32 $0x80  }
0xfa: {  	[tilespmem:s31], [sflag:$0x3] =	stream.indirect.gather [hbm4b:s4+s29], $0x80, s19, s29, $0xb8;
	[tilespmem:$0x1E800] =	vst v63  }
0xfb: {  	_ =	swait.ge [sflag:s0], $0x2000  }
0xfc: {  	[sflag:s0] =	ssyncset.done $0x0  }
0xfd: {  	[sflag:s0] =	ssyncadd.s32 $0xFFFFE000  }
0xfe: {  	[spmem:s2] =	stream.indirect.scatter.add.f32 [tilespmem:s23], [sflag:$0x5], $0x80, s26, s29, $0xb8;
	[tilespmem:$0x1E800] =	vst v63  }
0xff: {  	s21 =	simm.s32 $0xC0  }
0x100: {  	[tilespmem:s6], [sflag:$0x4] =	stream.indirect.gather [hbm4b:s4+s29], $0x80, s21, s29, $0xb8;
	[tilespmem:$0x1E800] =	vst v63  }
0x101: {  	_ =	swait.ge [sflag:s8], $0x2000  }
0x102: {  	[sflag:s8] =	ssyncset.done $0x0  }
0x103: {  	s19 =	simm.s32 $0x1440;
	[sflag:s8] =	ssyncadd.s32 $0xFFFFE000  }
0x104: {  	[spmem:s2] =	stream.indirect.scatter.add.f32 [tilespmem:s25], [sflag:$0x6], $0x80, s19, s29, $0xb8;
	[tilespmem:$0x1E800] =	vst v63  }
0x105: {  	_ =	swait.ge [sflag:s12], $0x2000  }
0x106: {  	[sflag:s12] =	ssyncset.done $0x0  }
0x107: {  	s21 =	simm.s32 $0x100;
	[sflag:s12] =	ssyncadd.s32 $0xFFFFE000  }
0x108: {  	[tilespmem:s23], [sflag:$0x1] =	stream.indirect.gather [hbm4b:s4+s29], $0x80, s21, s29, $0xb8;
	[tilespmem:$0x1E800] =	vst v63  }
0x109: {  	_ =	swait.ge [sflag:s15], $0x2000  }
0x10a: {  	[sflag:s15] =	ssyncset.done $0x0  }
0x10b: {  	s19 =	simm.s32 $0x1480;
	[sflag:s15] =	ssyncadd.s32 $0xFFFFE000  }
0x10c: {  	[spmem:s2] =	stream.indirect.scatter.add.f32 [tilespmem:s31], [sflag:$0x7], $0x80, s19, s29, $0xb8;
	[tilespmem:$0x1E800] =	vst v63  }
0x10d: {  	_ =	swait.ge [sflag:s17], $0x2000  }
0x10e: {  	[sflag:s17] =	ssyncset.done $0x0  }
0x10f: {  	s21 =	simm.s32 $0x140;
	[sflag:s17] =	ssyncadd.s32 $0xFFFFE000  }
0x110: {  	[tilespmem:s25], [sflag:$0x2] =	stream.indirect.gather [hbm4b:s4+s29], $0x80, s21, s29, $0xb8;
	[tilespmem:$0x1E800] =	vst v63  }
0x111: {  	_ =	swait.ge [sflag:s28], $0x2000  }
0x112: {  	[sflag:s28] =	ssyncset.done $0x0  }
0x113: {  	s19 =	simm.s32 $0x14C0;
	[sflag:s28] =	ssyncadd.s32 $0xFFFFE000  }
0x114: {  	[spmem:s2] =	stream.indirect.scatter.add.f32 [tilespmem:s6], [sflag:$0x8], $0x80, s19, s29, $0xb8;
	[tilespmem:$0x1E800] =	vst v63  }
0x115: {  	_ =	swait.ge [sflag:s20], $0x2000  }
0x116: {  	[sflag:s20] =	ssyncset.done $0x0  }
0x117: {  	s21 =	simm.s32 $0x180;
	[sflag:s20] =	ssyncadd.s32 $0xFFFFE000  }
0x118: {  	[tilespmem:s31], [sflag:$0x3] =	stream.indirect.gather [hbm4b:s4+s29], $0x80, s21, s29, $0xb8;
	[tilespmem:$0x1E800] =	vst v63  }
0x119: {  	_ =	swait.ge [sflag:s0], $0x2000  }
0x11a: {  	[sflag:s0] =	ssyncset.done $0x0  }
0x11b: {  	s19 =	simm.s32 $0x1500;
	[sflag:s0] =	ssyncadd.s32 $0xFFFFE000  }
0x11c: {  	[spmem:s2] =	stream.indirect.scatter.add.f32 [tilespmem:s23], [sflag:$0x5], $0x80, s19, s29, $0xb8;
	[tilespmem:$0x1E800] =	vst v63  }
0x11d: {  	_ =	swait.ge [sflag:s30], $0x2000  }
0x11e: {  	[sflag:s30] =	ssyncset.done $0x0  }
0x11f: {  	s21 =	simm.s32 $0x1C0;
	[sflag:s30] =	ssyncadd.s32 $0xFFFFE000  }
0x120: {  	[tilespmem:s6], [sflag:$0x4] =	stream.indirect.gather [hbm4b:s4+s29], $0x80, s21, s29, $0xb8;
	[tilespmem:$0x1E800] =	vst v63  }
0x121: {  	_ =	swait.ge [sflag:s8], $0x2000  }
0x122: {  	[sflag:s8] =	ssyncset.done $0x0  }
0x123: {  	s19 =	simm.s32 $0x1540;
	[sflag:s8] =	ssyncadd.s32 $0xFFFFE000  }
0x124: {  	[spmem:s2] =	stream.indirect.scatter.add.f32 [tilespmem:s25], [sflag:$0x6], $0x80, s19, s29, $0xb8;
	[tilespmem:$0x1E800] =	vst v63  }
0x125: {  	_ =	swait.ge [sflag:s12], $0x2000  }
0x126: {  	[sflag:s12] =	ssyncset.done $0x0  }
0x127: {  	s21 =	simm.s32 $0x200;
	[sflag:s12] =	ssyncadd.s32 $0xFFFFE000  }
0x128: {  	[tilespmem:s23], [sflag:$0x1] =	stream.indirect.gather [hbm4b:s4+s29], $0x80, s21, s29, $0xb8;
	[tilespmem:$0x1E800] =	vst v63  }
0x129: {  	_ =	swait.ge [sflag:s15], $0x2000  }
0x12a: {  	[sflag:s15] =	ssyncset.done $0x0  }
0x12b: {  	s19 =	simm.s32 $0x1580;
	[sflag:s15] =	ssyncadd.s32 $0xFFFFE000  }
0x12c: {  	[spmem:s2] =	stream.indirect.scatter.add.f32 [tilespmem:s31], [sflag:$0x7], $0x80, s19, s29, $0xb8;
	[tilespmem:$0x1E800] =	vst v63  }
0x12d: {  	_ =	swait.ge [sflag:s17], $0x2000  }
0x12e: {  	[sflag:s17] =	ssyncset.done $0x0  }
0x12f: {  	s21 =	simm.s32 $0x240;
	[sflag:s17] =	ssyncadd.s32 $0xFFFFE000  }
0x130: {  	[tilespmem:s25], [sflag:$0x2] =	stream.indirect.gather [hbm4b:s4+s29], $0x80, s21, s29, $0xb8;
	[tilespmem:$0x1E800] =	vst v63  }
0x131: {  	_ =	swait.ge [sflag:s28], $0x2000  }
0x132: {  	[sflag:s28] =	ssyncset.done $0x0  }
0x133: {  	s18 =	simm.s32 $0x400;
	s19 =	simm.s32 $0x15C0;
	[sflag:s28] =	ssyncadd.s32 $0xFFFFE000  }
.LBB2_6:
0x134: {  	[spmem:s2] =	stream.indirect.scatter.add.f32 [tilespmem:s6], [sflag:$0x8], $0x80, s19, s29, $0xb8;
	[tilespmem:$0x1E800] =	vst v63  }
0x135: {  	s19 =	smov.u32 s18  }
0x136: {  	p0 =	sne.s32 s18, $0x4400;
	s18 =	sadd.s32 $0x400, s18;
	_ =	swait.ge [sflag:s20], $0x2000  }
0x137: {  	s19 =	sshra.s32 s19, $0x2;
	[sflag:s20] =	ssyncset.done $0x0  }
0x138: {  	s21 =	sadd.s32 $0x180, s19;
	[sflag:s20] =	ssyncadd.s32 $0xFFFFE000  }
0x139: {  	[tilespmem:s31], [sflag:$0x3] =	stream.indirect.gather [hbm4b:s4+s29], $0x80, s21, s29, $0xb8;
	[tilespmem:$0x1E800] =	vst v63  }
0x13a: {  	_ =	swait.ge [sflag:s0], $0x2000  }
0x13b: {  	[sflag:s0] =	ssyncset.done $0x0  }
0x13c: {  	s21 =	sadd.s32 $0x1500, s19;
	[sflag:s0] =	ssyncadd.s32 $0xFFFFE000  }
0x13d: {  	[spmem:s2] =	stream.indirect.scatter.add.f32 [tilespmem:s23], [sflag:$0x5], $0x80, s21, s29, $0xb8;
	[tilespmem:$0x1E800] =	vst v63  }
0x13e: {  	_ =	swait.ge [sflag:s30], $0x2000  }
0x13f: {  	[sflag:s30] =	ssyncset.done $0x0  }
0x140: {  	s21 =	sadd.s32 $0x1C0, s19;
	[sflag:s30] =	ssyncadd.s32 $0xFFFFE000  }
0x141: {  	[tilespmem:s6], [sflag:$0x4] =	stream.indirect.gather [hbm4b:s4+s29], $0x80, s21, s29, $0xb8;
	[tilespmem:$0x1E800] =	vst v63  }
0x142: {  	_ =	swait.ge [sflag:s8], $0x2000  }
0x143: {  	[sflag:s8] =	ssyncset.done $0x0  }
0x144: {  	s21 =	sadd.s32 $0x1540, s19;
	[sflag:s8] =	ssyncadd.s32 $0xFFFFE000  }
0x145: {  	[spmem:s2] =	stream.indirect.scatter.add.f32 [tilespmem:s25], [sflag:$0x6], $0x80, s21, s29, $0xb8;
	[tilespmem:$0x1E800] =	vst v63  }
0x146: {  	_ =	swait.ge [sflag:s12], $0x2000  }
0x147: {  	[sflag:s12] =	ssyncset.done $0x0  }
0x148: {  	s21 =	sadd.s32 $0x200, s19;
	[sflag:s12] =	ssyncadd.s32 $0xFFFFE000  }
0x149: {  	[tilespmem:s23], [sflag:$0x1] =	stream.indirect.gather [hbm4b:s4+s29], $0x80, s21, s29, $0xb8;
	[tilespmem:$0x1E800] =	vst v63  }
0x14a: {  	_ =	swait.ge [sflag:s15], $0x2000  }
0x14b: {  	[sflag:s15] =	ssyncset.done $0x0  }
0x14c: {  	s21 =	sadd.s32 $0x1580, s19;
	[sflag:s15] =	ssyncadd.s32 $0xFFFFE000  }
0x14d: {  	[spmem:s2] =	stream.indirect.scatter.add.f32 [tilespmem:s31], [sflag:$0x7], $0x80, s21, s29, $0xb8;
	[tilespmem:$0x1E800] =	vst v63  }
0x14e: {  	_ =	swait.ge [sflag:s17], $0x2000  }
0x14f: {  	[sflag:s17] =	ssyncset.done $0x0  }
.Ltmp2:
0x150: {  	s21 =	sadd.s32 $0x240, s19;
	[sflag:s17] =	ssyncadd.s32 $0xFFFFE000;
	(pc) =	sbr.rel @p0 .LBB2_6-.Ltmp2, $4  }
0x151: {  	[tilespmem:s25], [sflag:$0x2] =	stream.indirect.gather [hbm4b:s4+s29], $0x80, s21, s29, $0xb8;
	[tilespmem:$0x1E800] =	vst v63  }
0x152: {  	_ =	swait.ge [sflag:s28], $0x2000  }
0x153: {  	[sflag:s28] =	ssyncset.done $0x0  }
0x154: {  	s19 =	sadd.s32 $0x15C0, s19;
	[sflag:s28] =	ssyncadd.s32 $0xFFFFE000  }
0x155: {  	[spmem:s2] =	stream.indirect.scatter.add.f32 [tilespmem:s6], [sflag:$0x8], $0x80, s19, s29, $0xb8;
	[tilespmem:$0x1E800] =	vst v63  }
0x156: {  	_ =	swait.ge [sflag:s20], $0x2000  }
0x157: {  	[sflag:s20] =	ssyncset.done $0x0  }
0x158: {  	s18 =	simm.s32 $0x1380;
	[sflag:s20] =	ssyncadd.s32 $0xFFFFE000  }
0x159: {  	[tilespmem:s31], [sflag:$0x3] =	stream.indirect.gather [hbm4b:s4+s29], $0x80, s18, s29, $0xb8;
	[tilespmem:$0x1E800] =	vst v63  }
0x15a: {  	_ =	swait.ge [sflag:s0], $0x2000  }
0x15b: {  	[sflag:s0] =	ssyncset.done $0x0  }
0x15c: {  	[sflag:s0] =	ssyncadd.s32 $0xFFFFE000  }
0x15d: {  	[spmem:s2] =	stream.indirect.scatter.add.f32 [tilespmem:s23], [sflag:$0x5], $0x80, s22, s29, $0xb8;
	[tilespmem:$0x1E800] =	vst v63  }
0x15e: {  	_ =	swait.ge [sflag:s30], $0x2000  }
0x15f: {  	[sflag:s30] =	ssyncset.done $0x0  }
0x160: {  	[sflag:s30] =	ssyncadd.s32 $0xFFFFE000  }
0x161: {  	[tilespmem:s6], [sflag:$0x4] =	stream.indirect.gather [hbm4b:s4+s29], $0x80, s1, s29, $0xb8;
	[tilespmem:$0x1E800] =	vst v63  }
0x162: {  	_ =	swait.ge [sflag:s8], $0x2000  }
0x163: {  	[sflag:s8] =	ssyncset.done $0x0  }
0x164: {  	[sflag:s8] =	ssyncadd.s32 $0xFFFFE000  }
0x165: {  	[spmem:s2] =	stream.indirect.scatter.add.f32 [tilespmem:s25], [sflag:$0x6], $0x80, s10, s29, $0xb8;
	[tilespmem:$0x1E800] =	vst v63  }
0x166: {  	_ =	swait.ge [sflag:s12], $0x2000  }
0x167: {  	[sflag:s12] =	ssyncset.done $0x0  }
0x168: {  	[sflag:s12] =	ssyncadd.s32 $0xFFFFE000  }
0x169: {  	_ =	swait.ge [sflag:s15], $0x2000  }
0x16a: {  	[sflag:s15] =	ssyncset.done $0x0  }
0x16b: {  	[sflag:s15] =	ssyncadd.s32 $0xFFFFE000  }
0x16c: {  	[spmem:s2] =	stream.indirect.scatter.add.f32 [tilespmem:s31], [sflag:$0x7], $0x80, s14, s29, $0xb8;
	[tilespmem:$0x1E800] =	vst v63  }
0x16d: {  	_ =	swait.ge [sflag:s17], $0x2000  }
0x16e: {  	[sflag:s17] =	ssyncset.done $0x0  }
0x16f: {  	[sflag:s17] =	ssyncadd.s32 $0xFFFFE000  }
0x170: {  	_ =	swait.ge [sflag:s28], $0x2000  }
0x171: {  	[sflag:s28] =	ssyncset.done $0x0  }
0x172: {  	[sflag:s28] =	ssyncadd.s32 $0xFFFFE000  }
0x173: {  	[spmem:s2] =	stream.indirect.scatter.add.f32 [tilespmem:s6], [sflag:$0x8], $0x80, s16, s29, $0xb8;
	[tilespmem:$0x1E800] =	vst v63  }
0x174: {  	_ =	swait.ge [sflag:s20], $0x2000  }
0x175: {  	[sflag:s20] =	ssyncset.done $0x0  }
0x176: {  	[sflag:s20] =	ssyncadd.s32 $0xFFFFE000  }
0x177: {  	_ =	swait.ge [sflag:s30], $0x2000  }
0x178: {  	[sflag:s30] =	ssyncset.done $0x0  }
0x179: {  	s19 =	stileid.u32;
	[sflag:s30] =	ssyncadd.s32 $0xFFFFE000  }
0x17a: {  	s18 =	sshll.u32 s19, $0x6;
	[bflag:$0x0] =	sbarrier.arrive $0xFFFF  }
0x17b: {  	s19 =	sshrl.u32 s5, $0x3;
	s18 =	sor.u32 $0x1C09, s18;
	s21 =	rddreg [dreg:$0xa]  }
0x17c: {  	[hbm:s21], [sflag:s18] =	dma.local [spmem:s19], $0x800  }
0x17d: {  	_ =	swait.ge [sflag:s24], $0x800  }
0x17e: {  	[sflag:s24] =	ssyncset.done $0x0  }
0x17f: {  	s19 =	sshrl.u32 s7, $0x3;
	s21 =	rddreg [dreg:$0xb];
	[sflag:s24] =	ssyncadd.s32 $0xFFFFF800  }
0x180: {  	[hbm:s21], [sflag:s18] =	dma.local [spmem:s19], $0x800  }
0x181: {  	_ =	swait.ge [sflag:s24], $0x800  }
0x182: {  	[sflag:s24] =	ssyncset.done $0x0  }
0x183: {  	s19 =	sshrl.u32 s9, $0x3;
	s21 =	rddreg [dreg:$0xc];
	[sflag:s24] =	ssyncadd.s32 $0xFFFFF800  }
0x184: {  	[hbm:s21], [sflag:s18] =	dma.local [spmem:s19], $0x800  }
0x185: {  	_ =	swait.ge [sflag:s24], $0x800  }
0x186: {  	[sflag:s24] =	ssyncset.done $0x0  }
0x187: {  	s19 =	sshrl.u32 s11, $0x3;
	s21 =	rddreg [dreg:$0xd];
	[sflag:s24] =	ssyncadd.s32 $0xFFFFF800  }
0x188: {  	[hbm:s21], [sflag:s18] =	dma.local [spmem:s19], $0x800  }
0x189: {  	_ =	swait.ge [sflag:s24], $0x800  }
0x18a: {  	[sflag:s24] =	ssyncset.done $0x0  }
0x18b: {  	s19 =	sshrl.u32 s13, $0x3;
	s21 =	rddreg [dreg:$0xe];
	[sflag:s24] =	ssyncadd.s32 $0xFFFFF800  }
0x18c: {  	[hbm:s21], [sflag:s18] =	dma.local [spmem:s19], $0x800  }
0x18d: {  	_ =	swait.ge [sflag:s24], $0x800  }
0x18e: {  	s3 =	sadd.s32 $0x1, s3;
	s21 =	rddreg [dreg:$0xf]  }
0x18f: {  	p0 =	sne.s32 s3, s21  }
.Ltmp3:
0x190: {  	_ = 	snop;
	(pc) =	sbr.rel @p0 .LBB2_1-.Ltmp3, $3  }
0x191: {  	_ =	sdelay $0x1  }
0x192: {  	[sflag:s24] =	ssyncset.done $0x0  }
0x193: {  	[sflag:s24] =	ssyncadd.s32 $0xFFFFF800  }
0x194: {  	_ =	sfence.sel $0x180000  }
0x195: {  	[bflag:$0x0] =	sbarrier.arrive $0xFFFF  }
0x196: {  	_ =	strace $0x9000004A  }
0x197: {  	s0 =	stileid.u32;
	[bflag:$0x2] =	sbarrier.arrive $0xFFFF  }
0x198: {  	p0 =	sne.s32 s0, $0x0;
	s0 =	rddreg [dreg:$0x2]  }
0x199: {  	s0 =	sadd.s32 @!p0 $0x100000, s0  }
0x19a: {  	[sflag:s0] =	ssyncadd.tile.s32 @!p0 $0x1;
	_ =	shalt  }
.Lfunc_end2:
_tile_overlayer_lowered:
.L_overlay_start_2:
0x19b: {  	(tag) =	ssettag $0x2  }
0x19c: {  	s0 =	rddreg [dreg:$0x0];
	s2 =	stileid.u32  }
0x19d: {  	s1 =	rddreg [dreg:$0x1];
	p0 =	sne.s32 s2, $0x0  }
0x19e: {  	s3 =	rddreg [dreg:$0x2];
	[bflag:$0x3] =	sbarrier.arrive $0xFFFF;
	s2 =	simm.s32 @!p0 $0x1C09  }
0x19f: {  	[timem:s3], [sflag:s2] =	dma.local @!p0 [hbm:s0], s1  }
0x1a0: {  	s0 =	simm.s32 @!p0 $0x9  }
0x1a1: {  	_ =	swait.ge @!p0 [sflag:s0], s1  }
0x1a2: {  	s1 =	ssub.s32 @!p0 $0x0, s1;
	[sflag:s0] =	ssyncset.done @!p0 $0x0  }
0x1a3: {  	[sflag:s0] =	ssyncadd.s32 @!p0 s1  }
0x1a4: {  	[bflag:$0x3] =	sbarrier.arrive $0xFFFF  }
0x1a5: {  	_ =	shalt  }

// kernel: kernel.14.cloned.1.call-start
scs
__scs_entry_jumppad:
0x0: {  	(pc) =	sbr.rel $0x88, $3  }
0x1: {  	(tag) =	ssettag $0x0;
	lr =	simm.s32 $0x1  }
0x2: {  	[smem:$0x3F99] =	sst lr;
	_ =	strace $0xD0000000  }
0x3: {  	_ = 	snop  }
0x4: {  	_ = 	snop  }
0x5: {  	_ = 	snop  }
0x6: {  	_ = 	snop  }
0x7: {  	_ = 	snop  }
__scs_overlays_trampoline_lowered:
0x8: {  	[smem:$0x3FA8] =	sst s0  }
0x9: {  	[smem:$0x3FA9] =	sst s1  }
0xa: {  	[smem:$0x3FAA] =	sst s2  }
0xb: {  	[smem:$0x3FAB] =	sst s3  }
0xc: {  	[smem:$0x3FAC] =	sst s4  }
0xd: {  	[smem:$0x3FAD] =	sst s5  }
0xe: {  	[smem:$0x3FAE] =	sst s6  }
0xf: {  	[smem:$0x3FAF] =	sst s7  }
0x10: {  	[smem:$0x3FB0] =	sst s8  }
0x11: {  	[smem:$0x3FB1] =	sst s9;
	s0 =	simm.s32 @!p0 $0x0  }
0x12: {  	s1 =	sld [smem:$0x3F97];
	s0 =	simm.s32 @p0 $0x1  }
0x13: {  	[smem:$0x3FB2] =	sst s0;
	s0 =	simm.s32 @!p1 $0x0  }
0x14: {  	s2 =	sld [smem:$0x3F96];
	s0 =	simm.s32 @p1 $0x1  }
0x15: {  	[smem:$0x3FB3] =	sst s0;
	s0 =	simm.s32 @!p2 $0x0  }
0x16: {  	s3 =	sld [smem:$0x3FDB];
	s0 =	simm.s32 @p2 $0x1  }
0x17: {  	s4 =	simm.s32 $0x1BF5;
	[smem:$0x3FB5] =	sst s0  }
0x18: {  	s0 =	sld [smem:$0x3F98];
	_ =	swait.ge [sflag:s4], $0x0  }
0x19: {  	s7 =	sld [smem:$0x3F99]  }
0x1a: {  	s8 =	sadd.s32 $0xFFFFE003, lr  }
0x1b: {  	s9 =	sadd.s32 $0xFFFFFEF7, lr;
	s5 =	simm.s32 $0xFFFFFFFF;
	p2 =	slt.u32 s8, $0xFFFFF086  }
0x1c: {  	p1 =	slt.u32 s9, $0xF7A;
	s5 =	simm.s32 @!p2 $0x0  }
0x1d: {  	s5 =	simm.s32 @p1 $0x1;
	p0 =	seq.s32 s7, s2  }
0x1e: {  	s7 =	smul.u32 @!p0 $0xF7A, s2;
	p2 =	seq.s32 @!p0 s5, $0x0  }
0x1f: {  	s9 =	smul.u32 $0xF7A, s1;
	s8 =	simm.s32 @!p0 $0x1BF5;
	p2 =	por !p2, p0  }
0x20: {  	[sflag:s8] =	ssyncset.s32 @!p0 $0xFFFFF086;
	s6 =	sadd.s32 @!p0 s3, s7;
	s7 =	simm.s32 @!p0 $0x108  }
0x21: {  	s3 =	sadd.s32 s3, s9;
	s6 =	sadd.s32 @!p0 $0x88, s6;
	s7 =	simm.s32 @p2 $0x1082  }
0x22: {  	[simem:s7], [sflag:s8] =	dma.local @!p0 [hbm:s6], $0xF7A  }
0x23: {  	s9 =	sor.u32 $0xD0000000, s2;
	s6 =	simm.s32 $0x108;
	_ =	swait.ge @!p0 [sflag:s8], $0x0  }
0x24: {  	s3 =	sadd.s32 $0x88, s3;
	s6 =	simm.s32 @!p1 $0x1082;
	[sflag:s4] =	ssyncset.s32 $0xFFFFF086  }
0x25: {  	[simem:s6], [sflag:s4] =	dma.local [hbm:s3], $0xF7A  }
0x26: {  	[smem:$0x3F99] =	sst s1;
	(tag) =	ssettag s2;
	_ =	strace s9  }
0x27: {  	s1 =	sld [smem:$0x3FA9]  }
0x28: {  	s2 =	sld [smem:$0x3FAA]  }
0x29: {  	s4 =	sld [smem:$0x3FAC]  }
0x2a: {  	p0 =	seq.s32 s5, $0x0;
	s5 =	sld [smem:$0x3FAD]  }
0x2b: {  	s6 =	sld [smem:$0x3FAE]  }
0x2c: {  	s7 =	sld [smem:$0x3FAF]  }
0x2d: {  	s3 =	simm.s32 $0x108;
	s8 =	sld [smem:$0x3FB0]  }
0x2e: {  	s3 =	simm.s32 @!p0 $0x1082;
	s9 =	sld [smem:$0x3FB1]  }
0x2f: {  	lr =	sadd.s32 s0, s3;
	s0 =	sld [smem:$0x3FA8]  }
0x30: {  	s3 =	sld [smem:$0x3FAB]  }
0x31: {  	[smem:$0x3FB4] =	sst s10  }
0x32: {  	s10 =	sld [smem:$0x3FB2];
	_ =	sdelay $0x3  }
0x33: {  	p0 =	seq.s32 s10, $0x1;
	s10 =	sld [smem:$0x3FB4];
	_ =	sdelay $0x3  }
0x34: {  	[smem:$0x3FB4] =	sst s10  }
0x35: {  	s10 =	sld [smem:$0x3FB3];
	_ =	sdelay $0x3  }
0x36: {  	p1 =	seq.s32 s10, $0x1;
	s10 =	sld [smem:$0x3FB4];
	_ =	sdelay $0x3  }
0x37: {  	[smem:$0x3FB4] =	sst s10  }
0x38: {  	s10 =	sld [smem:$0x3FB5]  }
0x39: {  	_ = 	snop;
	(pc) =	sbr.ind lr, $3  }
0x3a: {  	_ = 	snop  }
0x3b: {  	_ = 	snop  }
0x3c: {  	p2 =	seq.s32 s10, $0x1;
	s10 =	sld [smem:$0x3FB4]  }
0x3d: {  	_ =	shalt  }
0x3e: {  	_ =	shalt  }
0x3f: {  	_ =	shalt  }
0x40: {  	_ =	shalt  }
0x41: {  	_ =	shalt  }
0x42: {  	_ =	shalt  }
0x43: {  	_ =	shalt  }
0x44: {  	_ =	shalt  }
0x45: {  	_ =	shalt  }
0x46: {  	_ =	shalt  }
0x47: {  	_ =	shalt  }
0x48: {  	_ =	shalt  }
0x49: {  	_ =	shalt  }
0x4a: {  	_ =	shalt  }
0x4b: {  	_ =	shalt  }
0x4c: {  	_ =	shalt  }
0x4d: {  	_ =	shalt  }
0x4e: {  	_ =	shalt  }
0x4f: {  	_ =	shalt  }
0x50: {  	_ =	shalt  }
0x51: {  	_ =	shalt  }
0x52: {  	_ =	shalt  }
0x53: {  	_ =	shalt  }
0x54: {  	_ =	shalt  }
0x55: {  	_ =	shalt  }
0x56: {  	_ =	shalt  }
0x57: {  	_ =	shalt  }
0x58: {  	_ =	shalt  }
0x59: {  	_ =	shalt  }
0x5a: {  	_ =	shalt  }
0x5b: {  	_ =	shalt  }
0x5c: {  	_ =	shalt  }
0x5d: {  	_ =	shalt  }
0x5e: {  	_ =	shalt  }
0x5f: {  	_ =	shalt  }
0x60: {  	_ =	shalt  }
0x61: {  	_ =	shalt  }
0x62: {  	_ =	shalt  }
0x63: {  	_ =	shalt  }
0x64: {  	_ =	shalt  }
0x65: {  	_ =	shalt  }
0x66: {  	_ =	shalt  }
0x67: {  	_ =	shalt  }
0x68: {  	_ =	shalt  }
0x69: {  	_ =	shalt  }
0x6a: {  	_ =	shalt  }
0x6b: {  	_ =	shalt  }
0x6c: {  	_ =	shalt  }
0x6d: {  	_ =	shalt  }
0x6e: {  	_ =	shalt  }
0x6f: {  	_ =	shalt  }
0x70: {  	_ =	shalt  }
0x71: {  	_ =	shalt  }
0x72: {  	_ =	shalt  }
0x73: {  	_ =	shalt  }
0x74: {  	_ =	shalt  }
0x75: {  	_ =	shalt  }
0x76: {  	_ =	shalt  }
0x77: {  	_ =	shalt  }
0x78: {  	_ =	shalt  }
0x79: {  	_ =	shalt  }
0x7a: {  	_ =	shalt  }
0x7b: {  	_ =	shalt  }
0x7c: {  	_ =	shalt  }
0x7d: {  	_ =	shalt  }
0x7e: {  	_ =	shalt  }
0x7f: {  	_ =	shalt  }
0x80: {  	_ =	shalt  }
0x81: {  	_ =	shalt  }
0x82: {  	_ =	shalt  }
0x83: {  	_ =	shalt  }
0x84: {  	_ =	shalt  }
0x85: {  	_ =	shalt  }
0x86: {  	_ =	shalt  }
0x87: {  	_ =	shalt  }
.Lfunc_end0:
.L_simem_size_0:
called_computation.2_lowered:
.L_overlay_start_0:
0x88: {  	s2 =	sld [smem:$0x3FD9]  }
0x89: {  	s3 =	sld [smem:$0x3FFE];
	_ =	sdelay $0x1  }
0x8a: {  	s1 =	srdreg.scid  }
0x8b: {  	s0 =	sand.u32 $0x1, s1  }
0x8c: {  	s16 =	sshll.u32 s0, $0xA;
	s2 =	sadd.s32 s3, s2  }
0x8d: {  	s2 =	sadd.s32 s2, s16  }
0x8e: {  	[smem:$0x3FC0] =	sst s2  }
0x8f: {  	_ = 	snop  }
0x90: {  	(tm) =	ssettm $0x1  }
0x91: {  	s17 =	sld [smem:$0x3FFB];
	_ =	sdelay $0x3  }
0x92: {  	_ =	strace s17  }
0x93: {  	s2 =	sld [smem:$0x3FFC];
	_ =	sdelay $0x3  }
0x94: {  	_ =	strace s2  }
0x95: {  	s2 =	sld [smem:$0x3FFD];
	_ =	sdelay $0x3  }
0x96: {  	_ =	strace s2  }
0x97: {  	_ =	strace $0x8FFFFFFF  }
0x98: {  	s18 =	sld [smem:$0x3FDB];
	_ =	sdelay $0x1  }
0x99: {  	s19 =	simm.s32 $_scs_section_size  }
0x9a: {  	s4 =	simm.s32 $_size__tile_overlayer_lowered;
	s5 =	simm.s32 $_tile_overlayer_lowered  }
0x9b: {  	s22 =	simm.s32 $0x1BFF;
	s21 =	sshll.u32 s5, $0x1;
	s2 =	sadd.s32 s19, s18  }
0x9c: {  	s6 =	simm.s32 $0x0;
	s20 =	sshll.u32 s4, $0x1;
	s4 =	sadd.s32 s21, s2  }
0x9d: {  	[timem:s6], [sflag:s22] =	dma.local [hbm:s4], s20  }
0x9e: {  	_ =	swait.ge [sflag:s22], s20  }
0x9f: {  	s3 =	ssub.s32 $0x0, s20;
	[sflag:s22] =	ssyncset.done $0x0  }
0xa0: {  	[sflag:s22] =	ssyncadd.s32 s3;
	_ =	sdelay $0x1  }
0xa1: {  	s23 =	simm.s32 $0x1B8B  }
0xa2: {  	_ =	swait.ge [sflag:s23], $0x1  }
0xa3: {  	[sflag:s23] =	ssyncset.done $0x0  }
0xa4: {  	s25 =	simm.s32 $0x1B8E;
	s24 =	sld [smem:$0x3FFE];
	[sflag:s23] =	ssyncadd.s32 $0xFFFFFFFF  }
0xa5: {  	s26 =	simm.s32 $execute0_lowered;
	[smem:$0x3FD2] =	sst s25  }
0xa6: {  	s4 =	sshll.u32 s26, $0x1;
	_ =	strace $0x8000004C;
	[dreg:$0x1] =	wrdreg $0xFFFFFFFF  }
0xa7: {  	s28 =	simm.s32 $_size_execute0_lowered;
	s2 =	sadd.s32 s2, s4;
	[dreg:$0x0] =	wrdreg $0x0  }
0xa8: {  	s4 =	sshll.u32 s28, $0x1;
	[dreg:$0x2] =	wrdreg s2  }
0xa9: {  	[dreg:$0x3] =	wrdreg s4  }
0xaa: {  	[dreg:$0x4] =	wrdreg $0xC0  }
0xab: {  	_ =	task [dreg:s6], $0x5FFFF  }
0xac: {  	[dreg:$0x1] =	wrdreg $0xFFFFFFFF  }
0xad: {  	[dreg:$0x0] =	wrdreg $0x60  }
0xae: {  	[dreg:$0x2] =	wrdreg s24  }
0xaf: {  	[dreg:$0x3] =	wrdreg $0xA8000  }
0xb0: {  	[dreg:$0x4] =	wrdreg $0x9  }
0xb1: {  	_ =	task.clear_ibuf [dreg:s6], $0x5FFFF;
	_ =	strace $0x9000004C  }
0xb2: {  	s29 =	simm.s32 $0x9;
	_ =	strace $0x8000004E  }
0xb3: {  	_ =	swait.ge [sflag:s29], $0x1  }
0xb4: {  	[sflag:s29] =	ssyncadd.s32 $0xFFFFFFFF  }
0xb5: {  	_ =	strace $0x9000004E  }
0xb6: {  	_ =	sfence  }
0xb7: {  	s30 =	sld [smem:$0x0];
	_ =	sdelay $0x2  }
0xb8: {  	s31 =	sshll.u32 s1, $0xD;
	s1 =	sshrl.u32 s1, $0x2  }
0xb9: {  	s3 =	sand.u32 $0x4000, s31;
	s1 =	sadd.s32 s1, s30  }
0xba: {  	s0 =	sor.u32 s3, s0;
	s1 =	sshll.u32 s1, $0x11  }
0xbb: {  	s0 =	sor.u32 s1, s0  }
0xbc: {  	s0 =	sadd.s32 $0x8F2B, s0  }
0xbd: {  	[sflag:s0] =	ssyncadd.remote.s32 $0x1  }
0xbe: {  	_ =	sfence.sel $0xFFFF  }
0xbf: {  	[dreg:$0x0] =	wrdreg $0xFFFFFFFF;
	(pc) =	sbr.abs _section_cstart, $3  }
0xc0: {  	[dreg:$0x1] =	wrdreg $0xFFFFFFFF  }
0xc1: {  	_ =	task.clear_ibuf [dreg:s6], $0x2FFFF;
	_ =	strace $0x9FFFFFFF  }
0xc2: {  	(tm) =	ssettm $0x7FFFFFFF  }
0xc3: {  	_ =	shalt  }
tec
execute0_lowered:
.L_overlay_start_1:
0x0: {  	(tag) =	ssettag $0x1  }
0x1: {  	s0 =	rddreg [dreg:$0x0];
	s1 =	srdreg.scid  }
0x2: {  	s2 =	rddreg [dreg:$0x1];
	s9 =	stileid.u32  }
0x3: {  	s3 =	simm.s32 $0x0;
	s29 =	simm.s32 $0x40;
	s6 =	smul.u32 $0x50, s9  }
0x4: {  	s31 =	simm.s32 $0x6800;
	s28 =	simm.s32 $0x4;
	s7 =	smul.u32 $0x50000, s9  }
0x5: {  	s30 =	simm.s32 $0x8;
	s1 =	sand.u32 $0x1, s1;
	s10 =	smul.u32 $0x14000, s9  }
0x6: {  	[smem:$0x7FF] =	sst s3;
	s4 =	sadd.s32 $0x2BC00, s0;
	s5 =	smul.u32 $0x500, s1  }
0x7: {  	_ =	strace $0x8000004D;
	s16 =	ssub.s32 $0x2, s1;
	s1 =	smul.u32 $0x140000, s1  }
0x8: {  	s17 =	sshrl.u32 s16, $0x1;
	s7 =	sshrl.u32 s7, $0x2;
	s14 =	sadd.s32 $0x4000, s10  }
0x9: {  	s15 =	sadd.s32 $0x8000, s10;
	s5 =	sadd.s32 s6, s5;
	s6 =	ssub.s32 s16, s17  }
0xa: {  	s12 =	sadd.s32 s7, s2;
	s9 =	sadd.s32 s15, s2;
	s16 =	sadd.s32 $0xC000, s10  }
0xb: {  	s17 =	sadd.s32 $0x10000, s10;
	s19 =	sadd.s32 s1, s14;
	s23 =	sadd.s32 s1, s15  }
0xc: {  	s15 =	simm.s32 $0x3;
	s5 =	sshll.u32 s5, $0x4;
	s7 =	sadd.s32 $0x2000, s12  }
0xd: {  	s18 =	sadd.s32 $0x6000, s12;
	s11 =	sadd.s32 $0xA000, s12;
	s13 =	sadd.s32 $0xE000, s12  }
0xe: {  	s12 =	sadd.s32 $0x12000, s12;
	s24 =	sadd.s32 s1, s16;
	[dreg:$0x3] =	wrdreg s7  }
0xf: {  	s26 =	smax.u32 s6, $0x1;
	s6 =	simm.s32 $0x8800;
	[dreg:$0x4] =	wrdreg s18  }
0x10: {  	s8 =	sadd.s32 s5, s0;
	s0 =	sadd.s32 $0x53C00, s0;
	[dreg:$0x5] =	wrdreg s11  }
0x11: {  	s5 =	sadd.s32 s10, s2;
	s7 =	sadd.s32 s14, s2;
	[dreg:$0x6] =	wrdreg s13  }
0x12: {  	s11 =	sadd.s32 s16, s2;
	s13 =	sadd.s32 s17, s2;
	[dreg:$0x7] =	wrdreg s12  }
0x13: {  	s10 =	sadd.s32 s10, s1;
	s12 =	sshrl.u32 s19, $0x3;
	s1 =	sadd.s32 s1, s17  }
0x14: {  	[dreg:$0xf] =	wrdreg s26;
	s26 =	simm.s32 $0x1400;
	s17 =	simm.s32 $0x6  }
0x15: {  	s14 =	simm.s32 $0x2780;
	s16 =	simm.s32 $0x27C0;
	s20 =	sadd.s32 $0x17C00, s8  }
0x16: {  	s10 =	sshrl.u32 s10, $0x3;
	s8 =	sadd.s32 $0x17E80, s8;
	[dreg:$0x8] =	wrdreg s20  }
0x17: {  	s22 =	sadd.s32 s0, s12;
	s1 =	sshrl.u32 s1, $0x3;
	[dreg:$0x9] =	wrdreg s8  }
0x18: {  	s12 =	simm.s32 $0x5;
	s21 =	sadd.s32 s0, s10;
	[dreg:$0xb] =	wrdreg s22  }
0x19: {  	s8 =	sshrl.u32 s23, $0x3;
	s10 =	sshrl.u32 s24, $0x3;
	s23 =	simm.s32 $0x2800  }
0x1a: {  	s24 =	simm.s32 $0x9;
	[dreg:$0xa] =	wrdreg s21;
	s8 =	sadd.s32 s0, s8  }
0x1b: {  	s20 =	simm.s32 $0x7;
	s25 =	sadd.s32 s0, s10;
	[dreg:$0xc] =	wrdreg s8  }
0x1c: {  	s22 =	simm.s32 $0x2700;
	s0 =	sadd.s32 s0, s1;
	[dreg:$0xd] =	wrdreg s25  }
0x1d: {  	s1 =	simm.s32 $0x13C0;
	s10 =	simm.s32 $0x2740;
	[dreg:$0xe] =	wrdreg s0  }
0x1e: {  	v0 =	vimm.f32 $0.0e+00;
	s25 =	simm.s32 $0x4800;
	s0 =	simm.s32 $0x1;
	s8 =	simm.s32 $0x2  }
.LBB2_1:
0x1f: {  	s18 =	simm.s32 $0x40;
	s19 =	simm.s32 $0x300  }
.LBB2_2:
0x20: {  	p0 =	sne.s32 s19, $0x7F00;
	[tilespmem:s18+$0x4830] =	vst v0  }
0x21: {  	[tilespmem:s18+$0x27C0] =	vst v0  }
0x22: {  	[tilespmem:s18+$0x47C0] =	vst v0  }
0x23: {  	[tilespmem:s18+$0x27D0] =	vst v0  }
0x24: {  	[tilespmem:s18+$0x47D0] =	vst v0  }
0x25: {  	[tilespmem:s18+$0x27E0] =	vst v0  }
0x26: {  	[tilespmem:s18+$0x47E0] =	vst v0  }
0x27: {  	[tilespmem:s18+$0x27F0] =	vst v0  }
0x28: {  	[tilespmem:s18+$0x47F0] =	vst v0  }
0x29: {  	[tilespmem:s18+$0x2800] =	vst v0  }
0x2a: {  	[tilespmem:s18+$0x4800] =	vst v0  }
.Ltmp0:
0x2b: {  	[tilespmem:s18+$0x2810] =	vst v0;
	(pc) =	sbr.rel @p0 .LBB2_2-.Ltmp0, $4  }
0x2c: {  	[tilespmem:s18+$0x4810] =	vst v0  }
0x2d: {  	[tilespmem:s18+$0x2820] =	vst v0  }
0x2e: {  	[tilespmem:s18+$0x4820] =	vst v0  }
0x2f: {  	[tilespmem:s18+$0x2830] =	vst v0;
	s18 =	sshra.s32 s19, $0x2;
	s19 =	sadd.s32 $0x200, s19  }
0x30: {  	[tilespmem:s18+$0x4830] =	vst v0  }
0x31: {  	[tilespmem:s18+$0x27C0] =	vst v0  }
0x32: {  	[tilespmem:s18+$0x47C0] =	vst v0  }
0x33: {  	[tilespmem:s18+$0x27D0] =	vst v0  }
0x34: {  	[tilespmem:s18+$0x47D0] =	vst v0  }
0x35: {  	[tilespmem:s18+$0x27E0] =	vst v0  }
0x36: {  	[tilespmem:s18+$0x47E0] =	vst v0  }
0x37: {  	[tilespmem:s18+$0x27F0] =	vst v0  }
0x38: {  	[tilespmem:s18+$0x47F0] =	vst v0  }
0x39: {  	[tilespmem:s18+$0x2800] =	vst v0  }
0x3a: {  	[tilespmem:s18+$0x4800] =	vst v0  }
0x3b: {  	[tilespmem:s18+$0x2810] =	vst v0  }
0x3c: {  	[tilespmem:s18+$0x4810] =	vst v0  }
0x3d: {  	[tilespmem:s18+$0x2820] =	vst v0  }
0x3e: {  	[tilespmem:s18+$0x4820] =	vst v0  }
0x3f: {  	[tilespmem:s18+$0x2830] =	vst v0  }
0x40: {  	[spmem:s5] =	stream.linear.scatter [tilespmem:s23], [sflag:$0x9], $0x2000, $0x38;
	[tilespmem:$0x1E800] =	vst v63  }
0x41: {  	_ =	swait.ge [sflag:s24], $0x2000  }
0x42: {  	[sflag:s24] =	ssyncset.done $0x0  }
0x43: {  	s21 =	rddreg [dreg:$0x3];
	[sflag:s24] =	ssyncadd.s32 $0xFFFFE000  }
0x44: {  	[spmem:s21] =	stream.linear.scatter [tilespmem:s25], [sflag:$0x9], $0x2000, $0x38;
	[tilespmem:$0x1E800] =	vst v63  }
0x45: {  	_ =	swait.ge [sflag:s24], $0x2000  }
0x46: {  	[sflag:s24] =	ssyncset.done $0x0  }
0x47: {  	[sflag:s24] =	ssyncadd.s32 $0xFFFFE000  }
0x48: {  	[spmem:s7] =	stream.linear.scatter [tilespmem:s23], [sflag:$0x9], $0x2000, $0x38;
	[tilespmem:$0x1E800] =	vst v63  }
0x49: {  	_ =	swait.ge [sflag:s24], $0x2000  }
0x4a: {  	[sflag:s24] =	ssyncset.done $0x0  }
0x4b: {  	s19 =	rddreg [dreg:$0x4];
	[sflag:s24] =	ssyncadd.s32 $0xFFFFE000  }
0x4c: {  	[spmem:s19] =	stream.linear.scatter [tilespmem:s25], [sflag:$0x9], $0x2000, $0x38;
	[tilespmem:$0x1E800] =	vst v63  }
0x4d: {  	_ =	swait.ge [sflag:s24], $0x2000  }
0x4e: {  	[sflag:s24] =	ssyncset.done $0x0  }
0x4f: {  	[sflag:s24] =	ssyncadd.s32 $0xFFFFE000  }
0x50: {  	[spmem:s9] =	stream.linear.scatter [tilespmem:s23], [sflag:$0x9], $0x2000, $0x38;
	[tilespmem:$0x1E800] =	vst v63  }
0x51: {  	_ =	swait.ge [sflag:s24], $0x2000  }
0x52: {  	[sflag:s24] =	ssyncset.done $0x0  }
0x53: {  	s21 =	rddreg [dreg:$0x5];
	[sflag:s24] =	ssyncadd.s32 $0xFFFFE000  }
0x54: {  	[spmem:s21] =	stream.linear.scatter [tilespmem:s25], [sflag:$0x9], $0x2000, $0x38;
	[tilespmem:$0x1E800] =	vst v63  }
0x55: {  	_ =	swait.ge [sflag:s24], $0x2000  }
0x56: {  	[sflag:s24] =	ssyncset.done $0x0  }
0x57: {  	[sflag:s24] =	ssyncadd.s32 $0xFFFFE000  }
0x58: {  	[spmem:s11] =	stream.linear.scatter [tilespmem:s23], [sflag:$0x9], $0x2000, $0x38;
	[tilespmem:$0x1E800] =	vst v63  }
0x59: {  	_ =	swait.ge [sflag:s24], $0x2000  }
0x5a: {  	[sflag:s24] =	ssyncset.done $0x0  }
0x5b: {  	s19 =	rddreg [dreg:$0x6];
	[sflag:s24] =	ssyncadd.s32 $0xFFFFE000  }
0x5c: {  	[spmem:s19] =	stream.linear.scatter [tilespmem:s25], [sflag:$0x9], $0x2000, $0x38;
	[tilespmem:$0x1E800] =	vst v63  }
0x5d: {  	_ =	swait.ge [sflag:s24], $0x2000  }
0x5e: {  	[sflag:s24] =	ssyncset.done $0x0  }
0x5f: {  	[sflag:s24] =	ssyncadd.s32 $0xFFFFE000  }
0x60: {  	[spmem:s13] =	stream.linear.scatter [tilespmem:s23], [sflag:$0x9], $0x2000, $0x38;
	[tilespmem:$0x1E800] =	vst v63  }
0x61: {  	_ =	swait.ge [sflag:s24], $0x2000  }
0x62: {  	[sflag:s24] =	ssyncset.done $0x0  }
0x63: {  	s21 =	rddreg [dreg:$0x7];
	[sflag:s24] =	ssyncadd.s32 $0xFFFFE000  }
0x64: {  	[spmem:s21] =	stream.linear.scatter [tilespmem:s25], [sflag:$0x9], $0x2000, $0x38;
	[tilespmem:$0x1E800] =	vst v63  }
0x65: {  	_ =	swait.ge [sflag:s24], $0x2000  }
0x66: {  	[sflag:s24] =	ssyncset.done $0x0  }
0x67: {  	[sflag:s24] =	ssyncadd.s32 $0xFFFFE000  }
0x68: {  	[bflag:$0x0] =	sbarrier.arrive $0xFFFF  }
0x69: {  	s18 =	simm.s32 $0x0;
	s21 =	simm.s32 $0x50000;
	s19 =	rddreg [dreg:$0x8]  }
0x6a: {  	[tilespmem:s18], [sflag:$0x9] =	stream.strided.gather [hbm4b:s19+s26], $0x2800, s21, s26, $0x38;
	[tilespmem:$0x1E800] =	vst v63  }
0x6b: {  	_ =	swait.ge [sflag:s24], $0x2800  }
0x6c: {  	[sflag:s24] =	ssyncset.done $0x0  }
0x6d: {  	[sflag:s24] =	ssyncadd.s32 $0xFFFFD800  }
0x6e: {  	[tilespmem:s23], [sflag:$0x1] =	stream.indirect.gather [hbm4b:s4+s29], $0x80, s18, s29, $0xb8;
	[tilespmem:$0x1E800] =	vst v63  }
0x6f: {  	_ = 	snop  }
0x70: {  	[tilespmem:s25], [sflag:$0x2] =	stream.indirect.gather [hbm4b:s4+s29], $0x80, s29, s29, $0xb8;
	[tilespmem:$0x1E800] =	vst v63  }
0x71: {  	s19 =	simm.s32 $0x80  }
0x72: {  	[tilespmem:s31], [sflag:$0x3] =	stream.indirect.gather [hbm4b:s4+s29], $0x80, s19, s29, $0xb8;
	[tilespmem:$0x1E800] =	vst v63  }
0x73: {  	_ =	swait.ge [sflag:s0], $0x2000  }
0x74: {  	[sflag:s0] =	ssyncset.done $0x0  }
0x75: {  	[sflag:s0] =	ssyncadd.s32 $0xFFFFE000  }
0x76: {  	[spmem:s2] =	stream.indirect.scatter.add.f32 [tilespmem:s23], [sflag:$0x5], $0x80, s26, s29, $0xb8;
	[tilespmem:$0x1E800] =	vst v63  }
0x77: {  	s21 =	simm.s32 $0xC0  }
0x78: {  	[tilespmem:s6], [sflag:$0x4] =	stream.indirect.gather [hbm4b:s4+s29], $0x80, s21, s29, $0xb8;
	[tilespmem:$0x1E800] =	vst v63  }
0x79: {  	_ =	swait.ge [sflag:s8], $0x2000  }
0x7a: {  	[sflag:s8] =	ssyncset.done $0x0  }
0x7b: {  	s19 =	simm.s32 $0x1440;
	[sflag:s8] =	ssyncadd.s32 $0xFFFFE000  }
0x7c: {  	[spmem:s2] =	stream.indirect.scatter.add.f32 [tilespmem:s25], [sflag:$0x6], $0x80, s19, s29, $0xb8;
	[tilespmem:$0x1E800] =	vst v63  }
0x7d: {  	_ =	swait.ge [sflag:s12], $0x2000  }
0x7e: {  	[sflag:s12] =	ssyncset.done $0x0  }
0x7f: {  	s21 =	simm.s32 $0x100;
	[sflag:s12] =	ssyncadd.s32 $0xFFFFE000  }
0x80: {  	[tilespmem:s23], [sflag:$0x1] =	stream.indirect.gather [hbm4b:s4+s29], $0x80, s21, s29, $0xb8;
	[tilespmem:$0x1E800] =	vst v63  }
0x81: {  	_ =	swait.ge [sflag:s15], $0x2000  }
0x82: {  	[sflag:s15] =	ssyncset.done $0x0  }
0x83: {  	s19 =	simm.s32 $0x1480;
	[sflag:s15] =	ssyncadd.s32 $0xFFFFE000  }
0x84: {  	[spmem:s2] =	stream.indirect.scatter.add.f32 [tilespmem:s31], [sflag:$0x7], $0x80, s19, s29, $0xb8;
	[tilespmem:$0x1E800] =	vst v63  }
0x85: {  	_ =	swait.ge [sflag:s17], $0x2000  }
0x86: {  	[sflag:s17] =	ssyncset.done $0x0  }
0x87: {  	s21 =	simm.s32 $0x140;
	[sflag:s17] =	ssyncadd.s32 $0xFFFFE000  }
0x88: {  	[tilespmem:s25], [sflag:$0x2] =	stream.indirect.gather [hbm4b:s4+s29], $0x80, s21, s29, $0xb8;
	[tilespmem:$0x1E800] =	vst v63  }
0x89: {  	_ =	swait.ge [sflag:s28], $0x2000  }
0x8a: {  	[sflag:s28] =	ssyncset.done $0x0  }
0x8b: {  	s19 =	simm.s32 $0x14C0;
	[sflag:s28] =	ssyncadd.s32 $0xFFFFE000  }
0x8c: {  	[spmem:s2] =	stream.indirect.scatter.add.f32 [tilespmem:s6], [sflag:$0x8], $0x80, s19, s29, $0xb8;
	[tilespmem:$0x1E800] =	vst v63  }
0x8d: {  	_ =	swait.ge [sflag:s20], $0x2000  }
0x8e: {  	[sflag:s20] =	ssyncset.done $0x0  }
0x8f: {  	s21 =	simm.s32 $0x180;
	[sflag:s20] =	ssyncadd.s32 $0xFFFFE000  }
0x90: {  	[tilespmem:s31], [sflag:$0x3] =	stream.indirect.gather [hbm4b:s4+s29], $0x80, s21, s29, $0xb8;
	[tilespmem:$0x1E800] =	vst v63  }
0x91: {  	_ =	swait.ge [sflag:s0], $0x2000  }
0x92: {  	[sflag:s0] =	ssyncset.done $0x0  }
0x93: {  	s19 =	simm.s32 $0x1500;
	[sflag:s0] =	ssyncadd.s32 $0xFFFFE000  }
0x94: {  	[spmem:s2] =	stream.indirect.scatter.add.f32 [tilespmem:s23], [sflag:$0x5], $0x80, s19, s29, $0xb8;
	[tilespmem:$0x1E800] =	vst v63  }
0x95: {  	_ =	swait.ge [sflag:s30], $0x2000  }
0x96: {  	[sflag:s30] =	ssyncset.done $0x0  }
0x97: {  	s21 =	simm.s32 $0x1C0;
	[sflag:s30] =	ssyncadd.s32 $0xFFFFE000  }
0x98: {  	[tilespmem:s6], [sflag:$0x4] =	stream.indirect.gather [hbm4b:s4+s29], $0x80, s21, s29, $0xb8;
	[tilespmem:$0x1E800] =	vst v63  }
0x99: {  	_ =	swait.ge [sflag:s8], $0x2000  }
0x9a: {  	[sflag:s8] =	ssyncset.done $0x0  }
0x9b: {  	s19 =	simm.s32 $0x1540;
	[sflag:s8] =	ssyncadd.s32 $0xFFFFE000  }
0x9c: {  	[spmem:s2] =	stream.indirect.scatter.add.f32 [tilespmem:s25], [sflag:$0x6], $0x80, s19, s29, $0xb8;
	[tilespmem:$0x1E800] =	vst v63  }
0x9d: {  	_ =	swait.ge [sflag:s12], $0x2000  }
0x9e: {  	[sflag:s12] =	ssyncset.done $0x0  }
0x9f: {  	s21 =	simm.s32 $0x200;
	[sflag:s12] =	ssyncadd.s32 $0xFFFFE000  }
0xa0: {  	[tilespmem:s23], [sflag:$0x1] =	stream.indirect.gather [hbm4b:s4+s29], $0x80, s21, s29, $0xb8;
	[tilespmem:$0x1E800] =	vst v63  }
0xa1: {  	_ =	swait.ge [sflag:s15], $0x2000  }
0xa2: {  	[sflag:s15] =	ssyncset.done $0x0  }
0xa3: {  	s19 =	simm.s32 $0x1580;
	[sflag:s15] =	ssyncadd.s32 $0xFFFFE000  }
0xa4: {  	[spmem:s2] =	stream.indirect.scatter.add.f32 [tilespmem:s31], [sflag:$0x7], $0x80, s19, s29, $0xb8;
	[tilespmem:$0x1E800] =	vst v63  }
0xa5: {  	_ =	swait.ge [sflag:s17], $0x2000  }
0xa6: {  	[sflag:s17] =	ssyncset.done $0x0  }
0xa7: {  	s21 =	simm.s32 $0x240;
	[sflag:s17] =	ssyncadd.s32 $0xFFFFE000  }
0xa8: {  	[tilespmem:s25], [sflag:$0x2] =	stream.indirect.gather [hbm4b:s4+s29], $0x80, s21, s29, $0xb8;
	[tilespmem:$0x1E800] =	vst v63  }
0xa9: {  	_ =	swait.ge [sflag:s28], $0x2000  }
0xaa: {  	[sflag:s28] =	ssyncset.done $0x0  }
0xab: {  	s18 =	simm.s32 $0x400;
	s19 =	simm.s32 $0x15C0;
	[sflag:s28] =	ssyncadd.s32 $0xFFFFE000  }
.LBB2_4:
0xac: {  	[spmem:s2] =	stream.indirect.scatter.add.f32 [tilespmem:s6], [sflag:$0x8], $0x80, s19, s29, $0xb8;
	[tilespmem:$0x1E800] =	vst v63  }
0xad: {  	s19 =	smov.u32 s18  }
0xae: {  	p0 =	sne.s32 s18, $0x4400;
	s18 =	sadd.s32 $0x400, s18;
	_ =	swait.ge [sflag:s20], $0x2000  }
0xaf: {  	s19 =	sshra.s32 s19, $0x2;
	[sflag:s20] =	ssyncset.done $0x0  }
0xb0: {  	s21 =	sadd.s32 $0x180, s19;
	[sflag:s20] =	ssyncadd.s32 $0xFFFFE000  }
0xb1: {  	[tilespmem:s31], [sflag:$0x3] =	stream.indirect.gather [hbm4b:s4+s29], $0x80, s21, s29, $0xb8;
	[tilespmem:$0x1E800] =	vst v63  }
0xb2: {  	_ =	swait.ge [sflag:s0], $0x2000  }
0xb3: {  	[sflag:s0] =	ssyncset.done $0x0  }
0xb4: {  	s21 =	sadd.s32 $0x1500, s19;
	[sflag:s0] =	ssyncadd.s32 $0xFFFFE000  }
0xb5: {  	[spmem:s2] =	stream.indirect.scatter.add.f32 [tilespmem:s23], [sflag:$0x5], $0x80, s21, s29, $0xb8;
	[tilespmem:$0x1E800] =	vst v63  }
0xb6: {  	_ =	swait.ge [sflag:s30], $0x2000  }
0xb7: {  	[sflag:s30] =	ssyncset.done $0x0  }
0xb8: {  	s21 =	sadd.s32 $0x1C0, s19;
	[sflag:s30] =	ssyncadd.s32 $0xFFFFE000  }
0xb9: {  	[tilespmem:s6], [sflag:$0x4] =	stream.indirect.gather [hbm4b:s4+s29], $0x80, s21, s29, $0xb8;
	[tilespmem:$0x1E800] =	vst v63  }
0xba: {  	_ =	swait.ge [sflag:s8], $0x2000  }
0xbb: {  	[sflag:s8] =	ssyncset.done $0x0  }
0xbc: {  	s21 =	sadd.s32 $0x1540, s19;
	[sflag:s8] =	ssyncadd.s32 $0xFFFFE000  }
0xbd: {  	[spmem:s2] =	stream.indirect.scatter.add.f32 [tilespmem:s25], [sflag:$0x6], $0x80, s21, s29, $0xb8;
	[tilespmem:$0x1E800] =	vst v63  }
0xbe: {  	_ =	swait.ge [sflag:s12], $0x2000  }
0xbf: {  	[sflag:s12] =	ssyncset.done $0x0  }
0xc0: {  	s21 =	sadd.s32 $0x200, s19;
	[sflag:s12] =	ssyncadd.s32 $0xFFFFE000  }
0xc1: {  	[tilespmem:s23], [sflag:$0x1] =	stream.indirect.gather [hbm4b:s4+s29], $0x80, s21, s29, $0xb8;
	[tilespmem:$0x1E800] =	vst v63  }
0xc2: {  	_ =	swait.ge [sflag:s15], $0x2000  }
0xc3: {  	[sflag:s15] =	ssyncset.done $0x0  }
0xc4: {  	s21 =	sadd.s32 $0x1580, s19;
	[sflag:s15] =	ssyncadd.s32 $0xFFFFE000  }
0xc5: {  	[spmem:s2] =	stream.indirect.scatter.add.f32 [tilespmem:s31], [sflag:$0x7], $0x80, s21, s29, $0xb8;
	[tilespmem:$0x1E800] =	vst v63  }
0xc6: {  	_ =	swait.ge [sflag:s17], $0x2000  }
0xc7: {  	[sflag:s17] =	ssyncset.done $0x0  }
.Ltmp1:
0xc8: {  	s21 =	sadd.s32 $0x240, s19;
	[sflag:s17] =	ssyncadd.s32 $0xFFFFE000;
	(pc) =	sbr.rel @p0 .LBB2_4-.Ltmp1, $4  }
0xc9: {  	[tilespmem:s25], [sflag:$0x2] =	stream.indirect.gather [hbm4b:s4+s29], $0x80, s21, s29, $0xb8;
	[tilespmem:$0x1E800] =	vst v63  }
0xca: {  	_ =	swait.ge [sflag:s28], $0x2000  }
0xcb: {  	[sflag:s28] =	ssyncset.done $0x0  }
0xcc: {  	s19 =	sadd.s32 $0x15C0, s19;
	[sflag:s28] =	ssyncadd.s32 $0xFFFFE000  }
0xcd: {  	[spmem:s2] =	stream.indirect.scatter.add.f32 [tilespmem:s6], [sflag:$0x8], $0x80, s19, s29, $0xb8;
	[tilespmem:$0x1E800] =	vst v63  }
0xce: {  	_ =	swait.ge [sflag:s20], $0x2000  }
0xcf: {  	[sflag:s20] =	ssyncset.done $0x0  }
0xd0: {  	s18 =	simm.s32 $0x1380;
	[sflag:s20] =	ssyncadd.s32 $0xFFFFE000  }
0xd1: {  	[tilespmem:s31], [sflag:$0x3] =	stream.indirect.gather [hbm4b:s4+s29], $0x80, s18, s29, $0xb8;
	[tilespmem:$0x1E800] =	vst v63  }
0xd2: {  	_ =	swait.ge [sflag:s0], $0x2000  }
0xd3: {  	[sflag:s0] =	ssyncset.done $0x0  }
0xd4: {  	[sflag:s0] =	ssyncadd.s32 $0xFFFFE000  }
0xd5: {  	[spmem:s2] =	stream.indirect.scatter.add.f32 [tilespmem:s23], [sflag:$0x5], $0x80, s22, s29, $0xb8;
	[tilespmem:$0x1E800] =	vst v63  }
0xd6: {  	_ =	swait.ge [sflag:s30], $0x2000  }
0xd7: {  	[sflag:s30] =	ssyncset.done $0x0  }
0xd8: {  	[sflag:s30] =	ssyncadd.s32 $0xFFFFE000  }
0xd9: {  	[tilespmem:s6], [sflag:$0x4] =	stream.indirect.gather [hbm4b:s4+s29], $0x80, s1, s29, $0xb8;
	[tilespmem:$0x1E800] =	vst v63  }
0xda: {  	_ =	swait.ge [sflag:s8], $0x2000  }
0xdb: {  	[sflag:s8] =	ssyncset.done $0x0  }
0xdc: {  	[sflag:s8] =	ssyncadd.s32 $0xFFFFE000  }
0xdd: {  	[spmem:s2] =	stream.indirect.scatter.add.f32 [tilespmem:s25], [sflag:$0x6], $0x80, s10, s29, $0xb8;
	[tilespmem:$0x1E800] =	vst v63  }
0xde: {  	_ =	swait.ge [sflag:s12], $0x2000  }
0xdf: {  	[sflag:s12] =	ssyncset.done $0x0  }
0xe0: {  	[sflag:s12] =	ssyncadd.s32 $0xFFFFE000  }
0xe1: {  	_ =	swait.ge [sflag:s15], $0x2000  }
0xe2: {  	[sflag:s15] =	ssyncset.done $0x0  }
0xe3: {  	[sflag:s15] =	ssyncadd.s32 $0xFFFFE000  }
0xe4: {  	[spmem:s2] =	stream.indirect.scatter.add.f32 [tilespmem:s31], [sflag:$0x7], $0x80, s14, s29, $0xb8;
	[tilespmem:$0x1E800] =	vst v63  }
0xe5: {  	_ =	swait.ge [sflag:s17], $0x2000  }
0xe6: {  	[sflag:s17] =	ssyncset.done $0x0  }
0xe7: {  	[sflag:s17] =	ssyncadd.s32 $0xFFFFE000  }
0xe8: {  	_ =	swait.ge [sflag:s28], $0x2000  }
0xe9: {  	[sflag:s28] =	ssyncset.done $0x0  }
0xea: {  	[sflag:s28] =	ssyncadd.s32 $0xFFFFE000  }
0xeb: {  	[spmem:s2] =	stream.indirect.scatter.add.f32 [tilespmem:s6], [sflag:$0x8], $0x80, s16, s29, $0xb8;
	[tilespmem:$0x1E800] =	vst v63  }
0xec: {  	_ =	swait.ge [sflag:s20], $0x2000  }
0xed: {  	[sflag:s20] =	ssyncset.done $0x0  }
0xee: {  	[sflag:s20] =	ssyncadd.s32 $0xFFFFE000  }
0xef: {  	_ =	swait.ge [sflag:s30], $0x2000  }
0xf0: {  	s21 =	simm.s32 $0x50000;
	[sflag:s30] =	ssyncset.done $0x0  }
0xf1: {  	s18 =	simm.s32 $0x0;
	s19 =	rddreg [dreg:$0x9];
	[sflag:s30] =	ssyncadd.s32 $0xFFFFE000  }
0xf2: {  	[tilespmem:s18], [sflag:$0x9] =	stream.strided.gather [hbm4b:s19+s26], $0x2800, s21, s26, $0x38;
	[tilespmem:$0x1E800] =	vst v63  }
0xf3: {  	_ =	swait.ge [sflag:s24], $0x2800  }
0xf4: {  	[sflag:s24] =	ssyncset.done $0x0  }
0xf5: {  	[sflag:s24] =	ssyncadd.s32 $0xFFFFD800  }
0xf6: {  	[tilespmem:s23], [sflag:$0x1] =	stream.indirect.gather [hbm4b:s4+s29], $0x80, s18, s29, $0xb8;
	[tilespmem:$0x1E800] =	vst v63  }
0xf7: {  	_ = 	snop  }
0xf8: {  	[tilespmem:s25], [sflag:$0x2] =	stream.indirect.gather [hbm4b:s4+s29], $0x80, s29, s29, $0xb8;
	[tilespmem:$0x1E800] =	vst v63  }
0xf9: {  	s19 =	simm.s32 $0x80  }
0xfa: {  	[tilespmem:s31], [sflag:$0x3] =	stream.indirect.gather [hbm4b:s4+s29], $0x80, s19, s29, $0xb8;
	[tilespmem:$0x1E800] =	vst v63  }
0xfb: {  	_ =	swait.ge [sflag:s0], $0x2000  }
0xfc: {  	[sflag:s0] =	ssyncset.done $0x0  }
0xfd: {  	[sflag:s0] =	ssyncadd.s32 $0xFFFFE000  }
0xfe: {  	[spmem:s2] =	stream.indirect.scatter.add.f32 [tilespmem:s23], [sflag:$0x5], $0x80, s26, s29, $0xb8;
	[tilespmem:$0x1E800] =	vst v63  }
0xff: {  	s21 =	simm.s32 $0xC0  }
0x100: {  	[tilespmem:s6], [sflag:$0x4] =	stream.indirect.gather [hbm4b:s4+s29], $0x80, s21, s29, $0xb8;
	[tilespmem:$0x1E800] =	vst v63  }
0x101: {  	_ =	swait.ge [sflag:s8], $0x2000  }
0x102: {  	[sflag:s8] =	ssyncset.done $0x0  }
0x103: {  	s19 =	simm.s32 $0x1440;
	[sflag:s8] =	ssyncadd.s32 $0xFFFFE000  }
0x104: {  	[spmem:s2] =	stream.indirect.scatter.add.f32 [tilespmem:s25], [sflag:$0x6], $0x80, s19, s29, $0xb8;
	[tilespmem:$0x1E800] =	vst v63  }
0x105: {  	_ =	swait.ge [sflag:s12], $0x2000  }
0x106: {  	[sflag:s12] =	ssyncset.done $0x0  }
0x107: {  	s21 =	simm.s32 $0x100;
	[sflag:s12] =	ssyncadd.s32 $0xFFFFE000  }
0x108: {  	[tilespmem:s23], [sflag:$0x1] =	stream.indirect.gather [hbm4b:s4+s29], $0x80, s21, s29, $0xb8;
	[tilespmem:$0x1E800] =	vst v63  }
0x109: {  	_ =	swait.ge [sflag:s15], $0x2000  }
0x10a: {  	[sflag:s15] =	ssyncset.done $0x0  }
0x10b: {  	s19 =	simm.s32 $0x1480;
	[sflag:s15] =	ssyncadd.s32 $0xFFFFE000  }
0x10c: {  	[spmem:s2] =	stream.indirect.scatter.add.f32 [tilespmem:s31], [sflag:$0x7], $0x80, s19, s29, $0xb8;
	[tilespmem:$0x1E800] =	vst v63  }
0x10d: {  	_ =	swait.ge [sflag:s17], $0x2000  }
0x10e: {  	[sflag:s17] =	ssyncset.done $0x0  }
0x10f: {  	s21 =	simm.s32 $0x140;
	[sflag:s17] =	ssyncadd.s32 $0xFFFFE000  }
0x110: {  	[tilespmem:s25], [sflag:$0x2] =	stream.indirect.gather [hbm4b:s4+s29], $0x80, s21, s29, $0xb8;
	[tilespmem:$0x1E800] =	vst v63  }
0x111: {  	_ =	swait.ge [sflag:s28], $0x2000  }
0x112: {  	[sflag:s28] =	ssyncset.done $0x0  }
0x113: {  	s19 =	simm.s32 $0x14C0;
	[sflag:s28] =	ssyncadd.s32 $0xFFFFE000  }
0x114: {  	[spmem:s2] =	stream.indirect.scatter.add.f32 [tilespmem:s6], [sflag:$0x8], $0x80, s19, s29, $0xb8;
	[tilespmem:$0x1E800] =	vst v63  }
0x115: {  	_ =	swait.ge [sflag:s20], $0x2000  }
0x116: {  	[sflag:s20] =	ssyncset.done $0x0  }
0x117: {  	s21 =	simm.s32 $0x180;
	[sflag:s20] =	ssyncadd.s32 $0xFFFFE000  }
0x118: {  	[tilespmem:s31], [sflag:$0x3] =	stream.indirect.gather [hbm4b:s4+s29], $0x80, s21, s29, $0xb8;
	[tilespmem:$0x1E800] =	vst v63  }
0x119: {  	_ =	swait.ge [sflag:s0], $0x2000  }
0x11a: {  	[sflag:s0] =	ssyncset.done $0x0  }
0x11b: {  	s19 =	simm.s32 $0x1500;
	[sflag:s0] =	ssyncadd.s32 $0xFFFFE000  }
0x11c: {  	[spmem:s2] =	stream.indirect.scatter.add.f32 [tilespmem:s23], [sflag:$0x5], $0x80, s19, s29, $0xb8;
	[tilespmem:$0x1E800] =	vst v63  }
0x11d: {  	_ =	swait.ge [sflag:s30], $0x2000  }
0x11e: {  	[sflag:s30] =	ssyncset.done $0x0  }
0x11f: {  	s21 =	simm.s32 $0x1C0;
	[sflag:s30] =	ssyncadd.s32 $0xFFFFE000  }
0x120: {  	[tilespmem:s6], [sflag:$0x4] =	stream.indirect.gather [hbm4b:s4+s29], $0x80, s21, s29, $0xb8;
	[tilespmem:$0x1E800] =	vst v63  }
0x121: {  	_ =	swait.ge [sflag:s8], $0x2000  }
0x122: {  	[sflag:s8] =	ssyncset.done $0x0  }
0x123: {  	s19 =	simm.s32 $0x1540;
	[sflag:s8] =	ssyncadd.s32 $0xFFFFE000  }
0x124: {  	[spmem:s2] =	stream.indirect.scatter.add.f32 [tilespmem:s25], [sflag:$0x6], $0x80, s19, s29, $0xb8;
	[tilespmem:$0x1E800] =	vst v63  }
0x125: {  	_ =	swait.ge [sflag:s12], $0x2000  }
0x126: {  	[sflag:s12] =	ssyncset.done $0x0  }
0x127: {  	s21 =	simm.s32 $0x200;
	[sflag:s12] =	ssyncadd.s32 $0xFFFFE000  }
0x128: {  	[tilespmem:s23], [sflag:$0x1] =	stream.indirect.gather [hbm4b:s4+s29], $0x80, s21, s29, $0xb8;
	[tilespmem:$0x1E800] =	vst v63  }
0x129: {  	_ =	swait.ge [sflag:s15], $0x2000  }
0x12a: {  	[sflag:s15] =	ssyncset.done $0x0  }
0x12b: {  	s19 =	simm.s32 $0x1580;
	[sflag:s15] =	ssyncadd.s32 $0xFFFFE000  }
0x12c: {  	[spmem:s2] =	stream.indirect.scatter.add.f32 [tilespmem:s31], [sflag:$0x7], $0x80, s19, s29, $0xb8;
	[tilespmem:$0x1E800] =	vst v63  }
0x12d: {  	_ =	swait.ge [sflag:s17], $0x2000  }
0x12e: {  	[sflag:s17] =	ssyncset.done $0x0  }
0x12f: {  	s21 =	simm.s32 $0x240;
	[sflag:s17] =	ssyncadd.s32 $0xFFFFE000  }
0x130: {  	[tilespmem:s25], [sflag:$0x2] =	stream.indirect.gather [hbm4b:s4+s29], $0x80, s21, s29, $0xb8;
	[tilespmem:$0x1E800] =	vst v63  }
0x131: {  	_ =	swait.ge [sflag:s28], $0x2000  }
0x132: {  	[sflag:s28] =	ssyncset.done $0x0  }
0x133: {  	s18 =	simm.s32 $0x400;
	s19 =	simm.s32 $0x15C0;
	[sflag:s28] =	ssyncadd.s32 $0xFFFFE000  }
.LBB2_6:
0x134: {  	[spmem:s2] =	stream.indirect.scatter.add.f32 [tilespmem:s6], [sflag:$0x8], $0x80, s19, s29, $0xb8;
	[tilespmem:$0x1E800] =	vst v63  }
0x135: {  	s19 =	smov.u32 s18  }
0x136: {  	p0 =	sne.s32 s18, $0x4400;
	s18 =	sadd.s32 $0x400, s18;
	_ =	swait.ge [sflag:s20], $0x2000  }
0x137: {  	s19 =	sshra.s32 s19, $0x2;
	[sflag:s20] =	ssyncset.done $0x0  }
0x138: {  	s21 =	sadd.s32 $0x180, s19;
	[sflag:s20] =	ssyncadd.s32 $0xFFFFE000  }
0x139: {  	[tilespmem:s31], [sflag:$0x3] =	stream.indirect.gather [hbm4b:s4+s29], $0x80, s21, s29, $0xb8;
	[tilespmem:$0x1E800] =	vst v63  }
0x13a: {  	_ =	swait.ge [sflag:s0], $0x2000  }
0x13b: {  	[sflag:s0] =	ssyncset.done $0x0  }
0x13c: {  	s21 =	sadd.s32 $0x1500, s19;
	[sflag:s0] =	ssyncadd.s32 $0xFFFFE000  }
0x13d: {  	[spmem:s2] =	stream.indirect.scatter.add.f32 [tilespmem:s23], [sflag:$0x5], $0x80, s21, s29, $0xb8;
	[tilespmem:$0x1E800] =	vst v63  }
0x13e: {  	_ =	swait.ge [sflag:s30], $0x2000  }
0x13f: {  	[sflag:s30] =	ssyncset.done $0x0  }
0x140: {  	s21 =	sadd.s32 $0x1C0, s19;
	[sflag:s30] =	ssyncadd.s32 $0xFFFFE000  }
0x141: {  	[tilespmem:s6], [sflag:$0x4] =	stream.indirect.gather [hbm4b:s4+s29], $0x80, s21, s29, $0xb8;
	[tilespmem:$0x1E800] =	vst v63  }
0x142: {  	_ =	swait.ge [sflag:s8], $0x2000  }
0x143: {  	[sflag:s8] =	ssyncset.done $0x0  }
0x144: {  	s21 =	sadd.s32 $0x1540, s19;
	[sflag:s8] =	ssyncadd.s32 $0xFFFFE000  }
0x145: {  	[spmem:s2] =	stream.indirect.scatter.add.f32 [tilespmem:s25], [sflag:$0x6], $0x80, s21, s29, $0xb8;
	[tilespmem:$0x1E800] =	vst v63  }
0x146: {  	_ =	swait.ge [sflag:s12], $0x2000  }
0x147: {  	[sflag:s12] =	ssyncset.done $0x0  }
0x148: {  	s21 =	sadd.s32 $0x200, s19;
	[sflag:s12] =	ssyncadd.s32 $0xFFFFE000  }
0x149: {  	[tilespmem:s23], [sflag:$0x1] =	stream.indirect.gather [hbm4b:s4+s29], $0x80, s21, s29, $0xb8;
	[tilespmem:$0x1E800] =	vst v63  }
0x14a: {  	_ =	swait.ge [sflag:s15], $0x2000  }
0x14b: {  	[sflag:s15] =	ssyncset.done $0x0  }
0x14c: {  	s21 =	sadd.s32 $0x1580, s19;
	[sflag:s15] =	ssyncadd.s32 $0xFFFFE000  }
0x14d: {  	[spmem:s2] =	stream.indirect.scatter.add.f32 [tilespmem:s31], [sflag:$0x7], $0x80, s21, s29, $0xb8;
	[tilespmem:$0x1E800] =	vst v63  }
0x14e: {  	_ =	swait.ge [sflag:s17], $0x2000  }
0x14f: {  	[sflag:s17] =	ssyncset.done $0x0  }
.Ltmp2:
0x150: {  	s21 =	sadd.s32 $0x240, s19;
	[sflag:s17] =	ssyncadd.s32 $0xFFFFE000;
	(pc) =	sbr.rel @p0 .LBB2_6-.Ltmp2, $4  }
0x151: {  	[tilespmem:s25], [sflag:$0x2] =	stream.indirect.gather [hbm4b:s4+s29], $0x80, s21, s29, $0xb8;
	[tilespmem:$0x1E800] =	vst v63  }
0x152: {  	_ =	swait.ge [sflag:s28], $0x2000  }
0x153: {  	[sflag:s28] =	ssyncset.done $0x0  }
0x154: {  	s19 =	sadd.s32 $0x15C0, s19;
	[sflag:s28] =	ssyncadd.s32 $0xFFFFE000  }
0x155: {  	[spmem:s2] =	stream.indirect.scatter.add.f32 [tilespmem:s6], [sflag:$0x8], $0x80, s19, s29, $0xb8;
	[tilespmem:$0x1E800] =	vst v63  }
0x156: {  	_ =	swait.ge [sflag:s20], $0x2000  }
0x157: {  	[sflag:s20] =	ssyncset.done $0x0  }
0x158: {  	s18 =	simm.s32 $0x1380;
	[sflag:s20] =	ssyncadd.s32 $0xFFFFE000  }
0x159: {  	[tilespmem:s31], [sflag:$0x3] =	stream.indirect.gather [hbm4b:s4+s29], $0x80, s18, s29, $0xb8;
	[tilespmem:$0x1E800] =	vst v63  }
0x15a: {  	_ =	swait.ge [sflag:s0], $0x2000  }
0x15b: {  	[sflag:s0] =	ssyncset.done $0x0  }
0x15c: {  	[sflag:s0] =	ssyncadd.s32 $0xFFFFE000  }
0x15d: {  	[spmem:s2] =	stream.indirect.scatter.add.f32 [tilespmem:s23], [sflag:$0x5], $0x80, s22, s29, $0xb8;
	[tilespmem:$0x1E800] =	vst v63  }
0x15e: {  	_ =	swait.ge [sflag:s30], $0x2000  }
0x15f: {  	[sflag:s30] =	ssyncset.done $0x0  }
0x160: {  	[sflag:s30] =	ssyncadd.s32 $0xFFFFE000  }
0x161: {  	[tilespmem:s6], [sflag:$0x4] =	stream.indirect.gather [hbm4b:s4+s29], $0x80, s1, s29, $0xb8;
	[tilespmem:$0x1E800] =	vst v63  }
0x162: {  	_ =	swait.ge [sflag:s8], $0x2000  }
0x163: {  	[sflag:s8] =	ssyncset.done $0x0  }
0x164: {  	[sflag:s8] =	ssyncadd.s32 $0xFFFFE000  }
0x165: {  	[spmem:s2] =	stream.indirect.scatter.add.f32 [tilespmem:s25], [sflag:$0x6], $0x80, s10, s29, $0xb8;
	[tilespmem:$0x1E800] =	vst v63  }
0x166: {  	_ =	swait.ge [sflag:s12], $0x2000  }
0x167: {  	[sflag:s12] =	ssyncset.done $0x0  }
0x168: {  	[sflag:s12] =	ssyncadd.s32 $0xFFFFE000  }
0x169: {  	_ =	swait.ge [sflag:s15], $0x2000  }
0x16a: {  	[sflag:s15] =	ssyncset.done $0x0  }
0x16b: {  	[sflag:s15] =	ssyncadd.s32 $0xFFFFE000  }
0x16c: {  	[spmem:s2] =	stream.indirect.scatter.add.f32 [tilespmem:s31], [sflag:$0x7], $0x80, s14, s29, $0xb8;
	[tilespmem:$0x1E800] =	vst v63  }
0x16d: {  	_ =	swait.ge [sflag:s17], $0x2000  }
0x16e: {  	[sflag:s17] =	ssyncset.done $0x0  }
0x16f: {  	[sflag:s17] =	ssyncadd.s32 $0xFFFFE000  }
0x170: {  	_ =	swait.ge [sflag:s28], $0x2000  }
0x171: {  	[sflag:s28] =	ssyncset.done $0x0  }
0x172: {  	[sflag:s28] =	ssyncadd.s32 $0xFFFFE000  }
0x173: {  	[spmem:s2] =	stream.indirect.scatter.add.f32 [tilespmem:s6], [sflag:$0x8], $0x80, s16, s29, $0xb8;
	[tilespmem:$0x1E800] =	vst v63  }
0x174: {  	_ =	swait.ge [sflag:s20], $0x2000  }
0x175: {  	[sflag:s20] =	ssyncset.done $0x0  }
0x176: {  	[sflag:s20] =	ssyncadd.s32 $0xFFFFE000  }
0x177: {  	_ =	swait.ge [sflag:s30], $0x2000  }
0x178: {  	[sflag:s30] =	ssyncset.done $0x0  }
0x179: {  	s19 =	stileid.u32;
	[sflag:s30] =	ssyncadd.s32 $0xFFFFE000  }
0x17a: {  	s18 =	sshll.u32 s19, $0x6;
	[bflag:$0x0] =	sbarrier.arrive $0xFFFF  }
0x17b: {  	s19 =	sshrl.u32 s5, $0x3;
	s18 =	sor.u32 $0x1C09, s18;
	s21 =	rddreg [dreg:$0xa]  }
0x17c: {  	[hbm:s21], [sflag:s18] =	dma.local [spmem:s19], $0x800  }
0x17d: {  	_ =	swait.ge [sflag:s24], $0x800  }
0x17e: {  	[sflag:s24] =	ssyncset.done $0x0  }
0x17f: {  	s19 =	sshrl.u32 s7, $0x3;
	s21 =	rddreg [dreg:$0xb];
	[sflag:s24] =	ssyncadd.s32 $0xFFFFF800  }
0x180: {  	[hbm:s21], [sflag:s18] =	dma.local [spmem:s19], $0x800  }
0x181: {  	_ =	swait.ge [sflag:s24], $0x800  }
0x182: {  	[sflag:s24] =	ssyncset.done $0x0  }
0x183: {  	s19 =	sshrl.u32 s9, $0x3;
	s21 =	rddreg [dreg:$0xc];
	[sflag:s24] =	ssyncadd.s32 $0xFFFFF800  }
0x184: {  	[hbm:s21], [sflag:s18] =	dma.local [spmem:s19], $0x800  }
0x185: {  	_ =	swait.ge [sflag:s24], $0x800  }
0x186: {  	[sflag:s24] =	ssyncset.done $0x0  }
0x187: {  	s19 =	sshrl.u32 s11, $0x3;
	s21 =	rddreg [dreg:$0xd];
	[sflag:s24] =	ssyncadd.s32 $0xFFFFF800  }
0x188: {  	[hbm:s21], [sflag:s18] =	dma.local [spmem:s19], $0x800  }
0x189: {  	_ =	swait.ge [sflag:s24], $0x800  }
0x18a: {  	[sflag:s24] =	ssyncset.done $0x0  }
0x18b: {  	s19 =	sshrl.u32 s13, $0x3;
	s21 =	rddreg [dreg:$0xe];
	[sflag:s24] =	ssyncadd.s32 $0xFFFFF800  }
0x18c: {  	[hbm:s21], [sflag:s18] =	dma.local [spmem:s19], $0x800  }
0x18d: {  	_ =	swait.ge [sflag:s24], $0x800  }
0x18e: {  	s3 =	sadd.s32 $0x1, s3;
	s21 =	rddreg [dreg:$0xf]  }
0x18f: {  	p0 =	sne.s32 s3, s21  }
.Ltmp3:
0x190: {  	_ = 	snop;
	(pc) =	sbr.rel @p0 .LBB2_1-.Ltmp3, $3  }
0x191: {  	_ =	sdelay $0x1  }
0x192: {  	[sflag:s24] =	ssyncset.done $0x0  }
0x193: {  	[sflag:s24] =	ssyncadd.s32 $0xFFFFF800  }
0x194: {  	_ =	sfence.sel $0x180000  }
0x195: {  	[bflag:$0x0] =	sbarrier.arrive $0xFFFF  }
0x196: {  	_ =	strace $0x9000004D  }
0x197: {  	s0 =	stileid.u32;
	[bflag:$0x2] =	sbarrier.arrive $0xFFFF  }
0x198: {  	p0 =	sne.s32 s0, $0x0;
	s0 =	rddreg [dreg:$0x2]  }
0x199: {  	s0 =	sadd.s32 @!p0 $0x100000, s0  }
0x19a: {  	[sflag:s0] =	ssyncadd.tile.s32 @!p0 $0x1;
	_ =	shalt  }
.Lfunc_end2:
_tile_overlayer_lowered:
.L_overlay_start_2:
0x19b: {  	(tag) =	ssettag $0x2  }
0x19c: {  	s0 =	rddreg [dreg:$0x0];
	s2 =	stileid.u32  }
0x19d: {  	s1 =	rddreg [dreg:$0x1];
	p0 =	sne.s32 s2, $0x0  }
0x19e: {  	s3 =	rddreg [dreg:$0x2];
	[bflag:$0x3] =	sbarrier.arrive $0xFFFF;
	s2 =	simm.s32 @!p0 $0x1C09  }
0x19f: {  	[timem:s3], [sflag:s2] =	dma.local @!p0 [hbm:s0], s1  }
0x1a0: {  	s0 =	simm.s32 @!p0 $0x9  }
0x1a1: {  	_ =	swait.ge @!p0 [sflag:s0], s1  }
0x1a2: {  	s1 =	ssub.s32 @!p0 $0x0, s1;
	[sflag:s0] =	ssyncset.done @!p0 $0x0  }
0x1a3: {  	[sflag:s0] =	ssyncadd.s32 @!p0 s1  }
0x1a4: {  	[bflag:$0x3] =	sbarrier.arrive $0xFFFF  }
0x1a5: {  	_ =	shalt  }

// kernel: kernel.8.cloned.1.call-start
scs
__scs_entry_jumppad:
0x0: {  	(pc) =	sbr.rel $0x88, $3  }
0x1: {  	(tag) =	ssettag $0x0;
	lr =	simm.s32 $0x1  }
0x2: {  	[smem:$0x3F99] =	sst lr;
	_ =	strace $0xD0000000  }
0x3: {  	_ = 	snop  }
0x4: {  	_ = 	snop  }
0x5: {  	_ = 	snop  }
0x6: {  	_ = 	snop  }
0x7: {  	_ = 	snop  }
__scs_overlays_trampoline_lowered:
0x8: {  	[smem:$0x3FA8] =	sst s0  }
0x9: {  	[smem:$0x3FA9] =	sst s1  }
0xa: {  	[smem:$0x3FAA] =	sst s2  }
0xb: {  	[smem:$0x3FAB] =	sst s3  }
0xc: {  	[smem:$0x3FAC] =	sst s4  }
0xd: {  	[smem:$0x3FAD] =	sst s5  }
0xe: {  	[smem:$0x3FAE] =	sst s6  }
0xf: {  	[smem:$0x3FAF] =	sst s7  }
0x10: {  	[smem:$0x3FB0] =	sst s8  }
0x11: {  	[smem:$0x3FB1] =	sst s9;
	s0 =	simm.s32 @!p0 $0x0  }
0x12: {  	s1 =	sld [smem:$0x3F97];
	s0 =	simm.s32 @p0 $0x1  }
0x13: {  	[smem:$0x3FB2] =	sst s0;
	s0 =	simm.s32 @!p1 $0x0  }
0x14: {  	s2 =	sld [smem:$0x3F96];
	s0 =	simm.s32 @p1 $0x1  }
0x15: {  	[smem:$0x3FB3] =	sst s0;
	s0 =	simm.s32 @!p2 $0x0  }
0x16: {  	s3 =	sld [smem:$0x3FDB];
	s0 =	simm.s32 @p2 $0x1  }
0x17: {  	s4 =	simm.s32 $0x1BF5;
	[smem:$0x3FB5] =	sst s0  }
0x18: {  	s0 =	sld [smem:$0x3F98];
	_ =	swait.ge [sflag:s4], $0x0  }
0x19: {  	s7 =	sld [smem:$0x3F99]  }
0x1a: {  	s8 =	sadd.s32 $0xFFFFE003, lr  }
0x1b: {  	s9 =	sadd.s32 $0xFFFFFEF7, lr;
	s5 =	simm.s32 $0xFFFFFFFF;
	p2 =	slt.u32 s8, $0xFFFFF086  }
0x1c: {  	p1 =	slt.u32 s9, $0xF7A;
	s5 =	simm.s32 @!p2 $0x0  }
0x1d: {  	s5 =	simm.s32 @p1 $0x1;
	p0 =	seq.s32 s7, s2  }
0x1e: {  	s7 =	smul.u32 @!p0 $0xF7A, s2;
	p2 =	seq.s32 @!p0 s5, $0x0  }
0x1f: {  	s9 =	smul.u32 $0xF7A, s1;
	s8 =	simm.s32 @!p0 $0x1BF5;
	p2 =	por !p2, p0  }
0x20: {  	[sflag:s8] =	ssyncset.s32 @!p0 $0xFFFFF086;
	s6 =	sadd.s32 @!p0 s3, s7;
	s7 =	simm.s32 @!p0 $0x108  }
0x21: {  	s3 =	sadd.s32 s3, s9;
	s6 =	sadd.s32 @!p0 $0x88, s6;
	s7 =	simm.s32 @p2 $0x1082  }
0x22: {  	[simem:s7], [sflag:s8] =	dma.local @!p0 [hbm:s6], $0xF7A  }
0x23: {  	s9 =	sor.u32 $0xD0000000, s2;
	s6 =	simm.s32 $0x108;
	_ =	swait.ge @!p0 [sflag:s8], $0x0  }
0x24: {  	s3 =	sadd.s32 $0x88, s3;
	s6 =	simm.s32 @!p1 $0x1082;
	[sflag:s4] =	ssyncset.s32 $0xFFFFF086  }
0x25: {  	[simem:s6], [sflag:s4] =	dma.local [hbm:s3], $0xF7A  }
0x26: {  	[smem:$0x3F99] =	sst s1;
	(tag) =	ssettag s2;
	_ =	strace s9  }
0x27: {  	s1 =	sld [smem:$0x3FA9]  }
0x28: {  	s2 =	sld [smem:$0x3FAA]  }
0x29: {  	s4 =	sld [smem:$0x3FAC]  }
0x2a: {  	p0 =	seq.s32 s5, $0x0;
	s5 =	sld [smem:$0x3FAD]  }
0x2b: {  	s6 =	sld [smem:$0x3FAE]  }
0x2c: {  	s7 =	sld [smem:$0x3FAF]  }
0x2d: {  	s3 =	simm.s32 $0x108;
	s8 =	sld [smem:$0x3FB0]  }
0x2e: {  	s3 =	simm.s32 @!p0 $0x1082;
	s9 =	sld [smem:$0x3FB1]  }
0x2f: {  	lr =	sadd.s32 s0, s3;
	s0 =	sld [smem:$0x3FA8]  }
0x30: {  	s3 =	sld [smem:$0x3FAB]  }
0x31: {  	[smem:$0x3FB4] =	sst s10  }
0x32: {  	s10 =	sld [smem:$0x3FB2];
	_ =	sdelay $0x3  }
0x33: {  	p0 =	seq.s32 s10, $0x1;
	s10 =	sld [smem:$0x3FB4];
	_ =	sdelay $0x3  }
0x34: {  	[smem:$0x3FB4] =	sst s10  }
0x35: {  	s10 =	sld [smem:$0x3FB3];
	_ =	sdelay $0x3  }
0x36: {  	p1 =	seq.s32 s10, $0x1;
	s10 =	sld [smem:$0x3FB4];
	_ =	sdelay $0x3  }
0x37: {  	[smem:$0x3FB4] =	sst s10  }
0x38: {  	s10 =	sld [smem:$0x3FB5]  }
0x39: {  	_ = 	snop;
	(pc) =	sbr.ind lr, $3  }
0x3a: {  	_ = 	snop  }
0x3b: {  	_ = 	snop  }
0x3c: {  	p2 =	seq.s32 s10, $0x1;
	s10 =	sld [smem:$0x3FB4]  }
0x3d: {  	_ =	shalt  }
0x3e: {  	_ =	shalt  }
0x3f: {  	_ =	shalt  }
0x40: {  	_ =	shalt  }
0x41: {  	_ =	shalt  }
0x42: {  	_ =	shalt  }
0x43: {  	_ =	shalt  }
0x44: {  	_ =	shalt  }
0x45: {  	_ =	shalt  }
0x46: {  	_ =	shalt  }
0x47: {  	_ =	shalt  }
0x48: {  	_ =	shalt  }
0x49: {  	_ =	shalt  }
0x4a: {  	_ =	shalt  }
0x4b: {  	_ =	shalt  }
0x4c: {  	_ =	shalt  }
0x4d: {  	_ =	shalt  }
0x4e: {  	_ =	shalt  }
0x4f: {  	_ =	shalt  }
0x50: {  	_ =	shalt  }
0x51: {  	_ =	shalt  }
0x52: {  	_ =	shalt  }
0x53: {  	_ =	shalt  }
0x54: {  	_ =	shalt  }
0x55: {  	_ =	shalt  }
0x56: {  	_ =	shalt  }
0x57: {  	_ =	shalt  }
0x58: {  	_ =	shalt  }
0x59: {  	_ =	shalt  }
0x5a: {  	_ =	shalt  }
0x5b: {  	_ =	shalt  }
0x5c: {  	_ =	shalt  }
0x5d: {  	_ =	shalt  }
0x5e: {  	_ =	shalt  }
0x5f: {  	_ =	shalt  }
0x60: {  	_ =	shalt  }
0x61: {  	_ =	shalt  }
0x62: {  	_ =	shalt  }
0x63: {  	_ =	shalt  }
0x64: {  	_ =	shalt  }
0x65: {  	_ =	shalt  }
0x66: {  	_ =	shalt  }
0x67: {  	_ =	shalt  }
0x68: {  	_ =	shalt  }
0x69: {  	_ =	shalt  }
0x6a: {  	_ =	shalt  }
0x6b: {  	_ =	shalt  }
0x6c: {  	_ =	shalt  }
0x6d: {  	_ =	shalt  }
0x6e: {  	_ =	shalt  }
0x6f: {  	_ =	shalt  }
0x70: {  	_ =	shalt  }
0x71: {  	_ =	shalt  }
0x72: {  	_ =	shalt  }
0x73: {  	_ =	shalt  }
0x74: {  	_ =	shalt  }
0x75: {  	_ =	shalt  }
0x76: {  	_ =	shalt  }
0x77: {  	_ =	shalt  }
0x78: {  	_ =	shalt  }
0x79: {  	_ =	shalt  }
0x7a: {  	_ =	shalt  }
0x7b: {  	_ =	shalt  }
0x7c: {  	_ =	shalt  }
0x7d: {  	_ =	shalt  }
0x7e: {  	_ =	shalt  }
0x7f: {  	_ =	shalt  }
0x80: {  	_ =	shalt  }
0x81: {  	_ =	shalt  }
0x82: {  	_ =	shalt  }
0x83: {  	_ =	shalt  }
0x84: {  	_ =	shalt  }
0x85: {  	_ =	shalt  }
0x86: {  	_ =	shalt  }
0x87: {  	_ =	shalt  }
.Lfunc_end0:
.L_simem_size_0:
called_computation_lowered:
.L_overlay_start_0:
0x88: {  	s2 =	sld [smem:$0x3FD9]  }
0x89: {  	s3 =	sld [smem:$0x3FFE];
	_ =	sdelay $0x1  }
0x8a: {  	s1 =	srdreg.scid  }
0x8b: {  	s0 =	sand.u32 $0x1, s1  }
0x8c: {  	s17 =	sshll.u32 s0, $0xA;
	s2 =	sadd.s32 s3, s2  }
0x8d: {  	s2 =	sadd.s32 s2, s17  }
0x8e: {  	[smem:$0x3FC0] =	sst s2  }
0x8f: {  	_ = 	snop  }
0x90: {  	s2 =	sld [smem:$0x3FD0];
	(tm) =	ssettm $0x1  }
0x91: {  	s18 =	sld [smem:$0x3FFB];
	_ =	sdelay $0x3  }
0x92: {  	_ =	strace s18  }
0x93: {  	s3 =	sld [smem:$0x3FFC];
	_ =	sdelay $0x3  }
0x94: {  	_ =	strace s3  }
0x95: {  	s3 =	sld [smem:$0x3FFD];
	_ =	sdelay $0x3  }
0x96: {  	_ =	strace s3  }
0x97: {  	_ =	strace $0x8FFFFFFF  }
0x98: {  	s19 =	sld [smem:$0x3FDB];
	_ =	sdelay $0x1  }
0x99: {  	s4 =	simm.s32 $_scs_section_size  }
0x9a: {  	s5 =	simm.s32 $_size__tile_overlayer_lowered;
	s6 =	simm.s32 $_tile_overlayer_lowered  }
0x9b: {  	s22 =	simm.s32 $0x1BFF;
	s21 =	sshll.u32 s6, $0x1;
	s3 =	sadd.s32 s4, s19  }
0x9c: {  	s7 =	simm.s32 $0x0;
	s20 =	sshll.u32 s5, $0x1;
	s5 =	sadd.s32 s21, s3  }
0x9d: {  	[timem:s7], [sflag:s22] =	dma.local [hbm:s5], s20  }
0x9e: {  	_ =	swait.ge [sflag:s22], s20  }
0x9f: {  	s4 =	ssub.s32 $0x0, s20;
	[sflag:s22] =	ssyncset.done $0x0  }
0xa0: {  	[sflag:s22] =	ssyncadd.s32 s4;
	_ =	sdelay $0x1  }
0xa1: {  	s23 =	simm.s32 $0x1B8B  }
0xa2: {  	_ =	swait.ge [sflag:s23], $0x1  }
0xa3: {  	[sflag:s23] =	ssyncset.done $0x0  }
0xa4: {  	s25 =	simm.s32 $0x1B8E;
	s24 =	sld [smem:$0x3FFE];
	[sflag:s23] =	ssyncadd.s32 $0xFFFFFFFF  }
0xa5: {  	s26 =	simm.s32 $execute0_lowered;
	[smem:$0x3FD2] =	sst s25  }
0xa6: {  	s5 =	sshll.u32 s26, $0x1;
	_ =	strace $0x80000046;
	[dreg:$0x1] =	wrdreg $0xFFFFFFFF  }
0xa7: {  	s28 =	simm.s32 $_size_execute0_lowered;
	s3 =	sadd.s32 s3, s5;
	[dreg:$0x0] =	wrdreg $0x0  }
0xa8: {  	s5 =	sshll.u32 s28, $0x1;
	[dreg:$0x2] =	wrdreg s3  }
0xa9: {  	[dreg:$0x3] =	wrdreg s5  }
0xaa: {  	[dreg:$0x4] =	wrdreg $0xC0  }
0xab: {  	_ =	task [dreg:s7], $0x5FFFF  }
0xac: {  	[dreg:$0x1] =	wrdreg $0xFFFFFFFF  }
0xad: {  	[dreg:$0x0] =	wrdreg $0x60  }
0xae: {  	[dreg:$0x2] =	wrdreg s24  }
0xaf: {  	[dreg:$0x3] =	wrdreg s2  }
0xb0: {  	[dreg:$0x4] =	wrdreg $0x2B000  }
0xb1: {  	[dreg:$0x5] =	wrdreg $0x9  }
0xb2: {  	_ =	task.clear_ibuf [dreg:s7], $0x6FFFF;
	_ =	strace $0x90000046  }
0xb3: {  	s29 =	simm.s32 $0x9;
	_ =	strace $0x80000048  }
0xb4: {  	_ =	swait.ge [sflag:s29], $0x1  }
0xb5: {  	[sflag:s29] =	ssyncadd.s32 $0xFFFFFFFF  }
0xb6: {  	_ =	strace $0x90000048  }
0xb7: {  	_ =	sfence  }
0xb8: {  	s30 =	sld [smem:$0x0];
	_ =	sdelay $0x2  }
0xb9: {  	s31 =	sshll.u32 s1, $0xD;
	s1 =	sshrl.u32 s1, $0x2  }
0xba: {  	s3 =	sand.u32 $0x4000, s31;
	s1 =	sadd.s32 s1, s30  }
0xbb: {  	s0 =	sor.u32 s3, s0;
	s1 =	sshll.u32 s1, $0x11  }
0xbc: {  	s0 =	sor.u32 s1, s0  }
0xbd: {  	s0 =	sadd.s32 $0x8F2B, s0  }
0xbe: {  	[sflag:s0] =	ssyncadd.remote.s32 $0x1  }
0xbf: {  	_ =	sfence.sel $0xFFFF  }
0xc0: {  	[dreg:$0x0] =	wrdreg $0xFFFFFFFF;
	(pc) =	sbr.abs _section_cstart, $3  }
0xc1: {  	[dreg:$0x1] =	wrdreg $0xFFFFFFFF  }
0xc2: {  	_ =	task.clear_ibuf [dreg:s7], $0x2FFFF;
	_ =	strace $0x9FFFFFFF  }
0xc3: {  	(tm) =	ssettm $0x7FFFFFFF  }
tec
execute0_lowered:
.L_overlay_start_1:
0x0: {  	(tag) =	ssettag $0x1  }
0x1: {  	s4 =	rddreg [dreg:$0x0]  }
0x2: {  	s6 =	rddreg [dreg:$0x1]  }
0x3: {  	s1 =	rddreg [dreg:$0x2]  }
0x4: {  	s2 =	srdreg.scid;
	s0 =	rddreg [dreg:$0x3];
	s3 =	simm.s32 $0x0  }
0x5: {  	s11 =	simm.s32 $0x2800;
	s12 =	simm.s32 $0x1;
	s5 =	sand.u32 $0x1, s2  }
0x6: {  	s13 =	simm.s32 $0x100;
	s2 =	stileid.u32;
	s7 =	smul.u32 $0x5000, s5  }
0x7: {  	s14 =	simm.s32 $0x0;
	[smem:$0x7FF] =	sst s3;
	s8 =	smul.u32 $0x500, s2  }
0x8: {  	_ =	strace $0x80000047;
	s9 =	ssub.s32 $0x2, s5;
	s10 =	smul.u32 $0xA00, s2  }
0x9: {  	s5 =	sshll.u32 s5, $0x7;
	s29 =	sshrl.u32 s9, $0x1;
	s7 =	sadd.s32 s8, s7  }
0xa: {  	s9 =	ssub.s32 s9, s29;
	s30 =	sshrl.u32 s10, $0x2;
	s8 =	sor.u32 s5, s8  }
0xb: {  	s10 =	simm.s32 $0x80;
	s7 =	sadd.s32 s7, s4;
	s4 =	sadd.s32 s30, s1  }
0xc: {  	s31 =	sshrl.u32 s8, $0x3;
	s8 =	simm.s32 $0x2880;
	s5 =	sadd.s32 $0xDC00, s7  }
0xd: {  	v0 =	vimm.f32 $1.000000000e+00;
	v1 =	vimm.f32 $0.0e+00;
	s6 =	sadd.s32 s6, s31;
	s7 =	smax.u32 s9, $0x1;
	s9 =	simm.s32 $0x2  }
.LBB2_1:
0xe: {  	[tilespmem:$0x2800] =	vst v0  }
0xf: {  	[tilespmem:$0x2810] =	vst v0  }
0x10: {  	[tilespmem:$0x2820] =	vst v0  }
0x11: {  	[tilespmem:$0x2830] =	vst v0  }
0x12: {  	[tilespmem:$0x2840] =	vst v0  }
0x13: {  	[tilespmem:$0x2850] =	vst v0  }
0x14: {  	[tilespmem:$0x2860] =	vst v0  }
0x15: {  	[tilespmem:$0x2870] =	vst v0  }
0x16: {  	[tilespmem:$0x2880] =	vst v1  }
0x17: {  	[tilespmem:$0x2890] =	vst v1  }
0x18: {  	[tilespmem:$0x28A0] =	vst v1  }
0x19: {  	[tilespmem:$0x28B0] =	vst v1  }
0x1a: {  	[tilespmem:$0x28C0] =	vst v1  }
0x1b: {  	[tilespmem:$0x28D0] =	vst v1  }
0x1c: {  	[tilespmem:$0x28E0] =	vst v1  }
0x1d: {  	[tilespmem:$0x28F0] =	vst v1  }
0x1e: {  	[tilespmem:$0x2900] =	vst v1  }
0x1f: {  	[tilespmem:$0x2910] =	vst v1  }
0x20: {  	[tilespmem:$0x2920] =	vst v1  }
0x21: {  	[tilespmem:$0x2930] =	vst v1  }
0x22: {  	[tilespmem:$0x2940] =	vst v1  }
0x23: {  	[tilespmem:$0x2950] =	vst v1  }
0x24: {  	[tilespmem:$0x2960] =	vst v1  }
0x25: {  	[tilespmem:$0x2970] =	vst v1  }
0x26: {  	[tilespmem:$0x2980] =	vst v1  }
0x27: {  	[tilespmem:$0x2990] =	vst v1  }
0x28: {  	[tilespmem:$0x29A0] =	vst v1  }
0x29: {  	[tilespmem:$0x29B0] =	vst v1  }
0x2a: {  	[tilespmem:$0x29C0] =	vst v1  }
0x2b: {  	[tilespmem:$0x29D0] =	vst v1  }
0x2c: {  	[tilespmem:$0x29E0] =	vst v1  }
0x2d: {  	[tilespmem:$0x29F0] =	vst v1  }
0x2e: {  	[tilespmem:$0x2A00] =	vst v1  }
0x2f: {  	[tilespmem:$0x2A10] =	vst v1  }
0x30: {  	[tilespmem:$0x2A20] =	vst v1  }
0x31: {  	[tilespmem:$0x2A30] =	vst v1  }
0x32: {  	[tilespmem:$0x2A40] =	vst v1  }
0x33: {  	[tilespmem:$0x2A50] =	vst v1  }
0x34: {  	[tilespmem:$0x2A60] =	vst v1  }
0x35: {  	[tilespmem:$0x2A70] =	vst v1  }
0x36: {  	[tilespmem:$0x2A80] =	vst v1  }
0x37: {  	[tilespmem:$0x2A90] =	vst v1  }
0x38: {  	[tilespmem:$0x2AA0] =	vst v1  }
0x39: {  	[tilespmem:$0x2AB0] =	vst v1  }
0x3a: {  	[tilespmem:$0x2AC0] =	vst v1  }
0x3b: {  	[tilespmem:$0x2AD0] =	vst v1  }
0x3c: {  	[tilespmem:$0x2AE0] =	vst v1  }
0x3d: {  	[tilespmem:$0x2AF0] =	vst v1  }
0x3e: {  	[spmem:s4] =	stream.linear.scatter [tilespmem:s8], [sflag:$0x2], $0x280, $0x38;
	[tilespmem:$0x2D80] =	vst v63  }
0x3f: {  	_ =	swait.ge [sflag:s9], $0x280  }
0x40: {  	[sflag:s9] =	ssyncset.done $0x0  }
0x41: {  	[sflag:s9] =	ssyncadd.s32 $0xFFFFFD80  }
0x42: {  	[tilespmem:s3], [sflag:$0x2] =	stream.linear.gather [hbm4b:s5+s3], $0x2800, $0x38;
	[tilespmem:$0x2D80] =	vst v63  }
0x43: {  	_ =	swait.ge [sflag:s9], $0x2800  }
0x44: {  	[sflag:s9] =	ssyncset.done $0x0  }
0x45: {  	[sflag:s9] =	ssyncadd.s32 $0xFFFFD800  }
0x46: {  	s15 =	simm.s32 $0x0;
	[bflag:$0x0] =	sbarrier.arrive $0xFFFF  }
0x47: {  	[spmem:s1] =	stream.indirect.scatter.add.f32 [tilespmem:s11], [sflag:$0x1], $0x1, s15, s10, $0xb8;
	[tilespmem:$0x2D80] =	vst v63  }
0x48: {  	s24 =	simm.s32 $0x80  }
0x49: {  	[spmem:s1] =	stream.indirect.scatter.add.f32 [tilespmem:s11], [sflag:$0x1], $0x1, s24, s10, $0xb8;
	[tilespmem:$0x2D80] =	vst v63  }
0x4a: {  	s25 =	simm.s32 $0x100  }
0x4b: {  	[spmem:s1] =	stream.indirect.scatter.add.f32 [tilespmem:s11], [sflag:$0x1], $0x1, s25, s10, $0xb8;
	[tilespmem:$0x2D80] =	vst v63  }
0x4c: {  	s26 =	simm.s32 $0x180  }
0x4d: {  	[spmem:s1] =	stream.indirect.scatter.add.f32 [tilespmem:s11], [sflag:$0x1], $0x1, s26, s10, $0xb8;
	[tilespmem:$0x2D80] =	vst v63  }
0x4e: {  	s28 =	simm.s32 $0x200  }
0x4f: {  	[spmem:s1] =	stream.indirect.scatter.add.f32 [tilespmem:s11], [sflag:$0x1], $0x1, s28, s10, $0xb8;
	[tilespmem:$0x2D80] =	vst v63  }
0x50: {  	s29 =	simm.s32 $0x280  }
0x51: {  	[spmem:s1] =	stream.indirect.scatter.add.f32 [tilespmem:s11], [sflag:$0x1], $0x1, s29, s10, $0xb8;
	[tilespmem:$0x2D80] =	vst v63  }
0x52: {  	s30 =	simm.s32 $0x300  }
0x53: {  	[spmem:s1] =	stream.indirect.scatter.add.f32 [tilespmem:s11], [sflag:$0x1], $0x1, s30, s10, $0xb8;
	[tilespmem:$0x2D80] =	vst v63  }
0x54: {  	s31 =	simm.s32 $0x380  }
0x55: {  	[spmem:s1] =	stream.indirect.scatter.add.f32 [tilespmem:s11], [sflag:$0x1], $0x1, s31, s10, $0xb8;
	[tilespmem:$0x2D80] =	vst v63  }
0x56: {  	_ =	swait.ge [sflag:s12], $0x80  }
0x57: {  	[sflag:s12] =	ssyncset.done $0x0  }
0x58: {  	[sflag:s12] =	ssyncadd.s32 $0xFFFFFF80  }
0x59: {  	_ =	swait.ge [sflag:s12], $0x80  }
0x5a: {  	[sflag:s12] =	ssyncset.done $0x0  }
0x5b: {  	[sflag:s12] =	ssyncadd.s32 $0xFFFFFF80  }
0x5c: {  	_ =	swait.ge [sflag:s12], $0x80  }
0x5d: {  	[sflag:s12] =	ssyncset.done $0x0  }
0x5e: {  	[sflag:s12] =	ssyncadd.s32 $0xFFFFFF80  }
0x5f: {  	_ =	swait.ge [sflag:s12], $0x80  }
0x60: {  	[sflag:s12] =	ssyncset.done $0x0  }
0x61: {  	[sflag:s12] =	ssyncadd.s32 $0xFFFFFF80  }
0x62: {  	_ =	swait.ge [sflag:s12], $0x80  }
0x63: {  	[sflag:s12] =	ssyncset.done $0x0  }
0x64: {  	[sflag:s12] =	ssyncadd.s32 $0xFFFFFF80  }
0x65: {  	_ =	swait.ge [sflag:s12], $0x80  }
0x66: {  	[sflag:s12] =	ssyncset.done $0x0  }
0x67: {  	[sflag:s12] =	ssyncadd.s32 $0xFFFFFF80  }
0x68: {  	_ =	swait.ge [sflag:s12], $0x80  }
0x69: {  	[sflag:s12] =	ssyncset.done $0x0  }
0x6a: {  	[sflag:s12] =	ssyncadd.s32 $0xFFFFFF80  }
0x6b: {  	_ =	swait.ge [sflag:s12], $0x80  }
0x6c: {  	s17 =	simm.s32 $0x2000;
	s15 =	simm.s32 $0x1000;
	[sflag:s12] =	ssyncset.done $0x0  }
.LBB2_2:
0x6d: {  	s18 =	sshra.s32 s15, $0x2  }
0x6e: {  	[sflag:s12] =	ssyncadd.s32 $0xFFFFFF80;
	s15 =	smov.u32 s17;
	s16 =	sadd.s32 $0x1000, s17  }
0x6f: {  	[spmem:s1] =	stream.indirect.scatter.add.f32 [tilespmem:s11], [sflag:$0x1], $0x1, s18, s10, $0xb8;
	[tilespmem:$0x2D80] =	vst v63  }
0x70: {  	p0 =	sne.s32 s17, $0x9000;
	s17 =	sadd.s32 $0x80, s18  }
0x71: {  	[spmem:s1] =	stream.indirect.scatter.add.f32 [tilespmem:s11], [sflag:$0x1], $0x1, s17, s10, $0xb8;
	[tilespmem:$0x2D80] =	vst v63  }
0x72: {  	s17 =	sadd.s32 $0x100, s18  }
0x73: {  	[spmem:s1] =	stream.indirect.scatter.add.f32 [tilespmem:s11], [sflag:$0x1], $0x1, s17, s10, $0xb8;
	[tilespmem:$0x2D80] =	vst v63  }
0x74: {  	s17 =	sadd.s32 $0x180, s18  }
0x75: {  	[spmem:s1] =	stream.indirect.scatter.add.f32 [tilespmem:s11], [sflag:$0x1], $0x1, s17, s10, $0xb8;
	[tilespmem:$0x2D80] =	vst v63  }
0x76: {  	s17 =	sadd.s32 $0x200, s18  }
0x77: {  	[spmem:s1] =	stream.indirect.scatter.add.f32 [tilespmem:s11], [sflag:$0x1], $0x1, s17, s10, $0xb8;
	[tilespmem:$0x2D80] =	vst v63  }
0x78: {  	s17 =	sadd.s32 $0x280, s18  }
0x79: {  	[spmem:s1] =	stream.indirect.scatter.add.f32 [tilespmem:s11], [sflag:$0x1], $0x1, s17, s10, $0xb8;
	[tilespmem:$0x2D80] =	vst v63  }
0x7a: {  	s17 =	sadd.s32 $0x300, s18  }
0x7b: {  	[spmem:s1] =	stream.indirect.scatter.add.f32 [tilespmem:s11], [sflag:$0x1], $0x1, s17, s10, $0xb8;
	[tilespmem:$0x2D80] =	vst v63  }
0x7c: {  	s17 =	sadd.s32 $0x380, s18  }
0x7d: {  	[spmem:s1] =	stream.indirect.scatter.add.f32 [tilespmem:s11], [sflag:$0x1], $0x1, s17, s10, $0xb8;
	[tilespmem:$0x2D80] =	vst v63  }
0x7e: {  	_ =	swait.ge [sflag:s12], $0x80  }
0x7f: {  	[sflag:s12] =	ssyncset.done $0x0  }
0x80: {  	[sflag:s12] =	ssyncadd.s32 $0xFFFFFF80  }
0x81: {  	_ =	swait.ge [sflag:s12], $0x80  }
0x82: {  	[sflag:s12] =	ssyncset.done $0x0  }
0x83: {  	[sflag:s12] =	ssyncadd.s32 $0xFFFFFF80  }
0x84: {  	_ =	swait.ge [sflag:s12], $0x80  }
0x85: {  	[sflag:s12] =	ssyncset.done $0x0  }
0x86: {  	[sflag:s12] =	ssyncadd.s32 $0xFFFFFF80  }
0x87: {  	_ =	swait.ge [sflag:s12], $0x80  }
0x88: {  	[sflag:s12] =	ssyncset.done $0x0  }
0x89: {  	[sflag:s12] =	ssyncadd.s32 $0xFFFFFF80  }
0x8a: {  	_ =	swait.ge [sflag:s12], $0x80  }
0x8b: {  	[sflag:s12] =	ssyncset.done $0x0  }
0x8c: {  	[sflag:s12] =	ssyncadd.s32 $0xFFFFFF80  }
0x8d: {  	_ =	swait.ge [sflag:s12], $0x80  }
0x8e: {  	[sflag:s12] =	ssyncset.done $0x0  }
0x8f: {  	[sflag:s12] =	ssyncadd.s32 $0xFFFFFF80  }
.Ltmp0:
0x90: {  	_ =	swait.ge [sflag:s12], $0x80;
	(pc) =	sbr.rel @p0 .LBB2_2-.Ltmp0, $4  }
0x91: {  	[sflag:s12] =	ssyncset.done $0x0  }
0x92: {  	[sflag:s12] =	ssyncadd.s32 $0xFFFFFF80  }
0x93: {  	_ =	swait.ge [sflag:s12], $0x80  }
0x94: {  	s17 =	smov.u32 s16;
	[sflag:s12] =	ssyncset.done $0x0  }
0x95: {  	s15 =	sshra.s32 s15, $0x2;
	[sflag:s12] =	ssyncadd.s32 $0xFFFFFF80  }
0x96: {  	[spmem:s1] =	stream.indirect.scatter.add.f32 [tilespmem:s11], [sflag:$0x1], $0x1, s15, s10, $0xb8;
	[tilespmem:$0x2D80] =	vst v63  }
0x97: {  	s16 =	sadd.s32 $0x80, s15  }
0x98: {  	[spmem:s1] =	stream.indirect.scatter.add.f32 [tilespmem:s11], [sflag:$0x1], $0x1, s16, s10, $0xb8;
	[tilespmem:$0x2D80] =	vst v63  }
0x99: {  	s26 =	sadd.s32 $0x100, s15  }
0x9a: {  	[spmem:s1] =	stream.indirect.scatter.add.f32 [tilespmem:s11], [sflag:$0x1], $0x1, s26, s10, $0xb8;
	[tilespmem:$0x2D80] =	vst v63  }
0x9b: {  	s28 =	sadd.s32 $0x180, s15  }
0x9c: {  	[spmem:s1] =	stream.indirect.scatter.add.f32 [tilespmem:s11], [sflag:$0x1], $0x1, s28, s10, $0xb8;
	[tilespmem:$0x2D80] =	vst v63  }
0x9d: {  	s29 =	sadd.s32 $0x200, s15  }
0x9e: {  	[spmem:s1] =	stream.indirect.scatter.add.f32 [tilespmem:s11], [sflag:$0x1], $0x1, s29, s10, $0xb8;
	[tilespmem:$0x2D80] =	vst v63  }
0x9f: {  	s30 =	sadd.s32 $0x280, s15  }
0xa0: {  	[spmem:s1] =	stream.indirect.scatter.add.f32 [tilespmem:s11], [sflag:$0x1], $0x1, s30, s10, $0xb8;
	[tilespmem:$0x2D80] =	vst v63  }
0xa1: {  	s31 =	sadd.s32 $0x300, s15  }
0xa2: {  	[spmem:s1] =	stream.indirect.scatter.add.f32 [tilespmem:s11], [sflag:$0x1], $0x1, s31, s10, $0xb8;
	[tilespmem:$0x2D80] =	vst v63  }
0xa3: {  	s15 =	sadd.s32 $0x380, s15  }
0xa4: {  	[spmem:s1] =	stream.indirect.scatter.add.f32 [tilespmem:s11], [sflag:$0x1], $0x1, s15, s10, $0xb8;
	[tilespmem:$0x2D80] =	vst v63  }
0xa5: {  	_ =	swait.ge [sflag:s12], $0x80  }
0xa6: {  	[sflag:s12] =	ssyncset.done $0x0  }
0xa7: {  	[sflag:s12] =	ssyncadd.s32 $0xFFFFFF80  }
0xa8: {  	_ =	swait.ge [sflag:s12], $0x80  }
0xa9: {  	[sflag:s12] =	ssyncset.done $0x0  }
0xaa: {  	[sflag:s12] =	ssyncadd.s32 $0xFFFFFF80  }
0xab: {  	_ =	swait.ge [sflag:s12], $0x80  }
0xac: {  	[sflag:s12] =	ssyncset.done $0x0  }
0xad: {  	[sflag:s12] =	ssyncadd.s32 $0xFFFFFF80  }
0xae: {  	_ =	swait.ge [sflag:s12], $0x80  }
0xaf: {  	[sflag:s12] =	ssyncset.done $0x0  }
0xb0: {  	[sflag:s12] =	ssyncadd.s32 $0xFFFFFF80  }
0xb1: {  	_ =	swait.ge [sflag:s12], $0x80  }
0xb2: {  	[sflag:s12] =	ssyncset.done $0x0  }
0xb3: {  	[sflag:s12] =	ssyncadd.s32 $0xFFFFFF80  }
0xb4: {  	_ =	swait.ge [sflag:s12], $0x80  }
0xb5: {  	[sflag:s12] =	ssyncset.done $0x0  }
0xb6: {  	[sflag:s12] =	ssyncadd.s32 $0xFFFFFF80  }
0xb7: {  	_ =	swait.ge [sflag:s12], $0x80  }
0xb8: {  	[sflag:s12] =	ssyncset.done $0x0  }
0xb9: {  	[sflag:s12] =	ssyncadd.s32 $0xFFFFFF80  }
0xba: {  	_ =	swait.ge [sflag:s12], $0x80  }
0xbb: {  	[sflag:s12] =	ssyncset.done $0x0  }
0xbc: {  	[sflag:s12] =	ssyncadd.s32 $0xFFFFFF80  }
0xbd: {  	[bflag:$0x0] =	sbarrier.arrive $0xFFFF  }
0xbe: {  	[tilespmem:s8], [sflag:$0x2] =	stream.linear.gather [spmem:s4], $0x280, $0x38;
	[tilespmem:$0x2D80] =	vst v63  }
0xbf: {  	s14 =	sadd.s32 $0x1, s14;
	_ =	swait.ge [sflag:s9], $0x280  }
0xc0: {  	p0 =	sne.s32 s14, s7;
	[sflag:s9] =	ssyncset.done $0x0  }
.Ltmp1:
0xc1: {  	[sflag:s9] =	ssyncadd.s32 $0xFFFFFD80;
	(pc) =	sbr.rel @p0 .LBB2_1-.Ltmp1, $4  }
0xc2: {  	[hbm4b:s6+s10] =	stream.strided.scatter [tilespmem:s8], [sflag:$0x2], $0x280, s13, s10, $0x38;
	[tilespmem:$0x2D80] =	vst v63  }
0xc3: {  	_ =	swait.ge [sflag:s9], $0x280  }
0xc4: {  	[sflag:s9] =	ssyncset.done $0x0  }
0xc5: {  	[sflag:s9] =	ssyncadd.s32 $0xFFFFFD80  }
0xc6: {  	_ =	sfence.sel $0x180000  }
0xc7: {  	[bflag:$0x0] =	sbarrier.arrive $0xFFFF  }
0xc8: {  	p0 =	sne.s32 s2, $0x0;
	_ =	strace $0x90000047  }
0xc9: {  	s0 =	sadd.s32 @!p0 $0x100000, s0;
	[bflag:$0x2] =	sbarrier.arrive $0xFFFF  }
0xca: {  	[sflag:s0] =	ssyncadd.tile.s32 @!p0 $0x1;
	_ =	shalt  }
.Lfunc_end2:
_tile_overlayer_lowered:
.L_overlay_start_2:
0xcb: {  	(tag) =	ssettag $0x2  }
0xcc: {  	s0 =	rddreg [dreg:$0x0];
	s2 =	stileid.u32  }
0xcd: {  	s1 =	rddreg [dreg:$0x1];
	p0 =	sne.s32 s2, $0x0  }
0xce: {  	s3 =	rddreg [dreg:$0x2];
	[bflag:$0x3] =	sbarrier.arrive $0xFFFF;
	s2 =	simm.s32 @!p0 $0x1C02  }
0xcf: {  	[timem:s3], [sflag:s2] =	dma.local @!p0 [hbm:s0], s1  }
0xd0: {  	s0 =	simm.s32 @!p0 $0x2  }
0xd1: {  	_ =	swait.ge @!p0 [sflag:s0], s1  }
0xd2: {  	s1 =	ssub.s32 @!p0 $0x0, s1;
	[sflag:s0] =	ssyncset.done @!p0 $0x0  }
0xd3: {  	[sflag:s0] =	ssyncadd.s32 @!p0 s1  }
0xd4: {  	[bflag:$0x3] =	sbarrier.arrive $0xFFFF  }
0xd5: {  	_ =	shalt  }

</sc_bundles>
